<compile_context>
chip_gen: v7x
topology: tpu7x:2x2x1
jax: 0.10.2.dev20260603
libtpu: 0.0.44.dev20260713+nightly
codegen_flags: <defaults>
</compile_context>

<pallas_src>
import functools

import jax
import jax.numpy as jnp
from jax import lax
from jax.experimental import pallas as pl
from jax.experimental.pallas import tpu as pltpu
from jax.experimental.pallas import tpu_sc as plsc

N = 99999
NP = 100096
NSCR = NP - N
NPB = 102400
E = 1599984
EP = 1605632
ROWS = EP // 128
RPS = ROWS // 16
WIN = 8
NWIN = RPS // WIN
STRIPE = NP // 16
NG = 11111
NF = 12288
FPS = NF // 16 // 128

_scp = pltpu.CompilerParams(use_tc_tiling_on_sc=False)




def _sc_degrees_body(edges_hbm, fidx_hbm, deg_hbm, degf_hbm,
                     idx_v, ones_v, zbuf_v, fidx_v, frow_v, sem, deg_sp):
    c = lax.axis_index("c")
    s = lax.axis_index("s")
    for j in range(128 // 16):
        ones_v[pl.ds(j * 16, 16)] = jnp.ones((16,), jnp.float32)

    def zb(i, carry):
        zbuf_v[pl.ds(i * 16, 16)] = jnp.zeros((16,), jnp.float32)
        return carry

    lax.fori_loop(0, STRIPE // 16, zb, 0)
    pltpu.sync_copy(zbuf_v, deg_sp.at[pl.ds(s * STRIPE, STRIPE)])
    plsc.subcore_barrier()

    base = s * RPS

    def win(w, carry):
        pltpu.sync_copy(edges_hbm.at[c, pl.ds(base + w * WIN, WIN)], idx_v)
        for j in range(WIN):
            pltpu.sync_copy(ones_v, deg_sp.at[idx_v.at[j]], add=True)
        return carry

    lax.fori_loop(0, NWIN, win, 0)
    plsc.subcore_barrier()
    pltpu.sync_copy(deg_sp.at[pl.ds(s * STRIPE, STRIPE)],
                    deg_hbm.at[c, pl.ds(s * STRIPE, STRIPE)])

    @pl.when(c == 1)
    def _():
        pltpu.sync_copy(fidx_hbm.at[pl.ds(s * FPS, FPS)], fidx_v)
        copies = [
            pltpu.async_copy(deg_sp.at[fidx_v.at[j]],
                             frow_v.at[pl.ds(j * 128, 128)], sem)
            for j in range(FPS)
        ]
        for cp in copies:
            cp.wait()
        pltpu.sync_copy(frow_v, degf_hbm.at[pl.ds(s * (FPS * 128), FPS * 128)])


def _sc_layer_common(c, s, h_hbm, edges_hbm, src_v, dst_v, rows_v,
                     sem, agg_sp):
    def zb(i, carry):
        rows_v[i, :] = jnp.zeros((16,), jnp.float32)
        return carry

    lax.fori_loop(0, STRIPE // 8, zb, 0)
    for t in range(8):
        pltpu.sync_copy(
            rows_v.at[pl.ds(0, STRIPE // 8)],
            agg_sp.at[pl.ds(s * STRIPE + t * (STRIPE // 8), STRIPE // 8)])
    plsc.subcore_barrier()

    base = s * RPS

    def win(w, carry):
        pltpu.sync_copy(edges_hbm.at[0, pl.ds(base + w * WIN, WIN)], src_v)
        pltpu.sync_copy(edges_hbm.at[1, pl.ds(base + w * WIN, WIN)], dst_v)
        copies = [
            pltpu.async_copy(h_hbm.at[c].at[src_v.at[j]],
                             rows_v.at[pl.ds(j * 128, 128)], sem)
            for j in range(WIN)
        ]
        for cp in copies:
            cp.wait()
        for j in range(WIN):
            pltpu.sync_copy(rows_v.at[pl.ds(j * 128, 128)],
                            agg_sp.at[dst_v.at[j]], add=True)
        return carry

    lax.fori_loop(0, NWIN, win, 0)
    plsc.subcore_barrier()


def _sc_layer_full_body(h_hbm, edges_hbm, out_hbm,
                        src_v, dst_v, rows_v, sem, agg_sp):
    c = lax.axis_index("c")
    s = lax.axis_index("s")
    _sc_layer_common(c, s, h_hbm, edges_hbm, src_v, dst_v, rows_v,
                     sem, agg_sp)
    pltpu.sync_copy(agg_sp.at[pl.ds(s * STRIPE, STRIPE)],
                    out_hbm.at[c, pl.ds(s * STRIPE, STRIPE)])


def _sc_layer_firsts_body(h_hbm, edges_hbm, fidx_hbm, out_hbm,
                          src_v, dst_v, rows_v, sem, agg_sp):
    c = lax.axis_index("c")
    s = lax.axis_index("s")
    _sc_layer_common(c, s, h_hbm, edges_hbm, src_v, dst_v, rows_v,
                     sem, agg_sp)
    pltpu.sync_copy(fidx_hbm.at[pl.ds(s * FPS, FPS)], src_v.at[pl.ds(0, FPS)])
    copies = [
        pltpu.async_copy(agg_sp.at[src_v.at[j]],
                         rows_v.at[pl.ds(j * 128, 128)], sem)
        for j in range(FPS)
    ]
    for cp in copies:
        cp.wait()
    pltpu.sync_copy(rows_v.at[pl.ds(0, FPS * 128)],
                    out_hbm.at[c, pl.ds(s * (FPS * 128), FPS * 128)])


@functools.cache
def _sc_kernels():
    mesh = plsc.VectorSubcoreMesh(core_axis_name="c", subcore_axis_name="s",
                                  num_cores=2, num_subcores=16)
    sc_degrees = pl.kernel(
        _sc_degrees_body,
        out_type=(jax.ShapeDtypeStruct((2, NP), jnp.float32),
                  jax.ShapeDtypeStruct((NF,), jnp.float32)),
        mesh=mesh,
        scratch_types=[
            pltpu.VMEM((WIN, 128), jnp.int32),
            pltpu.VMEM((128,), jnp.float32),
            pltpu.VMEM((STRIPE,), jnp.float32),
            pltpu.VMEM((FPS, 128), jnp.int32),
            pltpu.VMEM((FPS * 128,), jnp.float32),
            pltpu.SemaphoreType.DMA,
            pltpu.VMEM_SHARED((NP,), jnp.float32),
        ],
        compiler_params=_scp,
        name="sc_degrees",
    )
    sc_layer_full = pl.kernel(
        _sc_layer_full_body,
        out_type=jax.ShapeDtypeStruct((2, NPB, 16), jnp.float32),
        mesh=mesh,
        scratch_types=[
            pltpu.VMEM((WIN, 128), jnp.int32),
            pltpu.VMEM((WIN, 128), jnp.int32),
            pltpu.VMEM((WIN * 128, 16), jnp.float32),
            pltpu.SemaphoreType.DMA,
            pltpu.VMEM_SHARED((NP, 16), jnp.float32),
        ],
        compiler_params=_scp,
        name="sc_edge_layer",
    )
    sc_layer_firsts = pl.kernel(
        _sc_layer_firsts_body,
        out_type=jax.ShapeDtypeStruct((2, NF, 16), jnp.float32),
        mesh=mesh,
        scratch_types=[
            pltpu.VMEM((WIN, 128), jnp.int32),
            pltpu.VMEM((WIN, 128), jnp.int32),
            pltpu.VMEM((WIN * 128, 16), jnp.float32),
            pltpu.SemaphoreType.DMA,
            pltpu.VMEM_SHARED((NP, 16), jnp.float32),
        ],
        compiler_params=_scp,
        name="sc_edge_layer_firsts",
    )
    return sc_degrees, sc_layer_full, sc_layer_firsts



_PB = 1280
_GRID = (NPB * 16 // 128) // _PB
_FB = 128
_FGRID = (NF * 16 // 128) // _FB


def _expand(d):
    rr = d.shape[0]
    j = lax.broadcasted_iota(jnp.int32, (128, 128), 0)
    l16 = lax.broadcasted_iota(jnp.int32, (128, 128), 1) // 16
    parts = []
    for k in range(16):
        m = (j == 8 * k + l16).astype(jnp.float32)
        parts.append(jnp.dot(d, m, preferred_element_type=jnp.float32)[:, None, :])
    return jnp.concatenate(parts, axis=1).reshape(rr * 16, 128)


def _seg():
    r = lax.broadcasted_iota(jnp.int32, (128, 128), 0) // 16
    c = lax.broadcasted_iota(jnp.int32, (128, 128), 1) // 16
    return (r == c).astype(jnp.float32)


def _rnorm(deg_line):
    return lax.rsqrt(jnp.maximum(_expand(deg_line), 1.0))


def _tc_embed_body(feat_ref, dego_ref, em_ref, w0_ref, out_ref):
    featv = _expand(feat_ref[...])
    nv = _rnorm(dego_ref[...])
    ew = jnp.dot(em_ref[...], w0_ref[...], preferred_element_type=jnp.float32)
    hlo = jnp.zeros((_PB, 128), jnp.float32)
    hhi = jnp.zeros((_PB, 128), jnp.float32)
    for v in range(6):
        m = (featv == float(v)).astype(jnp.float32)
        lo = jnp.concatenate([ew[v:v + 1, 0:16]] * 8, axis=1)
        hi = jnp.concatenate([ew[v:v + 1, 16:32]] * 8, axis=1)
        hlo = hlo + m * lo
        hhi = hhi + m * hi
    out_ref[0] = hlo * nv
    out_ref[1] = hhi * nv


def _ln_relu(alo, ahi, nvd, b_ref, g_ref, be_ref):
    s = _seg()
    alo = alo * nvd + b_ref[0:1, :]
    ahi = ahi * nvd + b_ref[1:2, :]
    m = jnp.dot(alo + ahi, s, preferred_element_type=jnp.float32) * (1.0 / 32.0)
    dlo = alo - m
    dhi = ahi - m
    v = jnp.dot(dlo * dlo + dhi * dhi, s,
                preferred_element_type=jnp.float32) * (1.0 / 32.0)
    r = lax.rsqrt(v + 1e-5)
    ylo = jnp.maximum(dlo * r * g_ref[0:1, :] + be_ref[0:1, :], 0.0)
    yhi = jnp.maximum(dhi * r * g_ref[1:2, :] + be_ref[1:2, :], 0.0)
    return ylo, yhi


def _tc_mid_body(agg_ref, degi_ref, dego_ref, w4_ref, b_ref, g_ref, be_ref,
                 out_ref):
    nvd = _rnorm(degi_ref[...])
    ylo, yhi = _ln_relu(agg_ref[0], agg_ref[1], nvd, b_ref, g_ref, be_ref)
    nvs = _rnorm(dego_ref[...])
    zlo = ylo * nvs
    zhi = yhi * nvs
    out_ref[0] = (jnp.dot(zlo, w4_ref[0], preferred_element_type=jnp.float32)
                  + jnp.dot(zhi, w4_ref[1], preferred_element_type=jnp.float32))
    out_ref[1] = (jnp.dot(zlo, w4_ref[2], preferred_element_type=jnp.float32)
                  + jnp.dot(zhi, w4_ref[3], preferred_element_type=jnp.float32))


def _tc_fin_body(f_ref, degf_ref, b_ref, g_ref, be_ref, wp_ref, bp_ref,
                 out_ref):
    nvd = _rnorm(degf_ref[...])
    ylo, yhi = _ln_relu(f_ref[0], f_ref[1], nvd, b_ref, g_ref, be_ref)
    s = _seg()
    ssum = jnp.dot(ylo * wp_ref[0:1, :] + yhi * wp_ref[1:2, :], s,
                   preferred_element_type=jnp.float32)
    l = lax.broadcasted_iota(jnp.int32, (128, 8), 0)
    p = lax.broadcasted_iota(jnp.int32, (128, 8), 1)
    comp = (l == 16 * p).astype(jnp.float32)
    out_ref[...] = jnp.dot(ssum, comp,
                           preferred_element_type=jnp.float32) + bp_ref[...]


def _full(shape):
    return pl.BlockSpec(shape, lambda i: tuple(0 for _ in shape))


_tc_embed = pl.pallas_call(
    _tc_embed_body,
    grid=(_GRID,),
    in_specs=[
        pl.BlockSpec((_PB // 16, 128), lambda i: (i, 0)),
        pl.BlockSpec((_PB // 16, 128), lambda i: (i, 0)),
        _full((8, 32)),
        _full((32, 32)),
    ],
    out_specs=pl.BlockSpec((2, _PB, 128), lambda i: (0, i, 0)),
    out_shape=jax.ShapeDtypeStruct((2, NPB * 16 // 128, 128), jnp.float32),
)

_tc_mid = pl.pallas_call(
    _tc_mid_body,
    grid=(_GRID,),
    in_specs=[
        pl.BlockSpec((2, _PB, 128), lambda i: (0, i, 0)),
        pl.BlockSpec((_PB // 16, 128), lambda i: (i, 0)),
        pl.BlockSpec((_PB // 16, 128), lambda i: (i, 0)),
        _full((4, 128, 128)),
        _full((2, 128)),
        _full((2, 128)),
        _full((2, 128)),
    ],
    out_specs=pl.BlockSpec((2, _PB, 128), lambda i: (0, i, 0)),
    out_shape=jax.ShapeDtypeStruct((2, NPB * 16 // 128, 128), jnp.float32),
)

_tc_fin = pl.pallas_call(
    _tc_fin_body,
    grid=(_FGRID,),
    in_specs=[
        pl.BlockSpec((2, _FB, 128), lambda i: (0, i, 0)),
        pl.BlockSpec((_FB // 16, 128), lambda i: (i, 0)),
        _full((2, 128)),
        _full((2, 128)),
        _full((2, 128)),
        _full((2, 128)),
        _full((1, 1)),
    ],
    out_specs=pl.BlockSpec((_FB, 8), lambda i: (i, 0)),
    out_shape=jax.ShapeDtypeStruct((NF * 16 // 128, 8), jnp.float32),
)




def kernel(features, edge_index, emb_table, W0, b0, gamma0, beta0,
           W1, b1, gamma1, beta1, Wp, bp):
    f32 = jnp.float32
    src = edge_index[0].astype(jnp.int32)
    dst = edge_index[1].astype(jnp.int32)
    pidx = jnp.arange(EP - E, dtype=jnp.int32)
    edges = jnp.stack([
        jnp.concatenate([src, N + pidx % NSCR]),
        jnp.concatenate([dst, N + (pidx * 7) % NSCR]),
    ]).reshape(2, ROWS, 128)

    g = jnp.arange(NF, dtype=jnp.int32)
    fidx = jnp.where(g < NG, g * 9, N + g % NSCR).reshape(NF // 128, 128)

    _sc_degrees, _sc_layer_full, _sc_layer_firsts = _sc_kernels()
    deg, degf = _sc_degrees(edges, fidx)
    degp = jnp.concatenate([deg, jnp.ones((2, NPB - NP), f32)], axis=1)
    dego_line = degp[0].reshape(NPB // 128, 128)
    degi_line = degp[1].reshape(NPB // 128, 128)

    featf = jnp.concatenate([
        features.reshape(-1).astype(f32), jnp.zeros((NPB - N,), f32)
    ]).reshape(NPB // 128, 128)
    empad = jnp.concatenate([emb_table, jnp.zeros((2, 32), f32)])

    h0 = _tc_embed(featf, dego_line, empad, W0)
    agg0 = _sc_layer_full(h0.reshape(2, NPB, 16), edges)

    eye8 = jnp.eye(8, dtype=f32)
    w4 = jnp.stack([
        jnp.kron(eye8, W1[:16, :16]), jnp.kron(eye8, W1[16:, :16]),
        jnp.kron(eye8, W1[:16, 16:]), jnp.kron(eye8, W1[16:, 16:]),
    ])

    def tiled2(v):
        return jnp.stack([jnp.tile(v[:16], 8), jnp.tile(v[16:], 8)])

    h1 = _tc_mid(agg0.reshape(2, NPB * 16 // 128, 128), degi_line, dego_line,
                 w4, tiled2(b0), tiled2(gamma0), tiled2(beta0))
    agg1 = _sc_layer_firsts(h1.reshape(2, NPB, 16), edges, fidx)

    wpt = jnp.stack([jnp.tile(Wp[:16, 0], 8), jnp.tile(Wp[16:, 0], 8)])
    y8 = _tc_fin(agg1.reshape(2, NF * 16 // 128, 128),
                 degf.reshape(NF // 128, 128), tiled2(b1), tiled2(gamma1),
                 tiled2(beta1), wpt, bp.reshape(1, 1))
    return y8.reshape(NF, 1)[:NG]

# --- scband reference (transcript-rebuilt; emitter-appended) ---
"""Pipeline reference for scband-graph-sageconv-25237227831414 (READ-ONLY COPY).

The authoritative reference and input builder live on the scoring server;
editing this copy changes nothing except your own understanding.
"""

import jax, jax.numpy as jnp
import numpy as np

N_GRAPHS = 11111
NODES_PER_GRAPH = 9
N_NODES = N_GRAPHS * NODES_PER_GRAPH  # 99999
N_EDGES = 1599984
RANK = 32
VOCAB = 6


def layer_norm(x, gamma, beta, eps=1e-5):
    mean = jnp.mean(x, axis=-1, keepdims=True)
    var = jnp.var(x, axis=-1, keepdims=True)
    return (x - mean) / jnp.sqrt(var + eps) * gamma + beta


def graph_conv(x, src, dst, W, b):
    # DGL GraphConv with norm='both': D_out^{-1/2} on src side, D_in^{-1/2} on dst side
    n = x.shape[0]
    ones_e = jnp.ones((src.shape[0],), dtype=x.dtype)
    deg_out = jnp.zeros((n,), dtype=x.dtype).at[src].add(ones_e)
    deg_in = jnp.zeros((n,), dtype=x.dtype).at[dst].add(ones_e)
    norm_src = jax.lax.rsqrt(jnp.clip(deg_out, 1.0))
    norm_dst = jax.lax.rsqrt(jnp.clip(deg_in, 1.0))
    h = x * norm_src[:, None]
    h = h @ W  # in_feats == out_feats, mult-first is equivalent and cheaper
    msgs = jnp.take(h, src, axis=0)
    agg = jnp.zeros((n, h.shape[1]), dtype=x.dtype).at[dst].add(msgs)
    return agg * norm_dst[:, None] + b


def setup_inputs(seed: int = 0):
    key = jax.random.key(seed)
    ks = jax.random.split(key, 16)
    inp = {}
    inp["features"] = jax.random.randint(ks[0], (N_GRAPHS, NODES_PER_GRAPH), 0, VOCAB)
    inp["edge_index"] = jax.random.randint(ks[1], (2, N_EDGES), 0, N_NODES)
    inp["emb_table"] = jax.random.normal(ks[2], (VOCAB, RANK), dtype=jnp.float32) * 0.1
    inp["W0"] = jax.random.normal(ks[3], (RANK, RANK), dtype=jnp.float32) * 0.1
    inp["b0"] = jnp.zeros((RANK,), dtype=jnp.float32)
    inp["gamma0"] = jnp.ones((RANK,), dtype=jnp.float32)
    inp["beta0"] = jnp.zeros((RANK,), dtype=jnp.float32)
    inp["W1"] = jax.random.normal(ks[4], (RANK, RANK), dtype=jnp.float32) * 0.1
    inp["b1"] = jnp.zeros((RANK,), dtype=jnp.float32)
    inp["gamma1"] = jnp.ones((RANK,), dtype=jnp.float32)
    inp["beta1"] = jnp.zeros((RANK,), dtype=jnp.float32)
    inp["Wp"] = jax.random.normal(ks[5], (RANK, 1), dtype=jnp.float32) * 0.1
    inp["bp"] = jnp.zeros((1,), dtype=jnp.float32)
    return inp


def reference(features, edge_index, emb_table, W0, b0, gamma0, beta0, W1, b1, gamma1, beta1, Wp, bp):
    src = edge_index[0]
    dst = edge_index[1]
    # dnn_embedding(features).reshape(B*9, rank)
    feats = jnp.take(emb_table, features, axis=0).reshape(N_GRAPHS * NODES_PER_GRAPH, RANK)
    # layer 0
    feats = graph_conv(feats, src, dst, W0, b0)
    feats = layer_norm(feats, gamma0, beta0)
    feats = jax.nn.relu(feats)
    # dropout is identity in eval mode
    # layer 1
    feats = graph_conv(feats, src, dst, W1, b1)
    feats = layer_norm(feats, gamma1, beta1)
    feats = jax.nn.relu(feats)
    # batched graph: each of the N_GRAPHS graphs has exactly 9 nodes
    first_nodes_idx = jnp.arange(N_GRAPHS) * NODES_PER_GRAPH
    first_node_features = jnp.take(feats, first_nodes_idx, axis=0)
    y = first_node_features @ Wp + bp
    return y

if __name__ == "__main__":
    import jax
    _d = setup_inputs()
    print(jax.jit(kernel)(*tuple(_d.values())))

</pallas_src>

<mosaic_0001>
#map = affine_map<(d0, d1) -> (0, 0, 0)>
module attributes {stable_mosaic.version = 14 : i64} {
  func.func @sc_edge_layer(%arg0: i32, %arg1: i32, %arg2: memref<2x102400x16xf32, #tpu.memory_space<hbm>>, %arg3: memref<2x12544x128xi32, #tpu.memory_space<hbm>>, %arg4: memref<2x102400x16xf32, #tpu.memory_space<hbm>>, %arg5: memref<8x128xi32, #tpu.memory_space<vmem>>, %arg6: memref<8x128xi32, #tpu.memory_space<vmem>>, %arg7: memref<1024x16xf32, #tpu.memory_space<vmem>>, %arg8: memref<!tpu.dma_semaphore, #tpu.memory_space<semaphore_mem>>, %arg9: memref<100096x16xf32, #tpu.memory_space<vmem_shared>>) attributes {dimension_semantics = [#tpu.dimension_semantics<core_parallel>, #tpu.dimension_semantics<subcore_parallel>], iteration_bounds = array<i64: 2, 16>, scalar_prefetch = 0 : i64, scratch_operands = 5 : i64, tpu.core_type = #tpu.core_type<sc_vector_subcore>, window_params = [{transform_indices = #map}, {transform_indices = #map}, {transform_indices = #map}]} {
    %scan3A = arith.constant 0 : i32
    %scan3A_0 = arith.constant 0 : i32
    %scan3A_1 = arith.constant 782 : i32
    %scan3A_2 = arith.addi %scan3A_0, %scan3A_1 : i32
    %scan3A_3 = arith.constant 1 : i32
    scf.for %scan3A_48 = %scan3A_0 to %scan3A_2 step %scan3A_3  : i32 {
      %broadcast_in_dim3A = arith.constant 0.000000e+00 : f32
      %broadcast_in_dim3A_49 = vector.broadcast %broadcast_in_dim3A : f32 to vector<16xf32>
      %swap3A = arith.index_cast %scan3A_48 : i32 to index
      %swap3A_50 = arith.constant 0 : index
      %swap3A_51 = tpu.vector_load %arg7[%swap3A, %swap3A_50] {strides = array<i32>} : memref<1024x16xf32, #tpu.memory_space<vmem>>, vector<1x16xf32>,
      %swap3A_52 = vector.shape_cast %swap3A_51 : vector<1x16xf32> to vector<16xf32>
      %swap3A_53 = vector.shape_cast %broadcast_in_dim3A_49 : vector<16xf32> to vector<1x16xf32>
      tpu.vector_store %arg7[%swap3A, %swap3A_50], %swap3A_53 {strides = array<i32>} : memref<1024x16xf32, #tpu.memory_space<vmem>>, vector<1x16xf32>,
    }
    %scan3A_4 = arith.constant 782 : i32
    %mul3A = arith.constant 6256 : i32
    %mul3A_5 = arith.muli %arg1, %mul3A : i32
    %add3A = arith.constant 0 : i32
    %add3A_6 = arith.addi %mul3A_5, %add3A : i32
    "tpu.region"() ({
      %run_scoped3A = tpu.sem_alloc : memref<!tpu.dma_semaphore, #tpu.memory_space<semaphore_mem>>
      %dma_start3A = arith.constant 0 : i32
      %dma_start3A_48 = arith.constant 0 : i32
      %dma_start3A_49 = tpu.memref_slice %arg7[%dma_start3A, %dma_start3A_48] : memref<1024x16xf32, #tpu.memory_space<vmem>> -> memref<782x16xf32, #tpu.memory_space<vmem>>
      %dma_start3A_50 = arith.constant 0 : i32
      %dma_start3A_51 = tpu.memref_slice %arg9[%add3A_6, %dma_start3A_50] : memref<100096x16xf32, #tpu.memory_space<vmem_shared>> -> memref<782x16xf32, #tpu.memory_space<vmem_shared>>
      %dma_start3A_52 = arith.constant 0 : i32
      %dma_start3A_53 = tpu.memref_slice %arg9[%add3A_6, %dma_start3A_52] : memref<100096x16xf32, #tpu.memory_space<vmem_shared>> -> memref<782x16xf32, #tpu.memory_space<vmem_shared>>
      %dma_start3A_54 = arith.constant 0 : i32
      %dma_start3A_55 = arith.constant 0 : i32
      %dma_start3A_56 = tpu.memref_slice %arg7[%dma_start3A_54, %dma_start3A_55] : memref<1024x16xf32, #tpu.memory_space<vmem>> -> memref<782x16xf32, #tpu.memory_space<vmem>>
      tpu.enqueue_dma source(%dma_start3A_56 : memref<782x16xf32, #tpu.memory_space<vmem>>) target(%dma_start3A_53 : memref<782x16xf32, #tpu.memory_space<vmem_shared>>) target_semaphore(%run_scoped3A : memref<!tpu.dma_semaphore, #tpu.memory_space<semaphore_mem>>)
      %dma_wait3A = arith.constant 0 : i32
      %dma_wait3A_57 = arith.constant 0 : i32
      %dma_wait3A_58 = tpu.memref_slice %arg7[%dma_wait3A, %dma_wait3A_57] : memref<1024x16xf32, #tpu.memory_space<vmem>> -> memref<782x16xf32, #tpu.memory_space<vmem>>
      %dma_wait3A_59 = arith.constant 0 : i32
      %dma_wait3A_60 = tpu.memref_slice %arg9[%add3A_6, %dma_wait3A_59] : memref<100096x16xf32, #tpu.memory_space<vmem_shared>> -> memref<782x16xf32, #tpu.memory_space<vmem_shared>>
      %dma_wait3A_61 = arith.constant 0 : i32
      %dma_wait3A_62 = tpu.memref_slice %arg9[%add3A_6, %dma_wait3A_61] : memref<100096x16xf32, #tpu.memory_space<vmem_shared>> -> memref<782x16xf32, #tpu.memory_space<vmem_shared>>
      %dma_wait3A_63 = arith.constant 0 : i32
      %dma_wait3A_64 = arith.constant 0 : i32
      %dma_wait3A_65 = tpu.memref_slice %arg7[%dma_wait3A_63, %dma_wait3A_64] : memref<1024x16xf32, #tpu.memory_space<vmem>> -> memref<782x16xf32, #tpu.memory_space<vmem>>
      tpu.wait_dma2 semaphore(%run_scoped3A : memref<!tpu.dma_semaphore, #tpu.memory_space<semaphore_mem>>) src(%dma_wait3A_65 : memref<782x16xf32, #tpu.memory_space<vmem>>) dst(%dma_wait3A_62 : memref<782x16xf32, #tpu.memory_space<vmem_shared>>)
      tpu.yield
    }) : () -> ()
    %mul3A_7 = arith.constant 6256 : i32
    %mul3A_8 = arith.muli %arg1, %mul3A_7 : i32
    %add3A_9 = arith.constant 782 : i32
    %add3A_10 = arith.addi %mul3A_8, %add3A_9 : i32
    "tpu.region"() ({
      %run_scoped3A = tpu.sem_alloc : memref<!tpu.dma_semaphore, #tpu.memory_space<semaphore_mem>>
      %dma_start3A = arith.constant 0 : i32
      %dma_start3A_48 = arith.constant 0 : i32
      %dma_start3A_49 = tpu.memref_slice %arg7[%dma_start3A, %dma_start3A_48] : memref<1024x16xf32, #tpu.memory_space<vmem>> -> memref<782x16xf32, #tpu.memory_space<vmem>>
      %dma_start3A_50 = arith.constant 0 : i32
      %dma_start3A_51 = tpu.memref_slice %arg9[%add3A_10, %dma_start3A_50] : memref<100096x16xf32, #tpu.memory_space<vmem_shared>> -> memref<782x16xf32, #tpu.memory_space<vmem_shared>>
      %dma_start3A_52 = arith.constant 0 : i32
      %dma_start3A_53 = tpu.memref_slice %arg9[%add3A_10, %dma_start3A_52] : memref<100096x16xf32, #tpu.memory_space<vmem_shared>> -> memref<782x16xf32, #tpu.memory_space<vmem_shared>>
      %dma_start3A_54 = arith.constant 0 : i32
      %dma_start3A_55 = arith.constant 0 : i32
      %dma_start3A_56 = tpu.memref_slice %arg7[%dma_start3A_54, %dma_start3A_55] : memref<1024x16xf32, #tpu.memory_space<vmem>> -> memref<782x16xf32, #tpu.memory_space<vmem>>
      tpu.enqueue_dma source(%dma_start3A_56 : memref<782x16xf32, #tpu.memory_space<vmem>>) target(%dma_start3A_53 : memref<782x16xf32, #tpu.memory_space<vmem_shared>>) target_semaphore(%run_scoped3A : memref<!tpu.dma_semaphore, #tpu.memory_space<semaphore_mem>>)
      %dma_wait3A = arith.constant 0 : i32
      %dma_wait3A_57 = arith.constant 0 : i32
      %dma_wait3A_58 = tpu.memref_slice %arg7[%dma_wait3A, %dma_wait3A_57] : memref<1024x16xf32, #tpu.memory_space<vmem>> -> memref<782x16xf32, #tpu.memory_space<vmem>>
      %dma_wait3A_59 = arith.constant 0 : i32
      %dma_wait3A_60 = tpu.memref_slice %arg9[%add3A_10, %dma_wait3A_59] : memref<100096x16xf32, #tpu.memory_space<vmem_shared>> -> memref<782x16xf32, #tpu.memory_space<vmem_shared>>
      %dma_wait3A_61 = arith.constant 0 : i32
      %dma_wait3A_62 = tpu.memref_slice %arg9[%add3A_10, %dma_wait3A_61] : memref<100096x16xf32, #tpu.memory_space<vmem_shared>> -> memref<782x16xf32, #tpu.memory_space<vmem_shared>>
      %dma_wait3A_63 = arith.constant 0 : i32
      %dma_wait3A_64 = arith.constant 0 : i32
      %dma_wait3A_65 = tpu.memref_slice %arg7[%dma_wait3A_63, %dma_wait3A_64] : memref<1024x16xf32, #tpu.memory_space<vmem>> -> memref<782x16xf32, #tpu.memory_space<vmem>>
      tpu.wait_dma2 semaphore(%run_scoped3A : memref<!tpu.dma_semaphore, #tpu.memory_space<semaphore_mem>>) src(%dma_wait3A_65 : memref<782x16xf32, #tpu.memory_space<vmem>>) dst(%dma_wait3A_62 : memref<782x16xf32, #tpu.memory_space<vmem_shared>>)
      tpu.yield
    }) : () -> ()
    %mul3A_11 = arith.constant 6256 : i32
    %mul3A_12 = arith.muli %arg1, %mul3A_11 : i32
    %add3A_13 = arith.constant 1564 : i32
    %add3A_14 = arith.addi %mul3A_12, %add3A_13 : i32
    "tpu.region"() ({
      %run_scoped3A = tpu.sem_alloc : memref<!tpu.dma_semaphore, #tpu.memory_space<semaphore_mem>>
      %dma_start3A = arith.constant 0 : i32
      %dma_start3A_48 = arith.constant 0 : i32
      %dma_start3A_49 = tpu.memref_slice %arg7[%dma_start3A, %dma_start3A_48] : memref<1024x16xf32, #tpu.memory_space<vmem>> -> memref<782x16xf32, #tpu.memory_space<vmem>>
      %dma_start3A_50 = arith.constant 0 : i32
      %dma_start3A_51 = tpu.memref_slice %arg9[%add3A_14, %dma_start3A_50] : memref<100096x16xf32, #tpu.memory_space<vmem_shared>> -> memref<782x16xf32, #tpu.memory_space<vmem_shared>>
      %dma_start3A_52 = arith.constant 0 : i32
      %dma_start3A_53 = tpu.memref_slice %arg9[%add3A_14, %dma_start3A_52] : memref<100096x16xf32, #tpu.memory_space<vmem_shared>> -> memref<782x16xf32, #tpu.memory_space<vmem_shared>>
      %dma_start3A_54 = arith.constant 0 : i32
      %dma_start3A_55 = arith.constant 0 : i32
      %dma_start3A_56 = tpu.memref_slice %arg7[%dma_start3A_54, %dma_start3A_55] : memref<1024x16xf32, #tpu.memory_space<vmem>> -> memref<782x16xf32, #tpu.memory_space<vmem>>
      tpu.enqueue_dma source(%dma_start3A_56 : memref<782x16xf32, #tpu.memory_space<vmem>>) target(%dma_start3A_53 : memref<782x16xf32, #tpu.memory_space<vmem_shared>>) target_semaphore(%run_scoped3A : memref<!tpu.dma_semaphore, #tpu.memory_space<semaphore_mem>>)
      %dma_wait3A = arith.constant 0 : i32
      %dma_wait3A_57 = arith.constant 0 : i32
      %dma_wait3A_58 = tpu.memref_slice %arg7[%dma_wait3A, %dma_wait3A_57] : memref<1024x16xf32, #tpu.memory_space<vmem>> -> memref<782x16xf32, #tpu.memory_space<vmem>>
      %dma_wait3A_59 = arith.constant 0 : i32
      %dma_wait3A_60 = tpu.memref_slice %arg9[%add3A_14, %dma_wait3A_59] : memref<100096x16xf32, #tpu.memory_space<vmem_shared>> -> memref<782x16xf32, #tpu.memory_space<vmem_shared>>
      %dma_wait3A_61 = arith.constant 0 : i32
      %dma_wait3A_62 = tpu.memref_slice %arg9[%add3A_14, %dma_wait3A_61] : memref<100096x16xf32, #tpu.memory_space<vmem_shared>> -> memref<782x16xf32, #tpu.memory_space<vmem_shared>>
      %dma_wait3A_63 = arith.constant 0 : i32
      %dma_wait3A_64 = arith.constant 0 : i32
      %dma_wait3A_65 = tpu.memref_slice %arg7[%dma_wait3A_63, %dma_wait3A_64] : memref<1024x16xf32, #tpu.memory_space<vmem>> -> memref<782x16xf32, #tpu.memory_space<vmem>>
      tpu.wait_dma2 semaphore(%run_scoped3A : memref<!tpu.dma_semaphore, #tpu.memory_space<semaphore_mem>>) src(%dma_wait3A_65 : memref<782x16xf32, #tpu.memory_space<vmem>>) dst(%dma_wait3A_62 : memref<782x16xf32, #tpu.memory_space<vmem_shared>>)
      tpu.yield
    }) : () -> ()
    %mul3A_15 = arith.constant 6256 : i32
    %mul3A_16 = arith.muli %arg1, %mul3A_15 : i32
    %add3A_17 = arith.constant 2346 : i32
    %add3A_18 = arith.addi %mul3A_16, %add3A_17 : i32
    "tpu.region"() ({
      %run_scoped3A = tpu.sem_alloc : memref<!tpu.dma_semaphore, #tpu.memory_space<semaphore_mem>>
      %dma_start3A = arith.constant 0 : i32
      %dma_start3A_48 = arith.constant 0 : i32
      %dma_start3A_49 = tpu.memref_slice %arg7[%dma_start3A, %dma_start3A_48] : memref<1024x16xf32, #tpu.memory_space<vmem>> -> memref<782x16xf32, #tpu.memory_space<vmem>>
      %dma_start3A_50 = arith.constant 0 : i32
      %dma_start3A_51 = tpu.memref_slice %arg9[%add3A_18, %dma_start3A_50] : memref<100096x16xf32, #tpu.memory_space<vmem_shared>> -> memref<782x16xf32, #tpu.memory_space<vmem_shared>>
      %dma_start3A_52 = arith.constant 0 : i32
      %dma_start3A_53 = tpu.memref_slice %arg9[%add3A_18, %dma_start3A_52] : memref<100096x16xf32, #tpu.memory_space<vmem_shared>> -> memref<782x16xf32, #tpu.memory_space<vmem_shared>>
      %dma_start3A_54 = arith.constant 0 : i32
      %dma_start3A_55 = arith.constant 0 : i32
      %dma_start3A_56 = tpu.memref_slice %arg7[%dma_start3A_54, %dma_start3A_55] : memref<1024x16xf32, #tpu.memory_space<vmem>> -> memref<782x16xf32, #tpu.memory_space<vmem>>
      tpu.enqueue_dma source(%dma_start3A_56 : memref<782x16xf32, #tpu.memory_space<vmem>>) target(%dma_start3A_53 : memref<782x16xf32, #tpu.memory_space<vmem_shared>>) target_semaphore(%run_scoped3A : memref<!tpu.dma_semaphore, #tpu.memory_space<semaphore_mem>>)
      %dma_wait3A = arith.constant 0 : i32
      %dma_wait3A_57 = arith.constant 0 : i32
      %dma_wait3A_58 = tpu.memref_slice %arg7[%dma_wait3A, %dma_wait3A_57] : memref<1024x16xf32, #tpu.memory_space<vmem>> -> memref<782x16xf32, #tpu.memory_space<vmem>>
      %dma_wait3A_59 = arith.constant 0 : i32
      %dma_wait3A_60 = tpu.memref_slice %arg9[%add3A_18, %dma_wait3A_59] : memref<100096x16xf32, #tpu.memory_space<vmem_shared>> -> memref<782x16xf32, #tpu.memory_space<vmem_shared>>
      %dma_wait3A_61 = arith.constant 0 : i32
      %dma_wait3A_62 = tpu.memref_slice %arg9[%add3A_18, %dma_wait3A_61] : memref<100096x16xf32, #tpu.memory_space<vmem_shared>> -> memref<782x16xf32, #tpu.memory_space<vmem_shared>>
      %dma_wait3A_63 = arith.constant 0 : i32
      %dma_wait3A_64 = arith.constant 0 : i32
      %dma_wait3A_65 = tpu.memref_slice %arg7[%dma_wait3A_63, %dma_wait3A_64] : memref<1024x16xf32, #tpu.memory_space<vmem>> -> memref<782x16xf32, #tpu.memory_space<vmem>>
      tpu.wait_dma2 semaphore(%run_scoped3A : memref<!tpu.dma_semaphore, #tpu.memory_space<semaphore_mem>>) src(%dma_wait3A_65 : memref<782x16xf32, #tpu.memory_space<vmem>>) dst(%dma_wait3A_62 : memref<782x16xf32, #tpu.memory_space<vmem_shared>>)
      tpu.yield
    }) : () -> ()
    %mul3A_19 = arith.constant 6256 : i32
    %mul3A_20 = arith.muli %arg1, %mul3A_19 : i32
    %add3A_21 = arith.constant 3128 : i32
    %add3A_22 = arith.addi %mul3A_20, %add3A_21 : i32
    "tpu.region"() ({
      %run_scoped3A = tpu.sem_alloc : memref<!tpu.dma_semaphore, #tpu.memory_space<semaphore_mem>>
      %dma_start3A = arith.constant 0 : i32
      %dma_start3A_48 = arith.constant 0 : i32
      %dma_start3A_49 = tpu.memref_slice %arg7[%dma_start3A, %dma_start3A_48] : memref<1024x16xf32, #tpu.memory_space<vmem>> -> memref<782x16xf32, #tpu.memory_space<vmem>>
      %dma_start3A_50 = arith.constant 0 : i32
      %dma_start3A_51 = tpu.memref_slice %arg9[%add3A_22, %dma_start3A_50] : memref<100096x16xf32, #tpu.memory_space<vmem_shared>> -> memref<782x16xf32, #tpu.memory_space<vmem_shared>>
      %dma_start3A_52 = arith.constant 0 : i32
      %dma_start3A_53 = tpu.memref_slice %arg9[%add3A_22, %dma_start3A_52] : memref<100096x16xf32, #tpu.memory_space<vmem_shared>> -> memref<782x16xf32, #tpu.memory_space<vmem_shared>>
      %dma_start3A_54 = arith.constant 0 : i32
      %dma_start3A_55 = arith.constant 0 : i32
      %dma_start3A_56 = tpu.memref_slice %arg7[%dma_start3A_54, %dma_start3A_55] : memref<1024x16xf32, #tpu.memory_space<vmem>> -> memref<782x16xf32, #tpu.memory_space<vmem>>
      tpu.enqueue_dma source(%dma_start3A_56 : memref<782x16xf32, #tpu.memory_space<vmem>>) target(%dma_start3A_53 : memref<782x16xf32, #tpu.memory_space<vmem_shared>>) target_semaphore(%run_scoped3A : memref<!tpu.dma_semaphore, #tpu.memory_space<semaphore_mem>>)
      %dma_wait3A = arith.constant 0 : i32
      %dma_wait3A_57 = arith.constant 0 : i32
      %dma_wait3A_58 = tpu.memref_slice %arg7[%dma_wait3A, %dma_wait3A_57] : memref<1024x16xf32, #tpu.memory_space<vmem>> -> memref<782x16xf32, #tpu.memory_space<vmem>>
      %dma_wait3A_59 = arith.constant 0 : i32
      %dma_wait3A_60 = tpu.memref_slice %arg9[%add3A_22, %dma_wait3A_59] : memref<100096x16xf32, #tpu.memory_space<vmem_shared>> -> memref<782x16xf32, #tpu.memory_space<vmem_shared>>
      %dma_wait3A_61 = arith.constant 0 : i32
      %dma_wait3A_62 = tpu.memref_slice %arg9[%add3A_22, %dma_wait3A_61] : memref<100096x16xf32, #tpu.memory_space<vmem_shared>> -> memref<782x16xf32, #tpu.memory_space<vmem_shared>>
      %dma_wait3A_63 = arith.constant 0 : i32
      %dma_wait3A_64 = arith.constant 0 : i32
      %dma_wait3A_65 = tpu.memref_slice %arg7[%dma_wait3A_63, %dma_wait3A_64] : memref<1024x16xf32, #tpu.memory_space<vmem>> -> memref<782x16xf32, #tpu.memory_space<vmem>>
      tpu.wait_dma2 semaphore(%run_scoped3A : memref<!tpu.dma_semaphore, #tpu.memory_space<semaphore_mem>>) src(%dma_wait3A_65 : memref<782x16xf32, #tpu.memory_space<vmem>>) dst(%dma_wait3A_62 : memref<782x16xf32, #tpu.memory_space<vmem_shared>>)
      tpu.yield
    }) : () -> ()
    %mul3A_23 = arith.constant 6256 : i32
    %mul3A_24 = arith.muli %arg1, %mul3A_23 : i32
    %add3A_25 = arith.constant 3910 : i32
    %add3A_26 = arith.addi %mul3A_24, %add3A_25 : i32
    "tpu.region"() ({
      %run_scoped3A = tpu.sem_alloc : memref<!tpu.dma_semaphore, #tpu.memory_space<semaphore_mem>>
      %dma_start3A = arith.constant 0 : i32
      %dma_start3A_48 = arith.constant 0 : i32
      %dma_start3A_49 = tpu.memref_slice %arg7[%dma_start3A, %dma_start3A_48] : memref<1024x16xf32, #tpu.memory_space<vmem>> -> memref<782x16xf32, #tpu.memory_space<vmem>>
      %dma_start3A_50 = arith.constant 0 : i32
      %dma_start3A_51 = tpu.memref_slice %arg9[%add3A_26, %dma_start3A_50] : memref<100096x16xf32, #tpu.memory_space<vmem_shared>> -> memref<782x16xf32, #tpu.memory_space<vmem_shared>>
      %dma_start3A_52 = arith.constant 0 : i32
      %dma_start3A_53 = tpu.memref_slice %arg9[%add3A_26, %dma_start3A_52] : memref<100096x16xf32, #tpu.memory_space<vmem_shared>> -> memref<782x16xf32, #tpu.memory_space<vmem_shared>>
      %dma_start3A_54 = arith.constant 0 : i32
      %dma_start3A_55 = arith.constant 0 : i32
      %dma_start3A_56 = tpu.memref_slice %arg7[%dma_start3A_54, %dma_start3A_55] : memref<1024x16xf32, #tpu.memory_space<vmem>> -> memref<782x16xf32, #tpu.memory_space<vmem>>
      tpu.enqueue_dma source(%dma_start3A_56 : memref<782x16xf32, #tpu.memory_space<vmem>>) target(%dma_start3A_53 : memref<782x16xf32, #tpu.memory_space<vmem_shared>>) target_semaphore(%run_scoped3A : memref<!tpu.dma_semaphore, #tpu.memory_space<semaphore_mem>>)
      %dma_wait3A = arith.constant 0 : i32
      %dma_wait3A_57 = arith.constant 0 : i32
      %dma_wait3A_58 = tpu.memref_slice %arg7[%dma_wait3A, %dma_wait3A_57] : memref<1024x16xf32, #tpu.memory_space<vmem>> -> memref<782x16xf32, #tpu.memory_space<vmem>>
      %dma_wait3A_59 = arith.constant 0 : i32
      %dma_wait3A_60 = tpu.memref_slice %arg9[%add3A_26, %dma_wait3A_59] : memref<100096x16xf32, #tpu.memory_space<vmem_shared>> -> memref<782x16xf32, #tpu.memory_space<vmem_shared>>
      %dma_wait3A_61 = arith.constant 0 : i32
      %dma_wait3A_62 = tpu.memref_slice %arg9[%add3A_26, %dma_wait3A_61] : memref<100096x16xf32, #tpu.memory_space<vmem_shared>> -> memref<782x16xf32, #tpu.memory_space<vmem_shared>>
      %dma_wait3A_63 = arith.constant 0 : i32
      %dma_wait3A_64 = arith.constant 0 : i32
      %dma_wait3A_65 = tpu.memref_slice %arg7[%dma_wait3A_63, %dma_wait3A_64] : memref<1024x16xf32, #tpu.memory_space<vmem>> -> memref<782x16xf32, #tpu.memory_space<vmem>>
      tpu.wait_dma2 semaphore(%run_scoped3A : memref<!tpu.dma_semaphore, #tpu.memory_space<semaphore_mem>>) src(%dma_wait3A_65 : memref<782x16xf32, #tpu.memory_space<vmem>>) dst(%dma_wait3A_62 : memref<782x16xf32, #tpu.memory_space<vmem_shared>>)
      tpu.yield
    }) : () -> ()
    %mul3A_27 = arith.constant 6256 : i32
    %mul3A_28 = arith.muli %arg1, %mul3A_27 : i32
    %add3A_29 = arith.constant 4692 : i32
    %add3A_30 = arith.addi %mul3A_28, %add3A_29 : i32
    "tpu.region"() ({
      %run_scoped3A = tpu.sem_alloc : memref<!tpu.dma_semaphore, #tpu.memory_space<semaphore_mem>>
      %dma_start3A = arith.constant 0 : i32
      %dma_start3A_48 = arith.constant 0 : i32
      %dma_start3A_49 = tpu.memref_slice %arg7[%dma_start3A, %dma_start3A_48] : memref<1024x16xf32, #tpu.memory_space<vmem>> -> memref<782x16xf32, #tpu.memory_space<vmem>>
      %dma_start3A_50 = arith.constant 0 : i32
      %dma_start3A_51 = tpu.memref_slice %arg9[%add3A_30, %dma_start3A_50] : memref<100096x16xf32, #tpu.memory_space<vmem_shared>> -> memref<782x16xf32, #tpu.memory_space<vmem_shared>>
      %dma_start3A_52 = arith.constant 0 : i32
      %dma_start3A_53 = tpu.memref_slice %arg9[%add3A_30, %dma_start3A_52] : memref<100096x16xf32, #tpu.memory_space<vmem_shared>> -> memref<782x16xf32, #tpu.memory_space<vmem_shared>>
      %dma_start3A_54 = arith.constant 0 : i32
      %dma_start3A_55 = arith.constant 0 : i32
      %dma_start3A_56 = tpu.memref_slice %arg7[%dma_start3A_54, %dma_start3A_55] : memref<1024x16xf32, #tpu.memory_space<vmem>> -> memref<782x16xf32, #tpu.memory_space<vmem>>
      tpu.enqueue_dma source(%dma_start3A_56 : memref<782x16xf32, #tpu.memory_space<vmem>>) target(%dma_start3A_53 : memref<782x16xf32, #tpu.memory_space<vmem_shared>>) target_semaphore(%run_scoped3A : memref<!tpu.dma_semaphore, #tpu.memory_space<semaphore_mem>>)
      %dma_wait3A = arith.constant 0 : i32
      %dma_wait3A_57 = arith.constant 0 : i32
      %dma_wait3A_58 = tpu.memref_slice %arg7[%dma_wait3A, %dma_wait3A_57] : memref<1024x16xf32, #tpu.memory_space<vmem>> -> memref<782x16xf32, #tpu.memory_space<vmem>>
      %dma_wait3A_59 = arith.constant 0 : i32
      %dma_wait3A_60 = tpu.memref_slice %arg9[%add3A_30, %dma_wait3A_59] : memref<100096x16xf32, #tpu.memory_space<vmem_shared>> -> memref<782x16xf32, #tpu.memory_space<vmem_shared>>
      %dma_wait3A_61 = arith.constant 0 : i32
      %dma_wait3A_62 = tpu.memref_slice %arg9[%add3A_30, %dma_wait3A_61] : memref<100096x16xf32, #tpu.memory_space<vmem_shared>> -> memref<782x16xf32, #tpu.memory_space<vmem_shared>>
      %dma_wait3A_63 = arith.constant 0 : i32
      %dma_wait3A_64 = arith.constant 0 : i32
      %dma_wait3A_65 = tpu.memref_slice %arg7[%dma_wait3A_63, %dma_wait3A_64] : memref<1024x16xf32, #tpu.memory_space<vmem>> -> memref<782x16xf32, #tpu.memory_space<vmem>>
      tpu.wait_dma2 semaphore(%run_scoped3A : memref<!tpu.dma_semaphore, #tpu.memory_space<semaphore_mem>>) src(%dma_wait3A_65 : memref<782x16xf32, #tpu.memory_space<vmem>>) dst(%dma_wait3A_62 : memref<782x16xf32, #tpu.memory_space<vmem_shared>>)
      tpu.yield
    }) : () -> ()
    %mul3A_31 = arith.constant 6256 : i32
    %mul3A_32 = arith.muli %arg1, %mul3A_31 : i32
    %add3A_33 = arith.constant 5474 : i32
    %add3A_34 = arith.addi %mul3A_32, %add3A_33 : i32
    "tpu.region"() ({
      %run_scoped3A = tpu.sem_alloc : memref<!tpu.dma_semaphore, #tpu.memory_space<semaphore_mem>>
      %dma_start3A = arith.constant 0 : i32
      %dma_start3A_48 = arith.constant 0 : i32
      %dma_start3A_49 = tpu.memref_slice %arg7[%dma_start3A, %dma_start3A_48] : memref<1024x16xf32, #tpu.memory_space<vmem>> -> memref<782x16xf32, #tpu.memory_space<vmem>>
      %dma_start3A_50 = arith.constant 0 : i32
      %dma_start3A_51 = tpu.memref_slice %arg9[%add3A_34, %dma_start3A_50] : memref<100096x16xf32, #tpu.memory_space<vmem_shared>> -> memref<782x16xf32, #tpu.memory_space<vmem_shared>>
      %dma_start3A_52 = arith.constant 0 : i32
      %dma_start3A_53 = tpu.memref_slice %arg9[%add3A_34, %dma_start3A_52] : memref<100096x16xf32, #tpu.memory_space<vmem_shared>> -> memref<782x16xf32, #tpu.memory_space<vmem_shared>>
      %dma_start3A_54 = arith.constant 0 : i32
      %dma_start3A_55 = arith.constant 0 : i32
      %dma_start3A_56 = tpu.memref_slice %arg7[%dma_start3A_54, %dma_start3A_55] : memref<1024x16xf32, #tpu.memory_space<vmem>> -> memref<782x16xf32, #tpu.memory_space<vmem>>
      tpu.enqueue_dma source(%dma_start3A_56 : memref<782x16xf32, #tpu.memory_space<vmem>>) target(%dma_start3A_53 : memref<782x16xf32, #tpu.memory_space<vmem_shared>>) target_semaphore(%run_scoped3A : memref<!tpu.dma_semaphore, #tpu.memory_space<semaphore_mem>>)
      %dma_wait3A = arith.constant 0 : i32
      %dma_wait3A_57 = arith.constant 0 : i32
      %dma_wait3A_58 = tpu.memref_slice %arg7[%dma_wait3A, %dma_wait3A_57] : memref<1024x16xf32, #tpu.memory_space<vmem>> -> memref<782x16xf32, #tpu.memory_space<vmem>>
      %dma_wait3A_59 = arith.constant 0 : i32
      %dma_wait3A_60 = tpu.memref_slice %arg9[%add3A_34, %dma_wait3A_59] : memref<100096x16xf32, #tpu.memory_space<vmem_shared>> -> memref<782x16xf32, #tpu.memory_space<vmem_shared>>
      %dma_wait3A_61 = arith.constant 0 : i32
      %dma_wait3A_62 = tpu.memref_slice %arg9[%add3A_34, %dma_wait3A_61] : memref<100096x16xf32, #tpu.memory_space<vmem_shared>> -> memref<782x16xf32, #tpu.memory_space<vmem_shared>>
      %dma_wait3A_63 = arith.constant 0 : i32
      %dma_wait3A_64 = arith.constant 0 : i32
      %dma_wait3A_65 = tpu.memref_slice %arg7[%dma_wait3A_63, %dma_wait3A_64] : memref<1024x16xf32, #tpu.memory_space<vmem>> -> memref<782x16xf32, #tpu.memory_space<vmem>>
      tpu.wait_dma2 semaphore(%run_scoped3A : memref<!tpu.dma_semaphore, #tpu.memory_space<semaphore_mem>>) src(%dma_wait3A_65 : memref<782x16xf32, #tpu.memory_space<vmem>>) dst(%dma_wait3A_62 : memref<782x16xf32, #tpu.memory_space<vmem_shared>>)
      tpu.yield
    }) : () -> ()
    %barrier3A = arith.constant 0 : index
    tpu.barrier barrier_id(%barrier3A)
    %mul3A_35 = arith.constant 784 : i32
    %mul3A_36 = arith.muli %arg1, %mul3A_35 : i32
    %scan3A_37 = arith.constant 0 : i32
    %scan3A_38 = arith.constant 0 : i32
    %scan3A_39 = arith.constant 98 : i32
    %scan3A_40 = arith.addi %scan3A_38, %scan3A_39 : i32
    %scan3A_41 = arith.constant 1 : i32
    scf.for %scan3A_48 = %scan3A_38 to %scan3A_40 step %scan3A_41  : i32 {
      %mul3A_49 = arith.constant 8 : i32
      %mul3A_50 = arith.muli %scan3A_48, %mul3A_49 : i32
      %add3A_51 = arith.addi %mul3A_36, %mul3A_50 : i32
      %run_scoped3A = arith.constant 0 : i32
      "tpu.region"() ({
        %run_scoped3A_286 = tpu.sem_alloc : memref<!tpu.dma_semaphore, #tpu.memory_space<semaphore_mem>>
        %dma_start3A_287 = arith.constant 0 : i32
        %dma_start3A_288 = tpu.memref_slice %arg3[%run_scoped3A, %add3A_51, %dma_start3A_287] : memref<2x12544x128xi32, #tpu.memory_space<hbm>> -> memref<1x8x128xi32, #tpu.memory_space<hbm>>
        %dma_start3A_289 = tpu.memref_squeeze %dma_start3A_288 : memref<1x8x128xi32, #tpu.memory_space<hbm>> -> memref<8x128xi32, #tpu.memory_space<hbm>>
        %dma_start3A_290 = arith.constant 0 : i32
        %dma_start3A_291 = tpu.memref_slice %arg3[%run_scoped3A, %add3A_51, %dma_start3A_290] : memref<2x12544x128xi32, #tpu.memory_space<hbm>> -> memref<1x8x128xi32, #tpu.memory_space<hbm>>
        %dma_start3A_292 = tpu.memref_squeeze %dma_start3A_291 : memref<1x8x128xi32, #tpu.memory_space<hbm>> -> memref<8x128xi32, #tpu.memory_space<hbm>>
        tpu.enqueue_dma source(%dma_start3A_292 : memref<8x128xi32, #tpu.memory_space<hbm>>) target(%arg5 : memref<8x128xi32, #tpu.memory_space<vmem>>) target_semaphore(%run_scoped3A_286 : memref<!tpu.dma_semaphore, #tpu.memory_space<semaphore_mem>>)
        %dma_wait3A_293 = arith.constant 0 : i32
        %dma_wait3A_294 = tpu.memref_slice %arg3[%run_scoped3A, %add3A_51, %dma_wait3A_293] : memref<2x12544x128xi32, #tpu.memory_space<hbm>> -> memref<1x8x128xi32, #tpu.memory_space<hbm>>
        %dma_wait3A_295 = tpu.memref_squeeze %dma_wait3A_294 : memref<1x8x128xi32, #tpu.memory_space<hbm>> -> memref<8x128xi32, #tpu.memory_space<hbm>>
        %dma_wait3A_296 = arith.constant 0 : i32
        %dma_wait3A_297 = tpu.memref_slice %arg3[%run_scoped3A, %add3A_51, %dma_wait3A_296] : memref<2x12544x128xi32, #tpu.memory_space<hbm>> -> memref<1x8x128xi32, #tpu.memory_space<hbm>>
        %dma_wait3A_298 = tpu.memref_squeeze %dma_wait3A_297 : memref<1x8x128xi32, #tpu.memory_space<hbm>> -> memref<8x128xi32, #tpu.memory_space<hbm>>
        tpu.wait_dma2 semaphore(%run_scoped3A_286 : memref<!tpu.dma_semaphore, #tpu.memory_space<semaphore_mem>>) src(%dma_wait3A_298 : memref<8x128xi32, #tpu.memory_space<hbm>>) dst(%arg5 : memref<8x128xi32, #tpu.memory_space<vmem>>)
        tpu.yield
      }) : () -> ()
      %mul3A_52 = arith.constant 8 : i32
      %mul3A_53 = arith.muli %scan3A_48, %mul3A_52 : i32
      %add3A_54 = arith.addi %mul3A_36, %mul3A_53 : i32
      %run_scoped3A_55 = arith.constant 1 : i32
      "tpu.region"() ({
        %run_scoped3A_286 = tpu.sem_alloc : memref<!tpu.dma_semaphore, #tpu.memory_space<semaphore_mem>>
        %dma_start3A_287 = arith.constant 0 : i32
        %dma_start3A_288 = tpu.memref_slice %arg3[%run_scoped3A_55, %add3A_54, %dma_start3A_287] : memref<2x12544x128xi32, #tpu.memory_space<hbm>> -> memref<1x8x128xi32, #tpu.memory_space<hbm>>
        %dma_start3A_289 = tpu.memref_squeeze %dma_start3A_288 : memref<1x8x128xi32, #tpu.memory_space<hbm>> -> memref<8x128xi32, #tpu.memory_space<hbm>>
        %dma_start3A_290 = arith.constant 0 : i32
        %dma_start3A_291 = tpu.memref_slice %arg3[%run_scoped3A_55, %add3A_54, %dma_start3A_290] : memref<2x12544x128xi32, #tpu.memory_space<hbm>> -> memref<1x8x128xi32, #tpu.memory_space<hbm>>
        %dma_start3A_292 = tpu.memref_squeeze %dma_start3A_291 : memref<1x8x128xi32, #tpu.memory_space<hbm>> -> memref<8x128xi32, #tpu.memory_space<hbm>>
        tpu.enqueue_dma source(%dma_start3A_292 : memref<8x128xi32, #tpu.memory_space<hbm>>) target(%arg6 : memref<8x128xi32, #tpu.memory_space<vmem>>) target_semaphore(%run_scoped3A_286 : memref<!tpu.dma_semaphore, #tpu.memory_space<semaphore_mem>>)
        %dma_wait3A_293 = arith.constant 0 : i32
        %dma_wait3A_294 = tpu.memref_slice %arg3[%run_scoped3A_55, %add3A_54, %dma_wait3A_293] : memref<2x12544x128xi32, #tpu.memory_space<hbm>> -> memref<1x8x128xi32, #tpu.memory_space<hbm>>
        %dma_wait3A_295 = tpu.memref_squeeze %dma_wait3A_294 : memref<1x8x128xi32, #tpu.memory_space<hbm>> -> memref<8x128xi32, #tpu.memory_space<hbm>>
        %dma_wait3A_296 = arith.constant 0 : i32
        %dma_wait3A_297 = tpu.memref_slice %arg3[%run_scoped3A_55, %add3A_54, %dma_wait3A_296] : memref<2x12544x128xi32, #tpu.memory_space<hbm>> -> memref<1x8x128xi32, #tpu.memory_space<hbm>>
        %dma_wait3A_298 = tpu.memref_squeeze %dma_wait3A_297 : memref<1x8x128xi32, #tpu.memory_space<hbm>> -> memref<8x128xi32, #tpu.memory_space<hbm>>
        tpu.wait_dma2 semaphore(%run_scoped3A_286 : memref<!tpu.dma_semaphore, #tpu.memory_space<semaphore_mem>>) src(%dma_wait3A_298 : memref<8x128xi32, #tpu.memory_space<hbm>>) dst(%arg6 : memref<8x128xi32, #tpu.memory_space<vmem>>)
        tpu.yield
      }) : () -> ()
      %dma_start3A = arith.constant 0 : i32
      %dma_start3A_56 = arith.constant 0 : i32
      %dma_start3A_57 = arith.constant 0 : i32
      %dma_start3A_58 = tpu.memref_slice %arg7[%dma_start3A_56, %dma_start3A_57] : memref<1024x16xf32, #tpu.memory_space<vmem>> -> memref<128x16xf32, #tpu.memory_space<vmem>>
      %dma_start3A_59 = arith.constant 0 : i32
      %dma_start3A_60 = tpu.memref_slice %arg5[%dma_start3A, %dma_start3A_59] : memref<8x128xi32, #tpu.memory_space<vmem>> -> memref<1x128xi32, #tpu.memory_space<vmem>>
      %dma_start3A_61 = tpu.memref_squeeze %dma_start3A_60 : memref<1x128xi32, #tpu.memory_space<vmem>> -> memref<128xi32, #tpu.memory_space<vmem>>
      %dma_start3A_62 = arith.constant 0 : i32
      %dma_start3A_63 = arith.constant 0 : i32
      %dma_start3A_64 = tpu.memref_slice %arg2[%arg0, %dma_start3A_62, %dma_start3A_63] : memref<2x102400x16xf32, #tpu.memory_space<hbm>> -> memref<1x102400x16xf32, #tpu.memory_space<hbm>>
      %dma_start3A_65 = tpu.memref_squeeze %dma_start3A_64 : memref<1x102400x16xf32, #tpu.memory_space<hbm>> -> memref<102400x16xf32, #tpu.memory_space<hbm>>
      %dma_start3A_66 = arith.constant 0 : i32
      %dma_start3A_67 = arith.constant 0 : i32
      %dma_start3A_68 = tpu.memref_slice %dma_start3A_65[%dma_start3A_66, %dma_start3A_67] : memref<102400x16xf32, #tpu.memory_space<hbm>> -> memref<102400x16xf32, #tpu.memory_space<hbm>>
      tpu.enqueue_indirect_dma source(%dma_start3A_68 : memref<102400x16xf32, #tpu.memory_space<hbm>>) target(%dma_start3A_58 : memref<128x16xf32, #tpu.memory_space<vmem>>) offsets(%dma_start3A_61 : memref<128xi32, #tpu.memory_space<vmem>>) semaphore(%arg8 : memref<!tpu.dma_semaphore, #tpu.memory_space<semaphore_mem>>)
      %dma_start3A_69 = arith.constant 1 : i32
      %dma_start3A_70 = arith.constant 128 : i32
      %dma_start3A_71 = arith.constant 0 : i32
      %dma_start3A_72 = tpu.memref_slice %arg7[%dma_start3A_70, %dma_start3A_71] : memref<1024x16xf32, #tpu.memory_space<vmem>> -> memref<128x16xf32, #tpu.memory_space<vmem>>
      %dma_start3A_73 = arith.constant 0 : i32
      %dma_start3A_74 = tpu.memref_slice %arg5[%dma_start3A_69, %dma_start3A_73] : memref<8x128xi32, #tpu.memory_space<vmem>> -> memref<1x128xi32, #tpu.memory_space<vmem>>
      %dma_start3A_75 = tpu.memref_squeeze %dma_start3A_74 : memref<1x128xi32, #tpu.memory_space<vmem>> -> memref<128xi32, #tpu.memory_space<vmem>>
      %dma_start3A_76 = arith.constant 0 : i32
      %dma_start3A_77 = arith.constant 0 : i32
      %dma_start3A_78 = tpu.memref_slice %arg2[%arg0, %dma_start3A_76, %dma_start3A_77] : memref<2x102400x16xf32, #tpu.memory_space<hbm>> -> memref<1x102400x16xf32, #tpu.memory_space<hbm>>
      %dma_start3A_79 = tpu.memref_squeeze %dma_start3A_78 : memref<1x102400x16xf32, #tpu.memory_space<hbm>> -> memref<102400x16xf32, #tpu.memory_space<hbm>>
      %dma_start3A_80 = arith.constant 0 : i32
      %dma_start3A_81 = arith.constant 0 : i32
      %dma_start3A_82 = tpu.memref_slice %dma_start3A_79[%dma_start3A_80, %dma_start3A_81] : memref<102400x16xf32, #tpu.memory_space<hbm>> -> memref<102400x16xf32, #tpu.memory_space<hbm>>
      tpu.enqueue_indirect_dma source(%dma_start3A_82 : memref<102400x16xf32, #tpu.memory_space<hbm>>) target(%dma_start3A_72 : memref<128x16xf32, #tpu.memory_space<vmem>>) offsets(%dma_start3A_75 : memref<128xi32, #tpu.memory_space<vmem>>) semaphore(%arg8 : memref<!tpu.dma_semaphore, #tpu.memory_space<semaphore_mem>>)
      %dma_start3A_83 = arith.constant 2 : i32
      %dma_start3A_84 = arith.constant 256 : i32
      %dma_start3A_85 = arith.constant 0 : i32
      %dma_start3A_86 = tpu.memref_slice %arg7[%dma_start3A_84, %dma_start3A_85] : memref<1024x16xf32, #tpu.memory_space<vmem>> -> memref<128x16xf32, #tpu.memory_space<vmem>>
      %dma_start3A_87 = arith.constant 0 : i32
      %dma_start3A_88 = tpu.memref_slice %arg5[%dma_start3A_83, %dma_start3A_87] : memref<8x128xi32, #tpu.memory_space<vmem>> -> memref<1x128xi32, #tpu.memory_space<vmem>>
      %dma_start3A_89 = tpu.memref_squeeze %dma_start3A_88 : memref<1x128xi32, #tpu.memory_space<vmem>> -> memref<128xi32, #tpu.memory_space<vmem>>
      %dma_start3A_90 = arith.constant 0 : i32
      %dma_start3A_91 = arith.constant 0 : i32
      %dma_start3A_92 = tpu.memref_slice %arg2[%arg0, %dma_start3A_90, %dma_start3A_91] : memref<2x102400x16xf32, #tpu.memory_space<hbm>> -> memref<1x102400x16xf32, #tpu.memory_space<hbm>>
      %dma_start3A_93 = tpu.memref_squeeze %dma_start3A_92 : memref<1x102400x16xf32, #tpu.memory_space<hbm>> -> memref<102400x16xf32, #tpu.memory_space<hbm>>
      %dma_start3A_94 = arith.constant 0 : i32
      %dma_start3A_95 = arith.constant 0 : i32
      %dma_start3A_96 = tpu.memref_slice %dma_start3A_93[%dma_start3A_94, %dma_start3A_95] : memref<102400x16xf32, #tpu.memory_space<hbm>> -> memref<102400x16xf32, #tpu.memory_space<hbm>>
      tpu.enqueue_indirect_dma source(%dma_start3A_96 : memref<102400x16xf32, #tpu.memory_space<hbm>>) target(%dma_start3A_86 : memref<128x16xf32, #tpu.memory_space<vmem>>) offsets(%dma_start3A_89 : memref<128xi32, #tpu.memory_space<vmem>>) semaphore(%arg8 : memref<!tpu.dma_semaphore, #tpu.memory_space<semaphore_mem>>)
      %dma_start3A_97 = arith.constant 3 : i32
      %dma_start3A_98 = arith.constant 384 : i32
      %dma_start3A_99 = arith.constant 0 : i32
      %dma_start3A_100 = tpu.memref_slice %arg7[%dma_start3A_98, %dma_start3A_99] : memref<1024x16xf32, #tpu.memory_space<vmem>> -> memref<128x16xf32, #tpu.memory_space<vmem>>
      %dma_start3A_101 = arith.constant 0 : i32
      %dma_start3A_102 = tpu.memref_slice %arg5[%dma_start3A_97, %dma_start3A_101] : memref<8x128xi32, #tpu.memory_space<vmem>> -> memref<1x128xi32, #tpu.memory_space<vmem>>
      %dma_start3A_103 = tpu.memref_squeeze %dma_start3A_102 : memref<1x128xi32, #tpu.memory_space<vmem>> -> memref<128xi32, #tpu.memory_space<vmem>>
      %dma_start3A_104 = arith.constant 0 : i32
      %dma_start3A_105 = arith.constant 0 : i32
      %dma_start3A_106 = tpu.memref_slice %arg2[%arg0, %dma_start3A_104, %dma_start3A_105] : memref<2x102400x16xf32, #tpu.memory_space<hbm>> -> memref<1x102400x16xf32, #tpu.memory_space<hbm>>
      %dma_start3A_107 = tpu.memref_squeeze %dma_start3A_106 : memref<1x102400x16xf32, #tpu.memory_space<hbm>> -> memref<102400x16xf32, #tpu.memory_space<hbm>>
      %dma_start3A_108 = arith.constant 0 : i32
      %dma_start3A_109 = arith.constant 0 : i32
      %dma_start3A_110 = tpu.memref_slice %dma_start3A_107[%dma_start3A_108, %dma_start3A_109] : memref<102400x16xf32, #tpu.memory_space<hbm>> -> memref<102400x16xf32, #tpu.memory_space<hbm>>
      tpu.enqueue_indirect_dma source(%dma_start3A_110 : memref<102400x16xf32, #tpu.memory_space<hbm>>) target(%dma_start3A_100 : memref<128x16xf32, #tpu.memory_space<vmem>>) offsets(%dma_start3A_103 : memref<128xi32, #tpu.memory_space<vmem>>) semaphore(%arg8 : memref<!tpu.dma_semaphore, #tpu.memory_space<semaphore_mem>>)
      %dma_start3A_111 = arith.constant 4 : i32
      %dma_start3A_112 = arith.constant 512 : i32
      %dma_start3A_113 = arith.constant 0 : i32
      %dma_start3A_114 = tpu.memref_slice %arg7[%dma_start3A_112, %dma_start3A_113] : memref<1024x16xf32, #tpu.memory_space<vmem>> -> memref<128x16xf32, #tpu.memory_space<vmem>>
      %dma_start3A_115 = arith.constant 0 : i32
      %dma_start3A_116 = tpu.memref_slice %arg5[%dma_start3A_111, %dma_start3A_115] : memref<8x128xi32, #tpu.memory_space<vmem>> -> memref<1x128xi32, #tpu.memory_space<vmem>>
      %dma_start3A_117 = tpu.memref_squeeze %dma_start3A_116 : memref<1x128xi32, #tpu.memory_space<vmem>> -> memref<128xi32, #tpu.memory_space<vmem>>
      %dma_start3A_118 = arith.constant 0 : i32
      %dma_start3A_119 = arith.constant 0 : i32
      %dma_start3A_120 = tpu.memref_slice %arg2[%arg0, %dma_start3A_118, %dma_start3A_119] : memref<2x102400x16xf32, #tpu.memory_space<hbm>> -> memref<1x102400x16xf32, #tpu.memory_space<hbm>>
      %dma_start3A_121 = tpu.memref_squeeze %dma_start3A_120 : memref<1x102400x16xf32, #tpu.memory_space<hbm>> -> memref<102400x16xf32, #tpu.memory_space<hbm>>
      %dma_start3A_122 = arith.constant 0 : i32
      %dma_start3A_123 = arith.constant 0 : i32
      %dma_start3A_124 = tpu.memref_slice %dma_start3A_121[%dma_start3A_122, %dma_start3A_123] : memref<102400x16xf32, #tpu.memory_space<hbm>> -> memref<102400x16xf32, #tpu.memory_space<hbm>>
      tpu.enqueue_indirect_dma source(%dma_start3A_124 : memref<102400x16xf32, #tpu.memory_space<hbm>>) target(%dma_start3A_114 : memref<128x16xf32, #tpu.memory_space<vmem>>) offsets(%dma_start3A_117 : memref<128xi32, #tpu.memory_space<vmem>>) semaphore(%arg8 : memref<!tpu.dma_semaphore, #tpu.memory_space<semaphore_mem>>)
      %dma_start3A_125 = arith.constant 5 : i32
      %dma_start3A_126 = arith.constant 640 : i32
      %dma_start3A_127 = arith.constant 0 : i32
      %dma_start3A_128 = tpu.memref_slice %arg7[%dma_start3A_126, %dma_start3A_127] : memref<1024x16xf32, #tpu.memory_space<vmem>> -> memref<128x16xf32, #tpu.memory_space<vmem>>
      %dma_start3A_129 = arith.constant 0 : i32
      %dma_start3A_130 = tpu.memref_slice %arg5[%dma_start3A_125, %dma_start3A_129] : memref<8x128xi32, #tpu.memory_space<vmem>> -> memref<1x128xi32, #tpu.memory_space<vmem>>
      %dma_start3A_131 = tpu.memref_squeeze %dma_start3A_130 : memref<1x128xi32, #tpu.memory_space<vmem>> -> memref<128xi32, #tpu.memory_space<vmem>>
      %dma_start3A_132 = arith.constant 0 : i32
      %dma_start3A_133 = arith.constant 0 : i32
      %dma_start3A_134 = tpu.memref_slice %arg2[%arg0, %dma_start3A_132, %dma_start3A_133] : memref<2x102400x16xf32, #tpu.memory_space<hbm>> -> memref<1x102400x16xf32, #tpu.memory_space<hbm>>
      %dma_start3A_135 = tpu.memref_squeeze %dma_start3A_134 : memref<1x102400x16xf32, #tpu.memory_space<hbm>> -> memref<102400x16xf32, #tpu.memory_space<hbm>>
      %dma_start3A_136 = arith.constant 0 : i32
      %dma_start3A_137 = arith.constant 0 : i32
      %dma_start3A_138 = tpu.memref_slice %dma_start3A_135[%dma_start3A_136, %dma_start3A_137] : memref<102400x16xf32, #tpu.memory_space<hbm>> -> memref<102400x16xf32, #tpu.memory_space<hbm>>
      tpu.enqueue_indirect_dma source(%dma_start3A_138 : memref<102400x16xf32, #tpu.memory_space<hbm>>) target(%dma_start3A_128 : memref<128x16xf32, #tpu.memory_space<vmem>>) offsets(%dma_start3A_131 : memref<128xi32, #tpu.memory_space<vmem>>) semaphore(%arg8 : memref<!tpu.dma_semaphore, #tpu.memory_space<semaphore_mem>>)
      %dma_start3A_139 = arith.constant 6 : i32
      %dma_start3A_140 = arith.constant 768 : i32
      %dma_start3A_141 = arith.constant 0 : i32
      %dma_start3A_142 = tpu.memref_slice %arg7[%dma_start3A_140, %dma_start3A_141] : memref<1024x16xf32, #tpu.memory_space<vmem>> -> memref<128x16xf32, #tpu.memory_space<vmem>>
      %dma_start3A_143 = arith.constant 0 : i32
      %dma_start3A_144 = tpu.memref_slice %arg5[%dma_start3A_139, %dma_start3A_143] : memref<8x128xi32, #tpu.memory_space<vmem>> -> memref<1x128xi32, #tpu.memory_space<vmem>>
      %dma_start3A_145 = tpu.memref_squeeze %dma_start3A_144 : memref<1x128xi32, #tpu.memory_space<vmem>> -> memref<128xi32, #tpu.memory_space<vmem>>
      %dma_start3A_146 = arith.constant 0 : i32
      %dma_start3A_147 = arith.constant 0 : i32
      %dma_start3A_148 = tpu.memref_slice %arg2[%arg0, %dma_start3A_146, %dma_start3A_147] : memref<2x102400x16xf32, #tpu.memory_space<hbm>> -> memref<1x102400x16xf32, #tpu.memory_space<hbm>>
      %dma_start3A_149 = tpu.memref_squeeze %dma_start3A_148 : memref<1x102400x16xf32, #tpu.memory_space<hbm>> -> memref<102400x16xf32, #tpu.memory_space<hbm>>
      %dma_start3A_150 = arith.constant 0 : i32
      %dma_start3A_151 = arith.constant 0 : i32
      %dma_start3A_152 = tpu.memref_slice %dma_start3A_149[%dma_start3A_150, %dma_start3A_151] : memref<102400x16xf32, #tpu.memory_space<hbm>> -> memref<102400x16xf32, #tpu.memory_space<hbm>>
      tpu.enqueue_indirect_dma source(%dma_start3A_152 : memref<102400x16xf32, #tpu.memory_space<hbm>>) target(%dma_start3A_142 : memref<128x16xf32, #tpu.memory_space<vmem>>) offsets(%dma_start3A_145 : memref<128xi32, #tpu.memory_space<vmem>>) semaphore(%arg8 : memref<!tpu.dma_semaphore, #tpu.memory_space<semaphore_mem>>)
      %dma_start3A_153 = arith.constant 7 : i32
      %dma_start3A_154 = arith.constant 896 : i32
      %dma_start3A_155 = arith.constant 0 : i32
      %dma_start3A_156 = tpu.memref_slice %arg7[%dma_start3A_154, %dma_start3A_155] : memref<1024x16xf32, #tpu.memory_space<vmem>> -> memref<128x16xf32, #tpu.memory_space<vmem>>
      %dma_start3A_157 = arith.constant 0 : i32
      %dma_start3A_158 = tpu.memref_slice %arg5[%dma_start3A_153, %dma_start3A_157] : memref<8x128xi32, #tpu.memory_space<vmem>> -> memref<1x128xi32, #tpu.memory_space<vmem>>
      %dma_start3A_159 = tpu.memref_squeeze %dma_start3A_158 : memref<1x128xi32, #tpu.memory_space<vmem>> -> memref<128xi32, #tpu.memory_space<vmem>>
      %dma_start3A_160 = arith.constant 0 : i32
      %dma_start3A_161 = arith.constant 0 : i32
      %dma_start3A_162 = tpu.memref_slice %arg2[%arg0, %dma_start3A_160, %dma_start3A_161] : memref<2x102400x16xf32, #tpu.memory_space<hbm>> -> memref<1x102400x16xf32, #tpu.memory_space<hbm>>
      %dma_start3A_163 = tpu.memref_squeeze %dma_start3A_162 : memref<1x102400x16xf32, #tpu.memory_space<hbm>> -> memref<102400x16xf32, #tpu.memory_space<hbm>>
      %dma_start3A_164 = arith.constant 0 : i32
      %dma_start3A_165 = arith.constant 0 : i32
      %dma_start3A_166 = tpu.memref_slice %dma_start3A_163[%dma_start3A_164, %dma_start3A_165] : memref<102400x16xf32, #tpu.memory_space<hbm>> -> memref<102400x16xf32, #tpu.memory_space<hbm>>
      tpu.enqueue_indirect_dma source(%dma_start3A_166 : memref<102400x16xf32, #tpu.memory_space<hbm>>) target(%dma_start3A_156 : memref<128x16xf32, #tpu.memory_space<vmem>>) offsets(%dma_start3A_159 : memref<128xi32, #tpu.memory_space<vmem>>) semaphore(%arg8 : memref<!tpu.dma_semaphore, #tpu.memory_space<semaphore_mem>>)
      %dma_wait3A = arith.constant 0 : i32
      %dma_wait3A_167 = arith.constant 0 : i32
      %dma_wait3A_168 = arith.constant 0 : i32
      %dma_wait3A_169 = tpu.memref_slice %arg7[%dma_wait3A_167, %dma_wait3A_168] : memref<1024x16xf32, #tpu.memory_space<vmem>> -> memref<128x16xf32, #tpu.memory_space<vmem>>
      %dma_wait3A_170 = arith.constant 0 : i32
      %dma_wait3A_171 = tpu.memref_slice %arg5[%dma_wait3A, %dma_wait3A_170] : memref<8x128xi32, #tpu.memory_space<vmem>> -> memref<1x128xi32, #tpu.memory_space<vmem>>
      %dma_wait3A_172 = tpu.memref_squeeze %dma_wait3A_171 : memref<1x128xi32, #tpu.memory_space<vmem>> -> memref<128xi32, #tpu.memory_space<vmem>>
      %dma_wait3A_173 = arith.constant 0 : i32
      %dma_wait3A_174 = arith.constant 0 : i32
      %dma_wait3A_175 = tpu.memref_slice %arg2[%arg0, %dma_wait3A_173, %dma_wait3A_174] : memref<2x102400x16xf32, #tpu.memory_space<hbm>> -> memref<1x102400x16xf32, #tpu.memory_space<hbm>>
      %dma_wait3A_176 = tpu.memref_squeeze %dma_wait3A_175 : memref<1x102400x16xf32, #tpu.memory_space<hbm>> -> memref<102400x16xf32, #tpu.memory_space<hbm>>
      %dma_wait3A_177 = arith.constant 0 : i32
      %dma_wait3A_178 = arith.constant 0 : i32
      %dma_wait3A_179 = tpu.memref_slice %dma_wait3A_176[%dma_wait3A_177, %dma_wait3A_178] : memref<102400x16xf32, #tpu.memory_space<hbm>> -> memref<102400x16xf32, #tpu.memory_space<hbm>>
      tpu.wait_indirect_dma semaphore(%arg8 : memref<!tpu.dma_semaphore, #tpu.memory_space<semaphore_mem>>) src(%dma_wait3A_179 : memref<102400x16xf32, #tpu.memory_space<hbm>>) dst(%dma_wait3A_169 : memref<128x16xf32, #tpu.memory_space<vmem>>)
      %dma_wait3A_180 = arith.constant 1 : i32
      %dma_wait3A_181 = arith.constant 128 : i32
      %dma_wait3A_182 = arith.constant 0 : i32
      %dma_wait3A_183 = tpu.memref_slice %arg7[%dma_wait3A_181, %dma_wait3A_182] : memref<1024x16xf32, #tpu.memory_space<vmem>> -> memref<128x16xf32, #tpu.memory_space<vmem>>
      %dma_wait3A_184 = arith.constant 0 : i32
      %dma_wait3A_185 = tpu.memref_slice %arg5[%dma_wait3A_180, %dma_wait3A_184] : memref<8x128xi32, #tpu.memory_space<vmem>> -> memref<1x128xi32, #tpu.memory_space<vmem>>
      %dma_wait3A_186 = tpu.memref_squeeze %dma_wait3A_185 : memref<1x128xi32, #tpu.memory_space<vmem>> -> memref<128xi32, #tpu.memory_space<vmem>>
      %dma_wait3A_187 = arith.constant 0 : i32
      %dma_wait3A_188 = arith.constant 0 : i32
      %dma_wait3A_189 = tpu.memref_slice %arg2[%arg0, %dma_wait3A_187, %dma_wait3A_188] : memref<2x102400x16xf32, #tpu.memory_space<hbm>> -> memref<1x102400x16xf32, #tpu.memory_space<hbm>>
      %dma_wait3A_190 = tpu.memref_squeeze %dma_wait3A_189 : memref<1x102400x16xf32, #tpu.memory_space<hbm>> -> memref<102400x16xf32, #tpu.memory_space<hbm>>
      %dma_wait3A_191 = arith.constant 0 : i32
      %dma_wait3A_192 = arith.constant 0 : i32
      %dma_wait3A_193 = tpu.memref_slice %dma_wait3A_190[%dma_wait3A_191, %dma_wait3A_192] : memref<102400x16xf32, #tpu.memory_space<hbm>> -> memref<102400x16xf32, #tpu.memory_space<hbm>>
      tpu.wait_indirect_dma semaphore(%arg8 : memref<!tpu.dma_semaphore, #tpu.memory_space<semaphore_mem>>) src(%dma_wait3A_193 : memref<102400x16xf32, #tpu.memory_space<hbm>>) dst(%dma_wait3A_183 : memref<128x16xf32, #tpu.memory_space<vmem>>)
      %dma_wait3A_194 = arith.constant 2 : i32
      %dma_wait3A_195 = arith.constant 256 : i32
      %dma_wait3A_196 = arith.constant 0 : i32
      %dma_wait3A_197 = tpu.memref_slice %arg7[%dma_wait3A_195, %dma_wait3A_196] : memref<1024x16xf32, #tpu.memory_space<vmem>> -> memref<128x16xf32, #tpu.memory_space<vmem>>
      %dma_wait3A_198 = arith.constant 0 : i32
      %dma_wait3A_199 = tpu.memref_slice %arg5[%dma_wait3A_194, %dma_wait3A_198] : memref<8x128xi32, #tpu.memory_space<vmem>> -> memref<1x128xi32, #tpu.memory_space<vmem>>
      %dma_wait3A_200 = tpu.memref_squeeze %dma_wait3A_199 : memref<1x128xi32, #tpu.memory_space<vmem>> -> memref<128xi32, #tpu.memory_space<vmem>>
      %dma_wait3A_201 = arith.constant 0 : i32
      %dma_wait3A_202 = arith.constant 0 : i32
      %dma_wait3A_203 = tpu.memref_slice %arg2[%arg0, %dma_wait3A_201, %dma_wait3A_202] : memref<2x102400x16xf32, #tpu.memory_space<hbm>> -> memref<1x102400x16xf32, #tpu.memory_space<hbm>>
      %dma_wait3A_204 = tpu.memref_squeeze %dma_wait3A_203 : memref<1x102400x16xf32, #tpu.memory_space<hbm>> -> memref<102400x16xf32, #tpu.memory_space<hbm>>
      %dma_wait3A_205 = arith.constant 0 : i32
      %dma_wait3A_206 = arith.constant 0 : i32
      %dma_wait3A_207 = tpu.memref_slice %dma_wait3A_204[%dma_wait3A_205, %dma_wait3A_206] : memref<102400x16xf32, #tpu.memory_space<hbm>> -> memref<102400x16xf32, #tpu.memory_space<hbm>>
      tpu.wait_indirect_dma semaphore(%arg8 : memref<!tpu.dma_semaphore, #tpu.memory_space<semaphore_mem>>) src(%dma_wait3A_207 : memref<102400x16xf32, #tpu.memory_space<hbm>>) dst(%dma_wait3A_197 : memref<128x16xf32, #tpu.memory_space<vmem>>)
      %dma_wait3A_208 = arith.constant 3 : i32
      %dma_wait3A_209 = arith.constant 384 : i32
      %dma_wait3A_210 = arith.constant 0 : i32
      %dma_wait3A_211 = tpu.memref_slice %arg7[%dma_wait3A_209, %dma_wait3A_210] : memref<1024x16xf32, #tpu.memory_space<vmem>> -> memref<128x16xf32, #tpu.memory_space<vmem>>
      %dma_wait3A_212 = arith.constant 0 : i32
      %dma_wait3A_213 = tpu.memref_slice %arg5[%dma_wait3A_208, %dma_wait3A_212] : memref<8x128xi32, #tpu.memory_space<vmem>> -> memref<1x128xi32, #tpu.memory_space<vmem>>
      %dma_wait3A_214 = tpu.memref_squeeze %dma_wait3A_213 : memref<1x128xi32, #tpu.memory_space<vmem>> -> memref<128xi32, #tpu.memory_space<vmem>>
      %dma_wait3A_215 = arith.constant 0 : i32
      %dma_wait3A_216 = arith.constant 0 : i32
      %dma_wait3A_217 = tpu.memref_slice %arg2[%arg0, %dma_wait3A_215, %dma_wait3A_216] : memref<2x102400x16xf32, #tpu.memory_space<hbm>> -> memref<1x102400x16xf32, #tpu.memory_space<hbm>>
      %dma_wait3A_218 = tpu.memref_squeeze %dma_wait3A_217 : memref<1x102400x16xf32, #tpu.memory_space<hbm>> -> memref<102400x16xf32, #tpu.memory_space<hbm>>
      %dma_wait3A_219 = arith.constant 0 : i32
      %dma_wait3A_220 = arith.constant 0 : i32
      %dma_wait3A_221 = tpu.memref_slice %dma_wait3A_218[%dma_wait3A_219, %dma_wait3A_220] : memref<102400x16xf32, #tpu.memory_space<hbm>> -> memref<102400x16xf32, #tpu.memory_space<hbm>>
      tpu.wait_indirect_dma semaphore(%arg8 : memref<!tpu.dma_semaphore, #tpu.memory_space<semaphore_mem>>) src(%dma_wait3A_221 : memref<102400x16xf32, #tpu.memory_space<hbm>>) dst(%dma_wait3A_211 : memref<128x16xf32, #tpu.memory_space<vmem>>)
      %dma_wait3A_222 = arith.constant 4 : i32
      %dma_wait3A_223 = arith.constant 512 : i32
      %dma_wait3A_224 = arith.constant 0 : i32
      %dma_wait3A_225 = tpu.memref_slice %arg7[%dma_wait3A_223, %dma_wait3A_224] : memref<1024x16xf32, #tpu.memory_space<vmem>> -> memref<128x16xf32, #tpu.memory_space<vmem>>
      %dma_wait3A_226 = arith.constant 0 : i32
      %dma_wait3A_227 = tpu.memref_slice %arg5[%dma_wait3A_222, %dma_wait3A_226] : memref<8x128xi32, #tpu.memory_space<vmem>> -> memref<1x128xi32, #tpu.memory_space<vmem>>
      %dma_wait3A_228 = tpu.memref_squeeze %dma_wait3A_227 : memref<1x128xi32, #tpu.memory_space<vmem>> -> memref<128xi32, #tpu.memory_space<vmem>>
      %dma_wait3A_229 = arith.constant 0 : i32
      %dma_wait3A_230 = arith.constant 0 : i32
      %dma_wait3A_231 = tpu.memref_slice %arg2[%arg0, %dma_wait3A_229, %dma_wait3A_230] : memref<2x102400x16xf32, #tpu.memory_space<hbm>> -> memref<1x102400x16xf32, #tpu.memory_space<hbm>>
      %dma_wait3A_232 = tpu.memref_squeeze %dma_wait3A_231 : memref<1x102400x16xf32, #tpu.memory_space<hbm>> -> memref<102400x16xf32, #tpu.memory_space<hbm>>
      %dma_wait3A_233 = arith.constant 0 : i32
      %dma_wait3A_234 = arith.constant 0 : i32
      %dma_wait3A_235 = tpu.memref_slice %dma_wait3A_232[%dma_wait3A_233, %dma_wait3A_234] : memref<102400x16xf32, #tpu.memory_space<hbm>> -> memref<102400x16xf32, #tpu.memory_space<hbm>>
      tpu.wait_indirect_dma semaphore(%arg8 : memref<!tpu.dma_semaphore, #tpu.memory_space<semaphore_mem>>) src(%dma_wait3A_235 : memref<102400x16xf32, #tpu.memory_space<hbm>>) dst(%dma_wait3A_225 : memref<128x16xf32, #tpu.memory_space<vmem>>)
      %dma_wait3A_236 = arith.constant 5 : i32
      %dma_wait3A_237 = arith.constant 640 : i32
      %dma_wait3A_238 = arith.constant 0 : i32
      %dma_wait3A_239 = tpu.memref_slice %arg7[%dma_wait3A_237, %dma_wait3A_238] : memref<1024x16xf32, #tpu.memory_space<vmem>> -> memref<128x16xf32, #tpu.memory_space<vmem>>
      %dma_wait3A_240 = arith.constant 0 : i32
      %dma_wait3A_241 = tpu.memref_slice %arg5[%dma_wait3A_236, %dma_wait3A_240] : memref<8x128xi32, #tpu.memory_space<vmem>> -> memref<1x128xi32, #tpu.memory_space<vmem>>
      %dma_wait3A_242 = tpu.memref_squeeze %dma_wait3A_241 : memref<1x128xi32, #tpu.memory_space<vmem>> -> memref<128xi32, #tpu.memory_space<vmem>>
      %dma_wait3A_243 = arith.constant 0 : i32
      %dma_wait3A_244 = arith.constant 0 : i32
      %dma_wait3A_245 = tpu.memref_slice %arg2[%arg0, %dma_wait3A_243, %dma_wait3A_244] : memref<2x102400x16xf32, #tpu.memory_space<hbm>> -> memref<1x102400x16xf32, #tpu.memory_space<hbm>>
      %dma_wait3A_246 = tpu.memref_squeeze %dma_wait3A_245 : memref<1x102400x16xf32, #tpu.memory_space<hbm>> -> memref<102400x16xf32, #tpu.memory_space<hbm>>
      %dma_wait3A_247 = arith.constant 0 : i32
      %dma_wait3A_248 = arith.constant 0 : i32
      %dma_wait3A_249 = tpu.memref_slice %dma_wait3A_246[%dma_wait3A_247, %dma_wait3A_248] : memref<102400x16xf32, #tpu.memory_space<hbm>> -> memref<102400x16xf32, #tpu.memory_space<hbm>>
      tpu.wait_indirect_dma semaphore(%arg8 : memref<!tpu.dma_semaphore, #tpu.memory_space<semaphore_mem>>) src(%dma_wait3A_249 : memref<102400x16xf32, #tpu.memory_space<hbm>>) dst(%dma_wait3A_239 : memref<128x16xf32, #tpu.memory_space<vmem>>)
      %dma_wait3A_250 = arith.constant 6 : i32
      %dma_wait3A_251 = arith.constant 768 : i32
      %dma_wait3A_252 = arith.constant 0 : i32
      %dma_wait3A_253 = tpu.memref_slice %arg7[%dma_wait3A_251, %dma_wait3A_252] : memref<1024x16xf32, #tpu.memory_space<vmem>> -> memref<128x16xf32, #tpu.memory_space<vmem>>
      %dma_wait3A_254 = arith.constant 0 : i32
      %dma_wait3A_255 = tpu.memref_slice %arg5[%dma_wait3A_250, %dma_wait3A_254] : memref<8x128xi32, #tpu.memory_space<vmem>> -> memref<1x128xi32, #tpu.memory_space<vmem>>
      %dma_wait3A_256 = tpu.memref_squeeze %dma_wait3A_255 : memref<1x128xi32, #tpu.memory_space<vmem>> -> memref<128xi32, #tpu.memory_space<vmem>>
      %dma_wait3A_257 = arith.constant 0 : i32
      %dma_wait3A_258 = arith.constant 0 : i32
      %dma_wait3A_259 = tpu.memref_slice %arg2[%arg0, %dma_wait3A_257, %dma_wait3A_258] : memref<2x102400x16xf32, #tpu.memory_space<hbm>> -> memref<1x102400x16xf32, #tpu.memory_space<hbm>>
      %dma_wait3A_260 = tpu.memref_squeeze %dma_wait3A_259 : memref<1x102400x16xf32, #tpu.memory_space<hbm>> -> memref<102400x16xf32, #tpu.memory_space<hbm>>
      %dma_wait3A_261 = arith.constant 0 : i32
      %dma_wait3A_262 = arith.constant 0 : i32
      %dma_wait3A_263 = tpu.memref_slice %dma_wait3A_260[%dma_wait3A_261, %dma_wait3A_262] : memref<102400x16xf32, #tpu.memory_space<hbm>> -> memref<102400x16xf32, #tpu.memory_space<hbm>>
      tpu.wait_indirect_dma semaphore(%arg8 : memref<!tpu.dma_semaphore, #tpu.memory_space<semaphore_mem>>) src(%dma_wait3A_263 : memref<102400x16xf32, #tpu.memory_space<hbm>>) dst(%dma_wait3A_253 : memref<128x16xf32, #tpu.memory_space<vmem>>)
      %dma_wait3A_264 = arith.constant 7 : i32
      %dma_wait3A_265 = arith.constant 896 : i32
      %dma_wait3A_266 = arith.constant 0 : i32
      %dma_wait3A_267 = tpu.memref_slice %arg7[%dma_wait3A_265, %dma_wait3A_266] : memref<1024x16xf32, #tpu.memory_space<vmem>> -> memref<128x16xf32, #tpu.memory_space<vmem>>
      %dma_wait3A_268 = arith.constant 0 : i32
      %dma_wait3A_269 = tpu.memref_slice %arg5[%dma_wait3A_264, %dma_wait3A_268] : memref<8x128xi32, #tpu.memory_space<vmem>> -> memref<1x128xi32, #tpu.memory_space<vmem>>
      %dma_wait3A_270 = tpu.memref_squeeze %dma_wait3A_269 : memref<1x128xi32, #tpu.memory_space<vmem>> -> memref<128xi32, #tpu.memory_space<vmem>>
      %dma_wait3A_271 = arith.constant 0 : i32
      %dma_wait3A_272 = arith.constant 0 : i32
      %dma_wait3A_273 = tpu.memref_slice %arg2[%arg0, %dma_wait3A_271, %dma_wait3A_272] : memref<2x102400x16xf32, #tpu.memory_space<hbm>> -> memref<1x102400x16xf32, #tpu.memory_space<hbm>>
      %dma_wait3A_274 = tpu.memref_squeeze %dma_wait3A_273 : memref<1x102400x16xf32, #tpu.memory_space<hbm>> -> memref<102400x16xf32, #tpu.memory_space<hbm>>
      %dma_wait3A_275 = arith.constant 0 : i32
      %dma_wait3A_276 = arith.constant 0 : i32
      %dma_wait3A_277 = tpu.memref_slice %dma_wait3A_274[%dma_wait3A_275, %dma_wait3A_276] : memref<102400x16xf32, #tpu.memory_space<hbm>> -> memref<102400x16xf32, #tpu.memory_space<hbm>>
      tpu.wait_indirect_dma semaphore(%arg8 : memref<!tpu.dma_semaphore, #tpu.memory_space<semaphore_mem>>) src(%dma_wait3A_277 : memref<102400x16xf32, #tpu.memory_space<hbm>>) dst(%dma_wait3A_267 : memref<128x16xf32, #tpu.memory_space<vmem>>)
      %run_scoped3A_278 = arith.constant 0 : i32
      "tpu.region"() ({
        %run_scoped3A_286 = tpu.sem_alloc : memref<!tpu.dma_semaphore, #tpu.memory_space<semaphore_mem>>
        %dma_start3A_287 = arith.constant 0 : i32
        %dma_start3A_288 = arith.constant 0 : i32
        %dma_start3A_289 = tpu.memref_slice %arg7[%dma_start3A_287, %dma_start3A_288] : memref<1024x16xf32, #tpu.memory_space<vmem>> -> memref<128x16xf32, #tpu.memory_space<vmem>>
        %dma_start3A_290 = arith.constant 0 : i32
        %dma_start3A_291 = tpu.memref_slice %arg6[%run_scoped3A_278, %dma_start3A_290] : memref<8x128xi32, #tpu.memory_space<vmem>> -> memref<1x128xi32, #tpu.memory_space<vmem>>
        %dma_start3A_292 = tpu.memref_squeeze %dma_start3A_291 : memref<1x128xi32, #tpu.memory_space<vmem>> -> memref<128xi32, #tpu.memory_space<vmem>>
        %dma_start3A_293 = arith.constant 0 : i32
        %dma_start3A_294 = arith.constant 0 : i32
        %dma_start3A_295 = tpu.memref_slice %arg9[%dma_start3A_293, %dma_start3A_294] : memref<100096x16xf32, #tpu.memory_space<vmem_shared>> -> memref<100096x16xf32, #tpu.memory_space<vmem_shared>>
        tpu.enqueue_indirect_dma source(%dma_start3A_289 : memref<128x16xf32, #tpu.memory_space<vmem>>) target(%dma_start3A_295 : memref<100096x16xf32, #tpu.memory_space<vmem_shared>>) offsets(%dma_start3A_292 : memref<128xi32, #tpu.memory_space<vmem>>) semaphore(%run_scoped3A_286 : memref<!tpu.dma_semaphore, #tpu.memory_space<semaphore_mem>>) {add = true}
        %dma_wait3A_296 = arith.constant 0 : i32
        %dma_wait3A_297 = arith.constant 0 : i32
        %dma_wait3A_298 = tpu.memref_slice %arg7[%dma_wait3A_296, %dma_wait3A_297] : memref<1024x16xf32, #tpu.memory_space<vmem>> -> memref<128x16xf32, #tpu.memory_space<vmem>>
        %dma_wait3A_299 = arith.constant 0 : i32
        %dma_wait3A_300 = tpu.memref_slice %arg6[%run_scoped3A_278, %dma_wait3A_299] : memref<8x128xi32, #tpu.memory_space<vmem>> -> memref<1x128xi32, #tpu.memory_space<vmem>>
        %dma_wait3A_301 = tpu.memref_squeeze %dma_wait3A_300 : memref<1x128xi32, #tpu.memory_space<vmem>> -> memref<128xi32, #tpu.memory_space<vmem>>
        %dma_wait3A_302 = arith.constant 0 : i32
        %dma_wait3A_303 = arith.constant 0 : i32
        %dma_wait3A_304 = tpu.memref_slice %arg9[%dma_wait3A_302, %dma_wait3A_303] : memref<100096x16xf32, #tpu.memory_space<vmem_shared>> -> memref<100096x16xf32, #tpu.memory_space<vmem_shared>>
        tpu.wait_indirect_dma semaphore(%run_scoped3A_286 : memref<!tpu.dma_semaphore, #tpu.memory_space<semaphore_mem>>) src(%dma_wait3A_298 : memref<128x16xf32, #tpu.memory_space<vmem>>) dst(%dma_wait3A_304 : memref<100096x16xf32, #tpu.memory_space<vmem_shared>>)
        tpu.yield
      }) : () -> ()
      %run_scoped3A_279 = arith.constant 1 : i32
      "tpu.region"() ({
        %run_scoped3A_286 = tpu.sem_alloc : memref<!tpu.dma_semaphore, #tpu.memory_space<semaphore_mem>>
        %dma_start3A_287 = arith.constant 128 : i32
        %dma_start3A_288 = arith.constant 0 : i32
        %dma_start3A_289 = tpu.memref_slice %arg7[%dma_start3A_287, %dma_start3A_288] : memref<1024x16xf32, #tpu.memory_space<vmem>> -> memref<128x16xf32, #tpu.memory_space<vmem>>
        %dma_start3A_290 = arith.constant 0 : i32
        %dma_start3A_291 = tpu.memref_slice %arg6[%run_scoped3A_279, %dma_start3A_290] : memref<8x128xi32, #tpu.memory_space<vmem>> -> memref<1x128xi32, #tpu.memory_space<vmem>>
        %dma_start3A_292 = tpu.memref_squeeze %dma_start3A_291 : memref<1x128xi32, #tpu.memory_space<vmem>> -> memref<128xi32, #tpu.memory_space<vmem>>
        %dma_start3A_293 = arith.constant 0 : i32
        %dma_start3A_294 = arith.constant 0 : i32
        %dma_start3A_295 = tpu.memref_slice %arg9[%dma_start3A_293, %dma_start3A_294] : memref<100096x16xf32, #tpu.memory_space<vmem_shared>> -> memref<100096x16xf32, #tpu.memory_space<vmem_shared>>
        tpu.enqueue_indirect_dma source(%dma_start3A_289 : memref<128x16xf32, #tpu.memory_space<vmem>>) target(%dma_start3A_295 : memref<100096x16xf32, #tpu.memory_space<vmem_shared>>) offsets(%dma_start3A_292 : memref<128xi32, #tpu.memory_space<vmem>>) semaphore(%run_scoped3A_286 : memref<!tpu.dma_semaphore, #tpu.memory_space<semaphore_mem>>) {add = true}
        %dma_wait3A_296 = arith.constant 128 : i32
        %dma_wait3A_297 = arith.constant 0 : i32
        %dma_wait3A_298 = tpu.memref_slice %arg7[%dma_wait3A_296, %dma_wait3A_297] : memref<1024x16xf32, #tpu.memory_space<vmem>> -> memref<128x16xf32, #tpu.memory_space<vmem>>
        %dma_wait3A_299 = arith.constant 0 : i32
        %dma_wait3A_300 = tpu.memref_slice %arg6[%run_scoped3A_279, %dma_wait3A_299] : memref<8x128xi32, #tpu.memory_space<vmem>> -> memref<1x128xi32, #tpu.memory_space<vmem>>
        %dma_wait3A_301 = tpu.memref_squeeze %dma_wait3A_300 : memref<1x128xi32, #tpu.memory_space<vmem>> -> memref<128xi32, #tpu.memory_space<vmem>>
        %dma_wait3A_302 = arith.constant 0 : i32
        %dma_wait3A_303 = arith.constant 0 : i32
        %dma_wait3A_304 = tpu.memref_slice %arg9[%dma_wait3A_302, %dma_wait3A_303] : memref<100096x16xf32, #tpu.memory_space<vmem_shared>> -> memref<100096x16xf32, #tpu.memory_space<vmem_shared>>
        tpu.wait_indirect_dma semaphore(%run_scoped3A_286 : memref<!tpu.dma_semaphore, #tpu.memory_space<semaphore_mem>>) src(%dma_wait3A_298 : memref<128x16xf32, #tpu.memory_space<vmem>>) dst(%dma_wait3A_304 : memref<100096x16xf32, #tpu.memory_space<vmem_shared>>)
        tpu.yield
      }) : () -> ()
      %run_scoped3A_280 = arith.constant 2 : i32
      "tpu.region"() ({
        %run_scoped3A_286 = tpu.sem_alloc : memref<!tpu.dma_semaphore, #tpu.memory_space<semaphore_mem>>
        %dma_start3A_287 = arith.constant 256 : i32
        %dma_start3A_288 = arith.constant 0 : i32
        %dma_start3A_289 = tpu.memref_slice %arg7[%dma_start3A_287, %dma_start3A_288] : memref<1024x16xf32, #tpu.memory_space<vmem>> -> memref<128x16xf32, #tpu.memory_space<vmem>>
        %dma_start3A_290 = arith.constant 0 : i32
        %dma_start3A_291 = tpu.memref_slice %arg6[%run_scoped3A_280, %dma_start3A_290] : memref<8x128xi32, #tpu.memory_space<vmem>> -> memref<1x128xi32, #tpu.memory_space<vmem>>
        %dma_start3A_292 = tpu.memref_squeeze %dma_start3A_291 : memref<1x128xi32, #tpu.memory_space<vmem>> -> memref<128xi32, #tpu.memory_space<vmem>>
        %dma_start3A_293 = arith.constant 0 : i32
        %dma_start3A_294 = arith.constant 0 : i32
        %dma_start3A_295 = tpu.memref_slice %arg9[%dma_start3A_293, %dma_start3A_294] : memref<100096x16xf32, #tpu.memory_space<vmem_shared>> -> memref<100096x16xf32, #tpu.memory_space<vmem_shared>>
        tpu.enqueue_indirect_dma source(%dma_start3A_289 : memref<128x16xf32, #tpu.memory_space<vmem>>) target(%dma_start3A_295 : memref<100096x16xf32, #tpu.memory_space<vmem_shared>>) offsets(%dma_start3A_292 : memref<128xi32, #tpu.memory_space<vmem>>) semaphore(%run_scoped3A_286 : memref<!tpu.dma_semaphore, #tpu.memory_space<semaphore_mem>>) {add = true}
        %dma_wait3A_296 = arith.constant 256 : i32
        %dma_wait3A_297 = arith.constant 0 : i32
        %dma_wait3A_298 = tpu.memref_slice %arg7[%dma_wait3A_296, %dma_wait3A_297] : memref<1024x16xf32, #tpu.memory_space<vmem>> -> memref<128x16xf32, #tpu.memory_space<vmem>>
        %dma_wait3A_299 = arith.constant 0 : i32
        %dma_wait3A_300 = tpu.memref_slice %arg6[%run_scoped3A_280, %dma_wait3A_299] : memref<8x128xi32, #tpu.memory_space<vmem>> -> memref<1x128xi32, #tpu.memory_space<vmem>>
        %dma_wait3A_301 = tpu.memref_squeeze %dma_wait3A_300 : memref<1x128xi32, #tpu.memory_space<vmem>> -> memref<128xi32, #tpu.memory_space<vmem>>
        %dma_wait3A_302 = arith.constant 0 : i32
        %dma_wait3A_303 = arith.constant 0 : i32
        %dma_wait3A_304 = tpu.memref_slice %arg9[%dma_wait3A_302, %dma_wait3A_303] : memref<100096x16xf32, #tpu.memory_space<vmem_shared>> -> memref<100096x16xf32, #tpu.memory_space<vmem_shared>>
        tpu.wait_indirect_dma semaphore(%run_scoped3A_286 : memref<!tpu.dma_semaphore, #tpu.memory_space<semaphore_mem>>) src(%dma_wait3A_298 : memref<128x16xf32, #tpu.memory_space<vmem>>) dst(%dma_wait3A_304 : memref<100096x16xf32, #tpu.memory_space<vmem_shared>>)
        tpu.yield
      }) : () -> ()
      %run_scoped3A_281 = arith.constant 3 : i32
      "tpu.region"() ({
        %run_scoped3A_286 = tpu.sem_alloc : memref<!tpu.dma_semaphore, #tpu.memory_space<semaphore_mem>>
        %dma_start3A_287 = arith.constant 384 : i32
        %dma_start3A_288 = arith.constant 0 : i32
        %dma_start3A_289 = tpu.memref_slice %arg7[%dma_start3A_287, %dma_start3A_288] : memref<1024x16xf32, #tpu.memory_space<vmem>> -> memref<128x16xf32, #tpu.memory_space<vmem>>
        %dma_start3A_290 = arith.constant 0 : i32
        %dma_start3A_291 = tpu.memref_slice %arg6[%run_scoped3A_281, %dma_start3A_290] : memref<8x128xi32, #tpu.memory_space<vmem>> -> memref<1x128xi32, #tpu.memory_space<vmem>>
        %dma_start3A_292 = tpu.memref_squeeze %dma_start3A_291 : memref<1x128xi32, #tpu.memory_space<vmem>> -> memref<128xi32, #tpu.memory_space<vmem>>
        %dma_start3A_293 = arith.constant 0 : i32
        %dma_start3A_294 = arith.constant 0 : i32
        %dma_start3A_295 = tpu.memref_slice %arg9[%dma_start3A_293, %dma_start3A_294] : memref<100096x16xf32, #tpu.memory_space<vmem_shared>> -> memref<100096x16xf32, #tpu.memory_space<vmem_shared>>
        tpu.enqueue_indirect_dma source(%dma_start3A_289 : memref<128x16xf32, #tpu.memory_space<vmem>>) target(%dma_start3A_295 : memref<100096x16xf32, #tpu.memory_space<vmem_shared>>) offsets(%dma_start3A_292 : memref<128xi32, #tpu.memory_space<vmem>>) semaphore(%run_scoped3A_286 : memref<!tpu.dma_semaphore, #tpu.memory_space<semaphore_mem>>) {add = true}
        %dma_wait3A_296 = arith.constant 384 : i32
        %dma_wait3A_297 = arith.constant 0 : i32
        %dma_wait3A_298 = tpu.memref_slice %arg7[%dma_wait3A_296, %dma_wait3A_297] : memref<1024x16xf32, #tpu.memory_space<vmem>> -> memref<128x16xf32, #tpu.memory_space<vmem>>
        %dma_wait3A_299 = arith.constant 0 : i32
        %dma_wait3A_300 = tpu.memref_slice %arg6[%run_scoped3A_281, %dma_wait3A_299] : memref<8x128xi32, #tpu.memory_space<vmem>> -> memref<1x128xi32, #tpu.memory_space<vmem>>
        %dma_wait3A_301 = tpu.memref_squeeze %dma_wait3A_300 : memref<1x128xi32, #tpu.memory_space<vmem>> -> memref<128xi32, #tpu.memory_space<vmem>>
        %dma_wait3A_302 = arith.constant 0 : i32
        %dma_wait3A_303 = arith.constant 0 : i32
        %dma_wait3A_304 = tpu.memref_slice %arg9[%dma_wait3A_302, %dma_wait3A_303] : memref<100096x16xf32, #tpu.memory_space<vmem_shared>> -> memref<100096x16xf32, #tpu.memory_space<vmem_shared>>
        tpu.wait_indirect_dma semaphore(%run_scoped3A_286 : memref<!tpu.dma_semaphore, #tpu.memory_space<semaphore_mem>>) src(%dma_wait3A_298 : memref<128x16xf32, #tpu.memory_space<vmem>>) dst(%dma_wait3A_304 : memref<100096x16xf32, #tpu.memory_space<vmem_shared>>)
        tpu.yield
      }) : () -> ()
      %run_scoped3A_282 = arith.constant 4 : i32
      "tpu.region"() ({
        %run_scoped3A_286 = tpu.sem_alloc : memref<!tpu.dma_semaphore, #tpu.memory_space<semaphore_mem>>
        %dma_start3A_287 = arith.constant 512 : i32
        %dma_start3A_288 = arith.constant 0 : i32
        %dma_start3A_289 = tpu.memref_slice %arg7[%dma_start3A_287, %dma_start3A_288] : memref<1024x16xf32, #tpu.memory_space<vmem>> -> memref<128x16xf32, #tpu.memory_space<vmem>>
        %dma_start3A_290 = arith.constant 0 : i32
        %dma_start3A_291 = tpu.memref_slice %arg6[%run_scoped3A_282, %dma_start3A_290] : memref<8x128xi32, #tpu.memory_space<vmem>> -> memref<1x128xi32, #tpu.memory_space<vmem>>
        %dma_start3A_292 = tpu.memref_squeeze %dma_start3A_291 : memref<1x128xi32, #tpu.memory_space<vmem>> -> memref<128xi32, #tpu.memory_space<vmem>>
        %dma_start3A_293 = arith.constant 0 : i32
        %dma_start3A_294 = arith.constant 0 : i32
        %dma_start3A_295 = tpu.memref_slice %arg9[%dma_start3A_293, %dma_start3A_294] : memref<100096x16xf32, #tpu.memory_space<vmem_shared>> -> memref<100096x16xf32, #tpu.memory_space<vmem_shared>>
        tpu.enqueue_indirect_dma source(%dma_start3A_289 : memref<128x16xf32, #tpu.memory_space<vmem>>) target(%dma_start3A_295 : memref<100096x16xf32, #tpu.memory_space<vmem_shared>>) offsets(%dma_start3A_292 : memref<128xi32, #tpu.memory_space<vmem>>) semaphore(%run_scoped3A_286 : memref<!tpu.dma_semaphore, #tpu.memory_space<semaphore_mem>>) {add = true}
        %dma_wait3A_296 = arith.constant 512 : i32
        %dma_wait3A_297 = arith.constant 0 : i32
        %dma_wait3A_298 = tpu.memref_slice %arg7[%dma_wait3A_296, %dma_wait3A_297] : memref<1024x16xf32, #tpu.memory_space<vmem>> -> memref<128x16xf32, #tpu.memory_space<vmem>>
        %dma_wait3A_299 = arith.constant 0 : i32
        %dma_wait3A_300 = tpu.memref_slice %arg6[%run_scoped3A_282, %dma_wait3A_299] : memref<8x128xi32, #tpu.memory_space<vmem>> -> memref<1x128xi32, #tpu.memory_space<vmem>>
        %dma_wait3A_301 = tpu.memref_squeeze %dma_wait3A_300 : memref<1x128xi32, #tpu.memory_space<vmem>> -> memref<128xi32, #tpu.memory_space<vmem>>
        %dma_wait3A_302 = arith.constant 0 : i32
        %dma_wait3A_303 = arith.constant 0 : i32
        %dma_wait3A_304 = tpu.memref_slice %arg9[%dma_wait3A_302, %dma_wait3A_303] : memref<100096x16xf32, #tpu.memory_space<vmem_shared>> -> memref<100096x16xf32, #tpu.memory_space<vmem_shared>>
        tpu.wait_indirect_dma semaphore(%run_scoped3A_286 : memref<!tpu.dma_semaphore, #tpu.memory_space<semaphore_mem>>) src(%dma_wait3A_298 : memref<128x16xf32, #tpu.memory_space<vmem>>) dst(%dma_wait3A_304 : memref<100096x16xf32, #tpu.memory_space<vmem_shared>>)
        tpu.yield
      }) : () -> ()
      %run_scoped3A_283 = arith.constant 5 : i32
      "tpu.region"() ({
        %run_scoped3A_286 = tpu.sem_alloc : memref<!tpu.dma_semaphore, #tpu.memory_space<semaphore_mem>>
        %dma_start3A_287 = arith.constant 640 : i32
        %dma_start3A_288 = arith.constant 0 : i32
        %dma_start3A_289 = tpu.memref_slice %arg7[%dma_start3A_287, %dma_start3A_288] : memref<1024x16xf32, #tpu.memory_space<vmem>> -> memref<128x16xf32, #tpu.memory_space<vmem>>
        %dma_start3A_290 = arith.constant 0 : i32
        %dma_start3A_291 = tpu.memref_slice %arg6[%run_scoped3A_283, %dma_start3A_290] : memref<8x128xi32, #tpu.memory_space<vmem>> -> memref<1x128xi32, #tpu.memory_space<vmem>>
        %dma_start3A_292 = tpu.memref_squeeze %dma_start3A_291 : memref<1x128xi32, #tpu.memory_space<vmem>> -> memref<128xi32, #tpu.memory_space<vmem>>
        %dma_start3A_293 = arith.constant 0 : i32
        %dma_start3A_294 = arith.constant 0 : i32
        %dma_start3A_295 = tpu.memref_slice %arg9[%dma_start3A_293, %dma_start3A_294] : memref<100096x16xf32, #tpu.memory_space<vmem_shared>> -> memref<100096x16xf32, #tpu.memory_space<vmem_shared>>
        tpu.enqueue_indirect_dma source(%dma_start3A_289 : memref<128x16xf32, #tpu.memory_space<vmem>>) target(%dma_start3A_295 : memref<100096x16xf32, #tpu.memory_space<vmem_shared>>) offsets(%dma_start3A_292 : memref<128xi32, #tpu.memory_space<vmem>>) semaphore(%run_scoped3A_286 : memref<!tpu.dma_semaphore, #tpu.memory_space<semaphore_mem>>) {add = true}
        %dma_wait3A_296 = arith.constant 640 : i32
        %dma_wait3A_297 = arith.constant 0 : i32
        %dma_wait3A_298 = tpu.memref_slice %arg7[%dma_wait3A_296, %dma_wait3A_297] : memref<1024x16xf32, #tpu.memory_space<vmem>> -> memref<128x16xf32, #tpu.memory_space<vmem>>
        %dma_wait3A_299 = arith.constant 0 : i32
        %dma_wait3A_300 = tpu.memref_slice %arg6[%run_scoped3A_283, %dma_wait3A_299] : memref<8x128xi32, #tpu.memory_space<vmem>> -> memref<1x128xi32, #tpu.memory_space<vmem>>
        %dma_wait3A_301 = tpu.memref_squeeze %dma_wait3A_300 : memref<1x128xi32, #tpu.memory_space<vmem>> -> memref<128xi32, #tpu.memory_space<vmem>>
        %dma_wait3A_302 = arith.constant 0 : i32
        %dma_wait3A_303 = arith.constant 0 : i32
        %dma_wait3A_304 = tpu.memref_slice %arg9[%dma_wait3A_302, %dma_wait3A_303] : memref<100096x16xf32, #tpu.memory_space<vmem_shared>> -> memref<100096x16xf32, #tpu.memory_space<vmem_shared>>
        tpu.wait_indirect_dma semaphore(%run_scoped3A_286 : memref<!tpu.dma_semaphore, #tpu.memory_space<semaphore_mem>>) src(%dma_wait3A_298 : memref<128x16xf32, #tpu.memory_space<vmem>>) dst(%dma_wait3A_304 : memref<100096x16xf32, #tpu.memory_space<vmem_shared>>)
        tpu.yield
      }) : () -> ()
      %run_scoped3A_284 = arith.constant 6 : i32
      "tpu.region"() ({
        %run_scoped3A_286 = tpu.sem_alloc : memref<!tpu.dma_semaphore, #tpu.memory_space<semaphore_mem>>
        %dma_start3A_287 = arith.constant 768 : i32
        %dma_start3A_288 = arith.constant 0 : i32
        %dma_start3A_289 = tpu.memref_slice %arg7[%dma_start3A_287, %dma_start3A_288] : memref<1024x16xf32, #tpu.memory_space<vmem>> -> memref<128x16xf32, #tpu.memory_space<vmem>>
        %dma_start3A_290 = arith.constant 0 : i32
        %dma_start3A_291 = tpu.memref_slice %arg6[%run_scoped3A_284, %dma_start3A_290] : memref<8x128xi32, #tpu.memory_space<vmem>> -> memref<1x128xi32, #tpu.memory_space<vmem>>
        %dma_start3A_292 = tpu.memref_squeeze %dma_start3A_291 : memref<1x128xi32, #tpu.memory_space<vmem>> -> memref<128xi32, #tpu.memory_space<vmem>>
        %dma_start3A_293 = arith.constant 0 : i32
        %dma_start3A_294 = arith.constant 0 : i32
        %dma_start3A_295 = tpu.memref_slice %arg9[%dma_start3A_293, %dma_start3A_294] : memref<100096x16xf32, #tpu.memory_space<vmem_shared>> -> memref<100096x16xf32, #tpu.memory_space<vmem_shared>>
        tpu.enqueue_indirect_dma source(%dma_start3A_289 : memref<128x16xf32, #tpu.memory_space<vmem>>) target(%dma_start3A_295 : memref<100096x16xf32, #tpu.memory_space<vmem_shared>>) offsets(%dma_start3A_292 : memref<128xi32, #tpu.memory_space<vmem>>) semaphore(%run_scoped3A_286 : memref<!tpu.dma_semaphore, #tpu.memory_space<semaphore_mem>>) {add = true}
        %dma_wait3A_296 = arith.constant 768 : i32
        %dma_wait3A_297 = arith.constant 0 : i32
        %dma_wait3A_298 = tpu.memref_slice %arg7[%dma_wait3A_296, %dma_wait3A_297] : memref<1024x16xf32, #tpu.memory_space<vmem>> -> memref<128x16xf32, #tpu.memory_space<vmem>>
        %dma_wait3A_299 = arith.constant 0 : i32
        %dma_wait3A_300 = tpu.memref_slice %arg6[%run_scoped3A_284, %dma_wait3A_299] : memref<8x128xi32, #tpu.memory_space<vmem>> -> memref<1x128xi32, #tpu.memory_space<vmem>>
        %dma_wait3A_301 = tpu.memref_squeeze %dma_wait3A_300 : memref<1x128xi32, #tpu.memory_space<vmem>> -> memref<128xi32, #tpu.memory_space<vmem>>
        %dma_wait3A_302 = arith.constant 0 : i32
        %dma_wait3A_303 = arith.constant 0 : i32
        %dma_wait3A_304 = tpu.memref_slice %arg9[%dma_wait3A_302, %dma_wait3A_303] : memref<100096x16xf32, #tpu.memory_space<vmem_shared>> -> memref<100096x16xf32, #tpu.memory_space<vmem_shared>>
        tpu.wait_indirect_dma semaphore(%run_scoped3A_286 : memref<!tpu.dma_semaphore, #tpu.memory_space<semaphore_mem>>) src(%dma_wait3A_298 : memref<128x16xf32, #tpu.memory_space<vmem>>) dst(%dma_wait3A_304 : memref<100096x16xf32, #tpu.memory_space<vmem_shared>>)
        tpu.yield
      }) : () -> ()
      %run_scoped3A_285 = arith.constant 7 : i32
      "tpu.region"() ({
        %run_scoped3A_286 = tpu.sem_alloc : memref<!tpu.dma_semaphore, #tpu.memory_space<semaphore_mem>>
        %dma_start3A_287 = arith.constant 896 : i32
        %dma_start3A_288 = arith.constant 0 : i32
        %dma_start3A_289 = tpu.memref_slice %arg7[%dma_start3A_287, %dma_start3A_288] : memref<1024x16xf32, #tpu.memory_space<vmem>> -> memref<128x16xf32, #tpu.memory_space<vmem>>
        %dma_start3A_290 = arith.constant 0 : i32
        %dma_start3A_291 = tpu.memref_slice %arg6[%run_scoped3A_285, %dma_start3A_290] : memref<8x128xi32, #tpu.memory_space<vmem>> -> memref<1x128xi32, #tpu.memory_space<vmem>>
        %dma_start3A_292 = tpu.memref_squeeze %dma_start3A_291 : memref<1x128xi32, #tpu.memory_space<vmem>> -> memref<128xi32, #tpu.memory_space<vmem>>
        %dma_start3A_293 = arith.constant 0 : i32
        %dma_start3A_294 = arith.constant 0 : i32
        %dma_start3A_295 = tpu.memref_slice %arg9[%dma_start3A_293, %dma_start3A_294] : memref<100096x16xf32, #tpu.memory_space<vmem_shared>> -> memref<100096x16xf32, #tpu.memory_space<vmem_shared>>
        tpu.enqueue_indirect_dma source(%dma_start3A_289 : memref<128x16xf32, #tpu.memory_space<vmem>>) target(%dma_start3A_295 : memref<100096x16xf32, #tpu.memory_space<vmem_shared>>) offsets(%dma_start3A_292 : memref<128xi32, #tpu.memory_space<vmem>>) semaphore(%run_scoped3A_286 : memref<!tpu.dma_semaphore, #tpu.memory_space<semaphore_mem>>) {add = true}
        %dma_wait3A_296 = arith.constant 896 : i32
        %dma_wait3A_297 = arith.constant 0 : i32
        %dma_wait3A_298 = tpu.memref_slice %arg7[%dma_wait3A_296, %dma_wait3A_297] : memref<1024x16xf32, #tpu.memory_space<vmem>> -> memref<128x16xf32, #tpu.memory_space<vmem>>
        %dma_wait3A_299 = arith.constant 0 : i32
        %dma_wait3A_300 = tpu.memref_slice %arg6[%run_scoped3A_285, %dma_wait3A_299] : memref<8x128xi32, #tpu.memory_space<vmem>> -> memref<1x128xi32, #tpu.memory_space<vmem>>
        %dma_wait3A_301 = tpu.memref_squeeze %dma_wait3A_300 : memref<1x128xi32, #tpu.memory_space<vmem>> -> memref<128xi32, #tpu.memory_space<vmem>>
        %dma_wait3A_302 = arith.constant 0 : i32
        %dma_wait3A_303 = arith.constant 0 : i32
        %dma_wait3A_304 = tpu.memref_slice %arg9[%dma_wait3A_302, %dma_wait3A_303] : memref<100096x16xf32, #tpu.memory_space<vmem_shared>> -> memref<100096x16xf32, #tpu.memory_space<vmem_shared>>
        tpu.wait_indirect_dma semaphore(%run_scoped3A_286 : memref<!tpu.dma_semaphore, #tpu.memory_space<semaphore_mem>>) src(%dma_wait3A_298 : memref<128x16xf32, #tpu.memory_space<vmem>>) dst(%dma_wait3A_304 : memref<100096x16xf32, #tpu.memory_space<vmem_shared>>)
        tpu.yield
      }) : () -> ()
    }
    %scan3A_42 = arith.constant 98 : i32
    %barrier3A_43 = arith.constant 0 : index
    tpu.barrier barrier_id(%barrier3A_43)
    %mul3A_44 = arith.constant 6256 : i32
    %mul3A_45 = arith.muli %arg1, %mul3A_44 : i32
    %mul3A_46 = arith.constant 6256 : i32
    %mul3A_47 = arith.muli %arg1, %mul3A_46 : i32
    "tpu.region"() ({
      %run_scoped3A = tpu.sem_alloc : memref<!tpu.dma_semaphore, #tpu.memory_space<semaphore_mem>>
      %dma_start3A = arith.constant 0 : i32
      %dma_start3A_48 = tpu.memref_slice %arg4[%arg0, %mul3A_47, %dma_start3A] : memref<2x102400x16xf32, #tpu.memory_space<hbm>> -> memref<1x6256x16xf32, #tpu.memory_space<hbm>>
      %dma_start3A_49 = tpu.memref_squeeze %dma_start3A_48 : memref<1x6256x16xf32, #tpu.memory_space<hbm>> -> memref<6256x16xf32, #tpu.memory_space<hbm>>
      %dma_start3A_50 = arith.constant 0 : i32
      %dma_start3A_51 = tpu.memref_slice %arg9[%mul3A_45, %dma_start3A_50] : memref<100096x16xf32, #tpu.memory_space<vmem_shared>> -> memref<6256x16xf32, #tpu.memory_space<vmem_shared>>
      tpu.enqueue_dma source(%dma_start3A_51 : memref<6256x16xf32, #tpu.memory_space<vmem_shared>>) target(%dma_start3A_49 : memref<6256x16xf32, #tpu.memory_space<hbm>>) target_semaphore(%run_scoped3A : memref<!tpu.dma_semaphore, #tpu.memory_space<semaphore_mem>>)
      %dma_wait3A = arith.constant 0 : i32
      %dma_wait3A_52 = tpu.memref_slice %arg4[%arg0, %mul3A_47, %dma_wait3A] : memref<2x102400x16xf32, #tpu.memory_space<hbm>> -> memref<1x6256x16xf32, #tpu.memory_space<hbm>>
      %dma_wait3A_53 = tpu.memref_squeeze %dma_wait3A_52 : memref<1x6256x16xf32, #tpu.memory_space<hbm>> -> memref<6256x16xf32, #tpu.memory_space<hbm>>
      %dma_wait3A_54 = arith.constant 0 : i32
      %dma_wait3A_55 = tpu.memref_slice %arg9[%mul3A_45, %dma_wait3A_54] : memref<100096x16xf32, #tpu.memory_space<vmem_shared>> -> memref<6256x16xf32, #tpu.memory_space<vmem_shared>>
      tpu.wait_dma2 semaphore(%run_scoped3A : memref<!tpu.dma_semaphore, #tpu.memory_space<semaphore_mem>>) src(%dma_wait3A_55 : memref<6256x16xf32, #tpu.memory_space<vmem_shared>>) dst(%dma_wait3A_53 : memref<6256x16xf32, #tpu.memory_space<hbm>>)
      tpu.yield
    }) : () -> ()
    return
  }
}

#map = affine_map<(d0, d1) -> (0, 0, 0)>
#map1 = affine_map<(d0, d1) -> (0, 0)>
#map2 = affine_map<(d0, d1) -> (0)>
module attributes {stable_mosaic.version = 14 : i64} {
  func.func @sc_degrees(%arg0: i32, %arg1: i32, %arg2: memref<2x12544x128xi32, #tpu.memory_space<hbm>>, %arg3: memref<96x128xi32, #tpu.memory_space<hbm>>, %arg4: memref<2x100096xf32, #tpu.memory_space<hbm>>, %arg5: memref<12288xf32, #tpu.memory_space<hbm>>, %arg6: memref<8x128xi32, #tpu.memory_space<vmem>>, %arg7: memref<128xf32, #tpu.memory_space<vmem>>, %arg8: memref<6256xf32, #tpu.memory_space<vmem>>, %arg9: memref<6x128xi32, #tpu.memory_space<vmem>>, %arg10: memref<768xf32, #tpu.memory_space<vmem>>, %arg11: memref<!tpu.dma_semaphore, #tpu.memory_space<semaphore_mem>>, %arg12: memref<100096xf32, #tpu.memory_space<vmem_shared>>) attributes {dimension_semantics = [#tpu.dimension_semantics<core_parallel>, #tpu.dimension_semantics<subcore_parallel>], iteration_bounds = array<i64: 2, 16>, scalar_prefetch = 0 : i64, scratch_operands = 7 : i64, tpu.core_type = #tpu.core_type<sc_vector_subcore>, window_params = [{transform_indices = #map}, {transform_indices = #map1}, {transform_indices = #map1}, {transform_indices = #map2}]} {
    %broadcast_in_dim3A = arith.constant 1.000000e+00 : f32
    %broadcast_in_dim3A_0 = vector.broadcast %broadcast_in_dim3A : f32 to vector<16xf32>
    %swap3A = arith.constant 0 : index
    %swap3A_1 = tpu.vector_load %arg7[%swap3A] {strides = array<i32>} : memref<128xf32, #tpu.memory_space<vmem>>, vector<16xf32>,
    %swap3A_2 = vector.shape_cast %swap3A_1 : vector<16xf32> to vector<16xf32>
    %swap3A_3 = vector.shape_cast %broadcast_in_dim3A_0 : vector<16xf32> to vector<16xf32>
    tpu.vector_store %arg7[%swap3A], %swap3A_3 {strides = array<i32>} : memref<128xf32, #tpu.memory_space<vmem>>, vector<16xf32>,
    %broadcast_in_dim3A_4 = arith.constant 1.000000e+00 : f32
    %broadcast_in_dim3A_5 = vector.broadcast %broadcast_in_dim3A_4 : f32 to vector<16xf32>
    %swap3A_6 = arith.constant 16 : index
    %swap3A_7 = tpu.vector_load %arg7[%swap3A_6] {strides = array<i32>} : memref<128xf32, #tpu.memory_space<vmem>>, vector<16xf32>,
    %swap3A_8 = vector.shape_cast %swap3A_7 : vector<16xf32> to vector<16xf32>
    %swap3A_9 = vector.shape_cast %broadcast_in_dim3A_5 : vector<16xf32> to vector<16xf32>
    tpu.vector_store %arg7[%swap3A_6], %swap3A_9 {strides = array<i32>} : memref<128xf32, #tpu.memory_space<vmem>>, vector<16xf32>,
    %broadcast_in_dim3A_10 = arith.constant 1.000000e+00 : f32
    %broadcast_in_dim3A_11 = vector.broadcast %broadcast_in_dim3A_10 : f32 to vector<16xf32>
    %swap3A_12 = arith.constant 32 : index
    %swap3A_13 = tpu.vector_load %arg7[%swap3A_12] {strides = array<i32>} : memref<128xf32, #tpu.memory_space<vmem>>, vector<16xf32>,
    %swap3A_14 = vector.shape_cast %swap3A_13 : vector<16xf32> to vector<16xf32>
    %swap3A_15 = vector.shape_cast %broadcast_in_dim3A_11 : vector<16xf32> to vector<16xf32>
    tpu.vector_store %arg7[%swap3A_12], %swap3A_15 {strides = array<i32>} : memref<128xf32, #tpu.memory_space<vmem>>, vector<16xf32>,
    %broadcast_in_dim3A_16 = arith.constant 1.000000e+00 : f32
    %broadcast_in_dim3A_17 = vector.broadcast %broadcast_in_dim3A_16 : f32 to vector<16xf32>
    %swap3A_18 = arith.constant 48 : index
    %swap3A_19 = tpu.vector_load %arg7[%swap3A_18] {strides = array<i32>} : memref<128xf32, #tpu.memory_space<vmem>>, vector<16xf32>,
    %swap3A_20 = vector.shape_cast %swap3A_19 : vector<16xf32> to vector<16xf32>
    %swap3A_21 = vector.shape_cast %broadcast_in_dim3A_17 : vector<16xf32> to vector<16xf32>
    tpu.vector_store %arg7[%swap3A_18], %swap3A_21 {strides = array<i32>} : memref<128xf32, #tpu.memory_space<vmem>>, vector<16xf32>,
    %broadcast_in_dim3A_22 = arith.constant 1.000000e+00 : f32
    %broadcast_in_dim3A_23 = vector.broadcast %broadcast_in_dim3A_22 : f32 to vector<16xf32>
    %swap3A_24 = arith.constant 64 : index
    %swap3A_25 = tpu.vector_load %arg7[%swap3A_24] {strides = array<i32>} : memref<128xf32, #tpu.memory_space<vmem>>, vector<16xf32>,
    %swap3A_26 = vector.shape_cast %swap3A_25 : vector<16xf32> to vector<16xf32>
    %swap3A_27 = vector.shape_cast %broadcast_in_dim3A_23 : vector<16xf32> to vector<16xf32>
    tpu.vector_store %arg7[%swap3A_24], %swap3A_27 {strides = array<i32>} : memref<128xf32, #tpu.memory_space<vmem>>, vector<16xf32>,
    %broadcast_in_dim3A_28 = arith.constant 1.000000e+00 : f32
    %broadcast_in_dim3A_29 = vector.broadcast %broadcast_in_dim3A_28 : f32 to vector<16xf32>
    %swap3A_30 = arith.constant 80 : index
    %swap3A_31 = tpu.vector_load %arg7[%swap3A_30] {strides = array<i32>} : memref<128xf32, #tpu.memory_space<vmem>>, vector<16xf32>,
    %swap3A_32 = vector.shape_cast %swap3A_31 : vector<16xf32> to vector<16xf32>
    %swap3A_33 = vector.shape_cast %broadcast_in_dim3A_29 : vector<16xf32> to vector<16xf32>
    tpu.vector_store %arg7[%swap3A_30], %swap3A_33 {strides = array<i32>} : memref<128xf32, #tpu.memory_space<vmem>>, vector<16xf32>,
    %broadcast_in_dim3A_34 = arith.constant 1.000000e+00 : f32
    %broadcast_in_dim3A_35 = vector.broadcast %broadcast_in_dim3A_34 : f32 to vector<16xf32>
    %swap3A_36 = arith.constant 96 : index
    %swap3A_37 = tpu.vector_load %arg7[%swap3A_36] {strides = array<i32>} : memref<128xf32, #tpu.memory_space<vmem>>, vector<16xf32>,
    %swap3A_38 = vector.shape_cast %swap3A_37 : vector<16xf32> to vector<16xf32>
    %swap3A_39 = vector.shape_cast %broadcast_in_dim3A_35 : vector<16xf32> to vector<16xf32>
    tpu.vector_store %arg7[%swap3A_36], %swap3A_39 {strides = array<i32>} : memref<128xf32, #tpu.memory_space<vmem>>, vector<16xf32>,
    %broadcast_in_dim3A_40 = arith.constant 1.000000e+00 : f32
    %broadcast_in_dim3A_41 = vector.broadcast %broadcast_in_dim3A_40 : f32 to vector<16xf32>
    %swap3A_42 = arith.constant 112 : index
    %swap3A_43 = tpu.vector_load %arg7[%swap3A_42] {strides = array<i32>} : memref<128xf32, #tpu.memory_space<vmem>>, vector<16xf32>,
    %swap3A_44 = vector.shape_cast %swap3A_43 : vector<16xf32> to vector<16xf32>
    %swap3A_45 = vector.shape_cast %broadcast_in_dim3A_41 : vector<16xf32> to vector<16xf32>
    tpu.vector_store %arg7[%swap3A_42], %swap3A_45 {strides = array<i32>} : memref<128xf32, #tpu.memory_space<vmem>>, vector<16xf32>,
    %scan3A = arith.constant 0 : i32
    %scan3A_46 = arith.constant 0 : i32
    %scan3A_47 = arith.constant 391 : i32
    %scan3A_48 = arith.addi %scan3A_46, %scan3A_47 : i32
    %scan3A_49 = arith.constant 1 : i32
    scf.for %scan3A_67 = %scan3A_46 to %scan3A_48 step %scan3A_49  : i32 {
      %broadcast_in_dim3A_68 = arith.constant 0.000000e+00 : f32
      %broadcast_in_dim3A_69 = vector.broadcast %broadcast_in_dim3A_68 : f32 to vector<16xf32>
      %mul3A_70 = arith.constant 16 : i32
      %mul3A_71 = arith.muli %scan3A_67, %mul3A_70 : i32
      %swap3A_72 = arith.index_cast %mul3A_71 : i32 to index
      %swap3A_73 = tpu.vector_load %arg8[%swap3A_72] {strides = array<i32>} : memref<6256xf32, #tpu.memory_space<vmem>>, vector<16xf32>,
      %swap3A_74 = vector.shape_cast %swap3A_73 : vector<16xf32> to vector<16xf32>
      %swap3A_75 = vector.shape_cast %broadcast_in_dim3A_69 : vector<16xf32> to vector<16xf32>
      tpu.vector_store %arg8[%swap3A_72], %swap3A_75 {strides = array<i32>} : memref<6256xf32, #tpu.memory_space<vmem>>, vector<16xf32>,
    }
    %scan3A_50 = arith.constant 391 : i32
    %mul3A = arith.constant 6256 : i32
    %mul3A_51 = arith.muli %arg1, %mul3A : i32
    "tpu.region"() ({
      %run_scoped3A = tpu.sem_alloc : memref<!tpu.dma_semaphore, #tpu.memory_space<semaphore_mem>>
      %dma_start3A = tpu.memref_slice %arg12[%mul3A_51] : memref<100096xf32, #tpu.memory_space<vmem_shared>> -> memref<6256xf32, #tpu.memory_space<vmem_shared>>
      %dma_start3A_67 = tpu.memref_slice %arg12[%mul3A_51] : memref<100096xf32, #tpu.memory_space<vmem_shared>> -> memref<6256xf32, #tpu.memory_space<vmem_shared>>
      tpu.enqueue_dma source(%arg8 : memref<6256xf32, #tpu.memory_space<vmem>>) target(%dma_start3A_67 : memref<6256xf32, #tpu.memory_space<vmem_shared>>) target_semaphore(%run_scoped3A : memref<!tpu.dma_semaphore, #tpu.memory_space<semaphore_mem>>)
      %dma_wait3A = tpu.memref_slice %arg12[%mul3A_51] : memref<100096xf32, #tpu.memory_space<vmem_shared>> -> memref<6256xf32, #tpu.memory_space<vmem_shared>>
      %dma_wait3A_68 = tpu.memref_slice %arg12[%mul3A_51] : memref<100096xf32, #tpu.memory_space<vmem_shared>> -> memref<6256xf32, #tpu.memory_space<vmem_shared>>
      tpu.wait_dma2 semaphore(%run_scoped3A : memref<!tpu.dma_semaphore, #tpu.memory_space<semaphore_mem>>) src(%arg8 : memref<6256xf32, #tpu.memory_space<vmem>>) dst(%dma_wait3A_68 : memref<6256xf32, #tpu.memory_space<vmem_shared>>)
      tpu.yield
    }) : () -> ()
    %barrier3A = arith.constant 0 : index
    tpu.barrier barrier_id(%barrier3A)
    %mul3A_52 = arith.constant 784 : i32
    %mul3A_53 = arith.muli %arg1, %mul3A_52 : i32
    %scan3A_54 = arith.constant 0 : i32
    %scan3A_55 = arith.constant 0 : i32
    %scan3A_56 = arith.constant 98 : i32
    %scan3A_57 = arith.addi %scan3A_55, %scan3A_56 : i32
    %scan3A_58 = arith.constant 1 : i32
    scf.for %scan3A_67 = %scan3A_55 to %scan3A_57 step %scan3A_58  : i32 {
      %mul3A_68 = arith.constant 8 : i32
      %mul3A_69 = arith.muli %scan3A_67, %mul3A_68 : i32
      %add3A = arith.addi %mul3A_53, %mul3A_69 : i32
      "tpu.region"() ({
        %run_scoped3A_77 = tpu.sem_alloc : memref<!tpu.dma_semaphore, #tpu.memory_space<semaphore_mem>>
        %dma_start3A = arith.constant 0 : i32
        %dma_start3A_78 = tpu.memref_slice %arg2[%arg0, %add3A, %dma_start3A] : memref<2x12544x128xi32, #tpu.memory_space<hbm>> -> memref<1x8x128xi32, #tpu.memory_space<hbm>>
        %dma_start3A_79 = tpu.memref_squeeze %dma_start3A_78 : memref<1x8x128xi32, #tpu.memory_space<hbm>> -> memref<8x128xi32, #tpu.memory_space<hbm>>
        %dma_start3A_80 = arith.constant 0 : i32
        %dma_start3A_81 = tpu.memref_slice %arg2[%arg0, %add3A, %dma_start3A_80] : memref<2x12544x128xi32, #tpu.memory_space<hbm>> -> memref<1x8x128xi32, #tpu.memory_space<hbm>>
        %dma_start3A_82 = tpu.memref_squeeze %dma_start3A_81 : memref<1x8x128xi32, #tpu.memory_space<hbm>> -> memref<8x128xi32, #tpu.memory_space<hbm>>
        tpu.enqueue_dma source(%dma_start3A_82 : memref<8x128xi32, #tpu.memory_space<hbm>>) target(%arg6 : memref<8x128xi32, #tpu.memory_space<vmem>>) target_semaphore(%run_scoped3A_77 : memref<!tpu.dma_semaphore, #tpu.memory_space<semaphore_mem>>)
        %dma_wait3A = arith.constant 0 : i32
        %dma_wait3A_83 = tpu.memref_slice %arg2[%arg0, %add3A, %dma_wait3A] : memref<2x12544x128xi32, #tpu.memory_space<hbm>> -> memref<1x8x128xi32, #tpu.memory_space<hbm>>
        %dma_wait3A_84 = tpu.memref_squeeze %dma_wait3A_83 : memref<1x8x128xi32, #tpu.memory_space<hbm>> -> memref<8x128xi32, #tpu.memory_space<hbm>>
        %dma_wait3A_85 = arith.constant 0 : i32
        %dma_wait3A_86 = tpu.memref_slice %arg2[%arg0, %add3A, %dma_wait3A_85] : memref<2x12544x128xi32, #tpu.memory_space<hbm>> -> memref<1x8x128xi32, #tpu.memory_space<hbm>>
        %dma_wait3A_87 = tpu.memref_squeeze %dma_wait3A_86 : memref<1x8x128xi32, #tpu.memory_space<hbm>> -> memref<8x128xi32, #tpu.memory_space<hbm>>
        tpu.wait_dma2 semaphore(%run_scoped3A_77 : memref<!tpu.dma_semaphore, #tpu.memory_space<semaphore_mem>>) src(%dma_wait3A_87 : memref<8x128xi32, #tpu.memory_space<hbm>>) dst(%arg6 : memref<8x128xi32, #tpu.memory_space<vmem>>)
        tpu.yield
      }) : () -> ()
      %run_scoped3A = arith.constant 0 : i32
      "tpu.region"() ({
        %run_scoped3A_77 = tpu.sem_alloc : memref<!tpu.dma_semaphore, #tpu.memory_space<semaphore_mem>>
        %dma_start3A = arith.constant 0 : i32
        %dma_start3A_78 = tpu.memref_slice %arg6[%run_scoped3A, %dma_start3A] : memref<8x128xi32, #tpu.memory_space<vmem>> -> memref<1x128xi32, #tpu.memory_space<vmem>>
        %dma_start3A_79 = tpu.memref_squeeze %dma_start3A_78 : memref<1x128xi32, #tpu.memory_space<vmem>> -> memref<128xi32, #tpu.memory_space<vmem>>
        %dma_start3A_80 = arith.constant 0 : i32
        %dma_start3A_81 = tpu.memref_slice %arg12[%dma_start3A_80] : memref<100096xf32, #tpu.memory_space<vmem_shared>> -> memref<100096xf32, #tpu.memory_space<vmem_shared>>
        tpu.enqueue_indirect_dma source(%arg7 : memref<128xf32, #tpu.memory_space<vmem>>) target(%dma_start3A_81 : memref<100096xf32, #tpu.memory_space<vmem_shared>>) offsets(%dma_start3A_79 : memref<128xi32, #tpu.memory_space<vmem>>) semaphore(%run_scoped3A_77 : memref<!tpu.dma_semaphore, #tpu.memory_space<semaphore_mem>>) {add = true}
        %dma_wait3A = arith.constant 0 : i32
        %dma_wait3A_82 = tpu.memref_slice %arg6[%run_scoped3A, %dma_wait3A] : memref<8x128xi32, #tpu.memory_space<vmem>> -> memref<1x128xi32, #tpu.memory_space<vmem>>
        %dma_wait3A_83 = tpu.memref_squeeze %dma_wait3A_82 : memref<1x128xi32, #tpu.memory_space<vmem>> -> memref<128xi32, #tpu.memory_space<vmem>>
        %dma_wait3A_84 = arith.constant 0 : i32
        %dma_wait3A_85 = tpu.memref_slice %arg12[%dma_wait3A_84] : memref<100096xf32, #tpu.memory_space<vmem_shared>> -> memref<100096xf32, #tpu.memory_space<vmem_shared>>
        tpu.wait_indirect_dma semaphore(%run_scoped3A_77 : memref<!tpu.dma_semaphore, #tpu.memory_space<semaphore_mem>>) src(%arg7 : memref<128xf32, #tpu.memory_space<vmem>>) dst(%dma_wait3A_85 : memref<100096xf32, #tpu.memory_space<vmem_shared>>)
        tpu.yield
      }) : () -> ()
      %run_scoped3A_70 = arith.constant 1 : i32
      "tpu.region"() ({
        %run_scoped3A_77 = tpu.sem_alloc : memref<!tpu.dma_semaphore, #tpu.memory_space<semaphore_mem>>
        %dma_start3A = arith.constant 0 : i32
        %dma_start3A_78 = tpu.memref_slice %arg6[%run_scoped3A_70, %dma_start3A] : memref<8x128xi32, #tpu.memory_space<vmem>> -> memref<1x128xi32, #tpu.memory_space<vmem>>
        %dma_start3A_79 = tpu.memref_squeeze %dma_start3A_78 : memref<1x128xi32, #tpu.memory_space<vmem>> -> memref<128xi32, #tpu.memory_space<vmem>>
        %dma_start3A_80 = arith.constant 0 : i32
        %dma_start3A_81 = tpu.memref_slice %arg12[%dma_start3A_80] : memref<100096xf32, #tpu.memory_space<vmem_shared>> -> memref<100096xf32, #tpu.memory_space<vmem_shared>>
        tpu.enqueue_indirect_dma source(%arg7 : memref<128xf32, #tpu.memory_space<vmem>>) target(%dma_start3A_81 : memref<100096xf32, #tpu.memory_space<vmem_shared>>) offsets(%dma_start3A_79 : memref<128xi32, #tpu.memory_space<vmem>>) semaphore(%run_scoped3A_77 : memref<!tpu.dma_semaphore, #tpu.memory_space<semaphore_mem>>) {add = true}
        %dma_wait3A = arith.constant 0 : i32
        %dma_wait3A_82 = tpu.memref_slice %arg6[%run_scoped3A_70, %dma_wait3A] : memref<8x128xi32, #tpu.memory_space<vmem>> -> memref<1x128xi32, #tpu.memory_space<vmem>>
        %dma_wait3A_83 = tpu.memref_squeeze %dma_wait3A_82 : memref<1x128xi32, #tpu.memory_space<vmem>> -> memref<128xi32, #tpu.memory_space<vmem>>
        %dma_wait3A_84 = arith.constant 0 : i32
        %dma_wait3A_85 = tpu.memref_slice %arg12[%dma_wait3A_84] : memref<100096xf32, #tpu.memory_space<vmem_shared>> -> memref<100096xf32, #tpu.memory_space<vmem_shared>>
        tpu.wait_indirect_dma semaphore(%run_scoped3A_77 : memref<!tpu.dma_semaphore, #tpu.memory_space<semaphore_mem>>) src(%arg7 : memref<128xf32, #tpu.memory_space<vmem>>) dst(%dma_wait3A_85 : memref<100096xf32, #tpu.memory_space<vmem_shared>>)
        tpu.yield
      }) : () -> ()
      %run_scoped3A_71 = arith.constant 2 : i32
      "tpu.region"() ({
        %run_scoped3A_77 = tpu.sem_alloc : memref<!tpu.dma_semaphore, #tpu.memory_space<semaphore_mem>>
        %dma_start3A = arith.constant 0 : i32
        %dma_start3A_78 = tpu.memref_slice %arg6[%run_scoped3A_71, %dma_start3A] : memref<8x128xi32, #tpu.memory_space<vmem>> -> memref<1x128xi32, #tpu.memory_space<vmem>>
        %dma_start3A_79 = tpu.memref_squeeze %dma_start3A_78 : memref<1x128xi32, #tpu.memory_space<vmem>> -> memref<128xi32, #tpu.memory_space<vmem>>
        %dma_start3A_80 = arith.constant 0 : i32
        %dma_start3A_81 = tpu.memref_slice %arg12[%dma_start3A_80] : memref<100096xf32, #tpu.memory_space<vmem_shared>> -> memref<100096xf32, #tpu.memory_space<vmem_shared>>
        tpu.enqueue_indirect_dma source(%arg7 : memref<128xf32, #tpu.memory_space<vmem>>) target(%dma_start3A_81 : memref<100096xf32, #tpu.memory_space<vmem_shared>>) offsets(%dma_start3A_79 : memref<128xi32, #tpu.memory_space<vmem>>) semaphore(%run_scoped3A_77 : memref<!tpu.dma_semaphore, #tpu.memory_space<semaphore_mem>>) {add = true}
        %dma_wait3A = arith.constant 0 : i32
        %dma_wait3A_82 = tpu.memref_slice %arg6[%run_scoped3A_71, %dma_wait3A] : memref<8x128xi32, #tpu.memory_space<vmem>> -> memref<1x128xi32, #tpu.memory_space<vmem>>
        %dma_wait3A_83 = tpu.memref_squeeze %dma_wait3A_82 : memref<1x128xi32, #tpu.memory_space<vmem>> -> memref<128xi32, #tpu.memory_space<vmem>>
        %dma_wait3A_84 = arith.constant 0 : i32
        %dma_wait3A_85 = tpu.memref_slice %arg12[%dma_wait3A_84] : memref<100096xf32, #tpu.memory_space<vmem_shared>> -> memref<100096xf32, #tpu.memory_space<vmem_shared>>
        tpu.wait_indirect_dma semaphore(%run_scoped3A_77 : memref<!tpu.dma_semaphore, #tpu.memory_space<semaphore_mem>>) src(%arg7 : memref<128xf32, #tpu.memory_space<vmem>>) dst(%dma_wait3A_85 : memref<100096xf32, #tpu.memory_space<vmem_shared>>)
        tpu.yield
      }) : () -> ()
      %run_scoped3A_72 = arith.constant 3 : i32
      "tpu.region"() ({
        %run_scoped3A_77 = tpu.sem_alloc : memref<!tpu.dma_semaphore, #tpu.memory_space<semaphore_mem>>
        %dma_start3A = arith.constant 0 : i32
        %dma_start3A_78 = tpu.memref_slice %arg6[%run_scoped3A_72, %dma_start3A] : memref<8x128xi32, #tpu.memory_space<vmem>> -> memref<1x128xi32, #tpu.memory_space<vmem>>
        %dma_start3A_79 = tpu.memref_squeeze %dma_start3A_78 : memref<1x128xi32, #tpu.memory_space<vmem>> -> memref<128xi32, #tpu.memory_space<vmem>>
        %dma_start3A_80 = arith.constant 0 : i32
        %dma_start3A_81 = tpu.memref_slice %arg12[%dma_start3A_80] : memref<100096xf32, #tpu.memory_space<vmem_shared>> -> memref<100096xf32, #tpu.memory_space<vmem_shared>>
        tpu.enqueue_indirect_dma source(%arg7 : memref<128xf32, #tpu.memory_space<vmem>>) target(%dma_start3A_81 : memref<100096xf32, #tpu.memory_space<vmem_shared>>) offsets(%dma_start3A_79 : memref<128xi32, #tpu.memory_space<vmem>>) semaphore(%run_scoped3A_77 : memref<!tpu.dma_semaphore, #tpu.memory_space<semaphore_mem>>) {add = true}
        %dma_wait3A = arith.constant 0 : i32
        %dma_wait3A_82 = tpu.memref_slice %arg6[%run_scoped3A_72, %dma_wait3A] : memref<8x128xi32, #tpu.memory_space<vmem>> -> memref<1x128xi32, #tpu.memory_space<vmem>>
        %dma_wait3A_83 = tpu.memref_squeeze %dma_wait3A_82 : memref<1x128xi32, #tpu.memory_space<vmem>> -> memref<128xi32, #tpu.memory_space<vmem>>
        %dma_wait3A_84 = arith.constant 0 : i32
        %dma_wait3A_85 = tpu.memref_slice %arg12[%dma_wait3A_84] : memref<100096xf32, #tpu.memory_space<vmem_shared>> -> memref<100096xf32, #tpu.memory_space<vmem_shared>>
        tpu.wait_indirect_dma semaphore(%run_scoped3A_77 : memref<!tpu.dma_semaphore, #tpu.memory_space<semaphore_mem>>) src(%arg7 : memref<128xf32, #tpu.memory_space<vmem>>) dst(%dma_wait3A_85 : memref<100096xf32, #tpu.memory_space<vmem_shared>>)
        tpu.yield
      }) : () -> ()
      %run_scoped3A_73 = arith.constant 4 : i32
      "tpu.region"() ({
        %run_scoped3A_77 = tpu.sem_alloc : memref<!tpu.dma_semaphore, #tpu.memory_space<semaphore_mem>>
        %dma_start3A = arith.constant 0 : i32
        %dma_start3A_78 = tpu.memref_slice %arg6[%run_scoped3A_73, %dma_start3A] : memref<8x128xi32, #tpu.memory_space<vmem>> -> memref<1x128xi32, #tpu.memory_space<vmem>>
        %dma_start3A_79 = tpu.memref_squeeze %dma_start3A_78 : memref<1x128xi32, #tpu.memory_space<vmem>> -> memref<128xi32, #tpu.memory_space<vmem>>
        %dma_start3A_80 = arith.constant 0 : i32
        %dma_start3A_81 = tpu.memref_slice %arg12[%dma_start3A_80] : memref<100096xf32, #tpu.memory_space<vmem_shared>> -> memref<100096xf32, #tpu.memory_space<vmem_shared>>
        tpu.enqueue_indirect_dma source(%arg7 : memref<128xf32, #tpu.memory_space<vmem>>) target(%dma_start3A_81 : memref<100096xf32, #tpu.memory_space<vmem_shared>>) offsets(%dma_start3A_79 : memref<128xi32, #tpu.memory_space<vmem>>) semaphore(%run_scoped3A_77 : memref<!tpu.dma_semaphore, #tpu.memory_space<semaphore_mem>>) {add = true}
        %dma_wait3A = arith.constant 0 : i32
        %dma_wait3A_82 = tpu.memref_slice %arg6[%run_scoped3A_73, %dma_wait3A] : memref<8x128xi32, #tpu.memory_space<vmem>> -> memref<1x128xi32, #tpu.memory_space<vmem>>
        %dma_wait3A_83 = tpu.memref_squeeze %dma_wait3A_82 : memref<1x128xi32, #tpu.memory_space<vmem>> -> memref<128xi32, #tpu.memory_space<vmem>>
        %dma_wait3A_84 = arith.constant 0 : i32
        %dma_wait3A_85 = tpu.memref_slice %arg12[%dma_wait3A_84] : memref<100096xf32, #tpu.memory_space<vmem_shared>> -> memref<100096xf32, #tpu.memory_space<vmem_shared>>
        tpu.wait_indirect_dma semaphore(%run_scoped3A_77 : memref<!tpu.dma_semaphore, #tpu.memory_space<semaphore_mem>>) src(%arg7 : memref<128xf32, #tpu.memory_space<vmem>>) dst(%dma_wait3A_85 : memref<100096xf32, #tpu.memory_space<vmem_shared>>)
        tpu.yield
      }) : () -> ()
      %run_scoped3A_74 = arith.constant 5 : i32
      "tpu.region"() ({
        %run_scoped3A_77 = tpu.sem_alloc : memref<!tpu.dma_semaphore, #tpu.memory_space<semaphore_mem>>
        %dma_start3A = arith.constant 0 : i32
        %dma_start3A_78 = tpu.memref_slice %arg6[%run_scoped3A_74, %dma_start3A] : memref<8x128xi32, #tpu.memory_space<vmem>> -> memref<1x128xi32, #tpu.memory_space<vmem>>
        %dma_start3A_79 = tpu.memref_squeeze %dma_start3A_78 : memref<1x128xi32, #tpu.memory_space<vmem>> -> memref<128xi32, #tpu.memory_space<vmem>>
        %dma_start3A_80 = arith.constant 0 : i32
        %dma_start3A_81 = tpu.memref_slice %arg12[%dma_start3A_80] : memref<100096xf32, #tpu.memory_space<vmem_shared>> -> memref<100096xf32, #tpu.memory_space<vmem_shared>>
        tpu.enqueue_indirect_dma source(%arg7 : memref<128xf32, #tpu.memory_space<vmem>>) target(%dma_start3A_81 : memref<100096xf32, #tpu.memory_space<vmem_shared>>) offsets(%dma_start3A_79 : memref<128xi32, #tpu.memory_space<vmem>>) semaphore(%run_scoped3A_77 : memref<!tpu.dma_semaphore, #tpu.memory_space<semaphore_mem>>) {add = true}
        %dma_wait3A = arith.constant 0 : i32
        %dma_wait3A_82 = tpu.memref_slice %arg6[%run_scoped3A_74, %dma_wait3A] : memref<8x128xi32, #tpu.memory_space<vmem>> -> memref<1x128xi32, #tpu.memory_space<vmem>>
        %dma_wait3A_83 = tpu.memref_squeeze %dma_wait3A_82 : memref<1x128xi32, #tpu.memory_space<vmem>> -> memref<128xi32, #tpu.memory_space<vmem>>
        %dma_wait3A_84 = arith.constant 0 : i32
        %dma_wait3A_85 = tpu.memref_slice %arg12[%dma_wait3A_84] : memref<100096xf32, #tpu.memory_space<vmem_shared>> -> memref<100096xf32, #tpu.memory_space<vmem_shared>>
        tpu.wait_indirect_dma semaphore(%run_scoped3A_77 : memref<!tpu.dma_semaphore, #tpu.memory_space<semaphore_mem>>) src(%arg7 : memref<128xf32, #tpu.memory_space<vmem>>) dst(%dma_wait3A_85 : memref<100096xf32, #tpu.memory_space<vmem_shared>>)
        tpu.yield
      }) : () -> ()
      %run_scoped3A_75 = arith.constant 6 : i32
      "tpu.region"() ({
        %run_scoped3A_77 = tpu.sem_alloc : memref<!tpu.dma_semaphore, #tpu.memory_space<semaphore_mem>>
        %dma_start3A = arith.constant 0 : i32
        %dma_start3A_78 = tpu.memref_slice %arg6[%run_scoped3A_75, %dma_start3A] : memref<8x128xi32, #tpu.memory_space<vmem>> -> memref<1x128xi32, #tpu.memory_space<vmem>>
        %dma_start3A_79 = tpu.memref_squeeze %dma_start3A_78 : memref<1x128xi32, #tpu.memory_space<vmem>> -> memref<128xi32, #tpu.memory_space<vmem>>
        %dma_start3A_80 = arith.constant 0 : i32
        %dma_start3A_81 = tpu.memref_slice %arg12[%dma_start3A_80] : memref<100096xf32, #tpu.memory_space<vmem_shared>> -> memref<100096xf32, #tpu.memory_space<vmem_shared>>
        tpu.enqueue_indirect_dma source(%arg7 : memref<128xf32, #tpu.memory_space<vmem>>) target(%dma_start3A_81 : memref<100096xf32, #tpu.memory_space<vmem_shared>>) offsets(%dma_start3A_79 : memref<128xi32, #tpu.memory_space<vmem>>) semaphore(%run_scoped3A_77 : memref<!tpu.dma_semaphore, #tpu.memory_space<semaphore_mem>>) {add = true}
        %dma_wait3A = arith.constant 0 : i32
        %dma_wait3A_82 = tpu.memref_slice %arg6[%run_scoped3A_75, %dma_wait3A] : memref<8x128xi32, #tpu.memory_space<vmem>> -> memref<1x128xi32, #tpu.memory_space<vmem>>
        %dma_wait3A_83 = tpu.memref_squeeze %dma_wait3A_82 : memref<1x128xi32, #tpu.memory_space<vmem>> -> memref<128xi32, #tpu.memory_space<vmem>>
        %dma_wait3A_84 = arith.constant 0 : i32
        %dma_wait3A_85 = tpu.memref_slice %arg12[%dma_wait3A_84] : memref<100096xf32, #tpu.memory_space<vmem_shared>> -> memref<100096xf32, #tpu.memory_space<vmem_shared>>
        tpu.wait_indirect_dma semaphore(%run_scoped3A_77 : memref<!tpu.dma_semaphore, #tpu.memory_space<semaphore_mem>>) src(%arg7 : memref<128xf32, #tpu.memory_space<vmem>>) dst(%dma_wait3A_85 : memref<100096xf32, #tpu.memory_space<vmem_shared>>)
        tpu.yield
      }) : () -> ()
      %run_scoped3A_76 = arith.constant 7 : i32
      "tpu.region"() ({
        %run_scoped3A_77 = tpu.sem_alloc : memref<!tpu.dma_semaphore, #tpu.memory_space<semaphore_mem>>
        %dma_start3A = arith.constant 0 : i32
        %dma_start3A_78 = tpu.memref_slice %arg6[%run_scoped3A_76, %dma_start3A] : memref<8x128xi32, #tpu.memory_space<vmem>> -> memref<1x128xi32, #tpu.memory_space<vmem>>
        %dma_start3A_79 = tpu.memref_squeeze %dma_start3A_78 : memref<1x128xi32, #tpu.memory_space<vmem>> -> memref<128xi32, #tpu.memory_space<vmem>>
        %dma_start3A_80 = arith.constant 0 : i32
        %dma_start3A_81 = tpu.memref_slice %arg12[%dma_start3A_80] : memref<100096xf32, #tpu.memory_space<vmem_shared>> -> memref<100096xf32, #tpu.memory_space<vmem_shared>>
        tpu.enqueue_indirect_dma source(%arg7 : memref<128xf32, #tpu.memory_space<vmem>>) target(%dma_start3A_81 : memref<100096xf32, #tpu.memory_space<vmem_shared>>) offsets(%dma_start3A_79 : memref<128xi32, #tpu.memory_space<vmem>>) semaphore(%run_scoped3A_77 : memref<!tpu.dma_semaphore, #tpu.memory_space<semaphore_mem>>) {add = true}
        %dma_wait3A = arith.constant 0 : i32
        %dma_wait3A_82 = tpu.memref_slice %arg6[%run_scoped3A_76, %dma_wait3A] : memref<8x128xi32, #tpu.memory_space<vmem>> -> memref<1x128xi32, #tpu.memory_space<vmem>>
        %dma_wait3A_83 = tpu.memref_squeeze %dma_wait3A_82 : memref<1x128xi32, #tpu.memory_space<vmem>> -> memref<128xi32, #tpu.memory_space<vmem>>
        %dma_wait3A_84 = arith.constant 0 : i32
        %dma_wait3A_85 = tpu.memref_slice %arg12[%dma_wait3A_84] : memref<100096xf32, #tpu.memory_space<vmem_shared>> -> memref<100096xf32, #tpu.memory_space<vmem_shared>>
        tpu.wait_indirect_dma semaphore(%run_scoped3A_77 : memref<!tpu.dma_semaphore, #tpu.memory_space<semaphore_mem>>) src(%arg7 : memref<128xf32, #tpu.memory_space<vmem>>) dst(%dma_wait3A_85 : memref<100096xf32, #tpu.memory_space<vmem_shared>>)
        tpu.yield
      }) : () -> ()
    }
    %scan3A_59 = arith.constant 98 : i32
    %barrier3A_60 = arith.constant 0 : index
    tpu.barrier barrier_id(%barrier3A_60)
    %mul3A_61 = arith.constant 6256 : i32
    %mul3A_62 = arith.muli %arg1, %mul3A_61 : i32
    %mul3A_63 = arith.constant 6256 : i32
    %mul3A_64 = arith.muli %arg1, %mul3A_63 : i32
    "tpu.region"() ({
      %run_scoped3A = tpu.sem_alloc : memref<!tpu.dma_semaphore, #tpu.memory_space<semaphore_mem>>
      %dma_start3A = tpu.memref_slice %arg4[%arg0, %mul3A_64] : memref<2x100096xf32, #tpu.memory_space<hbm>> -> memref<1x6256xf32, #tpu.memory_space<hbm>>
      %dma_start3A_67 = tpu.memref_squeeze %dma_start3A : memref<1x6256xf32, #tpu.memory_space<hbm>> -> memref<6256xf32, #tpu.memory_space<hbm>>
      %dma_start3A_68 = tpu.memref_slice %arg12[%mul3A_62] : memref<100096xf32, #tpu.memory_space<vmem_shared>> -> memref<6256xf32, #tpu.memory_space<vmem_shared>>
      tpu.enqueue_dma source(%dma_start3A_68 : memref<6256xf32, #tpu.memory_space<vmem_shared>>) target(%dma_start3A_67 : memref<6256xf32, #tpu.memory_space<hbm>>) target_semaphore(%run_scoped3A : memref<!tpu.dma_semaphore, #tpu.memory_space<semaphore_mem>>)
      %dma_wait3A = tpu.memref_slice %arg4[%arg0, %mul3A_64] : memref<2x100096xf32, #tpu.memory_space<hbm>> -> memref<1x6256xf32, #tpu.memory_space<hbm>>
      %dma_wait3A_69 = tpu.memref_squeeze %dma_wait3A : memref<1x6256xf32, #tpu.memory_space<hbm>> -> memref<6256xf32, #tpu.memory_space<hbm>>
      %dma_wait3A_70 = tpu.memref_slice %arg12[%mul3A_62] : memref<100096xf32, #tpu.memory_space<vmem_shared>> -> memref<6256xf32, #tpu.memory_space<vmem_shared>>
      tpu.wait_dma2 semaphore(%run_scoped3A : memref<!tpu.dma_semaphore, #tpu.memory_space<semaphore_mem>>) src(%dma_wait3A_70 : memref<6256xf32, #tpu.memory_space<vmem_shared>>) dst(%dma_wait3A_69 : memref<6256xf32, #tpu.memory_space<hbm>>)
      tpu.yield
    }) : () -> ()
    %eq3A = arith.constant 1 : i32
    %eq3A_65 = arith.cmpi eq, %arg0, %eq3A : i32
    %convert_element_type3A = arith.extui %eq3A_65 : i1 to i32
    %cond3A = arith.constant 0 : i32
    %cond3A_66 = arith.cmpi ne, %convert_element_type3A, %cond3A : i32
    scf.if %cond3A_66 {
      %mul3A_67 = arith.constant 6 : i32
      %mul3A_68 = arith.muli %arg1, %mul3A_67 : i32
      "tpu.region"() ({
        %run_scoped3A = tpu.sem_alloc : memref<!tpu.dma_semaphore, #tpu.memory_space<semaphore_mem>>
        %dma_start3A_165 = arith.constant 0 : i32
        %dma_start3A_166 = tpu.memref_slice %arg3[%mul3A_68, %dma_start3A_165] : memref<96x128xi32, #tpu.memory_space<hbm>> -> memref<6x128xi32, #tpu.memory_space<hbm>>
        %dma_start3A_167 = arith.constant 0 : i32
        %dma_start3A_168 = tpu.memref_slice %arg3[%mul3A_68, %dma_start3A_167] : memref<96x128xi32, #tpu.memory_space<hbm>> -> memref<6x128xi32, #tpu.memory_space<hbm>>
        tpu.enqueue_dma source(%dma_start3A_168 : memref<6x128xi32, #tpu.memory_space<hbm>>) target(%arg9 : memref<6x128xi32, #tpu.memory_space<vmem>>) target_semaphore(%run_scoped3A : memref<!tpu.dma_semaphore, #tpu.memory_space<semaphore_mem>>)
        %dma_wait3A_169 = arith.constant 0 : i32
        %dma_wait3A_170 = tpu.memref_slice %arg3[%mul3A_68, %dma_wait3A_169] : memref<96x128xi32, #tpu.memory_space<hbm>> -> memref<6x128xi32, #tpu.memory_space<hbm>>
        %dma_wait3A_171 = arith.constant 0 : i32
        %dma_wait3A_172 = tpu.memref_slice %arg3[%mul3A_68, %dma_wait3A_171] : memref<96x128xi32, #tpu.memory_space<hbm>> -> memref<6x128xi32, #tpu.memory_space<hbm>>
        tpu.wait_dma2 semaphore(%run_scoped3A : memref<!tpu.dma_semaphore, #tpu.memory_space<semaphore_mem>>) src(%dma_wait3A_172 : memref<6x128xi32, #tpu.memory_space<hbm>>) dst(%arg9 : memref<6x128xi32, #tpu.memory_space<vmem>>)
        tpu.yield
      }) : () -> ()
      %dma_start3A = arith.constant 0 : i32
      %dma_start3A_69 = arith.constant 0 : i32
      %dma_start3A_70 = tpu.memref_slice %arg10[%dma_start3A_69] : memref<768xf32, #tpu.memory_space<vmem>> -> memref<128xf32, #tpu.memory_space<vmem>>
      %dma_start3A_71 = arith.constant 0 : i32
      %dma_start3A_72 = tpu.memref_slice %arg9[%dma_start3A, %dma_start3A_71] : memref<6x128xi32, #tpu.memory_space<vmem>> -> memref<1x128xi32, #tpu.memory_space<vmem>>
      %dma_start3A_73 = tpu.memref_squeeze %dma_start3A_72 : memref<1x128xi32, #tpu.memory_space<vmem>> -> memref<128xi32, #tpu.memory_space<vmem>>
      %dma_start3A_74 = arith.constant 0 : i32
      %dma_start3A_75 = tpu.memref_slice %arg12[%dma_start3A_74] : memref<100096xf32, #tpu.memory_space<vmem_shared>> -> memref<100096xf32, #tpu.memory_space<vmem_shared>>
      tpu.enqueue_indirect_dma source(%dma_start3A_75 : memref<100096xf32, #tpu.memory_space<vmem_shared>>) target(%dma_start3A_70 : memref<128xf32, #tpu.memory_space<vmem>>) offsets(%dma_start3A_73 : memref<128xi32, #tpu.memory_space<vmem>>) semaphore(%arg11 : memref<!tpu.dma_semaphore, #tpu.memory_space<semaphore_mem>>)
      %dma_start3A_76 = arith.constant 1 : i32
      %dma_start3A_77 = arith.constant 128 : i32
      %dma_start3A_78 = tpu.memref_slice %arg10[%dma_start3A_77] : memref<768xf32, #tpu.memory_space<vmem>> -> memref<128xf32, #tpu.memory_space<vmem>>
      %dma_start3A_79 = arith.constant 0 : i32
      %dma_start3A_80 = tpu.memref_slice %arg9[%dma_start3A_76, %dma_start3A_79] : memref<6x128xi32, #tpu.memory_space<vmem>> -> memref<1x128xi32, #tpu.memory_space<vmem>>
      %dma_start3A_81 = tpu.memref_squeeze %dma_start3A_80 : memref<1x128xi32, #tpu.memory_space<vmem>> -> memref<128xi32, #tpu.memory_space<vmem>>
      %dma_start3A_82 = arith.constant 0 : i32
      %dma_start3A_83 = tpu.memref_slice %arg12[%dma_start3A_82] : memref<100096xf32, #tpu.memory_space<vmem_shared>> -> memref<100096xf32, #tpu.memory_space<vmem_shared>>
      tpu.enqueue_indirect_dma source(%dma_start3A_83 : memref<100096xf32, #tpu.memory_space<vmem_shared>>) target(%dma_start3A_78 : memref<128xf32, #tpu.memory_space<vmem>>) offsets(%dma_start3A_81 : memref<128xi32, #tpu.memory_space<vmem>>) semaphore(%arg11 : memref<!tpu.dma_semaphore, #tpu.memory_space<semaphore_mem>>)
      %dma_start3A_84 = arith.constant 2 : i32
      %dma_start3A_85 = arith.constant 256 : i32
      %dma_start3A_86 = tpu.memref_slice %arg10[%dma_start3A_85] : memref<768xf32, #tpu.memory_space<vmem>> -> memref<128xf32, #tpu.memory_space<vmem>>
      %dma_start3A_87 = arith.constant 0 : i32
      %dma_start3A_88 = tpu.memref_slice %arg9[%dma_start3A_84, %dma_start3A_87] : memref<6x128xi32, #tpu.memory_space<vmem>> -> memref<1x128xi32, #tpu.memory_space<vmem>>
      %dma_start3A_89 = tpu.memref_squeeze %dma_start3A_88 : memref<1x128xi32, #tpu.memory_space<vmem>> -> memref<128xi32, #tpu.memory_space<vmem>>
      %dma_start3A_90 = arith.constant 0 : i32
      %dma_start3A_91 = tpu.memref_slice %arg12[%dma_start3A_90] : memref<100096xf32, #tpu.memory_space<vmem_shared>> -> memref<100096xf32, #tpu.memory_space<vmem_shared>>
      tpu.enqueue_indirect_dma source(%dma_start3A_91 : memref<100096xf32, #tpu.memory_space<vmem_shared>>) target(%dma_start3A_86 : memref<128xf32, #tpu.memory_space<vmem>>) offsets(%dma_start3A_89 : memref<128xi32, #tpu.memory_space<vmem>>) semaphore(%arg11 : memref<!tpu.dma_semaphore, #tpu.memory_space<semaphore_mem>>)
      %dma_start3A_92 = arith.constant 3 : i32
      %dma_start3A_93 = arith.constant 384 : i32
      %dma_start3A_94 = tpu.memref_slice %arg10[%dma_start3A_93] : memref<768xf32, #tpu.memory_space<vmem>> -> memref<128xf32, #tpu.memory_space<vmem>>
      %dma_start3A_95 = arith.constant 0 : i32
      %dma_start3A_96 = tpu.memref_slice %arg9[%dma_start3A_92, %dma_start3A_95] : memref<6x128xi32, #tpu.memory_space<vmem>> -> memref<1x128xi32, #tpu.memory_space<vmem>>
      %dma_start3A_97 = tpu.memref_squeeze %dma_start3A_96 : memref<1x128xi32, #tpu.memory_space<vmem>> -> memref<128xi32, #tpu.memory_space<vmem>>
      %dma_start3A_98 = arith.constant 0 : i32
      %dma_start3A_99 = tpu.memref_slice %arg12[%dma_start3A_98] : memref<100096xf32, #tpu.memory_space<vmem_shared>> -> memref<100096xf32, #tpu.memory_space<vmem_shared>>
      tpu.enqueue_indirect_dma source(%dma_start3A_99 : memref<100096xf32, #tpu.memory_space<vmem_shared>>) target(%dma_start3A_94 : memref<128xf32, #tpu.memory_space<vmem>>) offsets(%dma_start3A_97 : memref<128xi32, #tpu.memory_space<vmem>>) semaphore(%arg11 : memref<!tpu.dma_semaphore, #tpu.memory_space<semaphore_mem>>)
      %dma_start3A_100 = arith.constant 4 : i32
      %dma_start3A_101 = arith.constant 512 : i32
      %dma_start3A_102 = tpu.memref_slice %arg10[%dma_start3A_101] : memref<768xf32, #tpu.memory_space<vmem>> -> memref<128xf32, #tpu.memory_space<vmem>>
      %dma_start3A_103 = arith.constant 0 : i32
      %dma_start3A_104 = tpu.memref_slice %arg9[%dma_start3A_100, %dma_start3A_103] : memref<6x128xi32, #tpu.memory_space<vmem>> -> memref<1x128xi32, #tpu.memory_space<vmem>>
      %dma_start3A_105 = tpu.memref_squeeze %dma_start3A_104 : memref<1x128xi32, #tpu.memory_space<vmem>> -> memref<128xi32, #tpu.memory_space<vmem>>
      %dma_start3A_106 = arith.constant 0 : i32
      %dma_start3A_107 = tpu.memref_slice %arg12[%dma_start3A_106] : memref<100096xf32, #tpu.memory_space<vmem_shared>> -> memref<100096xf32, #tpu.memory_space<vmem_shared>>
      tpu.enqueue_indirect_dma source(%dma_start3A_107 : memref<100096xf32, #tpu.memory_space<vmem_shared>>) target(%dma_start3A_102 : memref<128xf32, #tpu.memory_space<vmem>>) offsets(%dma_start3A_105 : memref<128xi32, #tpu.memory_space<vmem>>) semaphore(%arg11 : memref<!tpu.dma_semaphore, #tpu.memory_space<semaphore_mem>>)
      %dma_start3A_108 = arith.constant 5 : i32
      %dma_start3A_109 = arith.constant 640 : i32
      %dma_start3A_110 = tpu.memref_slice %arg10[%dma_start3A_109] : memref<768xf32, #tpu.memory_space<vmem>> -> memref<128xf32, #tpu.memory_space<vmem>>
      %dma_start3A_111 = arith.constant 0 : i32
      %dma_start3A_112 = tpu.memref_slice %arg9[%dma_start3A_108, %dma_start3A_111] : memref<6x128xi32, #tpu.memory_space<vmem>> -> memref<1x128xi32, #tpu.memory_space<vmem>>
      %dma_start3A_113 = tpu.memref_squeeze %dma_start3A_112 : memref<1x128xi32, #tpu.memory_space<vmem>> -> memref<128xi32, #tpu.memory_space<vmem>>
      %dma_start3A_114 = arith.constant 0 : i32
      %dma_start3A_115 = tpu.memref_slice %arg12[%dma_start3A_114] : memref<100096xf32, #tpu.memory_space<vmem_shared>> -> memref<100096xf32, #tpu.memory_space<vmem_shared>>
      tpu.enqueue_indirect_dma source(%dma_start3A_115 : memref<100096xf32, #tpu.memory_space<vmem_shared>>) target(%dma_start3A_110 : memref<128xf32, #tpu.memory_space<vmem>>) offsets(%dma_start3A_113 : memref<128xi32, #tpu.memory_space<vmem>>) semaphore(%arg11 : memref<!tpu.dma_semaphore, #tpu.memory_space<semaphore_mem>>)
      %dma_wait3A = arith.constant 0 : i32
      %dma_wait3A_116 = arith.constant 0 : i32
      %dma_wait3A_117 = tpu.memref_slice %arg10[%dma_wait3A_116] : memref<768xf32, #tpu.memory_space<vmem>> -> memref<128xf32, #tpu.memory_space<vmem>>
      %dma_wait3A_118 = arith.constant 0 : i32
      %dma_wait3A_119 = tpu.memref_slice %arg9[%dma_wait3A, %dma_wait3A_118] : memref<6x128xi32, #tpu.memory_space<vmem>> -> memref<1x128xi32, #tpu.memory_space<vmem>>
      %dma_wait3A_120 = tpu.memref_squeeze %dma_wait3A_119 : memref<1x128xi32, #tpu.memory_space<vmem>> -> memref<128xi32, #tpu.memory_space<vmem>>
      %dma_wait3A_121 = arith.constant 0 : i32
      %dma_wait3A_122 = tpu.memref_slice %arg12[%dma_wait3A_121] : memref<100096xf32, #tpu.memory_space<vmem_shared>> -> memref<100096xf32, #tpu.memory_space<vmem_shared>>
      tpu.wait_indirect_dma semaphore(%arg11 : memref<!tpu.dma_semaphore, #tpu.memory_space<semaphore_mem>>) src(%dma_wait3A_122 : memref<100096xf32, #tpu.memory_space<vmem_shared>>) dst(%dma_wait3A_117 : memref<128xf32, #tpu.memory_space<vmem>>)
      %dma_wait3A_123 = arith.constant 1 : i32
      %dma_wait3A_124 = arith.constant 128 : i32
      %dma_wait3A_125 = tpu.memref_slice %arg10[%dma_wait3A_124] : memref<768xf32, #tpu.memory_space<vmem>> -> memref<128xf32, #tpu.memory_space<vmem>>
      %dma_wait3A_126 = arith.constant 0 : i32
      %dma_wait3A_127 = tpu.memref_slice %arg9[%dma_wait3A_123, %dma_wait3A_126] : memref<6x128xi32, #tpu.memory_space<vmem>> -> memref<1x128xi32, #tpu.memory_space<vmem>>
      %dma_wait3A_128 = tpu.memref_squeeze %dma_wait3A_127 : memref<1x128xi32, #tpu.memory_space<vmem>> -> memref<128xi32, #tpu.memory_space<vmem>>
      %dma_wait3A_129 = arith.constant 0 : i32
      %dma_wait3A_130 = tpu.memref_slice %arg12[%dma_wait3A_129] : memref<100096xf32, #tpu.memory_space<vmem_shared>> -> memref<100096xf32, #tpu.memory_space<vmem_shared>>
      tpu.wait_indirect_dma semaphore(%arg11 : memref<!tpu.dma_semaphore, #tpu.memory_space<semaphore_mem>>) src(%dma_wait3A_130 : memref<100096xf32, #tpu.memory_space<vmem_shared>>) dst(%dma_wait3A_125 : memref<128xf32, #tpu.memory_space<vmem>>)
      %dma_wait3A_131 = arith.constant 2 : i32
      %dma_wait3A_132 = arith.constant 256 : i32
      %dma_wait3A_133 = tpu.memref_slice %arg10[%dma_wait3A_132] : memref<768xf32, #tpu.memory_space<vmem>> -> memref<128xf32, #tpu.memory_space<vmem>>
      %dma_wait3A_134 = arith.constant 0 : i32
      %dma_wait3A_135 = tpu.memref_slice %arg9[%dma_wait3A_131, %dma_wait3A_134] : memref<6x128xi32, #tpu.memory_space<vmem>> -> memref<1x128xi32, #tpu.memory_space<vmem>>
      %dma_wait3A_136 = tpu.memref_squeeze %dma_wait3A_135 : memref<1x128xi32, #tpu.memory_space<vmem>> -> memref<128xi32, #tpu.memory_space<vmem>>
      %dma_wait3A_137 = arith.constant 0 : i32
      %dma_wait3A_138 = tpu.memref_slice %arg12[%dma_wait3A_137] : memref<100096xf32, #tpu.memory_space<vmem_shared>> -> memref<100096xf32, #tpu.memory_space<vmem_shared>>
      tpu.wait_indirect_dma semaphore(%arg11 : memref<!tpu.dma_semaphore, #tpu.memory_space<semaphore_mem>>) src(%dma_wait3A_138 : memref<100096xf32, #tpu.memory_space<vmem_shared>>) dst(%dma_wait3A_133 : memref<128xf32, #tpu.memory_space<vmem>>)
      %dma_wait3A_139 = arith.constant 3 : i32
      %dma_wait3A_140 = arith.constant 384 : i32
      %dma_wait3A_141 = tpu.memref_slice %arg10[%dma_wait3A_140] : memref<768xf32, #tpu.memory_space<vmem>> -> memref<128xf32, #tpu.memory_space<vmem>>
      %dma_wait3A_142 = arith.constant 0 : i32
      %dma_wait3A_143 = tpu.memref_slice %arg9[%dma_wait3A_139, %dma_wait3A_142] : memref<6x128xi32, #tpu.memory_space<vmem>> -> memref<1x128xi32, #tpu.memory_space<vmem>>
      %dma_wait3A_144 = tpu.memref_squeeze %dma_wait3A_143 : memref<1x128xi32, #tpu.memory_space<vmem>> -> memref<128xi32, #tpu.memory_space<vmem>>
      %dma_wait3A_145 = arith.constant 0 : i32
      %dma_wait3A_146 = tpu.memref_slice %arg12[%dma_wait3A_145] : memref<100096xf32, #tpu.memory_space<vmem_shared>> -> memref<100096xf32, #tpu.memory_space<vmem_shared>>
      tpu.wait_indirect_dma semaphore(%arg11 : memref<!tpu.dma_semaphore, #tpu.memory_space<semaphore_mem>>) src(%dma_wait3A_146 : memref<100096xf32, #tpu.memory_space<vmem_shared>>) dst(%dma_wait3A_141 : memref<128xf32, #tpu.memory_space<vmem>>)
      %dma_wait3A_147 = arith.constant 4 : i32
      %dma_wait3A_148 = arith.constant 512 : i32
      %dma_wait3A_149 = tpu.memref_slice %arg10[%dma_wait3A_148] : memref<768xf32, #tpu.memory_space<vmem>> -> memref<128xf32, #tpu.memory_space<vmem>>
      %dma_wait3A_150 = arith.constant 0 : i32
      %dma_wait3A_151 = tpu.memref_slice %arg9[%dma_wait3A_147, %dma_wait3A_150] : memref<6x128xi32, #tpu.memory_space<vmem>> -> memref<1x128xi32, #tpu.memory_space<vmem>>
      %dma_wait3A_152 = tpu.memref_squeeze %dma_wait3A_151 : memref<1x128xi32, #tpu.memory_space<vmem>> -> memref<128xi32, #tpu.memory_space<vmem>>
      %dma_wait3A_153 = arith.constant 0 : i32
      %dma_wait3A_154 = tpu.memref_slice %arg12[%dma_wait3A_153] : memref<100096xf32, #tpu.memory_space<vmem_shared>> -> memref<100096xf32, #tpu.memory_space<vmem_shared>>
      tpu.wait_indirect_dma semaphore(%arg11 : memref<!tpu.dma_semaphore, #tpu.memory_space<semaphore_mem>>) src(%dma_wait3A_154 : memref<100096xf32, #tpu.memory_space<vmem_shared>>) dst(%dma_wait3A_149 : memref<128xf32, #tpu.memory_space<vmem>>)
      %dma_wait3A_155 = arith.constant 5 : i32
      %dma_wait3A_156 = arith.constant 640 : i32
      %dma_wait3A_157 = tpu.memref_slice %arg10[%dma_wait3A_156] : memref<768xf32, #tpu.memory_space<vmem>> -> memref<128xf32, #tpu.memory_space<vmem>>
      %dma_wait3A_158 = arith.constant 0 : i32
      %dma_wait3A_159 = tpu.memref_slice %arg9[%dma_wait3A_155, %dma_wait3A_158] : memref<6x128xi32, #tpu.memory_space<vmem>> -> memref<1x128xi32, #tpu.memory_space<vmem>>
      %dma_wait3A_160 = tpu.memref_squeeze %dma_wait3A_159 : memref<1x128xi32, #tpu.memory_space<vmem>> -> memref<128xi32, #tpu.memory_space<vmem>>
      %dma_wait3A_161 = arith.constant 0 : i32
      %dma_wait3A_162 = tpu.memref_slice %arg12[%dma_wait3A_161] : memref<100096xf32, #tpu.memory_space<vmem_shared>> -> memref<100096xf32, #tpu.memory_space<vmem_shared>>
      tpu.wait_indirect_dma semaphore(%arg11 : memref<!tpu.dma_semaphore, #tpu.memory_space<semaphore_mem>>) src(%dma_wait3A_162 : memref<100096xf32, #tpu.memory_space<vmem_shared>>) dst(%dma_wait3A_157 : memref<128xf32, #tpu.memory_space<vmem>>)
      %mul3A_163 = arith.constant 768 : i32
      %mul3A_164 = arith.muli %arg1, %mul3A_163 : i32
      "tpu.region"() ({
        %run_scoped3A = tpu.sem_alloc : memref<!tpu.dma_semaphore, #tpu.memory_space<semaphore_mem>>
        %dma_start3A_165 = tpu.memref_slice %arg5[%mul3A_164] : memref<12288xf32, #tpu.memory_space<hbm>> -> memref<768xf32, #tpu.memory_space<hbm>>
        %dma_start3A_166 = tpu.memref_slice %arg5[%mul3A_164] : memref<12288xf32, #tpu.memory_space<hbm>> -> memref<768xf32, #tpu.memory_space<hbm>>
        tpu.enqueue_dma source(%arg10 : memref<768xf32, #tpu.memory_space<vmem>>) target(%dma_start3A_166 : memref<768xf32, #tpu.memory_space<hbm>>) target_semaphore(%run_scoped3A : memref<!tpu.dma_semaphore, #tpu.memory_space<semaphore_mem>>)
        %dma_wait3A_167 = tpu.memref_slice %arg5[%mul3A_164] : memref<12288xf32, #tpu.memory_space<hbm>> -> memref<768xf32, #tpu.memory_space<hbm>>
        %dma_wait3A_168 = tpu.memref_slice %arg5[%mul3A_164] : memref<12288xf32, #tpu.memory_space<hbm>> -> memref<768xf32, #tpu.memory_space<hbm>>
        tpu.wait_dma2 semaphore(%run_scoped3A : memref<!tpu.dma_semaphore, #tpu.memory_space<semaphore_mem>>) src(%arg10 : memref<768xf32, #tpu.memory_space<vmem>>) dst(%dma_wait3A_168 : memref<768xf32, #tpu.memory_space<hbm>>)
        tpu.yield
      }) : () -> ()
    } else {
    }
    return
  }
}

#map = affine_map<(d0, d1) -> (0, 0, 0)>
#map1 = affine_map<(d0, d1) -> (0, 0)>
module attributes {stable_mosaic.version = 14 : i64} {
  func.func @sc_edge_layer_firsts(%arg0: i32, %arg1: i32, %arg2: memref<2x102400x16xf32, #tpu.memory_space<hbm>>, %arg3: memref<2x12544x128xi32, #tpu.memory_space<hbm>>, %arg4: memref<96x128xi32, #tpu.memory_space<hbm>>, %arg5: memref<2x12288x16xf32, #tpu.memory_space<hbm>>, %arg6: memref<8x128xi32, #tpu.memory_space<vmem>>, %arg7: memref<8x128xi32, #tpu.memory_space<vmem>>, %arg8: memref<1024x16xf32, #tpu.memory_space<vmem>>, %arg9: memref<!tpu.dma_semaphore, #tpu.memory_space<semaphore_mem>>, %arg10: memref<100096x16xf32, #tpu.memory_space<vmem_shared>>) attributes {dimension_semantics = [#tpu.dimension_semantics<core_parallel>, #tpu.dimension_semantics<subcore_parallel>], iteration_bounds = array<i64: 2, 16>, scalar_prefetch = 0 : i64, scratch_operands = 5 : i64, tpu.core_type = #tpu.core_type<sc_vector_subcore>, window_params = [{transform_indices = #map}, {transform_indices = #map}, {transform_indices = #map1}, {transform_indices = #map}]} {
    %scan3A = arith.constant 0 : i32
    %scan3A_0 = arith.constant 0 : i32
    %scan3A_1 = arith.constant 782 : i32
    %scan3A_2 = arith.addi %scan3A_0, %scan3A_1 : i32
    %scan3A_3 = arith.constant 1 : i32
    scf.for %scan3A_166 = %scan3A_0 to %scan3A_2 step %scan3A_3  : i32 {
      %broadcast_in_dim3A = arith.constant 0.000000e+00 : f32
      %broadcast_in_dim3A_167 = vector.broadcast %broadcast_in_dim3A : f32 to vector<16xf32>
      %swap3A = arith.index_cast %scan3A_166 : i32 to index
      %swap3A_168 = arith.constant 0 : index
      %swap3A_169 = tpu.vector_load %arg8[%swap3A, %swap3A_168] {strides = array<i32>} : memref<1024x16xf32, #tpu.memory_space<vmem>>, vector<1x16xf32>,
      %swap3A_170 = vector.shape_cast %swap3A_169 : vector<1x16xf32> to vector<16xf32>
      %swap3A_171 = vector.shape_cast %broadcast_in_dim3A_167 : vector<16xf32> to vector<1x16xf32>
      tpu.vector_store %arg8[%swap3A, %swap3A_168], %swap3A_171 {strides = array<i32>} : memref<1024x16xf32, #tpu.memory_space<vmem>>, vector<1x16xf32>,
    }
    %scan3A_4 = arith.constant 782 : i32
    %mul3A = arith.constant 6256 : i32
    %mul3A_5 = arith.muli %arg1, %mul3A : i32
    %add3A = arith.constant 0 : i32
    %add3A_6 = arith.addi %mul3A_5, %add3A : i32
    "tpu.region"() ({
      %run_scoped3A = tpu.sem_alloc : memref<!tpu.dma_semaphore, #tpu.memory_space<semaphore_mem>>
      %dma_start3A_166 = arith.constant 0 : i32
      %dma_start3A_167 = arith.constant 0 : i32
      %dma_start3A_168 = tpu.memref_slice %arg8[%dma_start3A_166, %dma_start3A_167] : memref<1024x16xf32, #tpu.memory_space<vmem>> -> memref<782x16xf32, #tpu.memory_space<vmem>>
      %dma_start3A_169 = arith.constant 0 : i32
      %dma_start3A_170 = tpu.memref_slice %arg10[%add3A_6, %dma_start3A_169] : memref<100096x16xf32, #tpu.memory_space<vmem_shared>> -> memref<782x16xf32, #tpu.memory_space<vmem_shared>>
      %dma_start3A_171 = arith.constant 0 : i32
      %dma_start3A_172 = tpu.memref_slice %arg10[%add3A_6, %dma_start3A_171] : memref<100096x16xf32, #tpu.memory_space<vmem_shared>> -> memref<782x16xf32, #tpu.memory_space<vmem_shared>>
      %dma_start3A_173 = arith.constant 0 : i32
      %dma_start3A_174 = arith.constant 0 : i32
      %dma_start3A_175 = tpu.memref_slice %arg8[%dma_start3A_173, %dma_start3A_174] : memref<1024x16xf32, #tpu.memory_space<vmem>> -> memref<782x16xf32, #tpu.memory_space<vmem>>
      tpu.enqueue_dma source(%dma_start3A_175 : memref<782x16xf32, #tpu.memory_space<vmem>>) target(%dma_start3A_172 : memref<782x16xf32, #tpu.memory_space<vmem_shared>>) target_semaphore(%run_scoped3A : memref<!tpu.dma_semaphore, #tpu.memory_space<semaphore_mem>>)
      %dma_wait3A_176 = arith.constant 0 : i32
      %dma_wait3A_177 = arith.constant 0 : i32
      %dma_wait3A_178 = tpu.memref_slice %arg8[%dma_wait3A_176, %dma_wait3A_177] : memref<1024x16xf32, #tpu.memory_space<vmem>> -> memref<782x16xf32, #tpu.memory_space<vmem>>
      %dma_wait3A_179 = arith.constant 0 : i32
      %dma_wait3A_180 = tpu.memref_slice %arg10[%add3A_6, %dma_wait3A_179] : memref<100096x16xf32, #tpu.memory_space<vmem_shared>> -> memref<782x16xf32, #tpu.memory_space<vmem_shared>>
      %dma_wait3A_181 = arith.constant 0 : i32
      %dma_wait3A_182 = tpu.memref_slice %arg10[%add3A_6, %dma_wait3A_181] : memref<100096x16xf32, #tpu.memory_space<vmem_shared>> -> memref<782x16xf32, #tpu.memory_space<vmem_shared>>
      %dma_wait3A_183 = arith.constant 0 : i32
      %dma_wait3A_184 = arith.constant 0 : i32
      %dma_wait3A_185 = tpu.memref_slice %arg8[%dma_wait3A_183, %dma_wait3A_184] : memref<1024x16xf32, #tpu.memory_space<vmem>> -> memref<782x16xf32, #tpu.memory_space<vmem>>
      tpu.wait_dma2 semaphore(%run_scoped3A : memref<!tpu.dma_semaphore, #tpu.memory_space<semaphore_mem>>) src(%dma_wait3A_185 : memref<782x16xf32, #tpu.memory_space<vmem>>) dst(%dma_wait3A_182 : memref<782x16xf32, #tpu.memory_space<vmem_shared>>)
      tpu.yield
    }) : () -> ()
    %mul3A_7 = arith.constant 6256 : i32
    %mul3A_8 = arith.muli %arg1, %mul3A_7 : i32
    %add3A_9 = arith.constant 782 : i32
    %add3A_10 = arith.addi %mul3A_8, %add3A_9 : i32
    "tpu.region"() ({
      %run_scoped3A = tpu.sem_alloc : memref<!tpu.dma_semaphore, #tpu.memory_space<semaphore_mem>>
      %dma_start3A_166 = arith.constant 0 : i32
      %dma_start3A_167 = arith.constant 0 : i32
      %dma_start3A_168 = tpu.memref_slice %arg8[%dma_start3A_166, %dma_start3A_167] : memref<1024x16xf32, #tpu.memory_space<vmem>> -> memref<782x16xf32, #tpu.memory_space<vmem>>
      %dma_start3A_169 = arith.constant 0 : i32
      %dma_start3A_170 = tpu.memref_slice %arg10[%add3A_10, %dma_start3A_169] : memref<100096x16xf32, #tpu.memory_space<vmem_shared>> -> memref<782x16xf32, #tpu.memory_space<vmem_shared>>
      %dma_start3A_171 = arith.constant 0 : i32
      %dma_start3A_172 = tpu.memref_slice %arg10[%add3A_10, %dma_start3A_171] : memref<100096x16xf32, #tpu.memory_space<vmem_shared>> -> memref<782x16xf32, #tpu.memory_space<vmem_shared>>
      %dma_start3A_173 = arith.constant 0 : i32
      %dma_start3A_174 = arith.constant 0 : i32
      %dma_start3A_175 = tpu.memref_slice %arg8[%dma_start3A_173, %dma_start3A_174] : memref<1024x16xf32, #tpu.memory_space<vmem>> -> memref<782x16xf32, #tpu.memory_space<vmem>>
      tpu.enqueue_dma source(%dma_start3A_175 : memref<782x16xf32, #tpu.memory_space<vmem>>) target(%dma_start3A_172 : memref<782x16xf32, #tpu.memory_space<vmem_shared>>) target_semaphore(%run_scoped3A : memref<!tpu.dma_semaphore, #tpu.memory_space<semaphore_mem>>)
      %dma_wait3A_176 = arith.constant 0 : i32
      %dma_wait3A_177 = arith.constant 0 : i32
      %dma_wait3A_178 = tpu.memref_slice %arg8[%dma_wait3A_176, %dma_wait3A_177] : memref<1024x16xf32, #tpu.memory_space<vmem>> -> memref<782x16xf32, #tpu.memory_space<vmem>>
      %dma_wait3A_179 = arith.constant 0 : i32
      %dma_wait3A_180 = tpu.memref_slice %arg10[%add3A_10, %dma_wait3A_179] : memref<100096x16xf32, #tpu.memory_space<vmem_shared>> -> memref<782x16xf32, #tpu.memory_space<vmem_shared>>
      %dma_wait3A_181 = arith.constant 0 : i32
      %dma_wait3A_182 = tpu.memref_slice %arg10[%add3A_10, %dma_wait3A_181] : memref<100096x16xf32, #tpu.memory_space<vmem_shared>> -> memref<782x16xf32, #tpu.memory_space<vmem_shared>>
      %dma_wait3A_183 = arith.constant 0 : i32
      %dma_wait3A_184 = arith.constant 0 : i32
      %dma_wait3A_185 = tpu.memref_slice %arg8[%dma_wait3A_183, %dma_wait3A_184] : memref<1024x16xf32, #tpu.memory_space<vmem>> -> memref<782x16xf32, #tpu.memory_space<vmem>>
      tpu.wait_dma2 semaphore(%run_scoped3A : memref<!tpu.dma_semaphore, #tpu.memory_space<semaphore_mem>>) src(%dma_wait3A_185 : memref<782x16xf32, #tpu.memory_space<vmem>>) dst(%dma_wait3A_182 : memref<782x16xf32, #tpu.memory_space<vmem_shared>>)
      tpu.yield
    }) : () -> ()
    %mul3A_11 = arith.constant 6256 : i32
    %mul3A_12 = arith.muli %arg1, %mul3A_11 : i32
    %add3A_13 = arith.constant 1564 : i32
    %add3A_14 = arith.addi %mul3A_12, %add3A_13 : i32
    "tpu.region"() ({
      %run_scoped3A = tpu.sem_alloc : memref<!tpu.dma_semaphore, #tpu.memory_space<semaphore_mem>>
      %dma_start3A_166 = arith.constant 0 : i32
      %dma_start3A_167 = arith.constant 0 : i32
      %dma_start3A_168 = tpu.memref_slice %arg8[%dma_start3A_166, %dma_start3A_167] : memref<1024x16xf32, #tpu.memory_space<vmem>> -> memref<782x16xf32, #tpu.memory_space<vmem>>
      %dma_start3A_169 = arith.constant 0 : i32
      %dma_start3A_170 = tpu.memref_slice %arg10[%add3A_14, %dma_start3A_169] : memref<100096x16xf32, #tpu.memory_space<vmem_shared>> -> memref<782x16xf32, #tpu.memory_space<vmem_shared>>
      %dma_start3A_171 = arith.constant 0 : i32
      %dma_start3A_172 = tpu.memref_slice %arg10[%add3A_14, %dma_start3A_171] : memref<100096x16xf32, #tpu.memory_space<vmem_shared>> -> memref<782x16xf32, #tpu.memory_space<vmem_shared>>
      %dma_start3A_173 = arith.constant 0 : i32
      %dma_start3A_174 = arith.constant 0 : i32
      %dma_start3A_175 = tpu.memref_slice %arg8[%dma_start3A_173, %dma_start3A_174] : memref<1024x16xf32, #tpu.memory_space<vmem>> -> memref<782x16xf32, #tpu.memory_space<vmem>>
      tpu.enqueue_dma source(%dma_start3A_175 : memref<782x16xf32, #tpu.memory_space<vmem>>) target(%dma_start3A_172 : memref<782x16xf32, #tpu.memory_space<vmem_shared>>) target_semaphore(%run_scoped3A : memref<!tpu.dma_semaphore, #tpu.memory_space<semaphore_mem>>)
      %dma_wait3A_176 = arith.constant 0 : i32
      %dma_wait3A_177 = arith.constant 0 : i32
      %dma_wait3A_178 = tpu.memref_slice %arg8[%dma_wait3A_176, %dma_wait3A_177] : memref<1024x16xf32, #tpu.memory_space<vmem>> -> memref<782x16xf32, #tpu.memory_space<vmem>>
      %dma_wait3A_179 = arith.constant 0 : i32
      %dma_wait3A_180 = tpu.memref_slice %arg10[%add3A_14, %dma_wait3A_179] : memref<100096x16xf32, #tpu.memory_space<vmem_shared>> -> memref<782x16xf32, #tpu.memory_space<vmem_shared>>
      %dma_wait3A_181 = arith.constant 0 : i32
      %dma_wait3A_182 = tpu.memref_slice %arg10[%add3A_14, %dma_wait3A_181] : memref<100096x16xf32, #tpu.memory_space<vmem_shared>> -> memref<782x16xf32, #tpu.memory_space<vmem_shared>>
      %dma_wait3A_183 = arith.constant 0 : i32
      %dma_wait3A_184 = arith.constant 0 : i32
      %dma_wait3A_185 = tpu.memref_slice %arg8[%dma_wait3A_183, %dma_wait3A_184] : memref<1024x16xf32, #tpu.memory_space<vmem>> -> memref<782x16xf32, #tpu.memory_space<vmem>>
      tpu.wait_dma2 semaphore(%run_scoped3A : memref<!tpu.dma_semaphore, #tpu.memory_space<semaphore_mem>>) src(%dma_wait3A_185 : memref<782x16xf32, #tpu.memory_space<vmem>>) dst(%dma_wait3A_182 : memref<782x16xf32, #tpu.memory_space<vmem_shared>>)
      tpu.yield
    }) : () -> ()
    %mul3A_15 = arith.constant 6256 : i32
    %mul3A_16 = arith.muli %arg1, %mul3A_15 : i32
    %add3A_17 = arith.constant 2346 : i32
    %add3A_18 = arith.addi %mul3A_16, %add3A_17 : i32
    "tpu.region"() ({
      %run_scoped3A = tpu.sem_alloc : memref<!tpu.dma_semaphore, #tpu.memory_space<semaphore_mem>>
      %dma_start3A_166 = arith.constant 0 : i32
      %dma_start3A_167 = arith.constant 0 : i32
      %dma_start3A_168 = tpu.memref_slice %arg8[%dma_start3A_166, %dma_start3A_167] : memref<1024x16xf32, #tpu.memory_space<vmem>> -> memref<782x16xf32, #tpu.memory_space<vmem>>
      %dma_start3A_169 = arith.constant 0 : i32
      %dma_start3A_170 = tpu.memref_slice %arg10[%add3A_18, %dma_start3A_169] : memref<100096x16xf32, #tpu.memory_space<vmem_shared>> -> memref<782x16xf32, #tpu.memory_space<vmem_shared>>
      %dma_start3A_171 = arith.constant 0 : i32
      %dma_start3A_172 = tpu.memref_slice %arg10[%add3A_18, %dma_start3A_171] : memref<100096x16xf32, #tpu.memory_space<vmem_shared>> -> memref<782x16xf32, #tpu.memory_space<vmem_shared>>
      %dma_start3A_173 = arith.constant 0 : i32
      %dma_start3A_174 = arith.constant 0 : i32
      %dma_start3A_175 = tpu.memref_slice %arg8[%dma_start3A_173, %dma_start3A_174] : memref<1024x16xf32, #tpu.memory_space<vmem>> -> memref<782x16xf32, #tpu.memory_space<vmem>>
      tpu.enqueue_dma source(%dma_start3A_175 : memref<782x16xf32, #tpu.memory_space<vmem>>) target(%dma_start3A_172 : memref<782x16xf32, #tpu.memory_space<vmem_shared>>) target_semaphore(%run_scoped3A : memref<!tpu.dma_semaphore, #tpu.memory_space<semaphore_mem>>)
      %dma_wait3A_176 = arith.constant 0 : i32
      %dma_wait3A_177 = arith.constant 0 : i32
      %dma_wait3A_178 = tpu.memref_slice %arg8[%dma_wait3A_176, %dma_wait3A_177] : memref<1024x16xf32, #tpu.memory_space<vmem>> -> memref<782x16xf32, #tpu.memory_space<vmem>>
      %dma_wait3A_179 = arith.constant 0 : i32
      %dma_wait3A_180 = tpu.memref_slice %arg10[%add3A_18, %dma_wait3A_179] : memref<100096x16xf32, #tpu.memory_space<vmem_shared>> -> memref<782x16xf32, #tpu.memory_space<vmem_shared>>
      %dma_wait3A_181 = arith.constant 0 : i32
      %dma_wait3A_182 = tpu.memref_slice %arg10[%add3A_18, %dma_wait3A_181] : memref<100096x16xf32, #tpu.memory_space<vmem_shared>> -> memref<782x16xf32, #tpu.memory_space<vmem_shared>>
      %dma_wait3A_183 = arith.constant 0 : i32
      %dma_wait3A_184 = arith.constant 0 : i32
      %dma_wait3A_185 = tpu.memref_slice %arg8[%dma_wait3A_183, %dma_wait3A_184] : memref<1024x16xf32, #tpu.memory_space<vmem>> -> memref<782x16xf32, #tpu.memory_space<vmem>>
      tpu.wait_dma2 semaphore(%run_scoped3A : memref<!tpu.dma_semaphore, #tpu.memory_space<semaphore_mem>>) src(%dma_wait3A_185 : memref<782x16xf32, #tpu.memory_space<vmem>>) dst(%dma_wait3A_182 : memref<782x16xf32, #tpu.memory_space<vmem_shared>>)
      tpu.yield
    }) : () -> ()
    %mul3A_19 = arith.constant 6256 : i32
    %mul3A_20 = arith.muli %arg1, %mul3A_19 : i32
    %add3A_21 = arith.constant 3128 : i32
    %add3A_22 = arith.addi %mul3A_20, %add3A_21 : i32
    "tpu.region"() ({
      %run_scoped3A = tpu.sem_alloc : memref<!tpu.dma_semaphore, #tpu.memory_space<semaphore_mem>>
      %dma_start3A_166 = arith.constant 0 : i32
      %dma_start3A_167 = arith.constant 0 : i32
      %dma_start3A_168 = tpu.memref_slice %arg8[%dma_start3A_166, %dma_start3A_167] : memref<1024x16xf32, #tpu.memory_space<vmem>> -> memref<782x16xf32, #tpu.memory_space<vmem>>
      %dma_start3A_169 = arith.constant 0 : i32
      %dma_start3A_170 = tpu.memref_slice %arg10[%add3A_22, %dma_start3A_169] : memref<100096x16xf32, #tpu.memory_space<vmem_shared>> -> memref<782x16xf32, #tpu.memory_space<vmem_shared>>
      %dma_start3A_171 = arith.constant 0 : i32
      %dma_start3A_172 = tpu.memref_slice %arg10[%add3A_22, %dma_start3A_171] : memref<100096x16xf32, #tpu.memory_space<vmem_shared>> -> memref<782x16xf32, #tpu.memory_space<vmem_shared>>
      %dma_start3A_173 = arith.constant 0 : i32
      %dma_start3A_174 = arith.constant 0 : i32
      %dma_start3A_175 = tpu.memref_slice %arg8[%dma_start3A_173, %dma_start3A_174] : memref<1024x16xf32, #tpu.memory_space<vmem>> -> memref<782x16xf32, #tpu.memory_space<vmem>>
      tpu.enqueue_dma source(%dma_start3A_175 : memref<782x16xf32, #tpu.memory_space<vmem>>) target(%dma_start3A_172 : memref<782x16xf32, #tpu.memory_space<vmem_shared>>) target_semaphore(%run_scoped3A : memref<!tpu.dma_semaphore, #tpu.memory_space<semaphore_mem>>)
      %dma_wait3A_176 = arith.constant 0 : i32
      %dma_wait3A_177 = arith.constant 0 : i32
      %dma_wait3A_178 = tpu.memref_slice %arg8[%dma_wait3A_176, %dma_wait3A_177] : memref<1024x16xf32, #tpu.memory_space<vmem>> -> memref<782x16xf32, #tpu.memory_space<vmem>>
      %dma_wait3A_179 = arith.constant 0 : i32
      %dma_wait3A_180 = tpu.memref_slice %arg10[%add3A_22, %dma_wait3A_179] : memref<100096x16xf32, #tpu.memory_space<vmem_shared>> -> memref<782x16xf32, #tpu.memory_space<vmem_shared>>
      %dma_wait3A_181 = arith.constant 0 : i32
      %dma_wait3A_182 = tpu.memref_slice %arg10[%add3A_22, %dma_wait3A_181] : memref<100096x16xf32, #tpu.memory_space<vmem_shared>> -> memref<782x16xf32, #tpu.memory_space<vmem_shared>>
      %dma_wait3A_183 = arith.constant 0 : i32
      %dma_wait3A_184 = arith.constant 0 : i32
      %dma_wait3A_185 = tpu.memref_slice %arg8[%dma_wait3A_183, %dma_wait3A_184] : memref<1024x16xf32, #tpu.memory_space<vmem>> -> memref<782x16xf32, #tpu.memory_space<vmem>>
      tpu.wait_dma2 semaphore(%run_scoped3A : memref<!tpu.dma_semaphore, #tpu.memory_space<semaphore_mem>>) src(%dma_wait3A_185 : memref<782x16xf32, #tpu.memory_space<vmem>>) dst(%dma_wait3A_182 : memref<782x16xf32, #tpu.memory_space<vmem_shared>>)
      tpu.yield
    }) : () -> ()
    %mul3A_23 = arith.constant 6256 : i32
    %mul3A_24 = arith.muli %arg1, %mul3A_23 : i32
    %add3A_25 = arith.constant 3910 : i32
    %add3A_26 = arith.addi %mul3A_24, %add3A_25 : i32
    "tpu.region"() ({
      %run_scoped3A = tpu.sem_alloc : memref<!tpu.dma_semaphore, #tpu.memory_space<semaphore_mem>>
      %dma_start3A_166 = arith.constant 0 : i32
      %dma_start3A_167 = arith.constant 0 : i32
      %dma_start3A_168 = tpu.memref_slice %arg8[%dma_start3A_166, %dma_start3A_167] : memref<1024x16xf32, #tpu.memory_space<vmem>> -> memref<782x16xf32, #tpu.memory_space<vmem>>
      %dma_start3A_169 = arith.constant 0 : i32
      %dma_start3A_170 = tpu.memref_slice %arg10[%add3A_26, %dma_start3A_169] : memref<100096x16xf32, #tpu.memory_space<vmem_shared>> -> memref<782x16xf32, #tpu.memory_space<vmem_shared>>
      %dma_start3A_171 = arith.constant 0 : i32
      %dma_start3A_172 = tpu.memref_slice %arg10[%add3A_26, %dma_start3A_171] : memref<100096x16xf32, #tpu.memory_space<vmem_shared>> -> memref<782x16xf32, #tpu.memory_space<vmem_shared>>
      %dma_start3A_173 = arith.constant 0 : i32
      %dma_start3A_174 = arith.constant 0 : i32
      %dma_start3A_175 = tpu.memref_slice %arg8[%dma_start3A_173, %dma_start3A_174] : memref<1024x16xf32, #tpu.memory_space<vmem>> -> memref<782x16xf32, #tpu.memory_space<vmem>>
      tpu.enqueue_dma source(%dma_start3A_175 : memref<782x16xf32, #tpu.memory_space<vmem>>) target(%dma_start3A_172 : memref<782x16xf32, #tpu.memory_space<vmem_shared>>) target_semaphore(%run_scoped3A : memref<!tpu.dma_semaphore, #tpu.memory_space<semaphore_mem>>)
      %dma_wait3A_176 = arith.constant 0 : i32
      %dma_wait3A_177 = arith.constant 0 : i32
      %dma_wait3A_178 = tpu.memref_slice %arg8[%dma_wait3A_176, %dma_wait3A_177] : memref<1024x16xf32, #tpu.memory_space<vmem>> -> memref<782x16xf32, #tpu.memory_space<vmem>>
      %dma_wait3A_179 = arith.constant 0 : i32
      %dma_wait3A_180 = tpu.memref_slice %arg10[%add3A_26, %dma_wait3A_179] : memref<100096x16xf32, #tpu.memory_space<vmem_shared>> -> memref<782x16xf32, #tpu.memory_space<vmem_shared>>
      %dma_wait3A_181 = arith.constant 0 : i32
      %dma_wait3A_182 = tpu.memref_slice %arg10[%add3A_26, %dma_wait3A_181] : memref<100096x16xf32, #tpu.memory_space<vmem_shared>> -> memref<782x16xf32, #tpu.memory_space<vmem_shared>>
      %dma_wait3A_183 = arith.constant 0 : i32
      %dma_wait3A_184 = arith.constant 0 : i32
      %dma_wait3A_185 = tpu.memref_slice %arg8[%dma_wait3A_183, %dma_wait3A_184] : memref<1024x16xf32, #tpu.memory_space<vmem>> -> memref<782x16xf32, #tpu.memory_space<vmem>>
      tpu.wait_dma2 semaphore(%run_scoped3A : memref<!tpu.dma_semaphore, #tpu.memory_space<semaphore_mem>>) src(%dma_wait3A_185 : memref<782x16xf32, #tpu.memory_space<vmem>>) dst(%dma_wait3A_182 : memref<782x16xf32, #tpu.memory_space<vmem_shared>>)
      tpu.yield
    }) : () -> ()
    %mul3A_27 = arith.constant 6256 : i32
    %mul3A_28 = arith.muli %arg1, %mul3A_27 : i32
    %add3A_29 = arith.constant 4692 : i32
    %add3A_30 = arith.addi %mul3A_28, %add3A_29 : i32
    "tpu.region"() ({
      %run_scoped3A = tpu.sem_alloc : memref<!tpu.dma_semaphore, #tpu.memory_space<semaphore_mem>>
      %dma_start3A_166 = arith.constant 0 : i32
      %dma_start3A_167 = arith.constant 0 : i32
      %dma_start3A_168 = tpu.memref_slice %arg8[%dma_start3A_166, %dma_start3A_167] : memref<1024x16xf32, #tpu.memory_space<vmem>> -> memref<782x16xf32, #tpu.memory_space<vmem>>
      %dma_start3A_169 = arith.constant 0 : i32
      %dma_start3A_170 = tpu.memref_slice %arg10[%add3A_30, %dma_start3A_169] : memref<100096x16xf32, #tpu.memory_space<vmem_shared>> -> memref<782x16xf32, #tpu.memory_space<vmem_shared>>
      %dma_start3A_171 = arith.constant 0 : i32
      %dma_start3A_172 = tpu.memref_slice %arg10[%add3A_30, %dma_start3A_171] : memref<100096x16xf32, #tpu.memory_space<vmem_shared>> -> memref<782x16xf32, #tpu.memory_space<vmem_shared>>
      %dma_start3A_173 = arith.constant 0 : i32
      %dma_start3A_174 = arith.constant 0 : i32
      %dma_start3A_175 = tpu.memref_slice %arg8[%dma_start3A_173, %dma_start3A_174] : memref<1024x16xf32, #tpu.memory_space<vmem>> -> memref<782x16xf32, #tpu.memory_space<vmem>>
      tpu.enqueue_dma source(%dma_start3A_175 : memref<782x16xf32, #tpu.memory_space<vmem>>) target(%dma_start3A_172 : memref<782x16xf32, #tpu.memory_space<vmem_shared>>) target_semaphore(%run_scoped3A : memref<!tpu.dma_semaphore, #tpu.memory_space<semaphore_mem>>)
      %dma_wait3A_176 = arith.constant 0 : i32
      %dma_wait3A_177 = arith.constant 0 : i32
      %dma_wait3A_178 = tpu.memref_slice %arg8[%dma_wait3A_176, %dma_wait3A_177] : memref<1024x16xf32, #tpu.memory_space<vmem>> -> memref<782x16xf32, #tpu.memory_space<vmem>>
      %dma_wait3A_179 = arith.constant 0 : i32
      %dma_wait3A_180 = tpu.memref_slice %arg10[%add3A_30, %dma_wait3A_179] : memref<100096x16xf32, #tpu.memory_space<vmem_shared>> -> memref<782x16xf32, #tpu.memory_space<vmem_shared>>
      %dma_wait3A_181 = arith.constant 0 : i32
      %dma_wait3A_182 = tpu.memref_slice %arg10[%add3A_30, %dma_wait3A_181] : memref<100096x16xf32, #tpu.memory_space<vmem_shared>> -> memref<782x16xf32, #tpu.memory_space<vmem_shared>>
      %dma_wait3A_183 = arith.constant 0 : i32
      %dma_wait3A_184 = arith.constant 0 : i32
      %dma_wait3A_185 = tpu.memref_slice %arg8[%dma_wait3A_183, %dma_wait3A_184] : memref<1024x16xf32, #tpu.memory_space<vmem>> -> memref<782x16xf32, #tpu.memory_space<vmem>>
      tpu.wait_dma2 semaphore(%run_scoped3A : memref<!tpu.dma_semaphore, #tpu.memory_space<semaphore_mem>>) src(%dma_wait3A_185 : memref<782x16xf32, #tpu.memory_space<vmem>>) dst(%dma_wait3A_182 : memref<782x16xf32, #tpu.memory_space<vmem_shared>>)
      tpu.yield
    }) : () -> ()
    %mul3A_31 = arith.constant 6256 : i32
    %mul3A_32 = arith.muli %arg1, %mul3A_31 : i32
    %add3A_33 = arith.constant 5474 : i32
    %add3A_34 = arith.addi %mul3A_32, %add3A_33 : i32
    "tpu.region"() ({
      %run_scoped3A = tpu.sem_alloc : memref<!tpu.dma_semaphore, #tpu.memory_space<semaphore_mem>>
      %dma_start3A_166 = arith.constant 0 : i32
      %dma_start3A_167 = arith.constant 0 : i32
      %dma_start3A_168 = tpu.memref_slice %arg8[%dma_start3A_166, %dma_start3A_167] : memref<1024x16xf32, #tpu.memory_space<vmem>> -> memref<782x16xf32, #tpu.memory_space<vmem>>
      %dma_start3A_169 = arith.constant 0 : i32
      %dma_start3A_170 = tpu.memref_slice %arg10[%add3A_34, %dma_start3A_169] : memref<100096x16xf32, #tpu.memory_space<vmem_shared>> -> memref<782x16xf32, #tpu.memory_space<vmem_shared>>
      %dma_start3A_171 = arith.constant 0 : i32
      %dma_start3A_172 = tpu.memref_slice %arg10[%add3A_34, %dma_start3A_171] : memref<100096x16xf32, #tpu.memory_space<vmem_shared>> -> memref<782x16xf32, #tpu.memory_space<vmem_shared>>
      %dma_start3A_173 = arith.constant 0 : i32
      %dma_start3A_174 = arith.constant 0 : i32
      %dma_start3A_175 = tpu.memref_slice %arg8[%dma_start3A_173, %dma_start3A_174] : memref<1024x16xf32, #tpu.memory_space<vmem>> -> memref<782x16xf32, #tpu.memory_space<vmem>>
      tpu.enqueue_dma source(%dma_start3A_175 : memref<782x16xf32, #tpu.memory_space<vmem>>) target(%dma_start3A_172 : memref<782x16xf32, #tpu.memory_space<vmem_shared>>) target_semaphore(%run_scoped3A : memref<!tpu.dma_semaphore, #tpu.memory_space<semaphore_mem>>)
      %dma_wait3A_176 = arith.constant 0 : i32
      %dma_wait3A_177 = arith.constant 0 : i32
      %dma_wait3A_178 = tpu.memref_slice %arg8[%dma_wait3A_176, %dma_wait3A_177] : memref<1024x16xf32, #tpu.memory_space<vmem>> -> memref<782x16xf32, #tpu.memory_space<vmem>>
      %dma_wait3A_179 = arith.constant 0 : i32
      %dma_wait3A_180 = tpu.memref_slice %arg10[%add3A_34, %dma_wait3A_179] : memref<100096x16xf32, #tpu.memory_space<vmem_shared>> -> memref<782x16xf32, #tpu.memory_space<vmem_shared>>
      %dma_wait3A_181 = arith.constant 0 : i32
      %dma_wait3A_182 = tpu.memref_slice %arg10[%add3A_34, %dma_wait3A_181] : memref<100096x16xf32, #tpu.memory_space<vmem_shared>> -> memref<782x16xf32, #tpu.memory_space<vmem_shared>>
      %dma_wait3A_183 = arith.constant 0 : i32
      %dma_wait3A_184 = arith.constant 0 : i32
      %dma_wait3A_185 = tpu.memref_slice %arg8[%dma_wait3A_183, %dma_wait3A_184] : memref<1024x16xf32, #tpu.memory_space<vmem>> -> memref<782x16xf32, #tpu.memory_space<vmem>>
      tpu.wait_dma2 semaphore(%run_scoped3A : memref<!tpu.dma_semaphore, #tpu.memory_space<semaphore_mem>>) src(%dma_wait3A_185 : memref<782x16xf32, #tpu.memory_space<vmem>>) dst(%dma_wait3A_182 : memref<782x16xf32, #tpu.memory_space<vmem_shared>>)
      tpu.yield
    }) : () -> ()
    %barrier3A = arith.constant 0 : index
    tpu.barrier barrier_id(%barrier3A)
    %mul3A_35 = arith.constant 784 : i32
    %mul3A_36 = arith.muli %arg1, %mul3A_35 : i32
    %scan3A_37 = arith.constant 0 : i32
    %scan3A_38 = arith.constant 0 : i32
    %scan3A_39 = arith.constant 98 : i32
    %scan3A_40 = arith.addi %scan3A_38, %scan3A_39 : i32
    %scan3A_41 = arith.constant 1 : i32
    scf.for %scan3A_166 = %scan3A_38 to %scan3A_40 step %scan3A_41  : i32 {
      %mul3A_167 = arith.constant 8 : i32
      %mul3A_168 = arith.muli %scan3A_166, %mul3A_167 : i32
      %add3A_169 = arith.addi %mul3A_36, %mul3A_168 : i32
      %run_scoped3A = arith.constant 0 : i32
      "tpu.region"() ({
        %run_scoped3A_406 = tpu.sem_alloc : memref<!tpu.dma_semaphore, #tpu.memory_space<semaphore_mem>>
        %dma_start3A_407 = arith.constant 0 : i32
        %dma_start3A_408 = tpu.memref_slice %arg3[%run_scoped3A, %add3A_169, %dma_start3A_407] : memref<2x12544x128xi32, #tpu.memory_space<hbm>> -> memref<1x8x128xi32, #tpu.memory_space<hbm>>
        %dma_start3A_409 = tpu.memref_squeeze %dma_start3A_408 : memref<1x8x128xi32, #tpu.memory_space<hbm>> -> memref<8x128xi32, #tpu.memory_space<hbm>>
        %dma_start3A_410 = arith.constant 0 : i32
        %dma_start3A_411 = tpu.memref_slice %arg3[%run_scoped3A, %add3A_169, %dma_start3A_410] : memref<2x12544x128xi32, #tpu.memory_space<hbm>> -> memref<1x8x128xi32, #tpu.memory_space<hbm>>
        %dma_start3A_412 = tpu.memref_squeeze %dma_start3A_411 : memref<1x8x128xi32, #tpu.memory_space<hbm>> -> memref<8x128xi32, #tpu.memory_space<hbm>>
        tpu.enqueue_dma source(%dma_start3A_412 : memref<8x128xi32, #tpu.memory_space<hbm>>) target(%arg6 : memref<8x128xi32, #tpu.memory_space<vmem>>) target_semaphore(%run_scoped3A_406 : memref<!tpu.dma_semaphore, #tpu.memory_space<semaphore_mem>>)
        %dma_wait3A_413 = arith.constant 0 : i32
        %dma_wait3A_414 = tpu.memref_slice %arg3[%run_scoped3A, %add3A_169, %dma_wait3A_413] : memref<2x12544x128xi32, #tpu.memory_space<hbm>> -> memref<1x8x128xi32, #tpu.memory_space<hbm>>
        %dma_wait3A_415 = tpu.memref_squeeze %dma_wait3A_414 : memref<1x8x128xi32, #tpu.memory_space<hbm>> -> memref<8x128xi32, #tpu.memory_space<hbm>>
        %dma_wait3A_416 = arith.constant 0 : i32
        %dma_wait3A_417 = tpu.memref_slice %arg3[%run_scoped3A, %add3A_169, %dma_wait3A_416] : memref<2x12544x128xi32, #tpu.memory_space<hbm>> -> memref<1x8x128xi32, #tpu.memory_space<hbm>>
        %dma_wait3A_418 = tpu.memref_squeeze %dma_wait3A_417 : memref<1x8x128xi32, #tpu.memory_space<hbm>> -> memref<8x128xi32, #tpu.memory_space<hbm>>
        tpu.wait_dma2 semaphore(%run_scoped3A_406 : memref<!tpu.dma_semaphore, #tpu.memory_space<semaphore_mem>>) src(%dma_wait3A_418 : memref<8x128xi32, #tpu.memory_space<hbm>>) dst(%arg6 : memref<8x128xi32, #tpu.memory_space<vmem>>)
        tpu.yield
      }) : () -> ()
      %mul3A_170 = arith.constant 8 : i32
      %mul3A_171 = arith.muli %scan3A_166, %mul3A_170 : i32
      %add3A_172 = arith.addi %mul3A_36, %mul3A_171 : i32
      %run_scoped3A_173 = arith.constant 1 : i32
      "tpu.region"() ({
        %run_scoped3A_406 = tpu.sem_alloc : memref<!tpu.dma_semaphore, #tpu.memory_space<semaphore_mem>>
        %dma_start3A_407 = arith.constant 0 : i32
        %dma_start3A_408 = tpu.memref_slice %arg3[%run_scoped3A_173, %add3A_172, %dma_start3A_407] : memref<2x12544x128xi32, #tpu.memory_space<hbm>> -> memref<1x8x128xi32, #tpu.memory_space<hbm>>
        %dma_start3A_409 = tpu.memref_squeeze %dma_start3A_408 : memref<1x8x128xi32, #tpu.memory_space<hbm>> -> memref<8x128xi32, #tpu.memory_space<hbm>>
        %dma_start3A_410 = arith.constant 0 : i32
        %dma_start3A_411 = tpu.memref_slice %arg3[%run_scoped3A_173, %add3A_172, %dma_start3A_410] : memref<2x12544x128xi32, #tpu.memory_space<hbm>> -> memref<1x8x128xi32, #tpu.memory_space<hbm>>
        %dma_start3A_412 = tpu.memref_squeeze %dma_start3A_411 : memref<1x8x128xi32, #tpu.memory_space<hbm>> -> memref<8x128xi32, #tpu.memory_space<hbm>>
        tpu.enqueue_dma source(%dma_start3A_412 : memref<8x128xi32, #tpu.memory_space<hbm>>) target(%arg7 : memref<8x128xi32, #tpu.memory_space<vmem>>) target_semaphore(%run_scoped3A_406 : memref<!tpu.dma_semaphore, #tpu.memory_space<semaphore_mem>>)
        %dma_wait3A_413 = arith.constant 0 : i32
        %dma_wait3A_414 = tpu.memref_slice %arg3[%run_scoped3A_173, %add3A_172, %dma_wait3A_413] : memref<2x12544x128xi32, #tpu.memory_space<hbm>> -> memref<1x8x128xi32, #tpu.memory_space<hbm>>
        %dma_wait3A_415 = tpu.memref_squeeze %dma_wait3A_414 : memref<1x8x128xi32, #tpu.memory_space<hbm>> -> memref<8x128xi32, #tpu.memory_space<hbm>>
        %dma_wait3A_416 = arith.constant 0 : i32
        %dma_wait3A_417 = tpu.memref_slice %arg3[%run_scoped3A_173, %add3A_172, %dma_wait3A_416] : memref<2x12544x128xi32, #tpu.memory_space<hbm>> -> memref<1x8x128xi32, #tpu.memory_space<hbm>>
        %dma_wait3A_418 = tpu.memref_squeeze %dma_wait3A_417 : memref<1x8x128xi32, #tpu.memory_space<hbm>> -> memref<8x128xi32, #tpu.memory_space<hbm>>
        tpu.wait_dma2 semaphore(%run_scoped3A_406 : memref<!tpu.dma_semaphore, #tpu.memory_space<semaphore_mem>>) src(%dma_wait3A_418 : memref<8x128xi32, #tpu.memory_space<hbm>>) dst(%arg7 : memref<8x128xi32, #tpu.memory_space<vmem>>)
        tpu.yield
      }) : () -> ()
      %dma_start3A_174 = arith.constant 0 : i32
      %dma_start3A_175 = arith.constant 0 : i32
      %dma_start3A_176 = arith.constant 0 : i32
      %dma_start3A_177 = tpu.memref_slice %arg8[%dma_start3A_175, %dma_start3A_176] : memref<1024x16xf32, #tpu.memory_space<vmem>> -> memref<128x16xf32, #tpu.memory_space<vmem>>
      %dma_start3A_178 = arith.constant 0 : i32
      %dma_start3A_179 = tpu.memref_slice %arg6[%dma_start3A_174, %dma_start3A_178] : memref<8x128xi32, #tpu.memory_space<vmem>> -> memref<1x128xi32, #tpu.memory_space<vmem>>
      %dma_start3A_180 = tpu.memref_squeeze %dma_start3A_179 : memref<1x128xi32, #tpu.memory_space<vmem>> -> memref<128xi32, #tpu.memory_space<vmem>>
      %dma_start3A_181 = arith.constant 0 : i32
      %dma_start3A_182 = arith.constant 0 : i32
      %dma_start3A_183 = tpu.memref_slice %arg2[%arg0, %dma_start3A_181, %dma_start3A_182] : memref<2x102400x16xf32, #tpu.memory_space<hbm>> -> memref<1x102400x16xf32, #tpu.memory_space<hbm>>
      %dma_start3A_184 = tpu.memref_squeeze %dma_start3A_183 : memref<1x102400x16xf32, #tpu.memory_space<hbm>> -> memref<102400x16xf32, #tpu.memory_space<hbm>>
      %dma_start3A_185 = arith.constant 0 : i32
      %dma_start3A_186 = arith.constant 0 : i32
      %dma_start3A_187 = tpu.memref_slice %dma_start3A_184[%dma_start3A_185, %dma_start3A_186] : memref<102400x16xf32, #tpu.memory_space<hbm>> -> memref<102400x16xf32, #tpu.memory_space<hbm>>
      tpu.enqueue_indirect_dma source(%dma_start3A_187 : memref<102400x16xf32, #tpu.memory_space<hbm>>) target(%dma_start3A_177 : memref<128x16xf32, #tpu.memory_space<vmem>>) offsets(%dma_start3A_180 : memref<128xi32, #tpu.memory_space<vmem>>) semaphore(%arg9 : memref<!tpu.dma_semaphore, #tpu.memory_space<semaphore_mem>>)
      %dma_start3A_188 = arith.constant 1 : i32
      %dma_start3A_189 = arith.constant 128 : i32
      %dma_start3A_190 = arith.constant 0 : i32
      %dma_start3A_191 = tpu.memref_slice %arg8[%dma_start3A_189, %dma_start3A_190] : memref<1024x16xf32, #tpu.memory_space<vmem>> -> memref<128x16xf32, #tpu.memory_space<vmem>>
      %dma_start3A_192 = arith.constant 0 : i32
      %dma_start3A_193 = tpu.memref_slice %arg6[%dma_start3A_188, %dma_start3A_192] : memref<8x128xi32, #tpu.memory_space<vmem>> -> memref<1x128xi32, #tpu.memory_space<vmem>>
      %dma_start3A_194 = tpu.memref_squeeze %dma_start3A_193 : memref<1x128xi32, #tpu.memory_space<vmem>> -> memref<128xi32, #tpu.memory_space<vmem>>
      %dma_start3A_195 = arith.constant 0 : i32
      %dma_start3A_196 = arith.constant 0 : i32
      %dma_start3A_197 = tpu.memref_slice %arg2[%arg0, %dma_start3A_195, %dma_start3A_196] : memref<2x102400x16xf32, #tpu.memory_space<hbm>> -> memref<1x102400x16xf32, #tpu.memory_space<hbm>>
      %dma_start3A_198 = tpu.memref_squeeze %dma_start3A_197 : memref<1x102400x16xf32, #tpu.memory_space<hbm>> -> memref<102400x16xf32, #tpu.memory_space<hbm>>
      %dma_start3A_199 = arith.constant 0 : i32
      %dma_start3A_200 = arith.constant 0 : i32
      %dma_start3A_201 = tpu.memref_slice %dma_start3A_198[%dma_start3A_199, %dma_start3A_200] : memref<102400x16xf32, #tpu.memory_space<hbm>> -> memref<102400x16xf32, #tpu.memory_space<hbm>>
      tpu.enqueue_indirect_dma source(%dma_start3A_201 : memref<102400x16xf32, #tpu.memory_space<hbm>>) target(%dma_start3A_191 : memref<128x16xf32, #tpu.memory_space<vmem>>) offsets(%dma_start3A_194 : memref<128xi32, #tpu.memory_space<vmem>>) semaphore(%arg9 : memref<!tpu.dma_semaphore, #tpu.memory_space<semaphore_mem>>)
      %dma_start3A_202 = arith.constant 2 : i32
      %dma_start3A_203 = arith.constant 256 : i32
      %dma_start3A_204 = arith.constant 0 : i32
      %dma_start3A_205 = tpu.memref_slice %arg8[%dma_start3A_203, %dma_start3A_204] : memref<1024x16xf32, #tpu.memory_space<vmem>> -> memref<128x16xf32, #tpu.memory_space<vmem>>
      %dma_start3A_206 = arith.constant 0 : i32
      %dma_start3A_207 = tpu.memref_slice %arg6[%dma_start3A_202, %dma_start3A_206] : memref<8x128xi32, #tpu.memory_space<vmem>> -> memref<1x128xi32, #tpu.memory_space<vmem>>
      %dma_start3A_208 = tpu.memref_squeeze %dma_start3A_207 : memref<1x128xi32, #tpu.memory_space<vmem>> -> memref<128xi32, #tpu.memory_space<vmem>>
      %dma_start3A_209 = arith.constant 0 : i32
      %dma_start3A_210 = arith.constant 0 : i32
      %dma_start3A_211 = tpu.memref_slice %arg2[%arg0, %dma_start3A_209, %dma_start3A_210] : memref<2x102400x16xf32, #tpu.memory_space<hbm>> -> memref<1x102400x16xf32, #tpu.memory_space<hbm>>
      %dma_start3A_212 = tpu.memref_squeeze %dma_start3A_211 : memref<1x102400x16xf32, #tpu.memory_space<hbm>> -> memref<102400x16xf32, #tpu.memory_space<hbm>>
      %dma_start3A_213 = arith.constant 0 : i32
      %dma_start3A_214 = arith.constant 0 : i32
      %dma_start3A_215 = tpu.memref_slice %dma_start3A_212[%dma_start3A_213, %dma_start3A_214] : memref<102400x16xf32, #tpu.memory_space<hbm>> -> memref<102400x16xf32, #tpu.memory_space<hbm>>
      tpu.enqueue_indirect_dma source(%dma_start3A_215 : memref<102400x16xf32, #tpu.memory_space<hbm>>) target(%dma_start3A_205 : memref<128x16xf32, #tpu.memory_space<vmem>>) offsets(%dma_start3A_208 : memref<128xi32, #tpu.memory_space<vmem>>) semaphore(%arg9 : memref<!tpu.dma_semaphore, #tpu.memory_space<semaphore_mem>>)
      %dma_start3A_216 = arith.constant 3 : i32
      %dma_start3A_217 = arith.constant 384 : i32
      %dma_start3A_218 = arith.constant 0 : i32
      %dma_start3A_219 = tpu.memref_slice %arg8[%dma_start3A_217, %dma_start3A_218] : memref<1024x16xf32, #tpu.memory_space<vmem>> -> memref<128x16xf32, #tpu.memory_space<vmem>>
      %dma_start3A_220 = arith.constant 0 : i32
      %dma_start3A_221 = tpu.memref_slice %arg6[%dma_start3A_216, %dma_start3A_220] : memref<8x128xi32, #tpu.memory_space<vmem>> -> memref<1x128xi32, #tpu.memory_space<vmem>>
      %dma_start3A_222 = tpu.memref_squeeze %dma_start3A_221 : memref<1x128xi32, #tpu.memory_space<vmem>> -> memref<128xi32, #tpu.memory_space<vmem>>
      %dma_start3A_223 = arith.constant 0 : i32
      %dma_start3A_224 = arith.constant 0 : i32
      %dma_start3A_225 = tpu.memref_slice %arg2[%arg0, %dma_start3A_223, %dma_start3A_224] : memref<2x102400x16xf32, #tpu.memory_space<hbm>> -> memref<1x102400x16xf32, #tpu.memory_space<hbm>>
      %dma_start3A_226 = tpu.memref_squeeze %dma_start3A_225 : memref<1x102400x16xf32, #tpu.memory_space<hbm>> -> memref<102400x16xf32, #tpu.memory_space<hbm>>
      %dma_start3A_227 = arith.constant 0 : i32
      %dma_start3A_228 = arith.constant 0 : i32
      %dma_start3A_229 = tpu.memref_slice %dma_start3A_226[%dma_start3A_227, %dma_start3A_228] : memref<102400x16xf32, #tpu.memory_space<hbm>> -> memref<102400x16xf32, #tpu.memory_space<hbm>>
      tpu.enqueue_indirect_dma source(%dma_start3A_229 : memref<102400x16xf32, #tpu.memory_space<hbm>>) target(%dma_start3A_219 : memref<128x16xf32, #tpu.memory_space<vmem>>) offsets(%dma_start3A_222 : memref<128xi32, #tpu.memory_space<vmem>>) semaphore(%arg9 : memref<!tpu.dma_semaphore, #tpu.memory_space<semaphore_mem>>)
      %dma_start3A_230 = arith.constant 4 : i32
      %dma_start3A_231 = arith.constant 512 : i32
      %dma_start3A_232 = arith.constant 0 : i32
      %dma_start3A_233 = tpu.memref_slice %arg8[%dma_start3A_231, %dma_start3A_232] : memref<1024x16xf32, #tpu.memory_space<vmem>> -> memref<128x16xf32, #tpu.memory_space<vmem>>
      %dma_start3A_234 = arith.constant 0 : i32
      %dma_start3A_235 = tpu.memref_slice %arg6[%dma_start3A_230, %dma_start3A_234] : memref<8x128xi32, #tpu.memory_space<vmem>> -> memref<1x128xi32, #tpu.memory_space<vmem>>
      %dma_start3A_236 = tpu.memref_squeeze %dma_start3A_235 : memref<1x128xi32, #tpu.memory_space<vmem>> -> memref<128xi32, #tpu.memory_space<vmem>>
      %dma_start3A_237 = arith.constant 0 : i32
      %dma_start3A_238 = arith.constant 0 : i32
      %dma_start3A_239 = tpu.memref_slice %arg2[%arg0, %dma_start3A_237, %dma_start3A_238] : memref<2x102400x16xf32, #tpu.memory_space<hbm>> -> memref<1x102400x16xf32, #tpu.memory_space<hbm>>
      %dma_start3A_240 = tpu.memref_squeeze %dma_start3A_239 : memref<1x102400x16xf32, #tpu.memory_space<hbm>> -> memref<102400x16xf32, #tpu.memory_space<hbm>>
      %dma_start3A_241 = arith.constant 0 : i32
      %dma_start3A_242 = arith.constant 0 : i32
      %dma_start3A_243 = tpu.memref_slice %dma_start3A_240[%dma_start3A_241, %dma_start3A_242] : memref<102400x16xf32, #tpu.memory_space<hbm>> -> memref<102400x16xf32, #tpu.memory_space<hbm>>
      tpu.enqueue_indirect_dma source(%dma_start3A_243 : memref<102400x16xf32, #tpu.memory_space<hbm>>) target(%dma_start3A_233 : memref<128x16xf32, #tpu.memory_space<vmem>>) offsets(%dma_start3A_236 : memref<128xi32, #tpu.memory_space<vmem>>) semaphore(%arg9 : memref<!tpu.dma_semaphore, #tpu.memory_space<semaphore_mem>>)
      %dma_start3A_244 = arith.constant 5 : i32
      %dma_start3A_245 = arith.constant 640 : i32
      %dma_start3A_246 = arith.constant 0 : i32
      %dma_start3A_247 = tpu.memref_slice %arg8[%dma_start3A_245, %dma_start3A_246] : memref<1024x16xf32, #tpu.memory_space<vmem>> -> memref<128x16xf32, #tpu.memory_space<vmem>>
      %dma_start3A_248 = arith.constant 0 : i32
      %dma_start3A_249 = tpu.memref_slice %arg6[%dma_start3A_244, %dma_start3A_248] : memref<8x128xi32, #tpu.memory_space<vmem>> -> memref<1x128xi32, #tpu.memory_space<vmem>>
      %dma_start3A_250 = tpu.memref_squeeze %dma_start3A_249 : memref<1x128xi32, #tpu.memory_space<vmem>> -> memref<128xi32, #tpu.memory_space<vmem>>
      %dma_start3A_251 = arith.constant 0 : i32
      %dma_start3A_252 = arith.constant 0 : i32
      %dma_start3A_253 = tpu.memref_slice %arg2[%arg0, %dma_start3A_251, %dma_start3A_252] : memref<2x102400x16xf32, #tpu.memory_space<hbm>> -> memref<1x102400x16xf32, #tpu.memory_space<hbm>>
      %dma_start3A_254 = tpu.memref_squeeze %dma_start3A_253 : memref<1x102400x16xf32, #tpu.memory_space<hbm>> -> memref<102400x16xf32, #tpu.memory_space<hbm>>
      %dma_start3A_255 = arith.constant 0 : i32
      %dma_start3A_256 = arith.constant 0 : i32
      %dma_start3A_257 = tpu.memref_slice %dma_start3A_254[%dma_start3A_255, %dma_start3A_256] : memref<102400x16xf32, #tpu.memory_space<hbm>> -> memref<102400x16xf32, #tpu.memory_space<hbm>>
      tpu.enqueue_indirect_dma source(%dma_start3A_257 : memref<102400x16xf32, #tpu.memory_space<hbm>>) target(%dma_start3A_247 : memref<128x16xf32, #tpu.memory_space<vmem>>) offsets(%dma_start3A_250 : memref<128xi32, #tpu.memory_space<vmem>>) semaphore(%arg9 : memref<!tpu.dma_semaphore, #tpu.memory_space<semaphore_mem>>)
      %dma_start3A_258 = arith.constant 6 : i32
      %dma_start3A_259 = arith.constant 768 : i32
      %dma_start3A_260 = arith.constant 0 : i32
      %dma_start3A_261 = tpu.memref_slice %arg8[%dma_start3A_259, %dma_start3A_260] : memref<1024x16xf32, #tpu.memory_space<vmem>> -> memref<128x16xf32, #tpu.memory_space<vmem>>
      %dma_start3A_262 = arith.constant 0 : i32
      %dma_start3A_263 = tpu.memref_slice %arg6[%dma_start3A_258, %dma_start3A_262] : memref<8x128xi32, #tpu.memory_space<vmem>> -> memref<1x128xi32, #tpu.memory_space<vmem>>
      %dma_start3A_264 = tpu.memref_squeeze %dma_start3A_263 : memref<1x128xi32, #tpu.memory_space<vmem>> -> memref<128xi32, #tpu.memory_space<vmem>>
      %dma_start3A_265 = arith.constant 0 : i32
      %dma_start3A_266 = arith.constant 0 : i32
      %dma_start3A_267 = tpu.memref_slice %arg2[%arg0, %dma_start3A_265, %dma_start3A_266] : memref<2x102400x16xf32, #tpu.memory_space<hbm>> -> memref<1x102400x16xf32, #tpu.memory_space<hbm>>
      %dma_start3A_268 = tpu.memref_squeeze %dma_start3A_267 : memref<1x102400x16xf32, #tpu.memory_space<hbm>> -> memref<102400x16xf32, #tpu.memory_space<hbm>>
      %dma_start3A_269 = arith.constant 0 : i32
      %dma_start3A_270 = arith.constant 0 : i32
      %dma_start3A_271 = tpu.memref_slice %dma_start3A_268[%dma_start3A_269, %dma_start3A_270] : memref<102400x16xf32, #tpu.memory_space<hbm>> -> memref<102400x16xf32, #tpu.memory_space<hbm>>
      tpu.enqueue_indirect_dma source(%dma_start3A_271 : memref<102400x16xf32, #tpu.memory_space<hbm>>) target(%dma_start3A_261 : memref<128x16xf32, #tpu.memory_space<vmem>>) offsets(%dma_start3A_264 : memref<128xi32, #tpu.memory_space<vmem>>) semaphore(%arg9 : memref<!tpu.dma_semaphore, #tpu.memory_space<semaphore_mem>>)
      %dma_start3A_272 = arith.constant 7 : i32
      %dma_start3A_273 = arith.constant 896 : i32
      %dma_start3A_274 = arith.constant 0 : i32
      %dma_start3A_275 = tpu.memref_slice %arg8[%dma_start3A_273, %dma_start3A_274] : memref<1024x16xf32, #tpu.memory_space<vmem>> -> memref<128x16xf32, #tpu.memory_space<vmem>>
      %dma_start3A_276 = arith.constant 0 : i32
      %dma_start3A_277 = tpu.memref_slice %arg6[%dma_start3A_272, %dma_start3A_276] : memref<8x128xi32, #tpu.memory_space<vmem>> -> memref<1x128xi32, #tpu.memory_space<vmem>>
      %dma_start3A_278 = tpu.memref_squeeze %dma_start3A_277 : memref<1x128xi32, #tpu.memory_space<vmem>> -> memref<128xi32, #tpu.memory_space<vmem>>
      %dma_start3A_279 = arith.constant 0 : i32
      %dma_start3A_280 = arith.constant 0 : i32
      %dma_start3A_281 = tpu.memref_slice %arg2[%arg0, %dma_start3A_279, %dma_start3A_280] : memref<2x102400x16xf32, #tpu.memory_space<hbm>> -> memref<1x102400x16xf32, #tpu.memory_space<hbm>>
      %dma_start3A_282 = tpu.memref_squeeze %dma_start3A_281 : memref<1x102400x16xf32, #tpu.memory_space<hbm>> -> memref<102400x16xf32, #tpu.memory_space<hbm>>
      %dma_start3A_283 = arith.constant 0 : i32
      %dma_start3A_284 = arith.constant 0 : i32
      %dma_start3A_285 = tpu.memref_slice %dma_start3A_282[%dma_start3A_283, %dma_start3A_284] : memref<102400x16xf32, #tpu.memory_space<hbm>> -> memref<102400x16xf32, #tpu.memory_space<hbm>>
      tpu.enqueue_indirect_dma source(%dma_start3A_285 : memref<102400x16xf32, #tpu.memory_space<hbm>>) target(%dma_start3A_275 : memref<128x16xf32, #tpu.memory_space<vmem>>) offsets(%dma_start3A_278 : memref<128xi32, #tpu.memory_space<vmem>>) semaphore(%arg9 : memref<!tpu.dma_semaphore, #tpu.memory_space<semaphore_mem>>)
      %dma_wait3A_286 = arith.constant 0 : i32
      %dma_wait3A_287 = arith.constant 0 : i32
      %dma_wait3A_288 = arith.constant 0 : i32
      %dma_wait3A_289 = tpu.memref_slice %arg8[%dma_wait3A_287, %dma_wait3A_288] : memref<1024x16xf32, #tpu.memory_space<vmem>> -> memref<128x16xf32, #tpu.memory_space<vmem>>
      %dma_wait3A_290 = arith.constant 0 : i32
      %dma_wait3A_291 = tpu.memref_slice %arg6[%dma_wait3A_286, %dma_wait3A_290] : memref<8x128xi32, #tpu.memory_space<vmem>> -> memref<1x128xi32, #tpu.memory_space<vmem>>
      %dma_wait3A_292 = tpu.memref_squeeze %dma_wait3A_291 : memref<1x128xi32, #tpu.memory_space<vmem>> -> memref<128xi32, #tpu.memory_space<vmem>>
      %dma_wait3A_293 = arith.constant 0 : i32
      %dma_wait3A_294 = arith.constant 0 : i32
      %dma_wait3A_295 = tpu.memref_slice %arg2[%arg0, %dma_wait3A_293, %dma_wait3A_294] : memref<2x102400x16xf32, #tpu.memory_space<hbm>> -> memref<1x102400x16xf32, #tpu.memory_space<hbm>>
      %dma_wait3A_296 = tpu.memref_squeeze %dma_wait3A_295 : memref<1x102400x16xf32, #tpu.memory_space<hbm>> -> memref<102400x16xf32, #tpu.memory_space<hbm>>
      %dma_wait3A_297 = arith.constant 0 : i32
      %dma_wait3A_298 = arith.constant 0 : i32
      %dma_wait3A_299 = tpu.memref_slice %dma_wait3A_296[%dma_wait3A_297, %dma_wait3A_298] : memref<102400x16xf32, #tpu.memory_space<hbm>> -> memref<102400x16xf32, #tpu.memory_space<hbm>>
      tpu.wait_indirect_dma semaphore(%arg9 : memref<!tpu.dma_semaphore, #tpu.memory_space<semaphore_mem>>) src(%dma_wait3A_299 : memref<102400x16xf32, #tpu.memory_space<hbm>>) dst(%dma_wait3A_289 : memref<128x16xf32, #tpu.memory_space<vmem>>)
      %dma_wait3A_300 = arith.constant 1 : i32
      %dma_wait3A_301 = arith.constant 128 : i32
      %dma_wait3A_302 = arith.constant 0 : i32
      %dma_wait3A_303 = tpu.memref_slice %arg8[%dma_wait3A_301, %dma_wait3A_302] : memref<1024x16xf32, #tpu.memory_space<vmem>> -> memref<128x16xf32, #tpu.memory_space<vmem>>
      %dma_wait3A_304 = arith.constant 0 : i32
      %dma_wait3A_305 = tpu.memref_slice %arg6[%dma_wait3A_300, %dma_wait3A_304] : memref<8x128xi32, #tpu.memory_space<vmem>> -> memref<1x128xi32, #tpu.memory_space<vmem>>
      %dma_wait3A_306 = tpu.memref_squeeze %dma_wait3A_305 : memref<1x128xi32, #tpu.memory_space<vmem>> -> memref<128xi32, #tpu.memory_space<vmem>>
      %dma_wait3A_307 = arith.constant 0 : i32
      %dma_wait3A_308 = arith.constant 0 : i32
      %dma_wait3A_309 = tpu.memref_slice %arg2[%arg0, %dma_wait3A_307, %dma_wait3A_308] : memref<2x102400x16xf32, #tpu.memory_space<hbm>> -> memref<1x102400x16xf32, #tpu.memory_space<hbm>>
      %dma_wait3A_310 = tpu.memref_squeeze %dma_wait3A_309 : memref<1x102400x16xf32, #tpu.memory_space<hbm>> -> memref<102400x16xf32, #tpu.memory_space<hbm>>
      %dma_wait3A_311 = arith.constant 0 : i32
      %dma_wait3A_312 = arith.constant 0 : i32
      %dma_wait3A_313 = tpu.memref_slice %dma_wait3A_310[%dma_wait3A_311, %dma_wait3A_312] : memref<102400x16xf32, #tpu.memory_space<hbm>> -> memref<102400x16xf32, #tpu.memory_space<hbm>>
      tpu.wait_indirect_dma semaphore(%arg9 : memref<!tpu.dma_semaphore, #tpu.memory_space<semaphore_mem>>) src(%dma_wait3A_313 : memref<102400x16xf32, #tpu.memory_space<hbm>>) dst(%dma_wait3A_303 : memref<128x16xf32, #tpu.memory_space<vmem>>)
      %dma_wait3A_314 = arith.constant 2 : i32
      %dma_wait3A_315 = arith.constant 256 : i32
      %dma_wait3A_316 = arith.constant 0 : i32
      %dma_wait3A_317 = tpu.memref_slice %arg8[%dma_wait3A_315, %dma_wait3A_316] : memref<1024x16xf32, #tpu.memory_space<vmem>> -> memref<128x16xf32, #tpu.memory_space<vmem>>
      %dma_wait3A_318 = arith.constant 0 : i32
      %dma_wait3A_319 = tpu.memref_slice %arg6[%dma_wait3A_314, %dma_wait3A_318] : memref<8x128xi32, #tpu.memory_space<vmem>> -> memref<1x128xi32, #tpu.memory_space<vmem>>
      %dma_wait3A_320 = tpu.memref_squeeze %dma_wait3A_319 : memref<1x128xi32, #tpu.memory_space<vmem>> -> memref<128xi32, #tpu.memory_space<vmem>>
      %dma_wait3A_321 = arith.constant 0 : i32
      %dma_wait3A_322 = arith.constant 0 : i32
      %dma_wait3A_323 = tpu.memref_slice %arg2[%arg0, %dma_wait3A_321, %dma_wait3A_322] : memref<2x102400x16xf32, #tpu.memory_space<hbm>> -> memref<1x102400x16xf32, #tpu.memory_space<hbm>>
      %dma_wait3A_324 = tpu.memref_squeeze %dma_wait3A_323 : memref<1x102400x16xf32, #tpu.memory_space<hbm>> -> memref<102400x16xf32, #tpu.memory_space<hbm>>
      %dma_wait3A_325 = arith.constant 0 : i32
      %dma_wait3A_326 = arith.constant 0 : i32
      %dma_wait3A_327 = tpu.memref_slice %dma_wait3A_324[%dma_wait3A_325, %dma_wait3A_326] : memref<102400x16xf32, #tpu.memory_space<hbm>> -> memref<102400x16xf32, #tpu.memory_space<hbm>>
      tpu.wait_indirect_dma semaphore(%arg9 : memref<!tpu.dma_semaphore, #tpu.memory_space<semaphore_mem>>) src(%dma_wait3A_327 : memref<102400x16xf32, #tpu.memory_space<hbm>>) dst(%dma_wait3A_317 : memref<128x16xf32, #tpu.memory_space<vmem>>)
      %dma_wait3A_328 = arith.constant 3 : i32
      %dma_wait3A_329 = arith.constant 384 : i32
      %dma_wait3A_330 = arith.constant 0 : i32
      %dma_wait3A_331 = tpu.memref_slice %arg8[%dma_wait3A_329, %dma_wait3A_330] : memref<1024x16xf32, #tpu.memory_space<vmem>> -> memref<128x16xf32, #tpu.memory_space<vmem>>
      %dma_wait3A_332 = arith.constant 0 : i32
      %dma_wait3A_333 = tpu.memref_slice %arg6[%dma_wait3A_328, %dma_wait3A_332] : memref<8x128xi32, #tpu.memory_space<vmem>> -> memref<1x128xi32, #tpu.memory_space<vmem>>
      %dma_wait3A_334 = tpu.memref_squeeze %dma_wait3A_333 : memref<1x128xi32, #tpu.memory_space<vmem>> -> memref<128xi32, #tpu.memory_space<vmem>>
      %dma_wait3A_335 = arith.constant 0 : i32
      %dma_wait3A_336 = arith.constant 0 : i32
      %dma_wait3A_337 = tpu.memref_slice %arg2[%arg0, %dma_wait3A_335, %dma_wait3A_336] : memref<2x102400x16xf32, #tpu.memory_space<hbm>> -> memref<1x102400x16xf32, #tpu.memory_space<hbm>>
      %dma_wait3A_338 = tpu.memref_squeeze %dma_wait3A_337 : memref<1x102400x16xf32, #tpu.memory_space<hbm>> -> memref<102400x16xf32, #tpu.memory_space<hbm>>
      %dma_wait3A_339 = arith.constant 0 : i32
      %dma_wait3A_340 = arith.constant 0 : i32
      %dma_wait3A_341 = tpu.memref_slice %dma_wait3A_338[%dma_wait3A_339, %dma_wait3A_340] : memref<102400x16xf32, #tpu.memory_space<hbm>> -> memref<102400x16xf32, #tpu.memory_space<hbm>>
      tpu.wait_indirect_dma semaphore(%arg9 : memref<!tpu.dma_semaphore, #tpu.memory_space<semaphore_mem>>) src(%dma_wait3A_341 : memref<102400x16xf32, #tpu.memory_space<hbm>>) dst(%dma_wait3A_331 : memref<128x16xf32, #tpu.memory_space<vmem>>)
      %dma_wait3A_342 = arith.constant 4 : i32
      %dma_wait3A_343 = arith.constant 512 : i32
      %dma_wait3A_344 = arith.constant 0 : i32
      %dma_wait3A_345 = tpu.memref_slice %arg8[%dma_wait3A_343, %dma_wait3A_344] : memref<1024x16xf32, #tpu.memory_space<vmem>> -> memref<128x16xf32, #tpu.memory_space<vmem>>
      %dma_wait3A_346 = arith.constant 0 : i32
      %dma_wait3A_347 = tpu.memref_slice %arg6[%dma_wait3A_342, %dma_wait3A_346] : memref<8x128xi32, #tpu.memory_space<vmem>> -> memref<1x128xi32, #tpu.memory_space<vmem>>
      %dma_wait3A_348 = tpu.memref_squeeze %dma_wait3A_347 : memref<1x128xi32, #tpu.memory_space<vmem>> -> memref<128xi32, #tpu.memory_space<vmem>>
      %dma_wait3A_349 = arith.constant 0 : i32
      %dma_wait3A_350 = arith.constant 0 : i32
      %dma_wait3A_351 = tpu.memref_slice %arg2[%arg0, %dma_wait3A_349, %dma_wait3A_350] : memref<2x102400x16xf32, #tpu.memory_space<hbm>> -> memref<1x102400x16xf32, #tpu.memory_space<hbm>>
      %dma_wait3A_352 = tpu.memref_squeeze %dma_wait3A_351 : memref<1x102400x16xf32, #tpu.memory_space<hbm>> -> memref<102400x16xf32, #tpu.memory_space<hbm>>
      %dma_wait3A_353 = arith.constant 0 : i32
      %dma_wait3A_354 = arith.constant 0 : i32
      %dma_wait3A_355 = tpu.memref_slice %dma_wait3A_352[%dma_wait3A_353, %dma_wait3A_354] : memref<102400x16xf32, #tpu.memory_space<hbm>> -> memref<102400x16xf32, #tpu.memory_space<hbm>>
      tpu.wait_indirect_dma semaphore(%arg9 : memref<!tpu.dma_semaphore, #tpu.memory_space<semaphore_mem>>) src(%dma_wait3A_355 : memref<102400x16xf32, #tpu.memory_space<hbm>>) dst(%dma_wait3A_345 : memref<128x16xf32, #tpu.memory_space<vmem>>)
      %dma_wait3A_356 = arith.constant 5 : i32
      %dma_wait3A_357 = arith.constant 640 : i32
      %dma_wait3A_358 = arith.constant 0 : i32
      %dma_wait3A_359 = tpu.memref_slice %arg8[%dma_wait3A_357, %dma_wait3A_358] : memref<1024x16xf32, #tpu.memory_space<vmem>> -> memref<128x16xf32, #tpu.memory_space<vmem>>
      %dma_wait3A_360 = arith.constant 0 : i32
      %dma_wait3A_361 = tpu.memref_slice %arg6[%dma_wait3A_356, %dma_wait3A_360] : memref<8x128xi32, #tpu.memory_space<vmem>> -> memref<1x128xi32, #tpu.memory_space<vmem>>
      %dma_wait3A_362 = tpu.memref_squeeze %dma_wait3A_361 : memref<1x128xi32, #tpu.memory_space<vmem>> -> memref<128xi32, #tpu.memory_space<vmem>>
      %dma_wait3A_363 = arith.constant 0 : i32
      %dma_wait3A_364 = arith.constant 0 : i32
      %dma_wait3A_365 = tpu.memref_slice %arg2[%arg0, %dma_wait3A_363, %dma_wait3A_364] : memref<2x102400x16xf32, #tpu.memory_space<hbm>> -> memref<1x102400x16xf32, #tpu.memory_space<hbm>>
      %dma_wait3A_366 = tpu.memref_squeeze %dma_wait3A_365 : memref<1x102400x16xf32, #tpu.memory_space<hbm>> -> memref<102400x16xf32, #tpu.memory_space<hbm>>
      %dma_wait3A_367 = arith.constant 0 : i32
      %dma_wait3A_368 = arith.constant 0 : i32
      %dma_wait3A_369 = tpu.memref_slice %dma_wait3A_366[%dma_wait3A_367, %dma_wait3A_368] : memref<102400x16xf32, #tpu.memory_space<hbm>> -> memref<102400x16xf32, #tpu.memory_space<hbm>>
      tpu.wait_indirect_dma semaphore(%arg9 : memref<!tpu.dma_semaphore, #tpu.memory_space<semaphore_mem>>) src(%dma_wait3A_369 : memref<102400x16xf32, #tpu.memory_space<hbm>>) dst(%dma_wait3A_359 : memref<128x16xf32, #tpu.memory_space<vmem>>)
      %dma_wait3A_370 = arith.constant 6 : i32
      %dma_wait3A_371 = arith.constant 768 : i32
      %dma_wait3A_372 = arith.constant 0 : i32
      %dma_wait3A_373 = tpu.memref_slice %arg8[%dma_wait3A_371, %dma_wait3A_372] : memref<1024x16xf32, #tpu.memory_space<vmem>> -> memref<128x16xf32, #tpu.memory_space<vmem>>
      %dma_wait3A_374 = arith.constant 0 : i32
      %dma_wait3A_375 = tpu.memref_slice %arg6[%dma_wait3A_370, %dma_wait3A_374] : memref<8x128xi32, #tpu.memory_space<vmem>> -> memref<1x128xi32, #tpu.memory_space<vmem>>
      %dma_wait3A_376 = tpu.memref_squeeze %dma_wait3A_375 : memref<1x128xi32, #tpu.memory_space<vmem>> -> memref<128xi32, #tpu.memory_space<vmem>>
      %dma_wait3A_377 = arith.constant 0 : i32
      %dma_wait3A_378 = arith.constant 0 : i32
      %dma_wait3A_379 = tpu.memref_slice %arg2[%arg0, %dma_wait3A_377, %dma_wait3A_378] : memref<2x102400x16xf32, #tpu.memory_space<hbm>> -> memref<1x102400x16xf32, #tpu.memory_space<hbm>>
      %dma_wait3A_380 = tpu.memref_squeeze %dma_wait3A_379 : memref<1x102400x16xf32, #tpu.memory_space<hbm>> -> memref<102400x16xf32, #tpu.memory_space<hbm>>
      %dma_wait3A_381 = arith.constant 0 : i32
      %dma_wait3A_382 = arith.constant 0 : i32
      %dma_wait3A_383 = tpu.memref_slice %dma_wait3A_380[%dma_wait3A_381, %dma_wait3A_382] : memref<102400x16xf32, #tpu.memory_space<hbm>> -> memref<102400x16xf32, #tpu.memory_space<hbm>>
      tpu.wait_indirect_dma semaphore(%arg9 : memref<!tpu.dma_semaphore, #tpu.memory_space<semaphore_mem>>) src(%dma_wait3A_383 : memref<102400x16xf32, #tpu.memory_space<hbm>>) dst(%dma_wait3A_373 : memref<128x16xf32, #tpu.memory_space<vmem>>)
      %dma_wait3A_384 = arith.constant 7 : i32
      %dma_wait3A_385 = arith.constant 896 : i32
      %dma_wait3A_386 = arith.constant 0 : i32
      %dma_wait3A_387 = tpu.memref_slice %arg8[%dma_wait3A_385, %dma_wait3A_386] : memref<1024x16xf32, #tpu.memory_space<vmem>> -> memref<128x16xf32, #tpu.memory_space<vmem>>
      %dma_wait3A_388 = arith.constant 0 : i32
      %dma_wait3A_389 = tpu.memref_slice %arg6[%dma_wait3A_384, %dma_wait3A_388] : memref<8x128xi32, #tpu.memory_space<vmem>> -> memref<1x128xi32, #tpu.memory_space<vmem>>
      %dma_wait3A_390 = tpu.memref_squeeze %dma_wait3A_389 : memref<1x128xi32, #tpu.memory_space<vmem>> -> memref<128xi32, #tpu.memory_space<vmem>>
      %dma_wait3A_391 = arith.constant 0 : i32
      %dma_wait3A_392 = arith.constant 0 : i32
      %dma_wait3A_393 = tpu.memref_slice %arg2[%arg0, %dma_wait3A_391, %dma_wait3A_392] : memref<2x102400x16xf32, #tpu.memory_space<hbm>> -> memref<1x102400x16xf32, #tpu.memory_space<hbm>>
      %dma_wait3A_394 = tpu.memref_squeeze %dma_wait3A_393 : memref<1x102400x16xf32, #tpu.memory_space<hbm>> -> memref<102400x16xf32, #tpu.memory_space<hbm>>
      %dma_wait3A_395 = arith.constant 0 : i32
      %dma_wait3A_396 = arith.constant 0 : i32
      %dma_wait3A_397 = tpu.memref_slice %dma_wait3A_394[%dma_wait3A_395, %dma_wait3A_396] : memref<102400x16xf32, #tpu.memory_space<hbm>> -> memref<102400x16xf32, #tpu.memory_space<hbm>>
      tpu.wait_indirect_dma semaphore(%arg9 : memref<!tpu.dma_semaphore, #tpu.memory_space<semaphore_mem>>) src(%dma_wait3A_397 : memref<102400x16xf32, #tpu.memory_space<hbm>>) dst(%dma_wait3A_387 : memref<128x16xf32, #tpu.memory_space<vmem>>)
      %run_scoped3A_398 = arith.constant 0 : i32
      "tpu.region"() ({
        %run_scoped3A_406 = tpu.sem_alloc : memref<!tpu.dma_semaphore, #tpu.memory_space<semaphore_mem>>
        %dma_start3A_407 = arith.constant 0 : i32
        %dma_start3A_408 = arith.constant 0 : i32
        %dma_start3A_409 = tpu.memref_slice %arg8[%dma_start3A_407, %dma_start3A_408] : memref<1024x16xf32, #tpu.memory_space<vmem>> -> memref<128x16xf32, #tpu.memory_space<vmem>>
        %dma_start3A_410 = arith.constant 0 : i32
        %dma_start3A_411 = tpu.memref_slice %arg7[%run_scoped3A_398, %dma_start3A_410] : memref<8x128xi32, #tpu.memory_space<vmem>> -> memref<1x128xi32, #tpu.memory_space<vmem>>
        %dma_start3A_412 = tpu.memref_squeeze %dma_start3A_411 : memref<1x128xi32, #tpu.memory_space<vmem>> -> memref<128xi32, #tpu.memory_space<vmem>>
        %dma_start3A_413 = arith.constant 0 : i32
        %dma_start3A_414 = arith.constant 0 : i32
        %dma_start3A_415 = tpu.memref_slice %arg10[%dma_start3A_413, %dma_start3A_414] : memref<100096x16xf32, #tpu.memory_space<vmem_shared>> -> memref<100096x16xf32, #tpu.memory_space<vmem_shared>>
        tpu.enqueue_indirect_dma source(%dma_start3A_409 : memref<128x16xf32, #tpu.memory_space<vmem>>) target(%dma_start3A_415 : memref<100096x16xf32, #tpu.memory_space<vmem_shared>>) offsets(%dma_start3A_412 : memref<128xi32, #tpu.memory_space<vmem>>) semaphore(%run_scoped3A_406 : memref<!tpu.dma_semaphore, #tpu.memory_space<semaphore_mem>>) {add = true}
        %dma_wait3A_416 = arith.constant 0 : i32
        %dma_wait3A_417 = arith.constant 0 : i32
        %dma_wait3A_418 = tpu.memref_slice %arg8[%dma_wait3A_416, %dma_wait3A_417] : memref<1024x16xf32, #tpu.memory_space<vmem>> -> memref<128x16xf32, #tpu.memory_space<vmem>>
        %dma_wait3A_419 = arith.constant 0 : i32
        %dma_wait3A_420 = tpu.memref_slice %arg7[%run_scoped3A_398, %dma_wait3A_419] : memref<8x128xi32, #tpu.memory_space<vmem>> -> memref<1x128xi32, #tpu.memory_space<vmem>>
        %dma_wait3A_421 = tpu.memref_squeeze %dma_wait3A_420 : memref<1x128xi32, #tpu.memory_space<vmem>> -> memref<128xi32, #tpu.memory_space<vmem>>
        %dma_wait3A_422 = arith.constant 0 : i32
        %dma_wait3A_423 = arith.constant 0 : i32
        %dma_wait3A_424 = tpu.memref_slice %arg10[%dma_wait3A_422, %dma_wait3A_423] : memref<100096x16xf32, #tpu.memory_space<vmem_shared>> -> memref<100096x16xf32, #tpu.memory_space<vmem_shared>>
        tpu.wait_indirect_dma semaphore(%run_scoped3A_406 : memref<!tpu.dma_semaphore, #tpu.memory_space<semaphore_mem>>) src(%dma_wait3A_418 : memref<128x16xf32, #tpu.memory_space<vmem>>) dst(%dma_wait3A_424 : memref<100096x16xf32, #tpu.memory_space<vmem_shared>>)
        tpu.yield
      }) : () -> ()
      %run_scoped3A_399 = arith.constant 1 : i32
      "tpu.region"() ({
        %run_scoped3A_406 = tpu.sem_alloc : memref<!tpu.dma_semaphore, #tpu.memory_space<semaphore_mem>>
        %dma_start3A_407 = arith.constant 128 : i32
        %dma_start3A_408 = arith.constant 0 : i32
        %dma_start3A_409 = tpu.memref_slice %arg8[%dma_start3A_407, %dma_start3A_408] : memref<1024x16xf32, #tpu.memory_space<vmem>> -> memref<128x16xf32, #tpu.memory_space<vmem>>
        %dma_start3A_410 = arith.constant 0 : i32
        %dma_start3A_411 = tpu.memref_slice %arg7[%run_scoped3A_399, %dma_start3A_410] : memref<8x128xi32, #tpu.memory_space<vmem>> -> memref<1x128xi32, #tpu.memory_space<vmem>>
        %dma_start3A_412 = tpu.memref_squeeze %dma_start3A_411 : memref<1x128xi32, #tpu.memory_space<vmem>> -> memref<128xi32, #tpu.memory_space<vmem>>
        %dma_start3A_413 = arith.constant 0 : i32
        %dma_start3A_414 = arith.constant 0 : i32
        %dma_start3A_415 = tpu.memref_slice %arg10[%dma_start3A_413, %dma_start3A_414] : memref<100096x16xf32, #tpu.memory_space<vmem_shared>> -> memref<100096x16xf32, #tpu.memory_space<vmem_shared>>
        tpu.enqueue_indirect_dma source(%dma_start3A_409 : memref<128x16xf32, #tpu.memory_space<vmem>>) target(%dma_start3A_415 : memref<100096x16xf32, #tpu.memory_space<vmem_shared>>) offsets(%dma_start3A_412 : memref<128xi32, #tpu.memory_space<vmem>>) semaphore(%run_scoped3A_406 : memref<!tpu.dma_semaphore, #tpu.memory_space<semaphore_mem>>) {add = true}
        %dma_wait3A_416 = arith.constant 128 : i32
        %dma_wait3A_417 = arith.constant 0 : i32
        %dma_wait3A_418 = tpu.memref_slice %arg8[%dma_wait3A_416, %dma_wait3A_417] : memref<1024x16xf32, #tpu.memory_space<vmem>> -> memref<128x16xf32, #tpu.memory_space<vmem>>
        %dma_wait3A_419 = arith.constant 0 : i32
        %dma_wait3A_420 = tpu.memref_slice %arg7[%run_scoped3A_399, %dma_wait3A_419] : memref<8x128xi32, #tpu.memory_space<vmem>> -> memref<1x128xi32, #tpu.memory_space<vmem>>
        %dma_wait3A_421 = tpu.memref_squeeze %dma_wait3A_420 : memref<1x128xi32, #tpu.memory_space<vmem>> -> memref<128xi32, #tpu.memory_space<vmem>>
        %dma_wait3A_422 = arith.constant 0 : i32
        %dma_wait3A_423 = arith.constant 0 : i32
        %dma_wait3A_424 = tpu.memref_slice %arg10[%dma_wait3A_422, %dma_wait3A_423] : memref<100096x16xf32, #tpu.memory_space<vmem_shared>> -> memref<100096x16xf32, #tpu.memory_space<vmem_shared>>
        tpu.wait_indirect_dma semaphore(%run_scoped3A_406 : memref<!tpu.dma_semaphore, #tpu.memory_space<semaphore_mem>>) src(%dma_wait3A_418 : memref<128x16xf32, #tpu.memory_space<vmem>>) dst(%dma_wait3A_424 : memref<100096x16xf32, #tpu.memory_space<vmem_shared>>)
        tpu.yield
      }) : () -> ()
      %run_scoped3A_400 = arith.constant 2 : i32
      "tpu.region"() ({
        %run_scoped3A_406 = tpu.sem_alloc : memref<!tpu.dma_semaphore, #tpu.memory_space<semaphore_mem>>
        %dma_start3A_407 = arith.constant 256 : i32
        %dma_start3A_408 = arith.constant 0 : i32
        %dma_start3A_409 = tpu.memref_slice %arg8[%dma_start3A_407, %dma_start3A_408] : memref<1024x16xf32, #tpu.memory_space<vmem>> -> memref<128x16xf32, #tpu.memory_space<vmem>>
        %dma_start3A_410 = arith.constant 0 : i32
        %dma_start3A_411 = tpu.memref_slice %arg7[%run_scoped3A_400, %dma_start3A_410] : memref<8x128xi32, #tpu.memory_space<vmem>> -> memref<1x128xi32, #tpu.memory_space<vmem>>
        %dma_start3A_412 = tpu.memref_squeeze %dma_start3A_411 : memref<1x128xi32, #tpu.memory_space<vmem>> -> memref<128xi32, #tpu.memory_space<vmem>>
        %dma_start3A_413 = arith.constant 0 : i32
        %dma_start3A_414 = arith.constant 0 : i32
        %dma_start3A_415 = tpu.memref_slice %arg10[%dma_start3A_413, %dma_start3A_414] : memref<100096x16xf32, #tpu.memory_space<vmem_shared>> -> memref<100096x16xf32, #tpu.memory_space<vmem_shared>>
        tpu.enqueue_indirect_dma source(%dma_start3A_409 : memref<128x16xf32, #tpu.memory_space<vmem>>) target(%dma_start3A_415 : memref<100096x16xf32, #tpu.memory_space<vmem_shared>>) offsets(%dma_start3A_412 : memref<128xi32, #tpu.memory_space<vmem>>) semaphore(%run_scoped3A_406 : memref<!tpu.dma_semaphore, #tpu.memory_space<semaphore_mem>>) {add = true}
        %dma_wait3A_416 = arith.constant 256 : i32
        %dma_wait3A_417 = arith.constant 0 : i32
        %dma_wait3A_418 = tpu.memref_slice %arg8[%dma_wait3A_416, %dma_wait3A_417] : memref<1024x16xf32, #tpu.memory_space<vmem>> -> memref<128x16xf32, #tpu.memory_space<vmem>>
        %dma_wait3A_419 = arith.constant 0 : i32
        %dma_wait3A_420 = tpu.memref_slice %arg7[%run_scoped3A_400, %dma_wait3A_419] : memref<8x128xi32, #tpu.memory_space<vmem>> -> memref<1x128xi32, #tpu.memory_space<vmem>>
        %dma_wait3A_421 = tpu.memref_squeeze %dma_wait3A_420 : memref<1x128xi32, #tpu.memory_space<vmem>> -> memref<128xi32, #tpu.memory_space<vmem>>
        %dma_wait3A_422 = arith.constant 0 : i32
        %dma_wait3A_423 = arith.constant 0 : i32
        %dma_wait3A_424 = tpu.memref_slice %arg10[%dma_wait3A_422, %dma_wait3A_423] : memref<100096x16xf32, #tpu.memory_space<vmem_shared>> -> memref<100096x16xf32, #tpu.memory_space<vmem_shared>>
        tpu.wait_indirect_dma semaphore(%run_scoped3A_406 : memref<!tpu.dma_semaphore, #tpu.memory_space<semaphore_mem>>) src(%dma_wait3A_418 : memref<128x16xf32, #tpu.memory_space<vmem>>) dst(%dma_wait3A_424 : memref<100096x16xf32, #tpu.memory_space<vmem_shared>>)
        tpu.yield
      }) : () -> ()
      %run_scoped3A_401 = arith.constant 3 : i32
      "tpu.region"() ({
        %run_scoped3A_406 = tpu.sem_alloc : memref<!tpu.dma_semaphore, #tpu.memory_space<semaphore_mem>>
        %dma_start3A_407 = arith.constant 384 : i32
        %dma_start3A_408 = arith.constant 0 : i32
        %dma_start3A_409 = tpu.memref_slice %arg8[%dma_start3A_407, %dma_start3A_408] : memref<1024x16xf32, #tpu.memory_space<vmem>> -> memref<128x16xf32, #tpu.memory_space<vmem>>
        %dma_start3A_410 = arith.constant 0 : i32
        %dma_start3A_411 = tpu.memref_slice %arg7[%run_scoped3A_401, %dma_start3A_410] : memref<8x128xi32, #tpu.memory_space<vmem>> -> memref<1x128xi32, #tpu.memory_space<vmem>>
        %dma_start3A_412 = tpu.memref_squeeze %dma_start3A_411 : memref<1x128xi32, #tpu.memory_space<vmem>> -> memref<128xi32, #tpu.memory_space<vmem>>
        %dma_start3A_413 = arith.constant 0 : i32
        %dma_start3A_414 = arith.constant 0 : i32
        %dma_start3A_415 = tpu.memref_slice %arg10[%dma_start3A_413, %dma_start3A_414] : memref<100096x16xf32, #tpu.memory_space<vmem_shared>> -> memref<100096x16xf32, #tpu.memory_space<vmem_shared>>
        tpu.enqueue_indirect_dma source(%dma_start3A_409 : memref<128x16xf32, #tpu.memory_space<vmem>>) target(%dma_start3A_415 : memref<100096x16xf32, #tpu.memory_space<vmem_shared>>) offsets(%dma_start3A_412 : memref<128xi32, #tpu.memory_space<vmem>>) semaphore(%run_scoped3A_406 : memref<!tpu.dma_semaphore, #tpu.memory_space<semaphore_mem>>) {add = true}
        %dma_wait3A_416 = arith.constant 384 : i32
        %dma_wait3A_417 = arith.constant 0 : i32
        %dma_wait3A_418 = tpu.memref_slice %arg8[%dma_wait3A_416, %dma_wait3A_417] : memref<1024x16xf32, #tpu.memory_space<vmem>> -> memref<128x16xf32, #tpu.memory_space<vmem>>
        %dma_wait3A_419 = arith.constant 0 : i32
        %dma_wait3A_420 = tpu.memref_slice %arg7[%run_scoped3A_401, %dma_wait3A_419] : memref<8x128xi32, #tpu.memory_space<vmem>> -> memref<1x128xi32, #tpu.memory_space<vmem>>
        %dma_wait3A_421 = tpu.memref_squeeze %dma_wait3A_420 : memref<1x128xi32, #tpu.memory_space<vmem>> -> memref<128xi32, #tpu.memory_space<vmem>>
        %dma_wait3A_422 = arith.constant 0 : i32
        %dma_wait3A_423 = arith.constant 0 : i32
        %dma_wait3A_424 = tpu.memref_slice %arg10[%dma_wait3A_422, %dma_wait3A_423] : memref<100096x16xf32, #tpu.memory_space<vmem_shared>> -> memref<100096x16xf32, #tpu.memory_space<vmem_shared>>
        tpu.wait_indirect_dma semaphore(%run_scoped3A_406 : memref<!tpu.dma_semaphore, #tpu.memory_space<semaphore_mem>>) src(%dma_wait3A_418 : memref<128x16xf32, #tpu.memory_space<vmem>>) dst(%dma_wait3A_424 : memref<100096x16xf32, #tpu.memory_space<vmem_shared>>)
        tpu.yield
      }) : () -> ()
      %run_scoped3A_402 = arith.constant 4 : i32
      "tpu.region"() ({
        %run_scoped3A_406 = tpu.sem_alloc : memref<!tpu.dma_semaphore, #tpu.memory_space<semaphore_mem>>
        %dma_start3A_407 = arith.constant 512 : i32
        %dma_start3A_408 = arith.constant 0 : i32
        %dma_start3A_409 = tpu.memref_slice %arg8[%dma_start3A_407, %dma_start3A_408] : memref<1024x16xf32, #tpu.memory_space<vmem>> -> memref<128x16xf32, #tpu.memory_space<vmem>>
        %dma_start3A_410 = arith.constant 0 : i32
        %dma_start3A_411 = tpu.memref_slice %arg7[%run_scoped3A_402, %dma_start3A_410] : memref<8x128xi32, #tpu.memory_space<vmem>> -> memref<1x128xi32, #tpu.memory_space<vmem>>
        %dma_start3A_412 = tpu.memref_squeeze %dma_start3A_411 : memref<1x128xi32, #tpu.memory_space<vmem>> -> memref<128xi32, #tpu.memory_space<vmem>>
        %dma_start3A_413 = arith.constant 0 : i32
        %dma_start3A_414 = arith.constant 0 : i32
        %dma_start3A_415 = tpu.memref_slice %arg10[%dma_start3A_413, %dma_start3A_414] : memref<100096x16xf32, #tpu.memory_space<vmem_shared>> -> memref<100096x16xf32, #tpu.memory_space<vmem_shared>>
        tpu.enqueue_indirect_dma source(%dma_start3A_409 : memref<128x16xf32, #tpu.memory_space<vmem>>) target(%dma_start3A_415 : memref<100096x16xf32, #tpu.memory_space<vmem_shared>>) offsets(%dma_start3A_412 : memref<128xi32, #tpu.memory_space<vmem>>) semaphore(%run_scoped3A_406 : memref<!tpu.dma_semaphore, #tpu.memory_space<semaphore_mem>>) {add = true}
        %dma_wait3A_416 = arith.constant 512 : i32
        %dma_wait3A_417 = arith.constant 0 : i32
        %dma_wait3A_418 = tpu.memref_slice %arg8[%dma_wait3A_416, %dma_wait3A_417] : memref<1024x16xf32, #tpu.memory_space<vmem>> -> memref<128x16xf32, #tpu.memory_space<vmem>>
        %dma_wait3A_419 = arith.constant 0 : i32
        %dma_wait3A_420 = tpu.memref_slice %arg7[%run_scoped3A_402, %dma_wait3A_419] : memref<8x128xi32, #tpu.memory_space<vmem>> -> memref<1x128xi32, #tpu.memory_space<vmem>>
        %dma_wait3A_421 = tpu.memref_squeeze %dma_wait3A_420 : memref<1x128xi32, #tpu.memory_space<vmem>> -> memref<128xi32, #tpu.memory_space<vmem>>
        %dma_wait3A_422 = arith.constant 0 : i32
        %dma_wait3A_423 = arith.constant 0 : i32
        %dma_wait3A_424 = tpu.memref_slice %arg10[%dma_wait3A_422, %dma_wait3A_423] : memref<100096x16xf32, #tpu.memory_space<vmem_shared>> -> memref<100096x16xf32, #tpu.memory_space<vmem_shared>>
        tpu.wait_indirect_dma semaphore(%run_scoped3A_406 : memref<!tpu.dma_semaphore, #tpu.memory_space<semaphore_mem>>) src(%dma_wait3A_418 : memref<128x16xf32, #tpu.memory_space<vmem>>) dst(%dma_wait3A_424 : memref<100096x16xf32, #tpu.memory_space<vmem_shared>>)
        tpu.yield
      }) : () -> ()
      %run_scoped3A_403 = arith.constant 5 : i32
      "tpu.region"() ({
        %run_scoped3A_406 = tpu.sem_alloc : memref<!tpu.dma_semaphore, #tpu.memory_space<semaphore_mem>>
        %dma_start3A_407 = arith.constant 640 : i32
        %dma_start3A_408 = arith.constant 0 : i32
        %dma_start3A_409 = tpu.memref_slice %arg8[%dma_start3A_407, %dma_start3A_408] : memref<1024x16xf32, #tpu.memory_space<vmem>> -> memref<128x16xf32, #tpu.memory_space<vmem>>
        %dma_start3A_410 = arith.constant 0 : i32
        %dma_start3A_411 = tpu.memref_slice %arg7[%run_scoped3A_403, %dma_start3A_410] : memref<8x128xi32, #tpu.memory_space<vmem>> -> memref<1x128xi32, #tpu.memory_space<vmem>>
        %dma_start3A_412 = tpu.memref_squeeze %dma_start3A_411 : memref<1x128xi32, #tpu.memory_space<vmem>> -> memref<128xi32, #tpu.memory_space<vmem>>
        %dma_start3A_413 = arith.constant 0 : i32
        %dma_start3A_414 = arith.constant 0 : i32
        %dma_start3A_415 = tpu.memref_slice %arg10[%dma_start3A_413, %dma_start3A_414] : memref<100096x16xf32, #tpu.memory_space<vmem_shared>> -> memref<100096x16xf32, #tpu.memory_space<vmem_shared>>
        tpu.enqueue_indirect_dma source(%dma_start3A_409 : memref<128x16xf32, #tpu.memory_space<vmem>>) target(%dma_start3A_415 : memref<100096x16xf32, #tpu.memory_space<vmem_shared>>) offsets(%dma_start3A_412 : memref<128xi32, #tpu.memory_space<vmem>>) semaphore(%run_scoped3A_406 : memref<!tpu.dma_semaphore, #tpu.memory_space<semaphore_mem>>) {add = true}
        %dma_wait3A_416 = arith.constant 640 : i32
        %dma_wait3A_417 = arith.constant 0 : i32
        %dma_wait3A_418 = tpu.memref_slice %arg8[%dma_wait3A_416, %dma_wait3A_417] : memref<1024x16xf32, #tpu.memory_space<vmem>> -> memref<128x16xf32, #tpu.memory_space<vmem>>
        %dma_wait3A_419 = arith.constant 0 : i32
        %dma_wait3A_420 = tpu.memref_slice %arg7[%run_scoped3A_403, %dma_wait3A_419] : memref<8x128xi32, #tpu.memory_space<vmem>> -> memref<1x128xi32, #tpu.memory_space<vmem>>
        %dma_wait3A_421 = tpu.memref_squeeze %dma_wait3A_420 : memref<1x128xi32, #tpu.memory_space<vmem>> -> memref<128xi32, #tpu.memory_space<vmem>>
        %dma_wait3A_422 = arith.constant 0 : i32
        %dma_wait3A_423 = arith.constant 0 : i32
        %dma_wait3A_424 = tpu.memref_slice %arg10[%dma_wait3A_422, %dma_wait3A_423] : memref<100096x16xf32, #tpu.memory_space<vmem_shared>> -> memref<100096x16xf32, #tpu.memory_space<vmem_shared>>
        tpu.wait_indirect_dma semaphore(%run_scoped3A_406 : memref<!tpu.dma_semaphore, #tpu.memory_space<semaphore_mem>>) src(%dma_wait3A_418 : memref<128x16xf32, #tpu.memory_space<vmem>>) dst(%dma_wait3A_424 : memref<100096x16xf32, #tpu.memory_space<vmem_shared>>)
        tpu.yield
      }) : () -> ()
      %run_scoped3A_404 = arith.constant 6 : i32
      "tpu.region"() ({
        %run_scoped3A_406 = tpu.sem_alloc : memref<!tpu.dma_semaphore, #tpu.memory_space<semaphore_mem>>
        %dma_start3A_407 = arith.constant 768 : i32
        %dma_start3A_408 = arith.constant 0 : i32
        %dma_start3A_409 = tpu.memref_slice %arg8[%dma_start3A_407, %dma_start3A_408] : memref<1024x16xf32, #tpu.memory_space<vmem>> -> memref<128x16xf32, #tpu.memory_space<vmem>>
        %dma_start3A_410 = arith.constant 0 : i32
        %dma_start3A_411 = tpu.memref_slice %arg7[%run_scoped3A_404, %dma_start3A_410] : memref<8x128xi32, #tpu.memory_space<vmem>> -> memref<1x128xi32, #tpu.memory_space<vmem>>
        %dma_start3A_412 = tpu.memref_squeeze %dma_start3A_411 : memref<1x128xi32, #tpu.memory_space<vmem>> -> memref<128xi32, #tpu.memory_space<vmem>>
        %dma_start3A_413 = arith.constant 0 : i32
        %dma_start3A_414 = arith.constant 0 : i32
        %dma_start3A_415 = tpu.memref_slice %arg10[%dma_start3A_413, %dma_start3A_414] : memref<100096x16xf32, #tpu.memory_space<vmem_shared>> -> memref<100096x16xf32, #tpu.memory_space<vmem_shared>>
        tpu.enqueue_indirect_dma source(%dma_start3A_409 : memref<128x16xf32, #tpu.memory_space<vmem>>) target(%dma_start3A_415 : memref<100096x16xf32, #tpu.memory_space<vmem_shared>>) offsets(%dma_start3A_412 : memref<128xi32, #tpu.memory_space<vmem>>) semaphore(%run_scoped3A_406 : memref<!tpu.dma_semaphore, #tpu.memory_space<semaphore_mem>>) {add = true}
        %dma_wait3A_416 = arith.constant 768 : i32
        %dma_wait3A_417 = arith.constant 0 : i32
        %dma_wait3A_418 = tpu.memref_slice %arg8[%dma_wait3A_416, %dma_wait3A_417] : memref<1024x16xf32, #tpu.memory_space<vmem>> -> memref<128x16xf32, #tpu.memory_space<vmem>>
        %dma_wait3A_419 = arith.constant 0 : i32
        %dma_wait3A_420 = tpu.memref_slice %arg7[%run_scoped3A_404, %dma_wait3A_419] : memref<8x128xi32, #tpu.memory_space<vmem>> -> memref<1x128xi32, #tpu.memory_space<vmem>>
        %dma_wait3A_421 = tpu.memref_squeeze %dma_wait3A_420 : memref<1x128xi32, #tpu.memory_space<vmem>> -> memref<128xi32, #tpu.memory_space<vmem>>
        %dma_wait3A_422 = arith.constant 0 : i32
        %dma_wait3A_423 = arith.constant 0 : i32
        %dma_wait3A_424 = tpu.memref_slice %arg10[%dma_wait3A_422, %dma_wait3A_423] : memref<100096x16xf32, #tpu.memory_space<vmem_shared>> -> memref<100096x16xf32, #tpu.memory_space<vmem_shared>>
        tpu.wait_indirect_dma semaphore(%run_scoped3A_406 : memref<!tpu.dma_semaphore, #tpu.memory_space<semaphore_mem>>) src(%dma_wait3A_418 : memref<128x16xf32, #tpu.memory_space<vmem>>) dst(%dma_wait3A_424 : memref<100096x16xf32, #tpu.memory_space<vmem_shared>>)
        tpu.yield
      }) : () -> ()
      %run_scoped3A_405 = arith.constant 7 : i32
      "tpu.region"() ({
        %run_scoped3A_406 = tpu.sem_alloc : memref<!tpu.dma_semaphore, #tpu.memory_space<semaphore_mem>>
        %dma_start3A_407 = arith.constant 896 : i32
        %dma_start3A_408 = arith.constant 0 : i32
        %dma_start3A_409 = tpu.memref_slice %arg8[%dma_start3A_407, %dma_start3A_408] : memref<1024x16xf32, #tpu.memory_space<vmem>> -> memref<128x16xf32, #tpu.memory_space<vmem>>
        %dma_start3A_410 = arith.constant 0 : i32
        %dma_start3A_411 = tpu.memref_slice %arg7[%run_scoped3A_405, %dma_start3A_410] : memref<8x128xi32, #tpu.memory_space<vmem>> -> memref<1x128xi32, #tpu.memory_space<vmem>>
        %dma_start3A_412 = tpu.memref_squeeze %dma_start3A_411 : memref<1x128xi32, #tpu.memory_space<vmem>> -> memref<128xi32, #tpu.memory_space<vmem>>
        %dma_start3A_413 = arith.constant 0 : i32
        %dma_start3A_414 = arith.constant 0 : i32
        %dma_start3A_415 = tpu.memref_slice %arg10[%dma_start3A_413, %dma_start3A_414] : memref<100096x16xf32, #tpu.memory_space<vmem_shared>> -> memref<100096x16xf32, #tpu.memory_space<vmem_shared>>
        tpu.enqueue_indirect_dma source(%dma_start3A_409 : memref<128x16xf32, #tpu.memory_space<vmem>>) target(%dma_start3A_415 : memref<100096x16xf32, #tpu.memory_space<vmem_shared>>) offsets(%dma_start3A_412 : memref<128xi32, #tpu.memory_space<vmem>>) semaphore(%run_scoped3A_406 : memref<!tpu.dma_semaphore, #tpu.memory_space<semaphore_mem>>) {add = true}
        %dma_wait3A_416 = arith.constant 896 : i32
        %dma_wait3A_417 = arith.constant 0 : i32
        %dma_wait3A_418 = tpu.memref_slice %arg8[%dma_wait3A_416, %dma_wait3A_417] : memref<1024x16xf32, #tpu.memory_space<vmem>> -> memref<128x16xf32, #tpu.memory_space<vmem>>
        %dma_wait3A_419 = arith.constant 0 : i32
        %dma_wait3A_420 = tpu.memref_slice %arg7[%run_scoped3A_405, %dma_wait3A_419] : memref<8x128xi32, #tpu.memory_space<vmem>> -> memref<1x128xi32, #tpu.memory_space<vmem>>
        %dma_wait3A_421 = tpu.memref_squeeze %dma_wait3A_420 : memref<1x128xi32, #tpu.memory_space<vmem>> -> memref<128xi32, #tpu.memory_space<vmem>>
        %dma_wait3A_422 = arith.constant 0 : i32
        %dma_wait3A_423 = arith.constant 0 : i32
        %dma_wait3A_424 = tpu.memref_slice %arg10[%dma_wait3A_422, %dma_wait3A_423] : memref<100096x16xf32, #tpu.memory_space<vmem_shared>> -> memref<100096x16xf32, #tpu.memory_space<vmem_shared>>
        tpu.wait_indirect_dma semaphore(%run_scoped3A_406 : memref<!tpu.dma_semaphore, #tpu.memory_space<semaphore_mem>>) src(%dma_wait3A_418 : memref<128x16xf32, #tpu.memory_space<vmem>>) dst(%dma_wait3A_424 : memref<100096x16xf32, #tpu.memory_space<vmem_shared>>)
        tpu.yield
      }) : () -> ()
    }
    %scan3A_42 = arith.constant 98 : i32
    %barrier3A_43 = arith.constant 0 : index
    tpu.barrier barrier_id(%barrier3A_43)
    %mul3A_44 = arith.constant 6 : i32
    %mul3A_45 = arith.muli %arg1, %mul3A_44 : i32
    "tpu.region"() ({
      %run_scoped3A = tpu.sem_alloc : memref<!tpu.dma_semaphore, #tpu.memory_space<semaphore_mem>>
      %dma_start3A_166 = arith.constant 0 : i32
      %dma_start3A_167 = arith.constant 0 : i32
      %dma_start3A_168 = tpu.memref_slice %arg6[%dma_start3A_166, %dma_start3A_167] : memref<8x128xi32, #tpu.memory_space<vmem>> -> memref<6x128xi32, #tpu.memory_space<vmem>>
      %dma_start3A_169 = arith.constant 0 : i32
      %dma_start3A_170 = tpu.memref_slice %arg4[%mul3A_45, %dma_start3A_169] : memref<96x128xi32, #tpu.memory_space<hbm>> -> memref<6x128xi32, #tpu.memory_space<hbm>>
      %dma_start3A_171 = arith.constant 0 : i32
      %dma_start3A_172 = arith.constant 0 : i32
      %dma_start3A_173 = tpu.memref_slice %arg6[%dma_start3A_171, %dma_start3A_172] : memref<8x128xi32, #tpu.memory_space<vmem>> -> memref<6x128xi32, #tpu.memory_space<vmem>>
      %dma_start3A_174 = arith.constant 0 : i32
      %dma_start3A_175 = tpu.memref_slice %arg4[%mul3A_45, %dma_start3A_174] : memref<96x128xi32, #tpu.memory_space<hbm>> -> memref<6x128xi32, #tpu.memory_space<hbm>>
      tpu.enqueue_dma source(%dma_start3A_175 : memref<6x128xi32, #tpu.memory_space<hbm>>) target(%dma_start3A_173 : memref<6x128xi32, #tpu.memory_space<vmem>>) target_semaphore(%run_scoped3A : memref<!tpu.dma_semaphore, #tpu.memory_space<semaphore_mem>>)
      %dma_wait3A_176 = arith.constant 0 : i32
      %dma_wait3A_177 = arith.constant 0 : i32
      %dma_wait3A_178 = tpu.memref_slice %arg6[%dma_wait3A_176, %dma_wait3A_177] : memref<8x128xi32, #tpu.memory_space<vmem>> -> memref<6x128xi32, #tpu.memory_space<vmem>>
      %dma_wait3A_179 = arith.constant 0 : i32
      %dma_wait3A_180 = tpu.memref_slice %arg4[%mul3A_45, %dma_wait3A_179] : memref<96x128xi32, #tpu.memory_space<hbm>> -> memref<6x128xi32, #tpu.memory_space<hbm>>
      %dma_wait3A_181 = arith.constant 0 : i32
      %dma_wait3A_182 = arith.constant 0 : i32
      %dma_wait3A_183 = tpu.memref_slice %arg6[%dma_wait3A_181, %dma_wait3A_182] : memref<8x128xi32, #tpu.memory_space<vmem>> -> memref<6x128xi32, #tpu.memory_space<vmem>>
      %dma_wait3A_184 = arith.constant 0 : i32
      %dma_wait3A_185 = tpu.memref_slice %arg4[%mul3A_45, %dma_wait3A_184] : memref<96x128xi32, #tpu.memory_space<hbm>> -> memref<6x128xi32, #tpu.memory_space<hbm>>
      tpu.wait_dma2 semaphore(%run_scoped3A : memref<!tpu.dma_semaphore, #tpu.memory_space<semaphore_mem>>) src(%dma_wait3A_185 : memref<6x128xi32, #tpu.memory_space<hbm>>) dst(%dma_wait3A_183 : memref<6x128xi32, #tpu.memory_space<vmem>>)
      tpu.yield
    }) : () -> ()
    %dma_start3A = arith.constant 0 : i32
    %dma_start3A_46 = arith.constant 0 : i32
    %dma_start3A_47 = arith.constant 0 : i32
    %dma_start3A_48 = tpu.memref_slice %arg8[%dma_start3A_46, %dma_start3A_47] : memref<1024x16xf32, #tpu.memory_space<vmem>> -> memref<128x16xf32, #tpu.memory_space<vmem>>
    %dma_start3A_49 = arith.constant 0 : i32
    %dma_start3A_50 = tpu.memref_slice %arg6[%dma_start3A, %dma_start3A_49] : memref<8x128xi32, #tpu.memory_space<vmem>> -> memref<1x128xi32, #tpu.memory_space<vmem>>
    %dma_start3A_51 = tpu.memref_squeeze %dma_start3A_50 : memref<1x128xi32, #tpu.memory_space<vmem>> -> memref<128xi32, #tpu.memory_space<vmem>>
    %dma_start3A_52 = arith.constant 0 : i32
    %dma_start3A_53 = arith.constant 0 : i32
    %dma_start3A_54 = tpu.memref_slice %arg10[%dma_start3A_52, %dma_start3A_53] : memref<100096x16xf32, #tpu.memory_space<vmem_shared>> -> memref<100096x16xf32, #tpu.memory_space<vmem_shared>>
    tpu.enqueue_indirect_dma source(%dma_start3A_54 : memref<100096x16xf32, #tpu.memory_space<vmem_shared>>) target(%dma_start3A_48 : memref<128x16xf32, #tpu.memory_space<vmem>>) offsets(%dma_start3A_51 : memref<128xi32, #tpu.memory_space<vmem>>) semaphore(%arg9 : memref<!tpu.dma_semaphore, #tpu.memory_space<semaphore_mem>>)
    %dma_start3A_55 = arith.constant 1 : i32
    %dma_start3A_56 = arith.constant 128 : i32
    %dma_start3A_57 = arith.constant 0 : i32
    %dma_start3A_58 = tpu.memref_slice %arg8[%dma_start3A_56, %dma_start3A_57] : memref<1024x16xf32, #tpu.memory_space<vmem>> -> memref<128x16xf32, #tpu.memory_space<vmem>>
    %dma_start3A_59 = arith.constant 0 : i32
    %dma_start3A_60 = tpu.memref_slice %arg6[%dma_start3A_55, %dma_start3A_59] : memref<8x128xi32, #tpu.memory_space<vmem>> -> memref<1x128xi32, #tpu.memory_space<vmem>>
    %dma_start3A_61 = tpu.memref_squeeze %dma_start3A_60 : memref<1x128xi32, #tpu.memory_space<vmem>> -> memref<128xi32, #tpu.memory_space<vmem>>
    %dma_start3A_62 = arith.constant 0 : i32
    %dma_start3A_63 = arith.constant 0 : i32
    %dma_start3A_64 = tpu.memref_slice %arg10[%dma_start3A_62, %dma_start3A_63] : memref<100096x16xf32, #tpu.memory_space<vmem_shared>> -> memref<100096x16xf32, #tpu.memory_space<vmem_shared>>
    tpu.enqueue_indirect_dma source(%dma_start3A_64 : memref<100096x16xf32, #tpu.memory_space<vmem_shared>>) target(%dma_start3A_58 : memref<128x16xf32, #tpu.memory_space<vmem>>) offsets(%dma_start3A_61 : memref<128xi32, #tpu.memory_space<vmem>>) semaphore(%arg9 : memref<!tpu.dma_semaphore, #tpu.memory_space<semaphore_mem>>)
    %dma_start3A_65 = arith.constant 2 : i32
    %dma_start3A_66 = arith.constant 256 : i32
    %dma_start3A_67 = arith.constant 0 : i32
    %dma_start3A_68 = tpu.memref_slice %arg8[%dma_start3A_66, %dma_start3A_67] : memref<1024x16xf32, #tpu.memory_space<vmem>> -> memref<128x16xf32, #tpu.memory_space<vmem>>
    %dma_start3A_69 = arith.constant 0 : i32
    %dma_start3A_70 = tpu.memref_slice %arg6[%dma_start3A_65, %dma_start3A_69] : memref<8x128xi32, #tpu.memory_space<vmem>> -> memref<1x128xi32, #tpu.memory_space<vmem>>
    %dma_start3A_71 = tpu.memref_squeeze %dma_start3A_70 : memref<1x128xi32, #tpu.memory_space<vmem>> -> memref<128xi32, #tpu.memory_space<vmem>>
    %dma_start3A_72 = arith.constant 0 : i32
    %dma_start3A_73 = arith.constant 0 : i32
    %dma_start3A_74 = tpu.memref_slice %arg10[%dma_start3A_72, %dma_start3A_73] : memref<100096x16xf32, #tpu.memory_space<vmem_shared>> -> memref<100096x16xf32, #tpu.memory_space<vmem_shared>>
    tpu.enqueue_indirect_dma source(%dma_start3A_74 : memref<100096x16xf32, #tpu.memory_space<vmem_shared>>) target(%dma_start3A_68 : memref<128x16xf32, #tpu.memory_space<vmem>>) offsets(%dma_start3A_71 : memref<128xi32, #tpu.memory_space<vmem>>) semaphore(%arg9 : memref<!tpu.dma_semaphore, #tpu.memory_space<semaphore_mem>>)
    %dma_start3A_75 = arith.constant 3 : i32
    %dma_start3A_76 = arith.constant 384 : i32
    %dma_start3A_77 = arith.constant 0 : i32
    %dma_start3A_78 = tpu.memref_slice %arg8[%dma_start3A_76, %dma_start3A_77] : memref<1024x16xf32, #tpu.memory_space<vmem>> -> memref<128x16xf32, #tpu.memory_space<vmem>>
    %dma_start3A_79 = arith.constant 0 : i32
    %dma_start3A_80 = tpu.memref_slice %arg6[%dma_start3A_75, %dma_start3A_79] : memref<8x128xi32, #tpu.memory_space<vmem>> -> memref<1x128xi32, #tpu.memory_space<vmem>>
    %dma_start3A_81 = tpu.memref_squeeze %dma_start3A_80 : memref<1x128xi32, #tpu.memory_space<vmem>> -> memref<128xi32, #tpu.memory_space<vmem>>
    %dma_start3A_82 = arith.constant 0 : i32
    %dma_start3A_83 = arith.constant 0 : i32
    %dma_start3A_84 = tpu.memref_slice %arg10[%dma_start3A_82, %dma_start3A_83] : memref<100096x16xf32, #tpu.memory_space<vmem_shared>> -> memref<100096x16xf32, #tpu.memory_space<vmem_shared>>
    tpu.enqueue_indirect_dma source(%dma_start3A_84 : memref<100096x16xf32, #tpu.memory_space<vmem_shared>>) target(%dma_start3A_78 : memref<128x16xf32, #tpu.memory_space<vmem>>) offsets(%dma_start3A_81 : memref<128xi32, #tpu.memory_space<vmem>>) semaphore(%arg9 : memref<!tpu.dma_semaphore, #tpu.memory_space<semaphore_mem>>)
    %dma_start3A_85 = arith.constant 4 : i32
    %dma_start3A_86 = arith.constant 512 : i32
    %dma_start3A_87 = arith.constant 0 : i32
    %dma_start3A_88 = tpu.memref_slice %arg8[%dma_start3A_86, %dma_start3A_87] : memref<1024x16xf32, #tpu.memory_space<vmem>> -> memref<128x16xf32, #tpu.memory_space<vmem>>
    %dma_start3A_89 = arith.constant 0 : i32
    %dma_start3A_90 = tpu.memref_slice %arg6[%dma_start3A_85, %dma_start3A_89] : memref<8x128xi32, #tpu.memory_space<vmem>> -> memref<1x128xi32, #tpu.memory_space<vmem>>
    %dma_start3A_91 = tpu.memref_squeeze %dma_start3A_90 : memref<1x128xi32, #tpu.memory_space<vmem>> -> memref<128xi32, #tpu.memory_space<vmem>>
    %dma_start3A_92 = arith.constant 0 : i32
    %dma_start3A_93 = arith.constant 0 : i32
    %dma_start3A_94 = tpu.memref_slice %arg10[%dma_start3A_92, %dma_start3A_93] : memref<100096x16xf32, #tpu.memory_space<vmem_shared>> -> memref<100096x16xf32, #tpu.memory_space<vmem_shared>>
    tpu.enqueue_indirect_dma source(%dma_start3A_94 : memref<100096x16xf32, #tpu.memory_space<vmem_shared>>) target(%dma_start3A_88 : memref<128x16xf32, #tpu.memory_space<vmem>>) offsets(%dma_start3A_91 : memref<128xi32, #tpu.memory_space<vmem>>) semaphore(%arg9 : memref<!tpu.dma_semaphore, #tpu.memory_space<semaphore_mem>>)
    %dma_start3A_95 = arith.constant 5 : i32
    %dma_start3A_96 = arith.constant 640 : i32
    %dma_start3A_97 = arith.constant 0 : i32
    %dma_start3A_98 = tpu.memref_slice %arg8[%dma_start3A_96, %dma_start3A_97] : memref<1024x16xf32, #tpu.memory_space<vmem>> -> memref<128x16xf32, #tpu.memory_space<vmem>>
    %dma_start3A_99 = arith.constant 0 : i32
    %dma_start3A_100 = tpu.memref_slice %arg6[%dma_start3A_95, %dma_start3A_99] : memref<8x128xi32, #tpu.memory_space<vmem>> -> memref<1x128xi32, #tpu.memory_space<vmem>>
    %dma_start3A_101 = tpu.memref_squeeze %dma_start3A_100 : memref<1x128xi32, #tpu.memory_space<vmem>> -> memref<128xi32, #tpu.memory_space<vmem>>
    %dma_start3A_102 = arith.constant 0 : i32
    %dma_start3A_103 = arith.constant 0 : i32
    %dma_start3A_104 = tpu.memref_slice %arg10[%dma_start3A_102, %dma_start3A_103] : memref<100096x16xf32, #tpu.memory_space<vmem_shared>> -> memref<100096x16xf32, #tpu.memory_space<vmem_shared>>
    tpu.enqueue_indirect_dma source(%dma_start3A_104 : memref<100096x16xf32, #tpu.memory_space<vmem_shared>>) target(%dma_start3A_98 : memref<128x16xf32, #tpu.memory_space<vmem>>) offsets(%dma_start3A_101 : memref<128xi32, #tpu.memory_space<vmem>>) semaphore(%arg9 : memref<!tpu.dma_semaphore, #tpu.memory_space<semaphore_mem>>)
    %dma_wait3A = arith.constant 0 : i32
    %dma_wait3A_105 = arith.constant 0 : i32
    %dma_wait3A_106 = arith.constant 0 : i32
    %dma_wait3A_107 = tpu.memref_slice %arg8[%dma_wait3A_105, %dma_wait3A_106] : memref<1024x16xf32, #tpu.memory_space<vmem>> -> memref<128x16xf32, #tpu.memory_space<vmem>>
    %dma_wait3A_108 = arith.constant 0 : i32
    %dma_wait3A_109 = tpu.memref_slice %arg6[%dma_wait3A, %dma_wait3A_108] : memref<8x128xi32, #tpu.memory_space<vmem>> -> memref<1x128xi32, #tpu.memory_space<vmem>>
    %dma_wait3A_110 = tpu.memref_squeeze %dma_wait3A_109 : memref<1x128xi32, #tpu.memory_space<vmem>> -> memref<128xi32, #tpu.memory_space<vmem>>
    %dma_wait3A_111 = arith.constant 0 : i32
    %dma_wait3A_112 = arith.constant 0 : i32
    %dma_wait3A_113 = tpu.memref_slice %arg10[%dma_wait3A_111, %dma_wait3A_112] : memref<100096x16xf32, #tpu.memory_space<vmem_shared>> -> memref<100096x16xf32, #tpu.memory_space<vmem_shared>>
    tpu.wait_indirect_dma semaphore(%arg9 : memref<!tpu.dma_semaphore, #tpu.memory_space<semaphore_mem>>) src(%dma_wait3A_113 : memref<100096x16xf32, #tpu.memory_space<vmem_shared>>) dst(%dma_wait3A_107 : memref<128x16xf32, #tpu.memory_space<vmem>>)
    %dma_wait3A_114 = arith.constant 1 : i32
    %dma_wait3A_115 = arith.constant 128 : i32
    %dma_wait3A_116 = arith.constant 0 : i32
    %dma_wait3A_117 = tpu.memref_slice %arg8[%dma_wait3A_115, %dma_wait3A_116] : memref<1024x16xf32, #tpu.memory_space<vmem>> -> memref<128x16xf32, #tpu.memory_space<vmem>>
    %dma_wait3A_118 = arith.constant 0 : i32
    %dma_wait3A_119 = tpu.memref_slice %arg6[%dma_wait3A_114, %dma_wait3A_118] : memref<8x128xi32, #tpu.memory_space<vmem>> -> memref<1x128xi32, #tpu.memory_space<vmem>>
    %dma_wait3A_120 = tpu.memref_squeeze %dma_wait3A_119 : memref<1x128xi32, #tpu.memory_space<vmem>> -> memref<128xi32, #tpu.memory_space<vmem>>
    %dma_wait3A_121 = arith.constant 0 : i32
    %dma_wait3A_122 = arith.constant 0 : i32
    %dma_wait3A_123 = tpu.memref_slice %arg10[%dma_wait3A_121, %dma_wait3A_122] : memref<100096x16xf32, #tpu.memory_space<vmem_shared>> -> memref<100096x16xf32, #tpu.memory_space<vmem_shared>>
    tpu.wait_indirect_dma semaphore(%arg9 : memref<!tpu.dma_semaphore, #tpu.memory_space<semaphore_mem>>) src(%dma_wait3A_123 : memref<100096x16xf32, #tpu.memory_space<vmem_shared>>) dst(%dma_wait3A_117 : memref<128x16xf32, #tpu.memory_space<vmem>>)
    %dma_wait3A_124 = arith.constant 2 : i32
    %dma_wait3A_125 = arith.constant 256 : i32
    %dma_wait3A_126 = arith.constant 0 : i32
    %dma_wait3A_127 = tpu.memref_slice %arg8[%dma_wait3A_125, %dma_wait3A_126] : memref<1024x16xf32, #tpu.memory_space<vmem>> -> memref<128x16xf32, #tpu.memory_space<vmem>>
    %dma_wait3A_128 = arith.constant 0 : i32
    %dma_wait3A_129 = tpu.memref_slice %arg6[%dma_wait3A_124, %dma_wait3A_128] : memref<8x128xi32, #tpu.memory_space<vmem>> -> memref<1x128xi32, #tpu.memory_space<vmem>>
    %dma_wait3A_130 = tpu.memref_squeeze %dma_wait3A_129 : memref<1x128xi32, #tpu.memory_space<vmem>> -> memref<128xi32, #tpu.memory_space<vmem>>
    %dma_wait3A_131 = arith.constant 0 : i32
    %dma_wait3A_132 = arith.constant 0 : i32
    %dma_wait3A_133 = tpu.memref_slice %arg10[%dma_wait3A_131, %dma_wait3A_132] : memref<100096x16xf32, #tpu.memory_space<vmem_shared>> -> memref<100096x16xf32, #tpu.memory_space<vmem_shared>>
    tpu.wait_indirect_dma semaphore(%arg9 : memref<!tpu.dma_semaphore, #tpu.memory_space<semaphore_mem>>) src(%dma_wait3A_133 : memref<100096x16xf32, #tpu.memory_space<vmem_shared>>) dst(%dma_wait3A_127 : memref<128x16xf32, #tpu.memory_space<vmem>>)
    %dma_wait3A_134 = arith.constant 3 : i32
    %dma_wait3A_135 = arith.constant 384 : i32
    %dma_wait3A_136 = arith.constant 0 : i32
    %dma_wait3A_137 = tpu.memref_slice %arg8[%dma_wait3A_135, %dma_wait3A_136] : memref<1024x16xf32, #tpu.memory_space<vmem>> -> memref<128x16xf32, #tpu.memory_space<vmem>>
    %dma_wait3A_138 = arith.constant 0 : i32
    %dma_wait3A_139 = tpu.memref_slice %arg6[%dma_wait3A_134, %dma_wait3A_138] : memref<8x128xi32, #tpu.memory_space<vmem>> -> memref<1x128xi32, #tpu.memory_space<vmem>>
    %dma_wait3A_140 = tpu.memref_squeeze %dma_wait3A_139 : memref<1x128xi32, #tpu.memory_space<vmem>> -> memref<128xi32, #tpu.memory_space<vmem>>
    %dma_wait3A_141 = arith.constant 0 : i32
    %dma_wait3A_142 = arith.constant 0 : i32
    %dma_wait3A_143 = tpu.memref_slice %arg10[%dma_wait3A_141, %dma_wait3A_142] : memref<100096x16xf32, #tpu.memory_space<vmem_shared>> -> memref<100096x16xf32, #tpu.memory_space<vmem_shared>>
    tpu.wait_indirect_dma semaphore(%arg9 : memref<!tpu.dma_semaphore, #tpu.memory_space<semaphore_mem>>) src(%dma_wait3A_143 : memref<100096x16xf32, #tpu.memory_space<vmem_shared>>) dst(%dma_wait3A_137 : memref<128x16xf32, #tpu.memory_space<vmem>>)
    %dma_wait3A_144 = arith.constant 4 : i32
    %dma_wait3A_145 = arith.constant 512 : i32
    %dma_wait3A_146 = arith.constant 0 : i32
    %dma_wait3A_147 = tpu.memref_slice %arg8[%dma_wait3A_145, %dma_wait3A_146] : memref<1024x16xf32, #tpu.memory_space<vmem>> -> memref<128x16xf32, #tpu.memory_space<vmem>>
    %dma_wait3A_148 = arith.constant 0 : i32
    %dma_wait3A_149 = tpu.memref_slice %arg6[%dma_wait3A_144, %dma_wait3A_148] : memref<8x128xi32, #tpu.memory_space<vmem>> -> memref<1x128xi32, #tpu.memory_space<vmem>>
    %dma_wait3A_150 = tpu.memref_squeeze %dma_wait3A_149 : memref<1x128xi32, #tpu.memory_space<vmem>> -> memref<128xi32, #tpu.memory_space<vmem>>
    %dma_wait3A_151 = arith.constant 0 : i32
    %dma_wait3A_152 = arith.constant 0 : i32
    %dma_wait3A_153 = tpu.memref_slice %arg10[%dma_wait3A_151, %dma_wait3A_152] : memref<100096x16xf32, #tpu.memory_space<vmem_shared>> -> memref<100096x16xf32, #tpu.memory_space<vmem_shared>>
    tpu.wait_indirect_dma semaphore(%arg9 : memref<!tpu.dma_semaphore, #tpu.memory_space<semaphore_mem>>) src(%dma_wait3A_153 : memref<100096x16xf32, #tpu.memory_space<vmem_shared>>) dst(%dma_wait3A_147 : memref<128x16xf32, #tpu.memory_space<vmem>>)
    %dma_wait3A_154 = arith.constant 5 : i32
    %dma_wait3A_155 = arith.constant 640 : i32
    %dma_wait3A_156 = arith.constant 0 : i32
    %dma_wait3A_157 = tpu.memref_slice %arg8[%dma_wait3A_155, %dma_wait3A_156] : memref<1024x16xf32, #tpu.memory_space<vmem>> -> memref<128x16xf32, #tpu.memory_space<vmem>>
    %dma_wait3A_158 = arith.constant 0 : i32
    %dma_wait3A_159 = tpu.memref_slice %arg6[%dma_wait3A_154, %dma_wait3A_158] : memref<8x128xi32, #tpu.memory_space<vmem>> -> memref<1x128xi32, #tpu.memory_space<vmem>>
    %dma_wait3A_160 = tpu.memref_squeeze %dma_wait3A_159 : memref<1x128xi32, #tpu.memory_space<vmem>> -> memref<128xi32, #tpu.memory_space<vmem>>
    %dma_wait3A_161 = arith.constant 0 : i32
    %dma_wait3A_162 = arith.constant 0 : i32
    %dma_wait3A_163 = tpu.memref_slice %arg10[%dma_wait3A_161, %dma_wait3A_162] : memref<100096x16xf32, #tpu.memory_space<vmem_shared>> -> memref<100096x16xf32, #tpu.memory_space<vmem_shared>>
    tpu.wait_indirect_dma semaphore(%arg9 : memref<!tpu.dma_semaphore, #tpu.memory_space<semaphore_mem>>) src(%dma_wait3A_163 : memref<100096x16xf32, #tpu.memory_space<vmem_shared>>) dst(%dma_wait3A_157 : memref<128x16xf32, #tpu.memory_space<vmem>>)
    %mul3A_164 = arith.constant 768 : i32
    %mul3A_165 = arith.muli %arg1, %mul3A_164 : i32
    "tpu.region"() ({
      %run_scoped3A = tpu.sem_alloc : memref<!tpu.dma_semaphore, #tpu.memory_space<semaphore_mem>>
      %dma_start3A_166 = arith.constant 0 : i32
      %dma_start3A_167 = arith.constant 0 : i32
      %dma_start3A_168 = tpu.memref_slice %arg8[%dma_start3A_166, %dma_start3A_167] : memref<1024x16xf32, #tpu.memory_space<vmem>> -> memref<768x16xf32, #tpu.memory_space<vmem>>
      %dma_start3A_169 = arith.constant 0 : i32
      %dma_start3A_170 = tpu.memref_slice %arg5[%arg0, %mul3A_165, %dma_start3A_169] : memref<2x12288x16xf32, #tpu.memory_space<hbm>> -> memref<1x768x16xf32, #tpu.memory_space<hbm>>
      %dma_start3A_171 = tpu.memref_squeeze %dma_start3A_170 : memref<1x768x16xf32, #tpu.memory_space<hbm>> -> memref<768x16xf32, #tpu.memory_space<hbm>>
      %dma_start3A_172 = arith.constant 0 : i32
      %dma_start3A_173 = tpu.memref_slice %arg5[%arg0, %mul3A_165, %dma_start3A_172] : memref<2x12288x16xf32, #tpu.memory_space<hbm>> -> memref<1x768x16xf32, #tpu.memory_space<hbm>>
      %dma_start3A_174 = tpu.memref_squeeze %dma_start3A_173 : memref<1x768x16xf32, #tpu.memory_space<hbm>> -> memref<768x16xf32, #tpu.memory_space<hbm>>
      %dma_start3A_175 = arith.constant 0 : i32
      %dma_start3A_176 = arith.constant 0 : i32
      %dma_start3A_177 = tpu.memref_slice %arg8[%dma_start3A_175, %dma_start3A_176] : memref<1024x16xf32, #tpu.memory_space<vmem>> -> memref<768x16xf32, #tpu.memory_space<vmem>>
      tpu.enqueue_dma source(%dma_start3A_177 : memref<768x16xf32, #tpu.memory_space<vmem>>) target(%dma_start3A_174 : memref<768x16xf32, #tpu.memory_space<hbm>>) target_semaphore(%run_scoped3A : memref<!tpu.dma_semaphore, #tpu.memory_space<semaphore_mem>>)
      %dma_wait3A_178 = arith.constant 0 : i32
      %dma_wait3A_179 = arith.constant 0 : i32
      %dma_wait3A_180 = tpu.memref_slice %arg8[%dma_wait3A_178, %dma_wait3A_179] : memref<1024x16xf32, #tpu.memory_space<vmem>> -> memref<768x16xf32, #tpu.memory_space<vmem>>
      %dma_wait3A_181 = arith.constant 0 : i32
      %dma_wait3A_182 = tpu.memref_slice %arg5[%arg0, %mul3A_165, %dma_wait3A_181] : memref<2x12288x16xf32, #tpu.memory_space<hbm>> -> memref<1x768x16xf32, #tpu.memory_space<hbm>>
      %dma_wait3A_183 = tpu.memref_squeeze %dma_wait3A_182 : memref<1x768x16xf32, #tpu.memory_space<hbm>> -> memref<768x16xf32, #tpu.memory_space<hbm>>
      %dma_wait3A_184 = arith.constant 0 : i32
      %dma_wait3A_185 = tpu.memref_slice %arg5[%arg0, %mul3A_165, %dma_wait3A_184] : memref<2x12288x16xf32, #tpu.memory_space<hbm>> -> memref<1x768x16xf32, #tpu.memory_space<hbm>>
      %dma_wait3A_186 = tpu.memref_squeeze %dma_wait3A_185 : memref<1x768x16xf32, #tpu.memory_space<hbm>> -> memref<768x16xf32, #tpu.memory_space<hbm>>
      %dma_wait3A_187 = arith.constant 0 : i32
      %dma_wait3A_188 = arith.constant 0 : i32
      %dma_wait3A_189 = tpu.memref_slice %arg8[%dma_wait3A_187, %dma_wait3A_188] : memref<1024x16xf32, #tpu.memory_space<vmem>> -> memref<768x16xf32, #tpu.memory_space<vmem>>
      tpu.wait_dma2 semaphore(%run_scoped3A : memref<!tpu.dma_semaphore, #tpu.memory_space<semaphore_mem>>) src(%dma_wait3A_189 : memref<768x16xf32, #tpu.memory_space<vmem>>) dst(%dma_wait3A_186 : memref<768x16xf32, #tpu.memory_space<hbm>>)
      tpu.yield
    }) : () -> ()
    return
  }
}

module attributes {stable_mosaic.version = 14 : i64} {
  func.func @_tc_embed_body(%arg0: i32, %arg1: memref<80x128xf32, #tpu.memory_space<vmem>>, %arg2: memref<80x128xf32, #tpu.memory_space<vmem>>, %arg3: memref<8x32xf32, #tpu.memory_space<vmem>>, %arg4: memref<32x32xf32, #tpu.memory_space<vmem>>, %arg5: memref<2x1280x128xf32, #tpu.memory_space<vmem>>) attributes {dimension_semantics = [#tpu.dimension_semantics<arbitrary>], iteration_bounds = array<i64: 10>, scalar_prefetch = 0 : i64, scratch_operands = 0 : i64, tpu.core_type = #tpu.core_type<tc>, window_params = [{transform_indices = @transform_0, window_bounds = array<i64: 80, 128>}, {transform_indices = @transform_1, window_bounds = array<i64: 80, 128>}, {pipeline_mode = #tpu.pipeline_mode<synchronous>, transform_indices = @transform_2, window_bounds = array<i64: 8, 32>}, {pipeline_mode = #tpu.pipeline_mode<synchronous>, transform_indices = @transform_3, window_bounds = array<i64: 32, 32>}, {transform_indices = @transform_4, window_bounds = array<i64: 2, 1280, 128>}]} {
    %get3A = arith.constant 0 : index
    %get3A_0 = arith.constant 0 : index
    %get3A_1 = vector.load %arg1[%get3A, %get3A_0] : memref<80x128xf32, #tpu.memory_space<vmem>>, vector<80x128xf32>
    %iota3A = tpu.iota {dimensions = array<i32: 0>} : vector<128x128xi32>
    %iota3A_2 = tpu.iota {dimensions = array<i32: 1>} : vector<128x128xi32>
    %jit3A = arith.constant 16 : i32
    %div3A = vector.broadcast %jit3A : i32 to vector<128x128xi32>
    %div3A_3 = arith.divsi %iota3A_2, %div3A : vector<128x128xi32>
    %sign3A = arith.constant 0 : i32
    %sign3A_4 = vector.broadcast %sign3A : i32 to vector<128x128xi32>
    %sign3A_5 = arith.cmpi sgt, %iota3A_2, %sign3A_4 : vector<128x128xi32>
    %sign3A_6 = arith.extui %sign3A_5 : vector<128x128xi1> to vector<128x128xi32>
    %sign3A_7 = arith.constant 0 : i32
    %sign3A_8 = vector.broadcast %sign3A_7 : i32 to vector<128x128xi32>
    %sign3A_9 = arith.cmpi slt, %iota3A_2, %sign3A_8 : vector<128x128xi32>
    %sign3A_10 = arith.extui %sign3A_9 : vector<128x128xi1> to vector<128x128xi32>
    %sign3A_11 = arith.subi %sign3A_6, %sign3A_10 : vector<128x128xi32>
    %sign3A_12 = arith.constant 0 : i32
    %sign3A_13 = arith.cmpi sgt, %jit3A, %sign3A_12 : i32
    %sign3A_14 = arith.extui %sign3A_13 : i1 to i32
    %sign3A_15 = arith.constant 0 : i32
    %sign3A_16 = arith.cmpi slt, %jit3A, %sign3A_15 : i32
    %sign3A_17 = arith.extui %sign3A_16 : i1 to i32
    %sign3A_18 = arith.subi %sign3A_14, %sign3A_17 : i32
    %ne3A = vector.broadcast %sign3A_18 : i32 to vector<128x128xi32>
    %ne3A_19 = arith.cmpi ne, %sign3A_11, %ne3A : vector<128x128xi32>
    %rem3A = vector.broadcast %jit3A : i32 to vector<128x128xi32>
    %rem3A_20 = arith.remsi %iota3A_2, %rem3A : vector<128x128xi32>
    %ne3A_21 = arith.constant 0 : i32
    %ne3A_22 = vector.broadcast %ne3A_21 : i32 to vector<128x128xi32>
    %ne3A_23 = arith.cmpi ne, %rem3A_20, %ne3A_22 : vector<128x128xi32>
    %and3A = arith.andi %ne3A_19, %ne3A_23 : vector<128x128xi1>
    %sub3A = arith.constant 1 : i32
    %sub3A_24 = vector.broadcast %sub3A : i32 to vector<128x128xi32>
    %sub3A_25 = arith.subi %div3A_3, %sub3A_24 : vector<128x128xi32>
    %select_n3A = arith.select %and3A, %sub3A_25, %div3A_3 : vector<128x128xi1>, vector<128x128xi32>
    %add3A = arith.constant 0 : i32
    %add3A_26 = vector.broadcast %add3A : i32 to vector<128x128xi32>
    %add3A_27 = arith.addi %add3A_26, %select_n3A : vector<128x128xi32>
    %eq3A = arith.cmpi eq, %iota3A, %add3A_27 : vector<128x128xi32>
    %convert_element_type3A = arith.extui %eq3A : vector<128x128xi1> to vector<128x128xi32>
    %convert_element_type3A_28 = arith.sitofp %convert_element_type3A : vector<128x128xi32> to vector<128x128xf32>
    %dot_general3A = arith.constant dense<0.000000e+00> : vector<80x128xf32>
    %dot_general3A_29 = tpu.matmul %get3A_1, %convert_element_type3A_28, %dot_general3A {dimension_numbers = #tpu.dot_dimension_numbers<[1], [0], [0], [1], [0, 0, 1, 1], [], []>, transpose_lhs_hint = false} : vector<80x128xf32>, vector<128x128xf32>, vector<80x128xf32> -> vector<80x128xf32>
    %broadcast_in_dim3A = vector.shape_cast %dot_general3A_29 : vector<80x128xf32> to vector<80x1x128xf32>
    %add3A_30 = arith.constant 8 : i32
    %add3A_31 = vector.broadcast %add3A_30 : i32 to vector<128x128xi32>
    %add3A_32 = arith.addi %add3A_31, %select_n3A : vector<128x128xi32>
    %eq3A_33 = arith.cmpi eq, %iota3A, %add3A_32 : vector<128x128xi32>
    %convert_element_type3A_34 = arith.extui %eq3A_33 : vector<128x128xi1> to vector<128x128xi32>
    %convert_element_type3A_35 = arith.sitofp %convert_element_type3A_34 : vector<128x128xi32> to vector<128x128xf32>
    %dot_general3A_36 = arith.constant dense<0.000000e+00> : vector<80x128xf32>
    %dot_general3A_37 = tpu.matmul %get3A_1, %convert_element_type3A_35, %dot_general3A_36 {dimension_numbers = #tpu.dot_dimension_numbers<[1], [0], [0], [1], [0, 0, 1, 1], [], []>, transpose_lhs_hint = false} : vector<80x128xf32>, vector<128x128xf32>, vector<80x128xf32> -> vector<80x128xf32>
    %broadcast_in_dim3A_38 = vector.shape_cast %dot_general3A_37 : vector<80x128xf32> to vector<80x1x128xf32>
    %add3A_39 = arith.constant 16 : i32
    %add3A_40 = vector.broadcast %add3A_39 : i32 to vector<128x128xi32>
    %add3A_41 = arith.addi %add3A_40, %select_n3A : vector<128x128xi32>
    %eq3A_42 = arith.cmpi eq, %iota3A, %add3A_41 : vector<128x128xi32>
    %convert_element_type3A_43 = arith.extui %eq3A_42 : vector<128x128xi1> to vector<128x128xi32>
    %convert_element_type3A_44 = arith.sitofp %convert_element_type3A_43 : vector<128x128xi32> to vector<128x128xf32>
    %dot_general3A_45 = arith.constant dense<0.000000e+00> : vector<80x128xf32>
    %dot_general3A_46 = tpu.matmul %get3A_1, %convert_element_type3A_44, %dot_general3A_45 {dimension_numbers = #tpu.dot_dimension_numbers<[1], [0], [0], [1], [0, 0, 1, 1], [], []>, transpose_lhs_hint = false} : vector<80x128xf32>, vector<128x128xf32>, vector<80x128xf32> -> vector<80x128xf32>
    %broadcast_in_dim3A_47 = vector.shape_cast %dot_general3A_46 : vector<80x128xf32> to vector<80x1x128xf32>
    %add3A_48 = arith.constant 24 : i32
    %add3A_49 = vector.broadcast %add3A_48 : i32 to vector<128x128xi32>
    %add3A_50 = arith.addi %add3A_49, %select_n3A : vector<128x128xi32>
    %eq3A_51 = arith.cmpi eq, %iota3A, %add3A_50 : vector<128x128xi32>
    %convert_element_type3A_52 = arith.extui %eq3A_51 : vector<128x128xi1> to vector<128x128xi32>
    %convert_element_type3A_53 = arith.sitofp %convert_element_type3A_52 : vector<128x128xi32> to vector<128x128xf32>
    %dot_general3A_54 = arith.constant dense<0.000000e+00> : vector<80x128xf32>
    %dot_general3A_55 = tpu.matmul %get3A_1, %convert_element_type3A_53, %dot_general3A_54 {dimension_numbers = #tpu.dot_dimension_numbers<[1], [0], [0], [1], [0, 0, 1, 1], [], []>, transpose_lhs_hint = false} : vector<80x128xf32>, vector<128x128xf32>, vector<80x128xf32> -> vector<80x128xf32>
    %broadcast_in_dim3A_56 = vector.shape_cast %dot_general3A_55 : vector<80x128xf32> to vector<80x1x128xf32>
    %add3A_57 = arith.constant 32 : i32
    %add3A_58 = vector.broadcast %add3A_57 : i32 to vector<128x128xi32>
    %add3A_59 = arith.addi %add3A_58, %select_n3A : vector<128x128xi32>
    %eq3A_60 = arith.cmpi eq, %iota3A, %add3A_59 : vector<128x128xi32>
    %convert_element_type3A_61 = arith.extui %eq3A_60 : vector<128x128xi1> to vector<128x128xi32>
    %convert_element_type3A_62 = arith.sitofp %convert_element_type3A_61 : vector<128x128xi32> to vector<128x128xf32>
    %dot_general3A_63 = arith.constant dense<0.000000e+00> : vector<80x128xf32>
    %dot_general3A_64 = tpu.matmul %get3A_1, %convert_element_type3A_62, %dot_general3A_63 {dimension_numbers = #tpu.dot_dimension_numbers<[1], [0], [0], [1], [0, 0, 1, 1], [], []>, transpose_lhs_hint = false} : vector<80x128xf32>, vector<128x128xf32>, vector<80x128xf32> -> vector<80x128xf32>
    %broadcast_in_dim3A_65 = vector.shape_cast %dot_general3A_64 : vector<80x128xf32> to vector<80x1x128xf32>
    %add3A_66 = arith.constant 40 : i32
    %add3A_67 = vector.broadcast %add3A_66 : i32 to vector<128x128xi32>
    %add3A_68 = arith.addi %add3A_67, %select_n3A : vector<128x128xi32>
    %eq3A_69 = arith.cmpi eq, %iota3A, %add3A_68 : vector<128x128xi32>
    %convert_element_type3A_70 = arith.extui %eq3A_69 : vector<128x128xi1> to vector<128x128xi32>
    %convert_element_type3A_71 = arith.sitofp %convert_element_type3A_70 : vector<128x128xi32> to vector<128x128xf32>
    %dot_general3A_72 = arith.constant dense<0.000000e+00> : vector<80x128xf32>
    %dot_general3A_73 = tpu.matmul %get3A_1, %convert_element_type3A_71, %dot_general3A_72 {dimension_numbers = #tpu.dot_dimension_numbers<[1], [0], [0], [1], [0, 0, 1, 1], [], []>, transpose_lhs_hint = false} : vector<80x128xf32>, vector<128x128xf32>, vector<80x128xf32> -> vector<80x128xf32>
    %broadcast_in_dim3A_74 = vector.shape_cast %dot_general3A_73 : vector<80x128xf32> to vector<80x1x128xf32>
    %add3A_75 = arith.constant 48 : i32
    %add3A_76 = vector.broadcast %add3A_75 : i32 to vector<128x128xi32>
    %add3A_77 = arith.addi %add3A_76, %select_n3A : vector<128x128xi32>
    %eq3A_78 = arith.cmpi eq, %iota3A, %add3A_77 : vector<128x128xi32>
    %convert_element_type3A_79 = arith.extui %eq3A_78 : vector<128x128xi1> to vector<128x128xi32>
    %convert_element_type3A_80 = arith.sitofp %convert_element_type3A_79 : vector<128x128xi32> to vector<128x128xf32>
    %dot_general3A_81 = arith.constant dense<0.000000e+00> : vector<80x128xf32>
    %dot_general3A_82 = tpu.matmul %get3A_1, %convert_element_type3A_80, %dot_general3A_81 {dimension_numbers = #tpu.dot_dimension_numbers<[1], [0], [0], [1], [0, 0, 1, 1], [], []>, transpose_lhs_hint = false} : vector<80x128xf32>, vector<128x128xf32>, vector<80x128xf32> -> vector<80x128xf32>
    %broadcast_in_dim3A_83 = vector.shape_cast %dot_general3A_82 : vector<80x128xf32> to vector<80x1x128xf32>
    %add3A_84 = arith.constant 56 : i32
    %add3A_85 = vector.broadcast %add3A_84 : i32 to vector<128x128xi32>
    %add3A_86 = arith.addi %add3A_85, %select_n3A : vector<128x128xi32>
    %eq3A_87 = arith.cmpi eq, %iota3A, %add3A_86 : vector<128x128xi32>
    %convert_element_type3A_88 = arith.extui %eq3A_87 : vector<128x128xi1> to vector<128x128xi32>
    %convert_element_type3A_89 = arith.sitofp %convert_element_type3A_88 : vector<128x128xi32> to vector<128x128xf32>
    %dot_general3A_90 = arith.constant dense<0.000000e+00> : vector<80x128xf32>
    %dot_general3A_91 = tpu.matmul %get3A_1, %convert_element_type3A_89, %dot_general3A_90 {dimension_numbers = #tpu.dot_dimension_numbers<[1], [0], [0], [1], [0, 0, 1, 1], [], []>, transpose_lhs_hint = false} : vector<80x128xf32>, vector<128x128xf32>, vector<80x128xf32> -> vector<80x128xf32>
    %broadcast_in_dim3A_92 = vector.shape_cast %dot_general3A_91 : vector<80x128xf32> to vector<80x1x128xf32>
    %add3A_93 = arith.constant 64 : i32
    %add3A_94 = vector.broadcast %add3A_93 : i32 to vector<128x128xi32>
    %add3A_95 = arith.addi %add3A_94, %select_n3A : vector<128x128xi32>
    %eq3A_96 = arith.cmpi eq, %iota3A, %add3A_95 : vector<128x128xi32>
    %convert_element_type3A_97 = arith.extui %eq3A_96 : vector<128x128xi1> to vector<128x128xi32>
    %convert_element_type3A_98 = arith.sitofp %convert_element_type3A_97 : vector<128x128xi32> to vector<128x128xf32>
    %dot_general3A_99 = arith.constant dense<0.000000e+00> : vector<80x128xf32>
    %dot_general3A_100 = tpu.matmul %get3A_1, %convert_element_type3A_98, %dot_general3A_99 {dimension_numbers = #tpu.dot_dimension_numbers<[1], [0], [0], [1], [0, 0, 1, 1], [], []>, transpose_lhs_hint = false} : vector<80x128xf32>, vector<128x128xf32>, vector<80x128xf32> -> vector<80x128xf32>
    %broadcast_in_dim3A_101 = vector.shape_cast %dot_general3A_100 : vector<80x128xf32> to vector<80x1x128xf32>
    %add3A_102 = arith.constant 72 : i32
    %add3A_103 = vector.broadcast %add3A_102 : i32 to vector<128x128xi32>
    %add3A_104 = arith.addi %add3A_103, %select_n3A : vector<128x128xi32>
    %eq3A_105 = arith.cmpi eq, %iota3A, %add3A_104 : vector<128x128xi32>
    %convert_element_type3A_106 = arith.extui %eq3A_105 : vector<128x128xi1> to vector<128x128xi32>
    %convert_element_type3A_107 = arith.sitofp %convert_element_type3A_106 : vector<128x128xi32> to vector<128x128xf32>
    %dot_general3A_108 = arith.constant dense<0.000000e+00> : vector<80x128xf32>
    %dot_general3A_109 = tpu.matmul %get3A_1, %convert_element_type3A_107, %dot_general3A_108 {dimension_numbers = #tpu.dot_dimension_numbers<[1], [0], [0], [1], [0, 0, 1, 1], [], []>, transpose_lhs_hint = false} : vector<80x128xf32>, vector<128x128xf32>, vector<80x128xf32> -> vector<80x128xf32>
    %broadcast_in_dim3A_110 = vector.shape_cast %dot_general3A_109 : vector<80x128xf32> to vector<80x1x128xf32>
    %add3A_111 = arith.constant 80 : i32
    %add3A_112 = vector.broadcast %add3A_111 : i32 to vector<128x128xi32>
    %add3A_113 = arith.addi %add3A_112, %select_n3A : vector<128x128xi32>
    %eq3A_114 = arith.cmpi eq, %iota3A, %add3A_113 : vector<128x128xi32>
    %convert_element_type3A_115 = arith.extui %eq3A_114 : vector<128x128xi1> to vector<128x128xi32>
    %convert_element_type3A_116 = arith.sitofp %convert_element_type3A_115 : vector<128x128xi32> to vector<128x128xf32>
    %dot_general3A_117 = arith.constant dense<0.000000e+00> : vector<80x128xf32>
    %dot_general3A_118 = tpu.matmul %get3A_1, %convert_element_type3A_116, %dot_general3A_117 {dimension_numbers = #tpu.dot_dimension_numbers<[1], [0], [0], [1], [0, 0, 1, 1], [], []>, transpose_lhs_hint = false} : vector<80x128xf32>, vector<128x128xf32>, vector<80x128xf32> -> vector<80x128xf32>
    %broadcast_in_dim3A_119 = vector.shape_cast %dot_general3A_118 : vector<80x128xf32> to vector<80x1x128xf32>
    %add3A_120 = arith.constant 88 : i32
    %add3A_121 = vector.broadcast %add3A_120 : i32 to vector<128x128xi32>
    %add3A_122 = arith.addi %add3A_121, %select_n3A : vector<128x128xi32>
    %eq3A_123 = arith.cmpi eq, %iota3A, %add3A_122 : vector<128x128xi32>
    %convert_element_type3A_124 = arith.extui %eq3A_123 : vector<128x128xi1> to vector<128x128xi32>
    %convert_element_type3A_125 = arith.sitofp %convert_element_type3A_124 : vector<128x128xi32> to vector<128x128xf32>
    %dot_general3A_126 = arith.constant dense<0.000000e+00> : vector<80x128xf32>
    %dot_general3A_127 = tpu.matmul %get3A_1, %convert_element_type3A_125, %dot_general3A_126 {dimension_numbers = #tpu.dot_dimension_numbers<[1], [0], [0], [1], [0, 0, 1, 1], [], []>, transpose_lhs_hint = false} : vector<80x128xf32>, vector<128x128xf32>, vector<80x128xf32> -> vector<80x128xf32>
    %broadcast_in_dim3A_128 = vector.shape_cast %dot_general3A_127 : vector<80x128xf32> to vector<80x1x128xf32>
    %add3A_129 = arith.constant 96 : i32
    %add3A_130 = vector.broadcast %add3A_129 : i32 to vector<128x128xi32>
    %add3A_131 = arith.addi %add3A_130, %select_n3A : vector<128x128xi32>
    %eq3A_132 = arith.cmpi eq, %iota3A, %add3A_131 : vector<128x128xi32>
    %convert_element_type3A_133 = arith.extui %eq3A_132 : vector<128x128xi1> to vector<128x128xi32>
    %convert_element_type3A_134 = arith.sitofp %convert_element_type3A_133 : vector<128x128xi32> to vector<128x128xf32>
    %dot_general3A_135 = arith.constant dense<0.000000e+00> : vector<80x128xf32>
    %dot_general3A_136 = tpu.matmul %get3A_1, %convert_element_type3A_134, %dot_general3A_135 {dimension_numbers = #tpu.dot_dimension_numbers<[1], [0], [0], [1], [0, 0, 1, 1], [], []>, transpose_lhs_hint = false} : vector<80x128xf32>, vector<128x128xf32>, vector<80x128xf32> -> vector<80x128xf32>
    %broadcast_in_dim3A_137 = vector.shape_cast %dot_general3A_136 : vector<80x128xf32> to vector<80x1x128xf32>
    %add3A_138 = arith.constant 104 : i32
    %add3A_139 = vector.broadcast %add3A_138 : i32 to vector<128x128xi32>
    %add3A_140 = arith.addi %add3A_139, %select_n3A : vector<128x128xi32>
    %eq3A_141 = arith.cmpi eq, %iota3A, %add3A_140 : vector<128x128xi32>
    %convert_element_type3A_142 = arith.extui %eq3A_141 : vector<128x128xi1> to vector<128x128xi32>
    %convert_element_type3A_143 = arith.sitofp %convert_element_type3A_142 : vector<128x128xi32> to vector<128x128xf32>
    %dot_general3A_144 = arith.constant dense<0.000000e+00> : vector<80x128xf32>
    %dot_general3A_145 = tpu.matmul %get3A_1, %convert_element_type3A_143, %dot_general3A_144 {dimension_numbers = #tpu.dot_dimension_numbers<[1], [0], [0], [1], [0, 0, 1, 1], [], []>, transpose_lhs_hint = false} : vector<80x128xf32>, vector<128x128xf32>, vector<80x128xf32> -> vector<80x128xf32>
    %broadcast_in_dim3A_146 = vector.shape_cast %dot_general3A_145 : vector<80x128xf32> to vector<80x1x128xf32>
    %add3A_147 = arith.constant 112 : i32
    %add3A_148 = vector.broadcast %add3A_147 : i32 to vector<128x128xi32>
    %add3A_149 = arith.addi %add3A_148, %select_n3A : vector<128x128xi32>
    %eq3A_150 = arith.cmpi eq, %iota3A, %add3A_149 : vector<128x128xi32>
    %convert_element_type3A_151 = arith.extui %eq3A_150 : vector<128x128xi1> to vector<128x128xi32>
    %convert_element_type3A_152 = arith.sitofp %convert_element_type3A_151 : vector<128x128xi32> to vector<128x128xf32>
    %dot_general3A_153 = arith.constant dense<0.000000e+00> : vector<80x128xf32>
    %dot_general3A_154 = tpu.matmul %get3A_1, %convert_element_type3A_152, %dot_general3A_153 {dimension_numbers = #tpu.dot_dimension_numbers<[1], [0], [0], [1], [0, 0, 1, 1], [], []>, transpose_lhs_hint = false} : vector<80x128xf32>, vector<128x128xf32>, vector<80x128xf32> -> vector<80x128xf32>
    %broadcast_in_dim3A_155 = vector.shape_cast %dot_general3A_154 : vector<80x128xf32> to vector<80x1x128xf32>
    %add3A_156 = arith.constant 120 : i32
    %add3A_157 = vector.broadcast %add3A_156 : i32 to vector<128x128xi32>
    %add3A_158 = arith.addi %add3A_157, %select_n3A : vector<128x128xi32>
    %eq3A_159 = arith.cmpi eq, %iota3A, %add3A_158 : vector<128x128xi32>
    %convert_element_type3A_160 = arith.extui %eq3A_159 : vector<128x128xi1> to vector<128x128xi32>
    %convert_element_type3A_161 = arith.sitofp %convert_element_type3A_160 : vector<128x128xi32> to vector<128x128xf32>
    %dot_general3A_162 = arith.constant dense<0.000000e+00> : vector<80x128xf32>
    %dot_general3A_163 = tpu.matmul %get3A_1, %convert_element_type3A_161, %dot_general3A_162 {dimension_numbers = #tpu.dot_dimension_numbers<[1], [0], [0], [1], [0, 0, 1, 1], [], []>, transpose_lhs_hint = false} : vector<80x128xf32>, vector<128x128xf32>, vector<80x128xf32> -> vector<80x128xf32>
    %broadcast_in_dim3A_164 = vector.shape_cast %dot_general3A_163 : vector<80x128xf32> to vector<80x1x128xf32>
    %concatenate3A = tpu.concatenate %broadcast_in_dim3A, %broadcast_in_dim3A_38, %broadcast_in_dim3A_47, %broadcast_in_dim3A_56, %broadcast_in_dim3A_65, %broadcast_in_dim3A_74, %broadcast_in_dim3A_83, %broadcast_in_dim3A_92, %broadcast_in_dim3A_101, %broadcast_in_dim3A_110, %broadcast_in_dim3A_119, %broadcast_in_dim3A_128, %broadcast_in_dim3A_137, %broadcast_in_dim3A_146, %broadcast_in_dim3A_155, %broadcast_in_dim3A_164 in 1 : vector<80x1x128xf32>, vector<80x1x128xf32>, vector<80x1x128xf32>, vector<80x1x128xf32>, vector<80x1x128xf32>, vector<80x1x128xf32>, vector<80x1x128xf32>, vector<80x1x128xf32>, vector<80x1x128xf32>, vector<80x1x128xf32>, vector<80x1x128xf32>, vector<80x1x128xf32>, vector<80x1x128xf32>, vector<80x1x128xf32>, vector<80x1x128xf32>, vector<80x1x128xf32> -> vector<80x16x128xf32>
    %reshape3A = vector.shape_cast %concatenate3A : vector<80x16x128xf32> to vector<1280x128xf32>
    %get3A_165 = arith.constant 0 : index
    %get3A_166 = arith.constant 0 : index
    %get3A_167 = vector.load %arg2[%get3A_165, %get3A_166] : memref<80x128xf32, #tpu.memory_space<vmem>>, vector<80x128xf32>
    %iota3A_168 = tpu.iota {dimensions = array<i32: 0>} : vector<128x128xi32>
    %iota3A_169 = tpu.iota {dimensions = array<i32: 1>} : vector<128x128xi32>
    %jit3A_170 = arith.constant 16 : i32
    %div3A_171 = vector.broadcast %jit3A_170 : i32 to vector<128x128xi32>
    %div3A_172 = arith.divsi %iota3A_169, %div3A_171 : vector<128x128xi32>
    %sign3A_173 = arith.constant 0 : i32
    %sign3A_174 = vector.broadcast %sign3A_173 : i32 to vector<128x128xi32>
    %sign3A_175 = arith.cmpi sgt, %iota3A_169, %sign3A_174 : vector<128x128xi32>
    %sign3A_176 = arith.extui %sign3A_175 : vector<128x128xi1> to vector<128x128xi32>
    %sign3A_177 = arith.constant 0 : i32
    %sign3A_178 = vector.broadcast %sign3A_177 : i32 to vector<128x128xi32>
    %sign3A_179 = arith.cmpi slt, %iota3A_169, %sign3A_178 : vector<128x128xi32>
    %sign3A_180 = arith.extui %sign3A_179 : vector<128x128xi1> to vector<128x128xi32>
    %sign3A_181 = arith.subi %sign3A_176, %sign3A_180 : vector<128x128xi32>
    %sign3A_182 = arith.constant 0 : i32
    %sign3A_183 = arith.cmpi sgt, %jit3A_170, %sign3A_182 : i32
    %sign3A_184 = arith.extui %sign3A_183 : i1 to i32
    %sign3A_185 = arith.constant 0 : i32
    %sign3A_186 = arith.cmpi slt, %jit3A_170, %sign3A_185 : i32
    %sign3A_187 = arith.extui %sign3A_186 : i1 to i32
    %sign3A_188 = arith.subi %sign3A_184, %sign3A_187 : i32
    %ne3A_189 = vector.broadcast %sign3A_188 : i32 to vector<128x128xi32>
    %ne3A_190 = arith.cmpi ne, %sign3A_181, %ne3A_189 : vector<128x128xi32>
    %rem3A_191 = vector.broadcast %jit3A_170 : i32 to vector<128x128xi32>
    %rem3A_192 = arith.remsi %iota3A_169, %rem3A_191 : vector<128x128xi32>
    %ne3A_193 = arith.constant 0 : i32
    %ne3A_194 = vector.broadcast %ne3A_193 : i32 to vector<128x128xi32>
    %ne3A_195 = arith.cmpi ne, %rem3A_192, %ne3A_194 : vector<128x128xi32>
    %and3A_196 = arith.andi %ne3A_190, %ne3A_195 : vector<128x128xi1>
    %sub3A_197 = arith.constant 1 : i32
    %sub3A_198 = vector.broadcast %sub3A_197 : i32 to vector<128x128xi32>
    %sub3A_199 = arith.subi %div3A_172, %sub3A_198 : vector<128x128xi32>
    %select_n3A_200 = arith.select %and3A_196, %sub3A_199, %div3A_172 : vector<128x128xi1>, vector<128x128xi32>
    %add3A_201 = arith.constant 0 : i32
    %add3A_202 = vector.broadcast %add3A_201 : i32 to vector<128x128xi32>
    %add3A_203 = arith.addi %add3A_202, %select_n3A_200 : vector<128x128xi32>
    %eq3A_204 = arith.cmpi eq, %iota3A_168, %add3A_203 : vector<128x128xi32>
    %convert_element_type3A_205 = arith.extui %eq3A_204 : vector<128x128xi1> to vector<128x128xi32>
    %convert_element_type3A_206 = arith.sitofp %convert_element_type3A_205 : vector<128x128xi32> to vector<128x128xf32>
    %dot_general3A_207 = arith.constant dense<0.000000e+00> : vector<80x128xf32>
    %dot_general3A_208 = tpu.matmul %get3A_167, %convert_element_type3A_206, %dot_general3A_207 {dimension_numbers = #tpu.dot_dimension_numbers<[1], [0], [0], [1], [0, 0, 1, 1], [], []>, transpose_lhs_hint = false} : vector<80x128xf32>, vector<128x128xf32>, vector<80x128xf32> -> vector<80x128xf32>
    %broadcast_in_dim3A_209 = vector.shape_cast %dot_general3A_208 : vector<80x128xf32> to vector<80x1x128xf32>
    %add3A_210 = arith.constant 8 : i32
    %add3A_211 = vector.broadcast %add3A_210 : i32 to vector<128x128xi32>
    %add3A_212 = arith.addi %add3A_211, %select_n3A_200 : vector<128x128xi32>
    %eq3A_213 = arith.cmpi eq, %iota3A_168, %add3A_212 : vector<128x128xi32>
    %convert_element_type3A_214 = arith.extui %eq3A_213 : vector<128x128xi1> to vector<128x128xi32>
    %convert_element_type3A_215 = arith.sitofp %convert_element_type3A_214 : vector<128x128xi32> to vector<128x128xf32>
    %dot_general3A_216 = arith.constant dense<0.000000e+00> : vector<80x128xf32>
    %dot_general3A_217 = tpu.matmul %get3A_167, %convert_element_type3A_215, %dot_general3A_216 {dimension_numbers = #tpu.dot_dimension_numbers<[1], [0], [0], [1], [0, 0, 1, 1], [], []>, transpose_lhs_hint = false} : vector<80x128xf32>, vector<128x128xf32>, vector<80x128xf32> -> vector<80x128xf32>
    %broadcast_in_dim3A_218 = vector.shape_cast %dot_general3A_217 : vector<80x128xf32> to vector<80x1x128xf32>
    %add3A_219 = arith.constant 16 : i32
    %add3A_220 = vector.broadcast %add3A_219 : i32 to vector<128x128xi32>
    %add3A_221 = arith.addi %add3A_220, %select_n3A_200 : vector<128x128xi32>
    %eq3A_222 = arith.cmpi eq, %iota3A_168, %add3A_221 : vector<128x128xi32>
    %convert_element_type3A_223 = arith.extui %eq3A_222 : vector<128x128xi1> to vector<128x128xi32>
    %convert_element_type3A_224 = arith.sitofp %convert_element_type3A_223 : vector<128x128xi32> to vector<128x128xf32>
    %dot_general3A_225 = arith.constant dense<0.000000e+00> : vector<80x128xf32>
    %dot_general3A_226 = tpu.matmul %get3A_167, %convert_element_type3A_224, %dot_general3A_225 {dimension_numbers = #tpu.dot_dimension_numbers<[1], [0], [0], [1], [0, 0, 1, 1], [], []>, transpose_lhs_hint = false} : vector<80x128xf32>, vector<128x128xf32>, vector<80x128xf32> -> vector<80x128xf32>
    %broadcast_in_dim3A_227 = vector.shape_cast %dot_general3A_226 : vector<80x128xf32> to vector<80x1x128xf32>
    %add3A_228 = arith.constant 24 : i32
    %add3A_229 = vector.broadcast %add3A_228 : i32 to vector<128x128xi32>
    %add3A_230 = arith.addi %add3A_229, %select_n3A_200 : vector<128x128xi32>
    %eq3A_231 = arith.cmpi eq, %iota3A_168, %add3A_230 : vector<128x128xi32>
    %convert_element_type3A_232 = arith.extui %eq3A_231 : vector<128x128xi1> to vector<128x128xi32>
    %convert_element_type3A_233 = arith.sitofp %convert_element_type3A_232 : vector<128x128xi32> to vector<128x128xf32>
    %dot_general3A_234 = arith.constant dense<0.000000e+00> : vector<80x128xf32>
    %dot_general3A_235 = tpu.matmul %get3A_167, %convert_element_type3A_233, %dot_general3A_234 {dimension_numbers = #tpu.dot_dimension_numbers<[1], [0], [0], [1], [0, 0, 1, 1], [], []>, transpose_lhs_hint = false} : vector<80x128xf32>, vector<128x128xf32>, vector<80x128xf32> -> vector<80x128xf32>
    %broadcast_in_dim3A_236 = vector.shape_cast %dot_general3A_235 : vector<80x128xf32> to vector<80x1x128xf32>
    %add3A_237 = arith.constant 32 : i32
    %add3A_238 = vector.broadcast %add3A_237 : i32 to vector<128x128xi32>
    %add3A_239 = arith.addi %add3A_238, %select_n3A_200 : vector<128x128xi32>
    %eq3A_240 = arith.cmpi eq, %iota3A_168, %add3A_239 : vector<128x128xi32>
    %convert_element_type3A_241 = arith.extui %eq3A_240 : vector<128x128xi1> to vector<128x128xi32>
    %convert_element_type3A_242 = arith.sitofp %convert_element_type3A_241 : vector<128x128xi32> to vector<128x128xf32>
    %dot_general3A_243 = arith.constant dense<0.000000e+00> : vector<80x128xf32>
    %dot_general3A_244 = tpu.matmul %get3A_167, %convert_element_type3A_242, %dot_general3A_243 {dimension_numbers = #tpu.dot_dimension_numbers<[1], [0], [0], [1], [0, 0, 1, 1], [], []>, transpose_lhs_hint = false} : vector<80x128xf32>, vector<128x128xf32>, vector<80x128xf32> -> vector<80x128xf32>
    %broadcast_in_dim3A_245 = vector.shape_cast %dot_general3A_244 : vector<80x128xf32> to vector<80x1x128xf32>
    %add3A_246 = arith.constant 40 : i32
    %add3A_247 = vector.broadcast %add3A_246 : i32 to vector<128x128xi32>
    %add3A_248 = arith.addi %add3A_247, %select_n3A_200 : vector<128x128xi32>
    %eq3A_249 = arith.cmpi eq, %iota3A_168, %add3A_248 : vector<128x128xi32>
    %convert_element_type3A_250 = arith.extui %eq3A_249 : vector<128x128xi1> to vector<128x128xi32>
    %convert_element_type3A_251 = arith.sitofp %convert_element_type3A_250 : vector<128x128xi32> to vector<128x128xf32>
    %dot_general3A_252 = arith.constant dense<0.000000e+00> : vector<80x128xf32>
    %dot_general3A_253 = tpu.matmul %get3A_167, %convert_element_type3A_251, %dot_general3A_252 {dimension_numbers = #tpu.dot_dimension_numbers<[1], [0], [0], [1], [0, 0, 1, 1], [], []>, transpose_lhs_hint = false} : vector<80x128xf32>, vector<128x128xf32>, vector<80x128xf32> -> vector<80x128xf32>
    %broadcast_in_dim3A_254 = vector.shape_cast %dot_general3A_253 : vector<80x128xf32> to vector<80x1x128xf32>
    %add3A_255 = arith.constant 48 : i32
    %add3A_256 = vector.broadcast %add3A_255 : i32 to vector<128x128xi32>
    %add3A_257 = arith.addi %add3A_256, %select_n3A_200 : vector<128x128xi32>
    %eq3A_258 = arith.cmpi eq, %iota3A_168, %add3A_257 : vector<128x128xi32>
    %convert_element_type3A_259 = arith.extui %eq3A_258 : vector<128x128xi1> to vector<128x128xi32>
    %convert_element_type3A_260 = arith.sitofp %convert_element_type3A_259 : vector<128x128xi32> to vector<128x128xf32>
    %dot_general3A_261 = arith.constant dense<0.000000e+00> : vector<80x128xf32>
    %dot_general3A_262 = tpu.matmul %get3A_167, %convert_element_type3A_260, %dot_general3A_261 {dimension_numbers = #tpu.dot_dimension_numbers<[1], [0], [0], [1], [0, 0, 1, 1], [], []>, transpose_lhs_hint = false} : vector<80x128xf32>, vector<128x128xf32>, vector<80x128xf32> -> vector<80x128xf32>
    %broadcast_in_dim3A_263 = vector.shape_cast %dot_general3A_262 : vector<80x128xf32> to vector<80x1x128xf32>
    %add3A_264 = arith.constant 56 : i32
    %add3A_265 = vector.broadcast %add3A_264 : i32 to vector<128x128xi32>
    %add3A_266 = arith.addi %add3A_265, %select_n3A_200 : vector<128x128xi32>
    %eq3A_267 = arith.cmpi eq, %iota3A_168, %add3A_266 : vector<128x128xi32>
    %convert_element_type3A_268 = arith.extui %eq3A_267 : vector<128x128xi1> to vector<128x128xi32>
    %convert_element_type3A_269 = arith.sitofp %convert_element_type3A_268 : vector<128x128xi32> to vector<128x128xf32>
    %dot_general3A_270 = arith.constant dense<0.000000e+00> : vector<80x128xf32>
    %dot_general3A_271 = tpu.matmul %get3A_167, %convert_element_type3A_269, %dot_general3A_270 {dimension_numbers = #tpu.dot_dimension_numbers<[1], [0], [0], [1], [0, 0, 1, 1], [], []>, transpose_lhs_hint = false} : vector<80x128xf32>, vector<128x128xf32>, vector<80x128xf32> -> vector<80x128xf32>
    %broadcast_in_dim3A_272 = vector.shape_cast %dot_general3A_271 : vector<80x128xf32> to vector<80x1x128xf32>
    %add3A_273 = arith.constant 64 : i32
    %add3A_274 = vector.broadcast %add3A_273 : i32 to vector<128x128xi32>
    %add3A_275 = arith.addi %add3A_274, %select_n3A_200 : vector<128x128xi32>
    %eq3A_276 = arith.cmpi eq, %iota3A_168, %add3A_275 : vector<128x128xi32>
    %convert_element_type3A_277 = arith.extui %eq3A_276 : vector<128x128xi1> to vector<128x128xi32>
    %convert_element_type3A_278 = arith.sitofp %convert_element_type3A_277 : vector<128x128xi32> to vector<128x128xf32>
    %dot_general3A_279 = arith.constant dense<0.000000e+00> : vector<80x128xf32>
    %dot_general3A_280 = tpu.matmul %get3A_167, %convert_element_type3A_278, %dot_general3A_279 {dimension_numbers = #tpu.dot_dimension_numbers<[1], [0], [0], [1], [0, 0, 1, 1], [], []>, transpose_lhs_hint = false} : vector<80x128xf32>, vector<128x128xf32>, vector<80x128xf32> -> vector<80x128xf32>
    %broadcast_in_dim3A_281 = vector.shape_cast %dot_general3A_280 : vector<80x128xf32> to vector<80x1x128xf32>
    %add3A_282 = arith.constant 72 : i32
    %add3A_283 = vector.broadcast %add3A_282 : i32 to vector<128x128xi32>
    %add3A_284 = arith.addi %add3A_283, %select_n3A_200 : vector<128x128xi32>
    %eq3A_285 = arith.cmpi eq, %iota3A_168, %add3A_284 : vector<128x128xi32>
    %convert_element_type3A_286 = arith.extui %eq3A_285 : vector<128x128xi1> to vector<128x128xi32>
    %convert_element_type3A_287 = arith.sitofp %convert_element_type3A_286 : vector<128x128xi32> to vector<128x128xf32>
    %dot_general3A_288 = arith.constant dense<0.000000e+00> : vector<80x128xf32>
    %dot_general3A_289 = tpu.matmul %get3A_167, %convert_element_type3A_287, %dot_general3A_288 {dimension_numbers = #tpu.dot_dimension_numbers<[1], [0], [0], [1], [0, 0, 1, 1], [], []>, transpose_lhs_hint = false} : vector<80x128xf32>, vector<128x128xf32>, vector<80x128xf32> -> vector<80x128xf32>
    %broadcast_in_dim3A_290 = vector.shape_cast %dot_general3A_289 : vector<80x128xf32> to vector<80x1x128xf32>
    %add3A_291 = arith.constant 80 : i32
    %add3A_292 = vector.broadcast %add3A_291 : i32 to vector<128x128xi32>
    %add3A_293 = arith.addi %add3A_292, %select_n3A_200 : vector<128x128xi32>
    %eq3A_294 = arith.cmpi eq, %iota3A_168, %add3A_293 : vector<128x128xi32>
    %convert_element_type3A_295 = arith.extui %eq3A_294 : vector<128x128xi1> to vector<128x128xi32>
    %convert_element_type3A_296 = arith.sitofp %convert_element_type3A_295 : vector<128x128xi32> to vector<128x128xf32>
    %dot_general3A_297 = arith.constant dense<0.000000e+00> : vector<80x128xf32>
    %dot_general3A_298 = tpu.matmul %get3A_167, %convert_element_type3A_296, %dot_general3A_297 {dimension_numbers = #tpu.dot_dimension_numbers<[1], [0], [0], [1], [0, 0, 1, 1], [], []>, transpose_lhs_hint = false} : vector<80x128xf32>, vector<128x128xf32>, vector<80x128xf32> -> vector<80x128xf32>
    %broadcast_in_dim3A_299 = vector.shape_cast %dot_general3A_298 : vector<80x128xf32> to vector<80x1x128xf32>
    %add3A_300 = arith.constant 88 : i32
    %add3A_301 = vector.broadcast %add3A_300 : i32 to vector<128x128xi32>
    %add3A_302 = arith.addi %add3A_301, %select_n3A_200 : vector<128x128xi32>
    %eq3A_303 = arith.cmpi eq, %iota3A_168, %add3A_302 : vector<128x128xi32>
    %convert_element_type3A_304 = arith.extui %eq3A_303 : vector<128x128xi1> to vector<128x128xi32>
    %convert_element_type3A_305 = arith.sitofp %convert_element_type3A_304 : vector<128x128xi32> to vector<128x128xf32>
    %dot_general3A_306 = arith.constant dense<0.000000e+00> : vector<80x128xf32>
    %dot_general3A_307 = tpu.matmul %get3A_167, %convert_element_type3A_305, %dot_general3A_306 {dimension_numbers = #tpu.dot_dimension_numbers<[1], [0], [0], [1], [0, 0, 1, 1], [], []>, transpose_lhs_hint = false} : vector<80x128xf32>, vector<128x128xf32>, vector<80x128xf32> -> vector<80x128xf32>
    %broadcast_in_dim3A_308 = vector.shape_cast %dot_general3A_307 : vector<80x128xf32> to vector<80x1x128xf32>
    %add3A_309 = arith.constant 96 : i32
    %add3A_310 = vector.broadcast %add3A_309 : i32 to vector<128x128xi32>
    %add3A_311 = arith.addi %add3A_310, %select_n3A_200 : vector<128x128xi32>
    %eq3A_312 = arith.cmpi eq, %iota3A_168, %add3A_311 : vector<128x128xi32>
    %convert_element_type3A_313 = arith.extui %eq3A_312 : vector<128x128xi1> to vector<128x128xi32>
    %convert_element_type3A_314 = arith.sitofp %convert_element_type3A_313 : vector<128x128xi32> to vector<128x128xf32>
    %dot_general3A_315 = arith.constant dense<0.000000e+00> : vector<80x128xf32>
    %dot_general3A_316 = tpu.matmul %get3A_167, %convert_element_type3A_314, %dot_general3A_315 {dimension_numbers = #tpu.dot_dimension_numbers<[1], [0], [0], [1], [0, 0, 1, 1], [], []>, transpose_lhs_hint = false} : vector<80x128xf32>, vector<128x128xf32>, vector<80x128xf32> -> vector<80x128xf32>
    %broadcast_in_dim3A_317 = vector.shape_cast %dot_general3A_316 : vector<80x128xf32> to vector<80x1x128xf32>
    %add3A_318 = arith.constant 104 : i32
    %add3A_319 = vector.broadcast %add3A_318 : i32 to vector<128x128xi32>
    %add3A_320 = arith.addi %add3A_319, %select_n3A_200 : vector<128x128xi32>
    %eq3A_321 = arith.cmpi eq, %iota3A_168, %add3A_320 : vector<128x128xi32>
    %convert_element_type3A_322 = arith.extui %eq3A_321 : vector<128x128xi1> to vector<128x128xi32>
    %convert_element_type3A_323 = arith.sitofp %convert_element_type3A_322 : vector<128x128xi32> to vector<128x128xf32>
    %dot_general3A_324 = arith.constant dense<0.000000e+00> : vector<80x128xf32>
    %dot_general3A_325 = tpu.matmul %get3A_167, %convert_element_type3A_323, %dot_general3A_324 {dimension_numbers = #tpu.dot_dimension_numbers<[1], [0], [0], [1], [0, 0, 1, 1], [], []>, transpose_lhs_hint = false} : vector<80x128xf32>, vector<128x128xf32>, vector<80x128xf32> -> vector<80x128xf32>
    %broadcast_in_dim3A_326 = vector.shape_cast %dot_general3A_325 : vector<80x128xf32> to vector<80x1x128xf32>
    %add3A_327 = arith.constant 112 : i32
    %add3A_328 = vector.broadcast %add3A_327 : i32 to vector<128x128xi32>
    %add3A_329 = arith.addi %add3A_328, %select_n3A_200 : vector<128x128xi32>
    %eq3A_330 = arith.cmpi eq, %iota3A_168, %add3A_329 : vector<128x128xi32>
    %convert_element_type3A_331 = arith.extui %eq3A_330 : vector<128x128xi1> to vector<128x128xi32>
    %convert_element_type3A_332 = arith.sitofp %convert_element_type3A_331 : vector<128x128xi32> to vector<128x128xf32>
    %dot_general3A_333 = arith.constant dense<0.000000e+00> : vector<80x128xf32>
    %dot_general3A_334 = tpu.matmul %get3A_167, %convert_element_type3A_332, %dot_general3A_333 {dimension_numbers = #tpu.dot_dimension_numbers<[1], [0], [0], [1], [0, 0, 1, 1], [], []>, transpose_lhs_hint = false} : vector<80x128xf32>, vector<128x128xf32>, vector<80x128xf32> -> vector<80x128xf32>
    %broadcast_in_dim3A_335 = vector.shape_cast %dot_general3A_334 : vector<80x128xf32> to vector<80x1x128xf32>
    %add3A_336 = arith.constant 120 : i32
    %add3A_337 = vector.broadcast %add3A_336 : i32 to vector<128x128xi32>
    %add3A_338 = arith.addi %add3A_337, %select_n3A_200 : vector<128x128xi32>
    %eq3A_339 = arith.cmpi eq, %iota3A_168, %add3A_338 : vector<128x128xi32>
    %convert_element_type3A_340 = arith.extui %eq3A_339 : vector<128x128xi1> to vector<128x128xi32>
    %convert_element_type3A_341 = arith.sitofp %convert_element_type3A_340 : vector<128x128xi32> to vector<128x128xf32>
    %dot_general3A_342 = arith.constant dense<0.000000e+00> : vector<80x128xf32>
    %dot_general3A_343 = tpu.matmul %get3A_167, %convert_element_type3A_341, %dot_general3A_342 {dimension_numbers = #tpu.dot_dimension_numbers<[1], [0], [0], [1], [0, 0, 1, 1], [], []>, transpose_lhs_hint = false} : vector<80x128xf32>, vector<128x128xf32>, vector<80x128xf32> -> vector<80x128xf32>
    %broadcast_in_dim3A_344 = vector.shape_cast %dot_general3A_343 : vector<80x128xf32> to vector<80x1x128xf32>
    %concatenate3A_345 = tpu.concatenate %broadcast_in_dim3A_209, %broadcast_in_dim3A_218, %broadcast_in_dim3A_227, %broadcast_in_dim3A_236, %broadcast_in_dim3A_245, %broadcast_in_dim3A_254, %broadcast_in_dim3A_263, %broadcast_in_dim3A_272, %broadcast_in_dim3A_281, %broadcast_in_dim3A_290, %broadcast_in_dim3A_299, %broadcast_in_dim3A_308, %broadcast_in_dim3A_317, %broadcast_in_dim3A_326, %broadcast_in_dim3A_335, %broadcast_in_dim3A_344 in 1 : vector<80x1x128xf32>, vector<80x1x128xf32>, vector<80x1x128xf32>, vector<80x1x128xf32>, vector<80x1x128xf32>, vector<80x1x128xf32>, vector<80x1x128xf32>, vector<80x1x128xf32>, vector<80x1x128xf32>, vector<80x1x128xf32>, vector<80x1x128xf32>, vector<80x1x128xf32>, vector<80x1x128xf32>, vector<80x1x128xf32>, vector<80x1x128xf32>, vector<80x1x128xf32> -> vector<80x16x128xf32>
    %reshape3A_346 = vector.shape_cast %concatenate3A_345 : vector<80x16x128xf32> to vector<1280x128xf32>
    %max3A = arith.constant 1.000000e+00 : f32
    %max3A_347 = vector.broadcast %max3A : f32 to vector<1280x128xf32>
    %max3A_348 = arith.maximumf %reshape3A_346, %max3A_347 : vector<1280x128xf32>
    %rsqrt3A = math.rsqrt %max3A_348 : vector<1280x128xf32>
    %get3A_349 = arith.constant 0 : index
    %get3A_350 = arith.constant 0 : index
    %get3A_351 = vector.load %arg3[%get3A_349, %get3A_350] : memref<8x32xf32, #tpu.memory_space<vmem>>, vector<8x32xf32>
    %get3A_352 = arith.constant 0 : index
    %get3A_353 = arith.constant 0 : index
    %get3A_354 = vector.load %arg4[%get3A_352, %get3A_353] : memref<32x32xf32, #tpu.memory_space<vmem>>, vector<32x32xf32>
    %dot_general3A_355 = arith.constant dense<0.000000e+00> : vector<8x32xf32>
    %dot_general3A_356 = tpu.matmul %get3A_351, %get3A_354, %dot_general3A_355 {dimension_numbers = #tpu.dot_dimension_numbers<[1], [0], [0], [1], [0, 0, 1, 1], [], []>, transpose_lhs_hint = false} : vector<8x32xf32>, vector<32x32xf32>, vector<8x32xf32> -> vector<8x32xf32>
    %broadcast_in_dim3A_357 = arith.constant 0.000000e+00 : f32
    %broadcast_in_dim3A_358 = vector.broadcast %broadcast_in_dim3A_357 : f32 to vector<1280x128xf32>
    %broadcast_in_dim3A_359 = arith.constant 0.000000e+00 : f32
    %broadcast_in_dim3A_360 = vector.broadcast %broadcast_in_dim3A_359 : f32 to vector<1280x128xf32>
    %eq3A_361 = arith.constant 0.000000e+00 : f32
    %eq3A_362 = vector.broadcast %eq3A_361 : f32 to vector<1280x128xf32>
    %eq3A_363 = arith.cmpf oeq, %reshape3A, %eq3A_362 : vector<1280x128xf32>
    %convert_element_type3A_364 = arith.extui %eq3A_363 : vector<1280x128xi1> to vector<1280x128xi32>
    %convert_element_type3A_365 = arith.sitofp %convert_element_type3A_364 : vector<1280x128xi32> to vector<1280x128xf32>
    %slice3A = vector.extract_strided_slice %dot_general3A_356 {offsets = [0, 0], sizes = [1, 16], strides = [1, 1]} : vector<8x32xf32> to vector<1x16xf32>
    %concatenate3A_366 = tpu.concatenate %slice3A, %slice3A, %slice3A, %slice3A, %slice3A, %slice3A, %slice3A, %slice3A in 1 : vector<1x16xf32>, vector<1x16xf32>, vector<1x16xf32>, vector<1x16xf32>, vector<1x16xf32>, vector<1x16xf32>, vector<1x16xf32>, vector<1x16xf32> -> vector<1x128xf32>
    %slice3A_367 = vector.extract_strided_slice %dot_general3A_356 {offsets = [0, 16], sizes = [1, 16], strides = [1, 1]} : vector<8x32xf32> to vector<1x16xf32>
    %concatenate3A_368 = tpu.concatenate %slice3A_367, %slice3A_367, %slice3A_367, %slice3A_367, %slice3A_367, %slice3A_367, %slice3A_367, %slice3A_367 in 1 : vector<1x16xf32>, vector<1x16xf32>, vector<1x16xf32>, vector<1x16xf32>, vector<1x16xf32>, vector<1x16xf32>, vector<1x16xf32>, vector<1x16xf32> -> vector<1x128xf32>
    %mul3A = vector.broadcast %concatenate3A_366 : vector<1x128xf32> to vector<1280x128xf32>
    %mul3A_369 = arith.mulf %convert_element_type3A_365, %mul3A : vector<1280x128xf32>
    %add3A_370 = arith.addf %broadcast_in_dim3A_358, %mul3A_369 : vector<1280x128xf32>
    %mul3A_371 = vector.broadcast %concatenate3A_368 : vector<1x128xf32> to vector<1280x128xf32>
    %mul3A_372 = arith.mulf %convert_element_type3A_365, %mul3A_371 : vector<1280x128xf32>
    %add3A_373 = arith.addf %broadcast_in_dim3A_360, %mul3A_372 : vector<1280x128xf32>
    %eq3A_374 = arith.constant 1.000000e+00 : f32
    %eq3A_375 = vector.broadcast %eq3A_374 : f32 to vector<1280x128xf32>
    %eq3A_376 = arith.cmpf oeq, %reshape3A, %eq3A_375 : vector<1280x128xf32>
    %convert_element_type3A_377 = arith.extui %eq3A_376 : vector<1280x128xi1> to vector<1280x128xi32>
    %convert_element_type3A_378 = arith.sitofp %convert_element_type3A_377 : vector<1280x128xi32> to vector<1280x128xf32>
    %slice3A_379 = vector.extract_strided_slice %dot_general3A_356 {offsets = [1, 0], sizes = [1, 16], strides = [1, 1]} : vector<8x32xf32> to vector<1x16xf32>
    %concatenate3A_380 = tpu.concatenate %slice3A_379, %slice3A_379, %slice3A_379, %slice3A_379, %slice3A_379, %slice3A_379, %slice3A_379, %slice3A_379 in 1 : vector<1x16xf32>, vector<1x16xf32>, vector<1x16xf32>, vector<1x16xf32>, vector<1x16xf32>, vector<1x16xf32>, vector<1x16xf32>, vector<1x16xf32> -> vector<1x128xf32>
    %slice3A_381 = vector.extract_strided_slice %dot_general3A_356 {offsets = [1, 16], sizes = [1, 16], strides = [1, 1]} : vector<8x32xf32> to vector<1x16xf32>
    %concatenate3A_382 = tpu.concatenate %slice3A_381, %slice3A_381, %slice3A_381, %slice3A_381, %slice3A_381, %slice3A_381, %slice3A_381, %slice3A_381 in 1 : vector<1x16xf32>, vector<1x16xf32>, vector<1x16xf32>, vector<1x16xf32>, vector<1x16xf32>, vector<1x16xf32>, vector<1x16xf32>, vector<1x16xf32> -> vector<1x128xf32>
    %mul3A_383 = vector.broadcast %concatenate3A_380 : vector<1x128xf32> to vector<1280x128xf32>
    %mul3A_384 = arith.mulf %convert_element_type3A_378, %mul3A_383 : vector<1280x128xf32>
    %add3A_385 = arith.addf %add3A_370, %mul3A_384 : vector<1280x128xf32>
    %mul3A_386 = vector.broadcast %concatenate3A_382 : vector<1x128xf32> to vector<1280x128xf32>
    %mul3A_387 = arith.mulf %convert_element_type3A_378, %mul3A_386 : vector<1280x128xf32>
    %add3A_388 = arith.addf %add3A_373, %mul3A_387 : vector<1280x128xf32>
    %eq3A_389 = arith.constant 2.000000e+00 : f32
    %eq3A_390 = vector.broadcast %eq3A_389 : f32 to vector<1280x128xf32>
    %eq3A_391 = arith.cmpf oeq, %reshape3A, %eq3A_390 : vector<1280x128xf32>
    %convert_element_type3A_392 = arith.extui %eq3A_391 : vector<1280x128xi1> to vector<1280x128xi32>
    %convert_element_type3A_393 = arith.sitofp %convert_element_type3A_392 : vector<1280x128xi32> to vector<1280x128xf32>
    %slice3A_394 = vector.extract_strided_slice %dot_general3A_356 {offsets = [2, 0], sizes = [1, 16], strides = [1, 1]} : vector<8x32xf32> to vector<1x16xf32>
    %concatenate3A_395 = tpu.concatenate %slice3A_394, %slice3A_394, %slice3A_394, %slice3A_394, %slice3A_394, %slice3A_394, %slice3A_394, %slice3A_394 in 1 : vector<1x16xf32>, vector<1x16xf32>, vector<1x16xf32>, vector<1x16xf32>, vector<1x16xf32>, vector<1x16xf32>, vector<1x16xf32>, vector<1x16xf32> -> vector<1x128xf32>
    %slice3A_396 = vector.extract_strided_slice %dot_general3A_356 {offsets = [2, 16], sizes = [1, 16], strides = [1, 1]} : vector<8x32xf32> to vector<1x16xf32>
    %concatenate3A_397 = tpu.concatenate %slice3A_396, %slice3A_396, %slice3A_396, %slice3A_396, %slice3A_396, %slice3A_396, %slice3A_396, %slice3A_396 in 1 : vector<1x16xf32>, vector<1x16xf32>, vector<1x16xf32>, vector<1x16xf32>, vector<1x16xf32>, vector<1x16xf32>, vector<1x16xf32>, vector<1x16xf32> -> vector<1x128xf32>
    %mul3A_398 = vector.broadcast %concatenate3A_395 : vector<1x128xf32> to vector<1280x128xf32>
    %mul3A_399 = arith.mulf %convert_element_type3A_393, %mul3A_398 : vector<1280x128xf32>
    %add3A_400 = arith.addf %add3A_385, %mul3A_399 : vector<1280x128xf32>
    %mul3A_401 = vector.broadcast %concatenate3A_397 : vector<1x128xf32> to vector<1280x128xf32>
    %mul3A_402 = arith.mulf %convert_element_type3A_393, %mul3A_401 : vector<1280x128xf32>
    %add3A_403 = arith.addf %add3A_388, %mul3A_402 : vector<1280x128xf32>
    %eq3A_404 = arith.constant 3.000000e+00 : f32
    %eq3A_405 = vector.broadcast %eq3A_404 : f32 to vector<1280x128xf32>
    %eq3A_406 = arith.cmpf oeq, %reshape3A, %eq3A_405 : vector<1280x128xf32>
    %convert_element_type3A_407 = arith.extui %eq3A_406 : vector<1280x128xi1> to vector<1280x128xi32>
    %convert_element_type3A_408 = arith.sitofp %convert_element_type3A_407 : vector<1280x128xi32> to vector<1280x128xf32>
    %slice3A_409 = vector.extract_strided_slice %dot_general3A_356 {offsets = [3, 0], sizes = [1, 16], strides = [1, 1]} : vector<8x32xf32> to vector<1x16xf32>
    %concatenate3A_410 = tpu.concatenate %slice3A_409, %slice3A_409, %slice3A_409, %slice3A_409, %slice3A_409, %slice3A_409, %slice3A_409, %slice3A_409 in 1 : vector<1x16xf32>, vector<1x16xf32>, vector<1x16xf32>, vector<1x16xf32>, vector<1x16xf32>, vector<1x16xf32>, vector<1x16xf32>, vector<1x16xf32> -> vector<1x128xf32>
    %slice3A_411 = vector.extract_strided_slice %dot_general3A_356 {offsets = [3, 16], sizes = [1, 16], strides = [1, 1]} : vector<8x32xf32> to vector<1x16xf32>
    %concatenate3A_412 = tpu.concatenate %slice3A_411, %slice3A_411, %slice3A_411, %slice3A_411, %slice3A_411, %slice3A_411, %slice3A_411, %slice3A_411 in 1 : vector<1x16xf32>, vector<1x16xf32>, vector<1x16xf32>, vector<1x16xf32>, vector<1x16xf32>, vector<1x16xf32>, vector<1x16xf32>, vector<1x16xf32> -> vector<1x128xf32>
    %mul3A_413 = vector.broadcast %concatenate3A_410 : vector<1x128xf32> to vector<1280x128xf32>
    %mul3A_414 = arith.mulf %convert_element_type3A_408, %mul3A_413 : vector<1280x128xf32>
    %add3A_415 = arith.addf %add3A_400, %mul3A_414 : vector<1280x128xf32>
    %mul3A_416 = vector.broadcast %concatenate3A_412 : vector<1x128xf32> to vector<1280x128xf32>
    %mul3A_417 = arith.mulf %convert_element_type3A_408, %mul3A_416 : vector<1280x128xf32>
    %add3A_418 = arith.addf %add3A_403, %mul3A_417 : vector<1280x128xf32>
    %eq3A_419 = arith.constant 4.000000e+00 : f32
    %eq3A_420 = vector.broadcast %eq3A_419 : f32 to vector<1280x128xf32>
    %eq3A_421 = arith.cmpf oeq, %reshape3A, %eq3A_420 : vector<1280x128xf32>
    %convert_element_type3A_422 = arith.extui %eq3A_421 : vector<1280x128xi1> to vector<1280x128xi32>
    %convert_element_type3A_423 = arith.sitofp %convert_element_type3A_422 : vector<1280x128xi32> to vector<1280x128xf32>
    %slice3A_424 = vector.extract_strided_slice %dot_general3A_356 {offsets = [4, 0], sizes = [1, 16], strides = [1, 1]} : vector<8x32xf32> to vector<1x16xf32>
    %concatenate3A_425 = tpu.concatenate %slice3A_424, %slice3A_424, %slice3A_424, %slice3A_424, %slice3A_424, %slice3A_424, %slice3A_424, %slice3A_424 in 1 : vector<1x16xf32>, vector<1x16xf32>, vector<1x16xf32>, vector<1x16xf32>, vector<1x16xf32>, vector<1x16xf32>, vector<1x16xf32>, vector<1x16xf32> -> vector<1x128xf32>
    %slice3A_426 = vector.extract_strided_slice %dot_general3A_356 {offsets = [4, 16], sizes = [1, 16], strides = [1, 1]} : vector<8x32xf32> to vector<1x16xf32>
    %concatenate3A_427 = tpu.concatenate %slice3A_426, %slice3A_426, %slice3A_426, %slice3A_426, %slice3A_426, %slice3A_426, %slice3A_426, %slice3A_426 in 1 : vector<1x16xf32>, vector<1x16xf32>, vector<1x16xf32>, vector<1x16xf32>, vector<1x16xf32>, vector<1x16xf32>, vector<1x16xf32>, vector<1x16xf32> -> vector<1x128xf32>
    %mul3A_428 = vector.broadcast %concatenate3A_425 : vector<1x128xf32> to vector<1280x128xf32>
    %mul3A_429 = arith.mulf %convert_element_type3A_423, %mul3A_428 : vector<1280x128xf32>
    %add3A_430 = arith.addf %add3A_415, %mul3A_429 : vector<1280x128xf32>
    %mul3A_431 = vector.broadcast %concatenate3A_427 : vector<1x128xf32> to vector<1280x128xf32>
    %mul3A_432 = arith.mulf %convert_element_type3A_423, %mul3A_431 : vector<1280x128xf32>
    %add3A_433 = arith.addf %add3A_418, %mul3A_432 : vector<1280x128xf32>
    %eq3A_434 = arith.constant 5.000000e+00 : f32
    %eq3A_435 = vector.broadcast %eq3A_434 : f32 to vector<1280x128xf32>
    %eq3A_436 = arith.cmpf oeq, %reshape3A, %eq3A_435 : vector<1280x128xf32>
    %convert_element_type3A_437 = arith.extui %eq3A_436 : vector<1280x128xi1> to vector<1280x128xi32>
    %convert_element_type3A_438 = arith.sitofp %convert_element_type3A_437 : vector<1280x128xi32> to vector<1280x128xf32>
    %slice3A_439 = vector.extract_strided_slice %dot_general3A_356 {offsets = [5, 0], sizes = [1, 16], strides = [1, 1]} : vector<8x32xf32> to vector<1x16xf32>
    %concatenate3A_440 = tpu.concatenate %slice3A_439, %slice3A_439, %slice3A_439, %slice3A_439, %slice3A_439, %slice3A_439, %slice3A_439, %slice3A_439 in 1 : vector<1x16xf32>, vector<1x16xf32>, vector<1x16xf32>, vector<1x16xf32>, vector<1x16xf32>, vector<1x16xf32>, vector<1x16xf32>, vector<1x16xf32> -> vector<1x128xf32>
    %slice3A_441 = vector.extract_strided_slice %dot_general3A_356 {offsets = [5, 16], sizes = [1, 16], strides = [1, 1]} : vector<8x32xf32> to vector<1x16xf32>
    %concatenate3A_442 = tpu.concatenate %slice3A_441, %slice3A_441, %slice3A_441, %slice3A_441, %slice3A_441, %slice3A_441, %slice3A_441, %slice3A_441 in 1 : vector<1x16xf32>, vector<1x16xf32>, vector<1x16xf32>, vector<1x16xf32>, vector<1x16xf32>, vector<1x16xf32>, vector<1x16xf32>, vector<1x16xf32> -> vector<1x128xf32>
    %mul3A_443 = vector.broadcast %concatenate3A_440 : vector<1x128xf32> to vector<1280x128xf32>
    %mul3A_444 = arith.mulf %convert_element_type3A_438, %mul3A_443 : vector<1280x128xf32>
    %add3A_445 = arith.addf %add3A_430, %mul3A_444 : vector<1280x128xf32>
    %mul3A_446 = vector.broadcast %concatenate3A_442 : vector<1x128xf32> to vector<1280x128xf32>
    %mul3A_447 = arith.mulf %convert_element_type3A_438, %mul3A_446 : vector<1280x128xf32>
    %add3A_448 = arith.addf %add3A_433, %mul3A_447 : vector<1280x128xf32>
    %mul3A_449 = arith.mulf %add3A_445, %rsqrt3A : vector<1280x128xf32>
    %swap3A = arith.constant 0 : index
    %swap3A_450 = arith.constant 0 : index
    %swap3A_451 = arith.constant 0 : index
    %swap3A_452 = vector.load %arg5[%swap3A, %swap3A_450, %swap3A_451] : memref<2x1280x128xf32, #tpu.memory_space<vmem>>, vector<1x1280x128xf32>
    %swap3A_453 = vector.shape_cast %swap3A_452 : vector<1x1280x128xf32> to vector<1280x128xf32>
    %swap3A_454 = vector.shape_cast %mul3A_449 : vector<1280x128xf32> to vector<1x1280x128xf32>
    tpu.vector_store %arg5[%swap3A, %swap3A_450, %swap3A_451], %swap3A_454 {strides = array<i32>} : memref<2x1280x128xf32, #tpu.memory_space<vmem>>, vector<1x1280x128xf32>,
    %mul3A_455 = arith.mulf %add3A_448, %rsqrt3A : vector<1280x128xf32>
    %swap3A_456 = arith.constant 1 : index
    %swap3A_457 = arith.constant 0 : index
    %swap3A_458 = arith.constant 0 : index
    %swap3A_459 = vector.load %arg5[%swap3A_456, %swap3A_457, %swap3A_458] : memref<2x1280x128xf32, #tpu.memory_space<vmem>>, vector<1x1280x128xf32>
    %swap3A_460 = vector.shape_cast %swap3A_459 : vector<1x1280x128xf32> to vector<1280x128xf32>
    %swap3A_461 = vector.shape_cast %mul3A_455 : vector<1280x128xf32> to vector<1x1280x128xf32>
    tpu.vector_store %arg5[%swap3A_456, %swap3A_457, %swap3A_458], %swap3A_461 {strides = array<i32>} : memref<2x1280x128xf32, #tpu.memory_space<vmem>>, vector<1x1280x128xf32>,
    return
  }
  func.func @transform_0(%arg0: i32) -> (i32, i32) {
    %c0_i32 = arith.constant 0 : i32
    %c0_i32_0 = arith.constant 0 : i32
    return %arg0, %c0_i32 : i32, i32
  }
  func.func @transform_1(%arg0: i32) -> (i32, i32) {
    %c0_i32 = arith.constant 0 : i32
    %c0_i32_0 = arith.constant 0 : i32
    return %arg0, %c0_i32 : i32, i32
  }
  func.func @transform_2(%arg0: i32) -> (i32, i32) {
    %c0_i32 = arith.constant 0 : i32
    %c0_i32_0 = arith.constant 0 : i32
    %c0_i32_1 = arith.constant 0 : i32
    return %c0_i32, %c0_i32_0 : i32, i32
  }
  func.func @transform_3(%arg0: i32) -> (i32, i32) {
    %c0_i32 = arith.constant 0 : i32
    %c0_i32_0 = arith.constant 0 : i32
    %c0_i32_1 = arith.constant 0 : i32
    return %c0_i32, %c0_i32_0 : i32, i32
  }
  func.func @transform_4(%arg0: i32) -> (i32, i32, i32) {
    %c0_i32 = arith.constant 0 : i32
    %c0_i32_0 = arith.constant 0 : i32
    %c0_i32_1 = arith.constant 0 : i32
    return %c0_i32, %arg0, %c0_i32_0 : i32, i32, i32
  }
}

module attributes {stable_mosaic.version = 14 : i64} {
  func.func @_tc_mid_body(%arg0: i32, %arg1: memref<2x1280x128xf32, #tpu.memory_space<vmem>>, %arg2: memref<80x128xf32, #tpu.memory_space<vmem>>, %arg3: memref<80x128xf32, #tpu.memory_space<vmem>>, %arg4: memref<4x128x128xf32, #tpu.memory_space<vmem>>, %arg5: memref<2x128xf32, #tpu.memory_space<vmem>>, %arg6: memref<2x128xf32, #tpu.memory_space<vmem>>, %arg7: memref<2x128xf32, #tpu.memory_space<vmem>>, %arg8: memref<2x1280x128xf32, #tpu.memory_space<vmem>>) attributes {dimension_semantics = [#tpu.dimension_semantics<arbitrary>], iteration_bounds = array<i64: 10>, scalar_prefetch = 0 : i64, scratch_operands = 0 : i64, tpu.core_type = #tpu.core_type<tc>, window_params = [{transform_indices = @transform_0, window_bounds = array<i64: 2, 1280, 128>}, {transform_indices = @transform_1, window_bounds = array<i64: 80, 128>}, {transform_indices = @transform_2, window_bounds = array<i64: 80, 128>}, {pipeline_mode = #tpu.pipeline_mode<synchronous>, transform_indices = @transform_3, window_bounds = array<i64: 4, 128, 128>}, {pipeline_mode = #tpu.pipeline_mode<synchronous>, transform_indices = @transform_4, window_bounds = array<i64: 2, 128>}, {pipeline_mode = #tpu.pipeline_mode<synchronous>, transform_indices = @transform_5, window_bounds = array<i64: 2, 128>}, {pipeline_mode = #tpu.pipeline_mode<synchronous>, transform_indices = @transform_6, window_bounds = array<i64: 2, 128>}, {transform_indices = @transform_7, window_bounds = array<i64: 2, 1280, 128>}]} {
    %get3A = arith.constant 0 : index
    %get3A_0 = arith.constant 0 : index
    %get3A_1 = vector.load %arg2[%get3A, %get3A_0] : memref<80x128xf32, #tpu.memory_space<vmem>>, vector<80x128xf32>
    %iota3A = tpu.iota {dimensions = array<i32: 0>} : vector<128x128xi32>
    %iota3A_2 = tpu.iota {dimensions = array<i32: 1>} : vector<128x128xi32>
    %jit3A = arith.constant 16 : i32
    %div3A = vector.broadcast %jit3A : i32 to vector<128x128xi32>
    %div3A_3 = arith.divsi %iota3A_2, %div3A : vector<128x128xi32>
    %sign3A = arith.constant 0 : i32
    %sign3A_4 = vector.broadcast %sign3A : i32 to vector<128x128xi32>
    %sign3A_5 = arith.cmpi sgt, %iota3A_2, %sign3A_4 : vector<128x128xi32>
    %sign3A_6 = arith.extui %sign3A_5 : vector<128x128xi1> to vector<128x128xi32>
    %sign3A_7 = arith.constant 0 : i32
    %sign3A_8 = vector.broadcast %sign3A_7 : i32 to vector<128x128xi32>
    %sign3A_9 = arith.cmpi slt, %iota3A_2, %sign3A_8 : vector<128x128xi32>
    %sign3A_10 = arith.extui %sign3A_9 : vector<128x128xi1> to vector<128x128xi32>
    %sign3A_11 = arith.subi %sign3A_6, %sign3A_10 : vector<128x128xi32>
    %sign3A_12 = arith.constant 0 : i32
    %sign3A_13 = arith.cmpi sgt, %jit3A, %sign3A_12 : i32
    %sign3A_14 = arith.extui %sign3A_13 : i1 to i32
    %sign3A_15 = arith.constant 0 : i32
    %sign3A_16 = arith.cmpi slt, %jit3A, %sign3A_15 : i32
    %sign3A_17 = arith.extui %sign3A_16 : i1 to i32
    %sign3A_18 = arith.subi %sign3A_14, %sign3A_17 : i32
    %ne3A = vector.broadcast %sign3A_18 : i32 to vector<128x128xi32>
    %ne3A_19 = arith.cmpi ne, %sign3A_11, %ne3A : vector<128x128xi32>
    %rem3A = vector.broadcast %jit3A : i32 to vector<128x128xi32>
    %rem3A_20 = arith.remsi %iota3A_2, %rem3A : vector<128x128xi32>
    %ne3A_21 = arith.constant 0 : i32
    %ne3A_22 = vector.broadcast %ne3A_21 : i32 to vector<128x128xi32>
    %ne3A_23 = arith.cmpi ne, %rem3A_20, %ne3A_22 : vector<128x128xi32>
    %and3A = arith.andi %ne3A_19, %ne3A_23 : vector<128x128xi1>
    %sub3A = arith.constant 1 : i32
    %sub3A_24 = vector.broadcast %sub3A : i32 to vector<128x128xi32>
    %sub3A_25 = arith.subi %div3A_3, %sub3A_24 : vector<128x128xi32>
    %select_n3A = arith.select %and3A, %sub3A_25, %div3A_3 : vector<128x128xi1>, vector<128x128xi32>
    %add3A = arith.constant 0 : i32
    %add3A_26 = vector.broadcast %add3A : i32 to vector<128x128xi32>
    %add3A_27 = arith.addi %add3A_26, %select_n3A : vector<128x128xi32>
    %eq3A = arith.cmpi eq, %iota3A, %add3A_27 : vector<128x128xi32>
    %convert_element_type3A = arith.extui %eq3A : vector<128x128xi1> to vector<128x128xi32>
    %convert_element_type3A_28 = arith.sitofp %convert_element_type3A : vector<128x128xi32> to vector<128x128xf32>
    %dot_general3A = arith.constant dense<0.000000e+00> : vector<80x128xf32>
    %dot_general3A_29 = tpu.matmul %get3A_1, %convert_element_type3A_28, %dot_general3A {dimension_numbers = #tpu.dot_dimension_numbers<[1], [0], [0], [1], [0, 0, 1, 1], [], []>, transpose_lhs_hint = false} : vector<80x128xf32>, vector<128x128xf32>, vector<80x128xf32> -> vector<80x128xf32>
    %broadcast_in_dim3A = vector.shape_cast %dot_general3A_29 : vector<80x128xf32> to vector<80x1x128xf32>
    %add3A_30 = arith.constant 8 : i32
    %add3A_31 = vector.broadcast %add3A_30 : i32 to vector<128x128xi32>
    %add3A_32 = arith.addi %add3A_31, %select_n3A : vector<128x128xi32>
    %eq3A_33 = arith.cmpi eq, %iota3A, %add3A_32 : vector<128x128xi32>
    %convert_element_type3A_34 = arith.extui %eq3A_33 : vector<128x128xi1> to vector<128x128xi32>
    %convert_element_type3A_35 = arith.sitofp %convert_element_type3A_34 : vector<128x128xi32> to vector<128x128xf32>
    %dot_general3A_36 = arith.constant dense<0.000000e+00> : vector<80x128xf32>
    %dot_general3A_37 = tpu.matmul %get3A_1, %convert_element_type3A_35, %dot_general3A_36 {dimension_numbers = #tpu.dot_dimension_numbers<[1], [0], [0], [1], [0, 0, 1, 1], [], []>, transpose_lhs_hint = false} : vector<80x128xf32>, vector<128x128xf32>, vector<80x128xf32> -> vector<80x128xf32>
    %broadcast_in_dim3A_38 = vector.shape_cast %dot_general3A_37 : vector<80x128xf32> to vector<80x1x128xf32>
    %add3A_39 = arith.constant 16 : i32
    %add3A_40 = vector.broadcast %add3A_39 : i32 to vector<128x128xi32>
    %add3A_41 = arith.addi %add3A_40, %select_n3A : vector<128x128xi32>
    %eq3A_42 = arith.cmpi eq, %iota3A, %add3A_41 : vector<128x128xi32>
    %convert_element_type3A_43 = arith.extui %eq3A_42 : vector<128x128xi1> to vector<128x128xi32>
    %convert_element_type3A_44 = arith.sitofp %convert_element_type3A_43 : vector<128x128xi32> to vector<128x128xf32>
    %dot_general3A_45 = arith.constant dense<0.000000e+00> : vector<80x128xf32>
    %dot_general3A_46 = tpu.matmul %get3A_1, %convert_element_type3A_44, %dot_general3A_45 {dimension_numbers = #tpu.dot_dimension_numbers<[1], [0], [0], [1], [0, 0, 1, 1], [], []>, transpose_lhs_hint = false} : vector<80x128xf32>, vector<128x128xf32>, vector<80x128xf32> -> vector<80x128xf32>
    %broadcast_in_dim3A_47 = vector.shape_cast %dot_general3A_46 : vector<80x128xf32> to vector<80x1x128xf32>
    %add3A_48 = arith.constant 24 : i32
    %add3A_49 = vector.broadcast %add3A_48 : i32 to vector<128x128xi32>
    %add3A_50 = arith.addi %add3A_49, %select_n3A : vector<128x128xi32>
    %eq3A_51 = arith.cmpi eq, %iota3A, %add3A_50 : vector<128x128xi32>
    %convert_element_type3A_52 = arith.extui %eq3A_51 : vector<128x128xi1> to vector<128x128xi32>
    %convert_element_type3A_53 = arith.sitofp %convert_element_type3A_52 : vector<128x128xi32> to vector<128x128xf32>
    %dot_general3A_54 = arith.constant dense<0.000000e+00> : vector<80x128xf32>
    %dot_general3A_55 = tpu.matmul %get3A_1, %convert_element_type3A_53, %dot_general3A_54 {dimension_numbers = #tpu.dot_dimension_numbers<[1], [0], [0], [1], [0, 0, 1, 1], [], []>, transpose_lhs_hint = false} : vector<80x128xf32>, vector<128x128xf32>, vector<80x128xf32> -> vector<80x128xf32>
    %broadcast_in_dim3A_56 = vector.shape_cast %dot_general3A_55 : vector<80x128xf32> to vector<80x1x128xf32>
    %add3A_57 = arith.constant 32 : i32
    %add3A_58 = vector.broadcast %add3A_57 : i32 to vector<128x128xi32>
    %add3A_59 = arith.addi %add3A_58, %select_n3A : vector<128x128xi32>
    %eq3A_60 = arith.cmpi eq, %iota3A, %add3A_59 : vector<128x128xi32>
    %convert_element_type3A_61 = arith.extui %eq3A_60 : vector<128x128xi1> to vector<128x128xi32>
    %convert_element_type3A_62 = arith.sitofp %convert_element_type3A_61 : vector<128x128xi32> to vector<128x128xf32>
    %dot_general3A_63 = arith.constant dense<0.000000e+00> : vector<80x128xf32>
    %dot_general3A_64 = tpu.matmul %get3A_1, %convert_element_type3A_62, %dot_general3A_63 {dimension_numbers = #tpu.dot_dimension_numbers<[1], [0], [0], [1], [0, 0, 1, 1], [], []>, transpose_lhs_hint = false} : vector<80x128xf32>, vector<128x128xf32>, vector<80x128xf32> -> vector<80x128xf32>
    %broadcast_in_dim3A_65 = vector.shape_cast %dot_general3A_64 : vector<80x128xf32> to vector<80x1x128xf32>
    %add3A_66 = arith.constant 40 : i32
    %add3A_67 = vector.broadcast %add3A_66 : i32 to vector<128x128xi32>
    %add3A_68 = arith.addi %add3A_67, %select_n3A : vector<128x128xi32>
    %eq3A_69 = arith.cmpi eq, %iota3A, %add3A_68 : vector<128x128xi32>
    %convert_element_type3A_70 = arith.extui %eq3A_69 : vector<128x128xi1> to vector<128x128xi32>
    %convert_element_type3A_71 = arith.sitofp %convert_element_type3A_70 : vector<128x128xi32> to vector<128x128xf32>
    %dot_general3A_72 = arith.constant dense<0.000000e+00> : vector<80x128xf32>
    %dot_general3A_73 = tpu.matmul %get3A_1, %convert_element_type3A_71, %dot_general3A_72 {dimension_numbers = #tpu.dot_dimension_numbers<[1], [0], [0], [1], [0, 0, 1, 1], [], []>, transpose_lhs_hint = false} : vector<80x128xf32>, vector<128x128xf32>, vector<80x128xf32> -> vector<80x128xf32>
    %broadcast_in_dim3A_74 = vector.shape_cast %dot_general3A_73 : vector<80x128xf32> to vector<80x1x128xf32>
    %add3A_75 = arith.constant 48 : i32
    %add3A_76 = vector.broadcast %add3A_75 : i32 to vector<128x128xi32>
    %add3A_77 = arith.addi %add3A_76, %select_n3A : vector<128x128xi32>
    %eq3A_78 = arith.cmpi eq, %iota3A, %add3A_77 : vector<128x128xi32>
    %convert_element_type3A_79 = arith.extui %eq3A_78 : vector<128x128xi1> to vector<128x128xi32>
    %convert_element_type3A_80 = arith.sitofp %convert_element_type3A_79 : vector<128x128xi32> to vector<128x128xf32>
    %dot_general3A_81 = arith.constant dense<0.000000e+00> : vector<80x128xf32>
    %dot_general3A_82 = tpu.matmul %get3A_1, %convert_element_type3A_80, %dot_general3A_81 {dimension_numbers = #tpu.dot_dimension_numbers<[1], [0], [0], [1], [0, 0, 1, 1], [], []>, transpose_lhs_hint = false} : vector<80x128xf32>, vector<128x128xf32>, vector<80x128xf32> -> vector<80x128xf32>
    %broadcast_in_dim3A_83 = vector.shape_cast %dot_general3A_82 : vector<80x128xf32> to vector<80x1x128xf32>
    %add3A_84 = arith.constant 56 : i32
    %add3A_85 = vector.broadcast %add3A_84 : i32 to vector<128x128xi32>
    %add3A_86 = arith.addi %add3A_85, %select_n3A : vector<128x128xi32>
    %eq3A_87 = arith.cmpi eq, %iota3A, %add3A_86 : vector<128x128xi32>
    %convert_element_type3A_88 = arith.extui %eq3A_87 : vector<128x128xi1> to vector<128x128xi32>
    %convert_element_type3A_89 = arith.sitofp %convert_element_type3A_88 : vector<128x128xi32> to vector<128x128xf32>
    %dot_general3A_90 = arith.constant dense<0.000000e+00> : vector<80x128xf32>
    %dot_general3A_91 = tpu.matmul %get3A_1, %convert_element_type3A_89, %dot_general3A_90 {dimension_numbers = #tpu.dot_dimension_numbers<[1], [0], [0], [1], [0, 0, 1, 1], [], []>, transpose_lhs_hint = false} : vector<80x128xf32>, vector<128x128xf32>, vector<80x128xf32> -> vector<80x128xf32>
    %broadcast_in_dim3A_92 = vector.shape_cast %dot_general3A_91 : vector<80x128xf32> to vector<80x1x128xf32>
    %add3A_93 = arith.constant 64 : i32
    %add3A_94 = vector.broadcast %add3A_93 : i32 to vector<128x128xi32>
    %add3A_95 = arith.addi %add3A_94, %select_n3A : vector<128x128xi32>
    %eq3A_96 = arith.cmpi eq, %iota3A, %add3A_95 : vector<128x128xi32>
    %convert_element_type3A_97 = arith.extui %eq3A_96 : vector<128x128xi1> to vector<128x128xi32>
    %convert_element_type3A_98 = arith.sitofp %convert_element_type3A_97 : vector<128x128xi32> to vector<128x128xf32>
    %dot_general3A_99 = arith.constant dense<0.000000e+00> : vector<80x128xf32>
    %dot_general3A_100 = tpu.matmul %get3A_1, %convert_element_type3A_98, %dot_general3A_99 {dimension_numbers = #tpu.dot_dimension_numbers<[1], [0], [0], [1], [0, 0, 1, 1], [], []>, transpose_lhs_hint = false} : vector<80x128xf32>, vector<128x128xf32>, vector<80x128xf32> -> vector<80x128xf32>
    %broadcast_in_dim3A_101 = vector.shape_cast %dot_general3A_100 : vector<80x128xf32> to vector<80x1x128xf32>
    %add3A_102 = arith.constant 72 : i32
    %add3A_103 = vector.broadcast %add3A_102 : i32 to vector<128x128xi32>
    %add3A_104 = arith.addi %add3A_103, %select_n3A : vector<128x128xi32>
    %eq3A_105 = arith.cmpi eq, %iota3A, %add3A_104 : vector<128x128xi32>
    %convert_element_type3A_106 = arith.extui %eq3A_105 : vector<128x128xi1> to vector<128x128xi32>
    %convert_element_type3A_107 = arith.sitofp %convert_element_type3A_106 : vector<128x128xi32> to vector<128x128xf32>
    %dot_general3A_108 = arith.constant dense<0.000000e+00> : vector<80x128xf32>
    %dot_general3A_109 = tpu.matmul %get3A_1, %convert_element_type3A_107, %dot_general3A_108 {dimension_numbers = #tpu.dot_dimension_numbers<[1], [0], [0], [1], [0, 0, 1, 1], [], []>, transpose_lhs_hint = false} : vector<80x128xf32>, vector<128x128xf32>, vector<80x128xf32> -> vector<80x128xf32>
    %broadcast_in_dim3A_110 = vector.shape_cast %dot_general3A_109 : vector<80x128xf32> to vector<80x1x128xf32>
    %add3A_111 = arith.constant 80 : i32
    %add3A_112 = vector.broadcast %add3A_111 : i32 to vector<128x128xi32>
    %add3A_113 = arith.addi %add3A_112, %select_n3A : vector<128x128xi32>
    %eq3A_114 = arith.cmpi eq, %iota3A, %add3A_113 : vector<128x128xi32>
    %convert_element_type3A_115 = arith.extui %eq3A_114 : vector<128x128xi1> to vector<128x128xi32>
    %convert_element_type3A_116 = arith.sitofp %convert_element_type3A_115 : vector<128x128xi32> to vector<128x128xf32>
    %dot_general3A_117 = arith.constant dense<0.000000e+00> : vector<80x128xf32>
    %dot_general3A_118 = tpu.matmul %get3A_1, %convert_element_type3A_116, %dot_general3A_117 {dimension_numbers = #tpu.dot_dimension_numbers<[1], [0], [0], [1], [0, 0, 1, 1], [], []>, transpose_lhs_hint = false} : vector<80x128xf32>, vector<128x128xf32>, vector<80x128xf32> -> vector<80x128xf32>
    %broadcast_in_dim3A_119 = vector.shape_cast %dot_general3A_118 : vector<80x128xf32> to vector<80x1x128xf32>
    %add3A_120 = arith.constant 88 : i32
    %add3A_121 = vector.broadcast %add3A_120 : i32 to vector<128x128xi32>
    %add3A_122 = arith.addi %add3A_121, %select_n3A : vector<128x128xi32>
    %eq3A_123 = arith.cmpi eq, %iota3A, %add3A_122 : vector<128x128xi32>
    %convert_element_type3A_124 = arith.extui %eq3A_123 : vector<128x128xi1> to vector<128x128xi32>
    %convert_element_type3A_125 = arith.sitofp %convert_element_type3A_124 : vector<128x128xi32> to vector<128x128xf32>
    %dot_general3A_126 = arith.constant dense<0.000000e+00> : vector<80x128xf32>
    %dot_general3A_127 = tpu.matmul %get3A_1, %convert_element_type3A_125, %dot_general3A_126 {dimension_numbers = #tpu.dot_dimension_numbers<[1], [0], [0], [1], [0, 0, 1, 1], [], []>, transpose_lhs_hint = false} : vector<80x128xf32>, vector<128x128xf32>, vector<80x128xf32> -> vector<80x128xf32>
    %broadcast_in_dim3A_128 = vector.shape_cast %dot_general3A_127 : vector<80x128xf32> to vector<80x1x128xf32>
    %add3A_129 = arith.constant 96 : i32
    %add3A_130 = vector.broadcast %add3A_129 : i32 to vector<128x128xi32>
    %add3A_131 = arith.addi %add3A_130, %select_n3A : vector<128x128xi32>
    %eq3A_132 = arith.cmpi eq, %iota3A, %add3A_131 : vector<128x128xi32>
    %convert_element_type3A_133 = arith.extui %eq3A_132 : vector<128x128xi1> to vector<128x128xi32>
    %convert_element_type3A_134 = arith.sitofp %convert_element_type3A_133 : vector<128x128xi32> to vector<128x128xf32>
    %dot_general3A_135 = arith.constant dense<0.000000e+00> : vector<80x128xf32>
    %dot_general3A_136 = tpu.matmul %get3A_1, %convert_element_type3A_134, %dot_general3A_135 {dimension_numbers = #tpu.dot_dimension_numbers<[1], [0], [0], [1], [0, 0, 1, 1], [], []>, transpose_lhs_hint = false} : vector<80x128xf32>, vector<128x128xf32>, vector<80x128xf32> -> vector<80x128xf32>
    %broadcast_in_dim3A_137 = vector.shape_cast %dot_general3A_136 : vector<80x128xf32> to vector<80x1x128xf32>
    %add3A_138 = arith.constant 104 : i32
    %add3A_139 = vector.broadcast %add3A_138 : i32 to vector<128x128xi32>
    %add3A_140 = arith.addi %add3A_139, %select_n3A : vector<128x128xi32>
    %eq3A_141 = arith.cmpi eq, %iota3A, %add3A_140 : vector<128x128xi32>
    %convert_element_type3A_142 = arith.extui %eq3A_141 : vector<128x128xi1> to vector<128x128xi32>
    %convert_element_type3A_143 = arith.sitofp %convert_element_type3A_142 : vector<128x128xi32> to vector<128x128xf32>
    %dot_general3A_144 = arith.constant dense<0.000000e+00> : vector<80x128xf32>
    %dot_general3A_145 = tpu.matmul %get3A_1, %convert_element_type3A_143, %dot_general3A_144 {dimension_numbers = #tpu.dot_dimension_numbers<[1], [0], [0], [1], [0, 0, 1, 1], [], []>, transpose_lhs_hint = false} : vector<80x128xf32>, vector<128x128xf32>, vector<80x128xf32> -> vector<80x128xf32>
    %broadcast_in_dim3A_146 = vector.shape_cast %dot_general3A_145 : vector<80x128xf32> to vector<80x1x128xf32>
    %add3A_147 = arith.constant 112 : i32
    %add3A_148 = vector.broadcast %add3A_147 : i32 to vector<128x128xi32>
    %add3A_149 = arith.addi %add3A_148, %select_n3A : vector<128x128xi32>
    %eq3A_150 = arith.cmpi eq, %iota3A, %add3A_149 : vector<128x128xi32>
    %convert_element_type3A_151 = arith.extui %eq3A_150 : vector<128x128xi1> to vector<128x128xi32>
    %convert_element_type3A_152 = arith.sitofp %convert_element_type3A_151 : vector<128x128xi32> to vector<128x128xf32>
    %dot_general3A_153 = arith.constant dense<0.000000e+00> : vector<80x128xf32>
    %dot_general3A_154 = tpu.matmul %get3A_1, %convert_element_type3A_152, %dot_general3A_153 {dimension_numbers = #tpu.dot_dimension_numbers<[1], [0], [0], [1], [0, 0, 1, 1], [], []>, transpose_lhs_hint = false} : vector<80x128xf32>, vector<128x128xf32>, vector<80x128xf32> -> vector<80x128xf32>
    %broadcast_in_dim3A_155 = vector.shape_cast %dot_general3A_154 : vector<80x128xf32> to vector<80x1x128xf32>
    %add3A_156 = arith.constant 120 : i32
    %add3A_157 = vector.broadcast %add3A_156 : i32 to vector<128x128xi32>
    %add3A_158 = arith.addi %add3A_157, %select_n3A : vector<128x128xi32>
    %eq3A_159 = arith.cmpi eq, %iota3A, %add3A_158 : vector<128x128xi32>
    %convert_element_type3A_160 = arith.extui %eq3A_159 : vector<128x128xi1> to vector<128x128xi32>
    %convert_element_type3A_161 = arith.sitofp %convert_element_type3A_160 : vector<128x128xi32> to vector<128x128xf32>
    %dot_general3A_162 = arith.constant dense<0.000000e+00> : vector<80x128xf32>
    %dot_general3A_163 = tpu.matmul %get3A_1, %convert_element_type3A_161, %dot_general3A_162 {dimension_numbers = #tpu.dot_dimension_numbers<[1], [0], [0], [1], [0, 0, 1, 1], [], []>, transpose_lhs_hint = false} : vector<80x128xf32>, vector<128x128xf32>, vector<80x128xf32> -> vector<80x128xf32>
    %broadcast_in_dim3A_164 = vector.shape_cast %dot_general3A_163 : vector<80x128xf32> to vector<80x1x128xf32>
    %concatenate3A = tpu.concatenate %broadcast_in_dim3A, %broadcast_in_dim3A_38, %broadcast_in_dim3A_47, %broadcast_in_dim3A_56, %broadcast_in_dim3A_65, %broadcast_in_dim3A_74, %broadcast_in_dim3A_83, %broadcast_in_dim3A_92, %broadcast_in_dim3A_101, %broadcast_in_dim3A_110, %broadcast_in_dim3A_119, %broadcast_in_dim3A_128, %broadcast_in_dim3A_137, %broadcast_in_dim3A_146, %broadcast_in_dim3A_155, %broadcast_in_dim3A_164 in 1 : vector<80x1x128xf32>, vector<80x1x128xf32>, vector<80x1x128xf32>, vector<80x1x128xf32>, vector<80x1x128xf32>, vector<80x1x128xf32>, vector<80x1x128xf32>, vector<80x1x128xf32>, vector<80x1x128xf32>, vector<80x1x128xf32>, vector<80x1x128xf32>, vector<80x1x128xf32>, vector<80x1x128xf32>, vector<80x1x128xf32>, vector<80x1x128xf32>, vector<80x1x128xf32> -> vector<80x16x128xf32>
    %reshape3A = vector.shape_cast %concatenate3A : vector<80x16x128xf32> to vector<1280x128xf32>
    %max3A = arith.constant 1.000000e+00 : f32
    %max3A_165 = vector.broadcast %max3A : f32 to vector<1280x128xf32>
    %max3A_166 = arith.maximumf %reshape3A, %max3A_165 : vector<1280x128xf32>
    %rsqrt3A = math.rsqrt %max3A_166 : vector<1280x128xf32>
    %get3A_167 = arith.constant 0 : index
    %get3A_168 = arith.constant 0 : index
    %get3A_169 = arith.constant 0 : index
    %get3A_170 = vector.load %arg1[%get3A_167, %get3A_168, %get3A_169] : memref<2x1280x128xf32, #tpu.memory_space<vmem>>, vector<1x1280x128xf32>
    %get3A_171 = vector.shape_cast %get3A_170 : vector<1x1280x128xf32> to vector<1280x128xf32>
    %get3A_172 = arith.constant 1 : index
    %get3A_173 = arith.constant 0 : index
    %get3A_174 = arith.constant 0 : index
    %get3A_175 = vector.load %arg1[%get3A_172, %get3A_173, %get3A_174] : memref<2x1280x128xf32, #tpu.memory_space<vmem>>, vector<1x1280x128xf32>
    %get3A_176 = vector.shape_cast %get3A_175 : vector<1x1280x128xf32> to vector<1280x128xf32>
    %iota3A_177 = tpu.iota {dimensions = array<i32: 0>} : vector<128x128xi32>
    %jit3A_178 = arith.constant 16 : i32
    %div3A_179 = vector.broadcast %jit3A_178 : i32 to vector<128x128xi32>
    %div3A_180 = arith.divsi %iota3A_177, %div3A_179 : vector<128x128xi32>
    %sign3A_181 = arith.constant 0 : i32
    %sign3A_182 = vector.broadcast %sign3A_181 : i32 to vector<128x128xi32>
    %sign3A_183 = arith.cmpi sgt, %iota3A_177, %sign3A_182 : vector<128x128xi32>
    %sign3A_184 = arith.extui %sign3A_183 : vector<128x128xi1> to vector<128x128xi32>
    %sign3A_185 = arith.constant 0 : i32
    %sign3A_186 = vector.broadcast %sign3A_185 : i32 to vector<128x128xi32>
    %sign3A_187 = arith.cmpi slt, %iota3A_177, %sign3A_186 : vector<128x128xi32>
    %sign3A_188 = arith.extui %sign3A_187 : vector<128x128xi1> to vector<128x128xi32>
    %sign3A_189 = arith.subi %sign3A_184, %sign3A_188 : vector<128x128xi32>
    %sign3A_190 = arith.constant 0 : i32
    %sign3A_191 = arith.cmpi sgt, %jit3A_178, %sign3A_190 : i32
    %sign3A_192 = arith.extui %sign3A_191 : i1 to i32
    %sign3A_193 = arith.constant 0 : i32
    %sign3A_194 = arith.cmpi slt, %jit3A_178, %sign3A_193 : i32
    %sign3A_195 = arith.extui %sign3A_194 : i1 to i32
    %sign3A_196 = arith.subi %sign3A_192, %sign3A_195 : i32
    %ne3A_197 = vector.broadcast %sign3A_196 : i32 to vector<128x128xi32>
    %ne3A_198 = arith.cmpi ne, %sign3A_189, %ne3A_197 : vector<128x128xi32>
    %rem3A_199 = vector.broadcast %jit3A_178 : i32 to vector<128x128xi32>
    %rem3A_200 = arith.remsi %iota3A_177, %rem3A_199 : vector<128x128xi32>
    %ne3A_201 = arith.constant 0 : i32
    %ne3A_202 = vector.broadcast %ne3A_201 : i32 to vector<128x128xi32>
    %ne3A_203 = arith.cmpi ne, %rem3A_200, %ne3A_202 : vector<128x128xi32>
    %and3A_204 = arith.andi %ne3A_198, %ne3A_203 : vector<128x128xi1>
    %sub3A_205 = arith.constant 1 : i32
    %sub3A_206 = vector.broadcast %sub3A_205 : i32 to vector<128x128xi32>
    %sub3A_207 = arith.subi %div3A_180, %sub3A_206 : vector<128x128xi32>
    %select_n3A_208 = arith.select %and3A_204, %sub3A_207, %div3A_180 : vector<128x128xi1>, vector<128x128xi32>
    %iota3A_209 = tpu.iota {dimensions = array<i32: 1>} : vector<128x128xi32>
    %jit3A_210 = arith.constant 16 : i32
    %div3A_211 = vector.broadcast %jit3A_210 : i32 to vector<128x128xi32>
    %div3A_212 = arith.divsi %iota3A_209, %div3A_211 : vector<128x128xi32>
    %sign3A_213 = arith.constant 0 : i32
    %sign3A_214 = vector.broadcast %sign3A_213 : i32 to vector<128x128xi32>
    %sign3A_215 = arith.cmpi sgt, %iota3A_209, %sign3A_214 : vector<128x128xi32>
    %sign3A_216 = arith.extui %sign3A_215 : vector<128x128xi1> to vector<128x128xi32>
    %sign3A_217 = arith.constant 0 : i32
    %sign3A_218 = vector.broadcast %sign3A_217 : i32 to vector<128x128xi32>
    %sign3A_219 = arith.cmpi slt, %iota3A_209, %sign3A_218 : vector<128x128xi32>
    %sign3A_220 = arith.extui %sign3A_219 : vector<128x128xi1> to vector<128x128xi32>
    %sign3A_221 = arith.subi %sign3A_216, %sign3A_220 : vector<128x128xi32>
    %sign3A_222 = arith.constant 0 : i32
    %sign3A_223 = arith.cmpi sgt, %jit3A_210, %sign3A_222 : i32
    %sign3A_224 = arith.extui %sign3A_223 : i1 to i32
    %sign3A_225 = arith.constant 0 : i32
    %sign3A_226 = arith.cmpi slt, %jit3A_210, %sign3A_225 : i32
    %sign3A_227 = arith.extui %sign3A_226 : i1 to i32
    %sign3A_228 = arith.subi %sign3A_224, %sign3A_227 : i32
    %ne3A_229 = vector.broadcast %sign3A_228 : i32 to vector<128x128xi32>
    %ne3A_230 = arith.cmpi ne, %sign3A_221, %ne3A_229 : vector<128x128xi32>
    %rem3A_231 = vector.broadcast %jit3A_210 : i32 to vector<128x128xi32>
    %rem3A_232 = arith.remsi %iota3A_209, %rem3A_231 : vector<128x128xi32>
    %ne3A_233 = arith.constant 0 : i32
    %ne3A_234 = vector.broadcast %ne3A_233 : i32 to vector<128x128xi32>
    %ne3A_235 = arith.cmpi ne, %rem3A_232, %ne3A_234 : vector<128x128xi32>
    %and3A_236 = arith.andi %ne3A_230, %ne3A_235 : vector<128x128xi1>
    %sub3A_237 = arith.constant 1 : i32
    %sub3A_238 = vector.broadcast %sub3A_237 : i32 to vector<128x128xi32>
    %sub3A_239 = arith.subi %div3A_212, %sub3A_238 : vector<128x128xi32>
    %select_n3A_240 = arith.select %and3A_236, %sub3A_239, %div3A_212 : vector<128x128xi1>, vector<128x128xi32>
    %eq3A_241 = arith.cmpi eq, %select_n3A_208, %select_n3A_240 : vector<128x128xi32>
    %convert_element_type3A_242 = arith.extui %eq3A_241 : vector<128x128xi1> to vector<128x128xi32>
    %convert_element_type3A_243 = arith.sitofp %convert_element_type3A_242 : vector<128x128xi32> to vector<128x128xf32>
    %mul3A = arith.mulf %get3A_171, %rsqrt3A : vector<1280x128xf32>
    %get3A_244 = arith.constant 0 : index
    %get3A_245 = arith.constant 0 : index
    %get3A_246 = vector.load %arg5[%get3A_244, %get3A_245] : memref<2x128xf32, #tpu.memory_space<vmem>>, vector<1x128xf32>
    %add3A_247 = vector.broadcast %get3A_246 : vector<1x128xf32> to vector<1280x128xf32>
    %add3A_248 = arith.addf %mul3A, %add3A_247 : vector<1280x128xf32>
    %mul3A_249 = arith.mulf %get3A_176, %rsqrt3A : vector<1280x128xf32>
    %get3A_250 = arith.constant 1 : index
    %get3A_251 = arith.constant 0 : index
    %get3A_252 = vector.load %arg5[%get3A_250, %get3A_251] : memref<2x128xf32, #tpu.memory_space<vmem>>, vector<1x128xf32>
    %add3A_253 = vector.broadcast %get3A_252 : vector<1x128xf32> to vector<1280x128xf32>
    %add3A_254 = arith.addf %mul3A_249, %add3A_253 : vector<1280x128xf32>
    %add3A_255 = arith.addf %add3A_248, %add3A_254 : vector<1280x128xf32>
    %dot_general3A_256 = arith.constant dense<0.000000e+00> : vector<1280x128xf32>
    %dot_general3A_257 = tpu.matmul %add3A_255, %convert_element_type3A_243, %dot_general3A_256 {dimension_numbers = #tpu.dot_dimension_numbers<[1], [0], [0], [1], [0, 0, 1, 1], [], []>, transpose_lhs_hint = false} : vector<1280x128xf32>, vector<128x128xf32>, vector<1280x128xf32> -> vector<1280x128xf32>
    %mul3A_258 = arith.constant 3.125000e-02 : f32
    %mul3A_259 = vector.broadcast %mul3A_258 : f32 to vector<1280x128xf32>
    %mul3A_260 = arith.mulf %dot_general3A_257, %mul3A_259 : vector<1280x128xf32>
    %sub3A_261 = arith.subf %add3A_248, %mul3A_260 : vector<1280x128xf32>
    %sub3A_262 = arith.subf %add3A_254, %mul3A_260 : vector<1280x128xf32>
    %mul3A_263 = arith.mulf %sub3A_261, %sub3A_261 : vector<1280x128xf32>
    %mul3A_264 = arith.mulf %sub3A_262, %sub3A_262 : vector<1280x128xf32>
    %add3A_265 = arith.addf %mul3A_263, %mul3A_264 : vector<1280x128xf32>
    %dot_general3A_266 = arith.constant dense<0.000000e+00> : vector<1280x128xf32>
    %dot_general3A_267 = tpu.matmul %add3A_265, %convert_element_type3A_243, %dot_general3A_266 {dimension_numbers = #tpu.dot_dimension_numbers<[1], [0], [0], [1], [0, 0, 1, 1], [], []>, transpose_lhs_hint = false} : vector<1280x128xf32>, vector<128x128xf32>, vector<1280x128xf32> -> vector<1280x128xf32>
    %mul3A_268 = arith.constant 3.125000e-02 : f32
    %mul3A_269 = vector.broadcast %mul3A_268 : f32 to vector<1280x128xf32>
    %mul3A_270 = arith.mulf %dot_general3A_267, %mul3A_269 : vector<1280x128xf32>
    %add3A_271 = arith.constant 9.99999974E-6 : f32
    %add3A_272 = vector.broadcast %add3A_271 : f32 to vector<1280x128xf32>
    %add3A_273 = arith.addf %mul3A_270, %add3A_272 : vector<1280x128xf32>
    %rsqrt3A_274 = math.rsqrt %add3A_273 : vector<1280x128xf32>
    %mul3A_275 = arith.mulf %sub3A_261, %rsqrt3A_274 : vector<1280x128xf32>
    %get3A_276 = arith.constant 0 : index
    %get3A_277 = arith.constant 0 : index
    %get3A_278 = vector.load %arg6[%get3A_276, %get3A_277] : memref<2x128xf32, #tpu.memory_space<vmem>>, vector<1x128xf32>
    %mul3A_279 = vector.broadcast %get3A_278 : vector<1x128xf32> to vector<1280x128xf32>
    %mul3A_280 = arith.mulf %mul3A_275, %mul3A_279 : vector<1280x128xf32>
    %get3A_281 = arith.constant 0 : index
    %get3A_282 = arith.constant 0 : index
    %get3A_283 = vector.load %arg7[%get3A_281, %get3A_282] : memref<2x128xf32, #tpu.memory_space<vmem>>, vector<1x128xf32>
    %add3A_284 = vector.broadcast %get3A_283 : vector<1x128xf32> to vector<1280x128xf32>
    %add3A_285 = arith.addf %mul3A_280, %add3A_284 : vector<1280x128xf32>
    %max3A_286 = arith.constant 0.000000e+00 : f32
    %max3A_287 = vector.broadcast %max3A_286 : f32 to vector<1280x128xf32>
    %max3A_288 = arith.maximumf %add3A_285, %max3A_287 : vector<1280x128xf32>
    %mul3A_289 = arith.mulf %sub3A_262, %rsqrt3A_274 : vector<1280x128xf32>
    %get3A_290 = arith.constant 1 : index
    %get3A_291 = arith.constant 0 : index
    %get3A_292 = vector.load %arg6[%get3A_290, %get3A_291] : memref<2x128xf32, #tpu.memory_space<vmem>>, vector<1x128xf32>
    %mul3A_293 = vector.broadcast %get3A_292 : vector<1x128xf32> to vector<1280x128xf32>
    %mul3A_294 = arith.mulf %mul3A_289, %mul3A_293 : vector<1280x128xf32>
    %get3A_295 = arith.constant 1 : index
    %get3A_296 = arith.constant 0 : index
    %get3A_297 = vector.load %arg7[%get3A_295, %get3A_296] : memref<2x128xf32, #tpu.memory_space<vmem>>, vector<1x128xf32>
    %add3A_298 = vector.broadcast %get3A_297 : vector<1x128xf32> to vector<1280x128xf32>
    %add3A_299 = arith.addf %mul3A_294, %add3A_298 : vector<1280x128xf32>
    %max3A_300 = arith.constant 0.000000e+00 : f32
    %max3A_301 = vector.broadcast %max3A_300 : f32 to vector<1280x128xf32>
    %max3A_302 = arith.maximumf %add3A_299, %max3A_301 : vector<1280x128xf32>
    %get3A_303 = arith.constant 0 : index
    %get3A_304 = arith.constant 0 : index
    %get3A_305 = vector.load %arg3[%get3A_303, %get3A_304] : memref<80x128xf32, #tpu.memory_space<vmem>>, vector<80x128xf32>
    %iota3A_306 = tpu.iota {dimensions = array<i32: 0>} : vector<128x128xi32>
    %iota3A_307 = tpu.iota {dimensions = array<i32: 1>} : vector<128x128xi32>
    %jit3A_308 = arith.constant 16 : i32
    %div3A_309 = vector.broadcast %jit3A_308 : i32 to vector<128x128xi32>
    %div3A_310 = arith.divsi %iota3A_307, %div3A_309 : vector<128x128xi32>
    %sign3A_311 = arith.constant 0 : i32
    %sign3A_312 = vector.broadcast %sign3A_311 : i32 to vector<128x128xi32>
    %sign3A_313 = arith.cmpi sgt, %iota3A_307, %sign3A_312 : vector<128x128xi32>
    %sign3A_314 = arith.extui %sign3A_313 : vector<128x128xi1> to vector<128x128xi32>
    %sign3A_315 = arith.constant 0 : i32
    %sign3A_316 = vector.broadcast %sign3A_315 : i32 to vector<128x128xi32>
    %sign3A_317 = arith.cmpi slt, %iota3A_307, %sign3A_316 : vector<128x128xi32>
    %sign3A_318 = arith.extui %sign3A_317 : vector<128x128xi1> to vector<128x128xi32>
    %sign3A_319 = arith.subi %sign3A_314, %sign3A_318 : vector<128x128xi32>
    %sign3A_320 = arith.constant 0 : i32
    %sign3A_321 = arith.cmpi sgt, %jit3A_308, %sign3A_320 : i32
    %sign3A_322 = arith.extui %sign3A_321 : i1 to i32
    %sign3A_323 = arith.constant 0 : i32
    %sign3A_324 = arith.cmpi slt, %jit3A_308, %sign3A_323 : i32
    %sign3A_325 = arith.extui %sign3A_324 : i1 to i32
    %sign3A_326 = arith.subi %sign3A_322, %sign3A_325 : i32
    %ne3A_327 = vector.broadcast %sign3A_326 : i32 to vector<128x128xi32>
    %ne3A_328 = arith.cmpi ne, %sign3A_319, %ne3A_327 : vector<128x128xi32>
    %rem3A_329 = vector.broadcast %jit3A_308 : i32 to vector<128x128xi32>
    %rem3A_330 = arith.remsi %iota3A_307, %rem3A_329 : vector<128x128xi32>
    %ne3A_331 = arith.constant 0 : i32
    %ne3A_332 = vector.broadcast %ne3A_331 : i32 to vector<128x128xi32>
    %ne3A_333 = arith.cmpi ne, %rem3A_330, %ne3A_332 : vector<128x128xi32>
    %and3A_334 = arith.andi %ne3A_328, %ne3A_333 : vector<128x128xi1>
    %sub3A_335 = arith.constant 1 : i32
    %sub3A_336 = vector.broadcast %sub3A_335 : i32 to vector<128x128xi32>
    %sub3A_337 = arith.subi %div3A_310, %sub3A_336 : vector<128x128xi32>
    %select_n3A_338 = arith.select %and3A_334, %sub3A_337, %div3A_310 : vector<128x128xi1>, vector<128x128xi32>
    %add3A_339 = arith.constant 0 : i32
    %add3A_340 = vector.broadcast %add3A_339 : i32 to vector<128x128xi32>
    %add3A_341 = arith.addi %add3A_340, %select_n3A_338 : vector<128x128xi32>
    %eq3A_342 = arith.cmpi eq, %iota3A_306, %add3A_341 : vector<128x128xi32>
    %convert_element_type3A_343 = arith.extui %eq3A_342 : vector<128x128xi1> to vector<128x128xi32>
    %convert_element_type3A_344 = arith.sitofp %convert_element_type3A_343 : vector<128x128xi32> to vector<128x128xf32>
    %dot_general3A_345 = arith.constant dense<0.000000e+00> : vector<80x128xf32>
    %dot_general3A_346 = tpu.matmul %get3A_305, %convert_element_type3A_344, %dot_general3A_345 {dimension_numbers = #tpu.dot_dimension_numbers<[1], [0], [0], [1], [0, 0, 1, 1], [], []>, transpose_lhs_hint = false} : vector<80x128xf32>, vector<128x128xf32>, vector<80x128xf32> -> vector<80x128xf32>
    %broadcast_in_dim3A_347 = vector.shape_cast %dot_general3A_346 : vector<80x128xf32> to vector<80x1x128xf32>
    %add3A_348 = arith.constant 8 : i32
    %add3A_349 = vector.broadcast %add3A_348 : i32 to vector<128x128xi32>
    %add3A_350 = arith.addi %add3A_349, %select_n3A_338 : vector<128x128xi32>
    %eq3A_351 = arith.cmpi eq, %iota3A_306, %add3A_350 : vector<128x128xi32>
    %convert_element_type3A_352 = arith.extui %eq3A_351 : vector<128x128xi1> to vector<128x128xi32>
    %convert_element_type3A_353 = arith.sitofp %convert_element_type3A_352 : vector<128x128xi32> to vector<128x128xf32>
    %dot_general3A_354 = arith.constant dense<0.000000e+00> : vector<80x128xf32>
    %dot_general3A_355 = tpu.matmul %get3A_305, %convert_element_type3A_353, %dot_general3A_354 {dimension_numbers = #tpu.dot_dimension_numbers<[1], [0], [0], [1], [0, 0, 1, 1], [], []>, transpose_lhs_hint = false} : vector<80x128xf32>, vector<128x128xf32>, vector<80x128xf32> -> vector<80x128xf32>
    %broadcast_in_dim3A_356 = vector.shape_cast %dot_general3A_355 : vector<80x128xf32> to vector<80x1x128xf32>
    %add3A_357 = arith.constant 16 : i32
    %add3A_358 = vector.broadcast %add3A_357 : i32 to vector<128x128xi32>
    %add3A_359 = arith.addi %add3A_358, %select_n3A_338 : vector<128x128xi32>
    %eq3A_360 = arith.cmpi eq, %iota3A_306, %add3A_359 : vector<128x128xi32>
    %convert_element_type3A_361 = arith.extui %eq3A_360 : vector<128x128xi1> to vector<128x128xi32>
    %convert_element_type3A_362 = arith.sitofp %convert_element_type3A_361 : vector<128x128xi32> to vector<128x128xf32>
    %dot_general3A_363 = arith.constant dense<0.000000e+00> : vector<80x128xf32>
    %dot_general3A_364 = tpu.matmul %get3A_305, %convert_element_type3A_362, %dot_general3A_363 {dimension_numbers = #tpu.dot_dimension_numbers<[1], [0], [0], [1], [0, 0, 1, 1], [], []>, transpose_lhs_hint = false} : vector<80x128xf32>, vector<128x128xf32>, vector<80x128xf32> -> vector<80x128xf32>
    %broadcast_in_dim3A_365 = vector.shape_cast %dot_general3A_364 : vector<80x128xf32> to vector<80x1x128xf32>
    %add3A_366 = arith.constant 24 : i32
    %add3A_367 = vector.broadcast %add3A_366 : i32 to vector<128x128xi32>
    %add3A_368 = arith.addi %add3A_367, %select_n3A_338 : vector<128x128xi32>
    %eq3A_369 = arith.cmpi eq, %iota3A_306, %add3A_368 : vector<128x128xi32>
    %convert_element_type3A_370 = arith.extui %eq3A_369 : vector<128x128xi1> to vector<128x128xi32>
    %convert_element_type3A_371 = arith.sitofp %convert_element_type3A_370 : vector<128x128xi32> to vector<128x128xf32>
    %dot_general3A_372 = arith.constant dense<0.000000e+00> : vector<80x128xf32>
    %dot_general3A_373 = tpu.matmul %get3A_305, %convert_element_type3A_371, %dot_general3A_372 {dimension_numbers = #tpu.dot_dimension_numbers<[1], [0], [0], [1], [0, 0, 1, 1], [], []>, transpose_lhs_hint = false} : vector<80x128xf32>, vector<128x128xf32>, vector<80x128xf32> -> vector<80x128xf32>
    %broadcast_in_dim3A_374 = vector.shape_cast %dot_general3A_373 : vector<80x128xf32> to vector<80x1x128xf32>
    %add3A_375 = arith.constant 32 : i32
    %add3A_376 = vector.broadcast %add3A_375 : i32 to vector<128x128xi32>
    %add3A_377 = arith.addi %add3A_376, %select_n3A_338 : vector<128x128xi32>
    %eq3A_378 = arith.cmpi eq, %iota3A_306, %add3A_377 : vector<128x128xi32>
    %convert_element_type3A_379 = arith.extui %eq3A_378 : vector<128x128xi1> to vector<128x128xi32>
    %convert_element_type3A_380 = arith.sitofp %convert_element_type3A_379 : vector<128x128xi32> to vector<128x128xf32>
    %dot_general3A_381 = arith.constant dense<0.000000e+00> : vector<80x128xf32>
    %dot_general3A_382 = tpu.matmul %get3A_305, %convert_element_type3A_380, %dot_general3A_381 {dimension_numbers = #tpu.dot_dimension_numbers<[1], [0], [0], [1], [0, 0, 1, 1], [], []>, transpose_lhs_hint = false} : vector<80x128xf32>, vector<128x128xf32>, vector<80x128xf32> -> vector<80x128xf32>
    %broadcast_in_dim3A_383 = vector.shape_cast %dot_general3A_382 : vector<80x128xf32> to vector<80x1x128xf32>
    %add3A_384 = arith.constant 40 : i32
    %add3A_385 = vector.broadcast %add3A_384 : i32 to vector<128x128xi32>
    %add3A_386 = arith.addi %add3A_385, %select_n3A_338 : vector<128x128xi32>
    %eq3A_387 = arith.cmpi eq, %iota3A_306, %add3A_386 : vector<128x128xi32>
    %convert_element_type3A_388 = arith.extui %eq3A_387 : vector<128x128xi1> to vector<128x128xi32>
    %convert_element_type3A_389 = arith.sitofp %convert_element_type3A_388 : vector<128x128xi32> to vector<128x128xf32>
    %dot_general3A_390 = arith.constant dense<0.000000e+00> : vector<80x128xf32>
    %dot_general3A_391 = tpu.matmul %get3A_305, %convert_element_type3A_389, %dot_general3A_390 {dimension_numbers = #tpu.dot_dimension_numbers<[1], [0], [0], [1], [0, 0, 1, 1], [], []>, transpose_lhs_hint = false} : vector<80x128xf32>, vector<128x128xf32>, vector<80x128xf32> -> vector<80x128xf32>
    %broadcast_in_dim3A_392 = vector.shape_cast %dot_general3A_391 : vector<80x128xf32> to vector<80x1x128xf32>
    %add3A_393 = arith.constant 48 : i32
    %add3A_394 = vector.broadcast %add3A_393 : i32 to vector<128x128xi32>
    %add3A_395 = arith.addi %add3A_394, %select_n3A_338 : vector<128x128xi32>
    %eq3A_396 = arith.cmpi eq, %iota3A_306, %add3A_395 : vector<128x128xi32>
    %convert_element_type3A_397 = arith.extui %eq3A_396 : vector<128x128xi1> to vector<128x128xi32>
    %convert_element_type3A_398 = arith.sitofp %convert_element_type3A_397 : vector<128x128xi32> to vector<128x128xf32>
    %dot_general3A_399 = arith.constant dense<0.000000e+00> : vector<80x128xf32>
    %dot_general3A_400 = tpu.matmul %get3A_305, %convert_element_type3A_398, %dot_general3A_399 {dimension_numbers = #tpu.dot_dimension_numbers<[1], [0], [0], [1], [0, 0, 1, 1], [], []>, transpose_lhs_hint = false} : vector<80x128xf32>, vector<128x128xf32>, vector<80x128xf32> -> vector<80x128xf32>
    %broadcast_in_dim3A_401 = vector.shape_cast %dot_general3A_400 : vector<80x128xf32> to vector<80x1x128xf32>
    %add3A_402 = arith.constant 56 : i32
    %add3A_403 = vector.broadcast %add3A_402 : i32 to vector<128x128xi32>
    %add3A_404 = arith.addi %add3A_403, %select_n3A_338 : vector<128x128xi32>
    %eq3A_405 = arith.cmpi eq, %iota3A_306, %add3A_404 : vector<128x128xi32>
    %convert_element_type3A_406 = arith.extui %eq3A_405 : vector<128x128xi1> to vector<128x128xi32>
    %convert_element_type3A_407 = arith.sitofp %convert_element_type3A_406 : vector<128x128xi32> to vector<128x128xf32>
    %dot_general3A_408 = arith.constant dense<0.000000e+00> : vector<80x128xf32>
    %dot_general3A_409 = tpu.matmul %get3A_305, %convert_element_type3A_407, %dot_general3A_408 {dimension_numbers = #tpu.dot_dimension_numbers<[1], [0], [0], [1], [0, 0, 1, 1], [], []>, transpose_lhs_hint = false} : vector<80x128xf32>, vector<128x128xf32>, vector<80x128xf32> -> vector<80x128xf32>
    %broadcast_in_dim3A_410 = vector.shape_cast %dot_general3A_409 : vector<80x128xf32> to vector<80x1x128xf32>
    %add3A_411 = arith.constant 64 : i32
    %add3A_412 = vector.broadcast %add3A_411 : i32 to vector<128x128xi32>
    %add3A_413 = arith.addi %add3A_412, %select_n3A_338 : vector<128x128xi32>
    %eq3A_414 = arith.cmpi eq, %iota3A_306, %add3A_413 : vector<128x128xi32>
    %convert_element_type3A_415 = arith.extui %eq3A_414 : vector<128x128xi1> to vector<128x128xi32>
    %convert_element_type3A_416 = arith.sitofp %convert_element_type3A_415 : vector<128x128xi32> to vector<128x128xf32>
    %dot_general3A_417 = arith.constant dense<0.000000e+00> : vector<80x128xf32>
    %dot_general3A_418 = tpu.matmul %get3A_305, %convert_element_type3A_416, %dot_general3A_417 {dimension_numbers = #tpu.dot_dimension_numbers<[1], [0], [0], [1], [0, 0, 1, 1], [], []>, transpose_lhs_hint = false} : vector<80x128xf32>, vector<128x128xf32>, vector<80x128xf32> -> vector<80x128xf32>
    %broadcast_in_dim3A_419 = vector.shape_cast %dot_general3A_418 : vector<80x128xf32> to vector<80x1x128xf32>
    %add3A_420 = arith.constant 72 : i32
    %add3A_421 = vector.broadcast %add3A_420 : i32 to vector<128x128xi32>
    %add3A_422 = arith.addi %add3A_421, %select_n3A_338 : vector<128x128xi32>
    %eq3A_423 = arith.cmpi eq, %iota3A_306, %add3A_422 : vector<128x128xi32>
    %convert_element_type3A_424 = arith.extui %eq3A_423 : vector<128x128xi1> to vector<128x128xi32>
    %convert_element_type3A_425 = arith.sitofp %convert_element_type3A_424 : vector<128x128xi32> to vector<128x128xf32>
    %dot_general3A_426 = arith.constant dense<0.000000e+00> : vector<80x128xf32>
    %dot_general3A_427 = tpu.matmul %get3A_305, %convert_element_type3A_425, %dot_general3A_426 {dimension_numbers = #tpu.dot_dimension_numbers<[1], [0], [0], [1], [0, 0, 1, 1], [], []>, transpose_lhs_hint = false} : vector<80x128xf32>, vector<128x128xf32>, vector<80x128xf32> -> vector<80x128xf32>
    %broadcast_in_dim3A_428 = vector.shape_cast %dot_general3A_427 : vector<80x128xf32> to vector<80x1x128xf32>
    %add3A_429 = arith.constant 80 : i32
    %add3A_430 = vector.broadcast %add3A_429 : i32 to vector<128x128xi32>
    %add3A_431 = arith.addi %add3A_430, %select_n3A_338 : vector<128x128xi32>
    %eq3A_432 = arith.cmpi eq, %iota3A_306, %add3A_431 : vector<128x128xi32>
    %convert_element_type3A_433 = arith.extui %eq3A_432 : vector<128x128xi1> to vector<128x128xi32>
    %convert_element_type3A_434 = arith.sitofp %convert_element_type3A_433 : vector<128x128xi32> to vector<128x128xf32>
    %dot_general3A_435 = arith.constant dense<0.000000e+00> : vector<80x128xf32>
    %dot_general3A_436 = tpu.matmul %get3A_305, %convert_element_type3A_434, %dot_general3A_435 {dimension_numbers = #tpu.dot_dimension_numbers<[1], [0], [0], [1], [0, 0, 1, 1], [], []>, transpose_lhs_hint = false} : vector<80x128xf32>, vector<128x128xf32>, vector<80x128xf32> -> vector<80x128xf32>
    %broadcast_in_dim3A_437 = vector.shape_cast %dot_general3A_436 : vector<80x128xf32> to vector<80x1x128xf32>
    %add3A_438 = arith.constant 88 : i32
    %add3A_439 = vector.broadcast %add3A_438 : i32 to vector<128x128xi32>
    %add3A_440 = arith.addi %add3A_439, %select_n3A_338 : vector<128x128xi32>
    %eq3A_441 = arith.cmpi eq, %iota3A_306, %add3A_440 : vector<128x128xi32>
    %convert_element_type3A_442 = arith.extui %eq3A_441 : vector<128x128xi1> to vector<128x128xi32>
    %convert_element_type3A_443 = arith.sitofp %convert_element_type3A_442 : vector<128x128xi32> to vector<128x128xf32>
    %dot_general3A_444 = arith.constant dense<0.000000e+00> : vector<80x128xf32>
    %dot_general3A_445 = tpu.matmul %get3A_305, %convert_element_type3A_443, %dot_general3A_444 {dimension_numbers = #tpu.dot_dimension_numbers<[1], [0], [0], [1], [0, 0, 1, 1], [], []>, transpose_lhs_hint = false} : vector<80x128xf32>, vector<128x128xf32>, vector<80x128xf32> -> vector<80x128xf32>
    %broadcast_in_dim3A_446 = vector.shape_cast %dot_general3A_445 : vector<80x128xf32> to vector<80x1x128xf32>
    %add3A_447 = arith.constant 96 : i32
    %add3A_448 = vector.broadcast %add3A_447 : i32 to vector<128x128xi32>
    %add3A_449 = arith.addi %add3A_448, %select_n3A_338 : vector<128x128xi32>
    %eq3A_450 = arith.cmpi eq, %iota3A_306, %add3A_449 : vector<128x128xi32>
    %convert_element_type3A_451 = arith.extui %eq3A_450 : vector<128x128xi1> to vector<128x128xi32>
    %convert_element_type3A_452 = arith.sitofp %convert_element_type3A_451 : vector<128x128xi32> to vector<128x128xf32>
    %dot_general3A_453 = arith.constant dense<0.000000e+00> : vector<80x128xf32>
    %dot_general3A_454 = tpu.matmul %get3A_305, %convert_element_type3A_452, %dot_general3A_453 {dimension_numbers = #tpu.dot_dimension_numbers<[1], [0], [0], [1], [0, 0, 1, 1], [], []>, transpose_lhs_hint = false} : vector<80x128xf32>, vector<128x128xf32>, vector<80x128xf32> -> vector<80x128xf32>
    %broadcast_in_dim3A_455 = vector.shape_cast %dot_general3A_454 : vector<80x128xf32> to vector<80x1x128xf32>
    %add3A_456 = arith.constant 104 : i32
    %add3A_457 = vector.broadcast %add3A_456 : i32 to vector<128x128xi32>
    %add3A_458 = arith.addi %add3A_457, %select_n3A_338 : vector<128x128xi32>
    %eq3A_459 = arith.cmpi eq, %iota3A_306, %add3A_458 : vector<128x128xi32>
    %convert_element_type3A_460 = arith.extui %eq3A_459 : vector<128x128xi1> to vector<128x128xi32>
    %convert_element_type3A_461 = arith.sitofp %convert_element_type3A_460 : vector<128x128xi32> to vector<128x128xf32>
    %dot_general3A_462 = arith.constant dense<0.000000e+00> : vector<80x128xf32>
    %dot_general3A_463 = tpu.matmul %get3A_305, %convert_element_type3A_461, %dot_general3A_462 {dimension_numbers = #tpu.dot_dimension_numbers<[1], [0], [0], [1], [0, 0, 1, 1], [], []>, transpose_lhs_hint = false} : vector<80x128xf32>, vector<128x128xf32>, vector<80x128xf32> -> vector<80x128xf32>
    %broadcast_in_dim3A_464 = vector.shape_cast %dot_general3A_463 : vector<80x128xf32> to vector<80x1x128xf32>
    %add3A_465 = arith.constant 112 : i32
    %add3A_466 = vector.broadcast %add3A_465 : i32 to vector<128x128xi32>
    %add3A_467 = arith.addi %add3A_466, %select_n3A_338 : vector<128x128xi32>
    %eq3A_468 = arith.cmpi eq, %iota3A_306, %add3A_467 : vector<128x128xi32>
    %convert_element_type3A_469 = arith.extui %eq3A_468 : vector<128x128xi1> to vector<128x128xi32>
    %convert_element_type3A_470 = arith.sitofp %convert_element_type3A_469 : vector<128x128xi32> to vector<128x128xf32>
    %dot_general3A_471 = arith.constant dense<0.000000e+00> : vector<80x128xf32>
    %dot_general3A_472 = tpu.matmul %get3A_305, %convert_element_type3A_470, %dot_general3A_471 {dimension_numbers = #tpu.dot_dimension_numbers<[1], [0], [0], [1], [0, 0, 1, 1], [], []>, transpose_lhs_hint = false} : vector<80x128xf32>, vector<128x128xf32>, vector<80x128xf32> -> vector<80x128xf32>
    %broadcast_in_dim3A_473 = vector.shape_cast %dot_general3A_472 : vector<80x128xf32> to vector<80x1x128xf32>
    %add3A_474 = arith.constant 120 : i32
    %add3A_475 = vector.broadcast %add3A_474 : i32 to vector<128x128xi32>
    %add3A_476 = arith.addi %add3A_475, %select_n3A_338 : vector<128x128xi32>
    %eq3A_477 = arith.cmpi eq, %iota3A_306, %add3A_476 : vector<128x128xi32>
    %convert_element_type3A_478 = arith.extui %eq3A_477 : vector<128x128xi1> to vector<128x128xi32>
    %convert_element_type3A_479 = arith.sitofp %convert_element_type3A_478 : vector<128x128xi32> to vector<128x128xf32>
    %dot_general3A_480 = arith.constant dense<0.000000e+00> : vector<80x128xf32>
    %dot_general3A_481 = tpu.matmul %get3A_305, %convert_element_type3A_479, %dot_general3A_480 {dimension_numbers = #tpu.dot_dimension_numbers<[1], [0], [0], [1], [0, 0, 1, 1], [], []>, transpose_lhs_hint = false} : vector<80x128xf32>, vector<128x128xf32>, vector<80x128xf32> -> vector<80x128xf32>
    %broadcast_in_dim3A_482 = vector.shape_cast %dot_general3A_481 : vector<80x128xf32> to vector<80x1x128xf32>
    %concatenate3A_483 = tpu.concatenate %broadcast_in_dim3A_347, %broadcast_in_dim3A_356, %broadcast_in_dim3A_365, %broadcast_in_dim3A_374, %broadcast_in_dim3A_383, %broadcast_in_dim3A_392, %broadcast_in_dim3A_401, %broadcast_in_dim3A_410, %broadcast_in_dim3A_419, %broadcast_in_dim3A_428, %broadcast_in_dim3A_437, %broadcast_in_dim3A_446, %broadcast_in_dim3A_455, %broadcast_in_dim3A_464, %broadcast_in_dim3A_473, %broadcast_in_dim3A_482 in 1 : vector<80x1x128xf32>, vector<80x1x128xf32>, vector<80x1x128xf32>, vector<80x1x128xf32>, vector<80x1x128xf32>, vector<80x1x128xf32>, vector<80x1x128xf32>, vector<80x1x128xf32>, vector<80x1x128xf32>, vector<80x1x128xf32>, vector<80x1x128xf32>, vector<80x1x128xf32>, vector<80x1x128xf32>, vector<80x1x128xf32>, vector<80x1x128xf32>, vector<80x1x128xf32> -> vector<80x16x128xf32>
    %reshape3A_484 = vector.shape_cast %concatenate3A_483 : vector<80x16x128xf32> to vector<1280x128xf32>
    %max3A_485 = arith.constant 1.000000e+00 : f32
    %max3A_486 = vector.broadcast %max3A_485 : f32 to vector<1280x128xf32>
    %max3A_487 = arith.maximumf %reshape3A_484, %max3A_486 : vector<1280x128xf32>
    %rsqrt3A_488 = math.rsqrt %max3A_487 : vector<1280x128xf32>
    %mul3A_489 = arith.mulf %max3A_288, %rsqrt3A_488 : vector<1280x128xf32>
    %mul3A_490 = arith.mulf %max3A_302, %rsqrt3A_488 : vector<1280x128xf32>
    %get3A_491 = arith.constant 0 : index
    %get3A_492 = arith.constant 0 : index
    %get3A_493 = arith.constant 0 : index
    %get3A_494 = vector.load %arg4[%get3A_491, %get3A_492, %get3A_493] : memref<4x128x128xf32, #tpu.memory_space<vmem>>, vector<1x128x128xf32>
    %get3A_495 = vector.shape_cast %get3A_494 : vector<1x128x128xf32> to vector<128x128xf32>
    %dot_general3A_496 = arith.constant dense<0.000000e+00> : vector<1280x128xf32>
    %dot_general3A_497 = tpu.matmul %mul3A_489, %get3A_495, %dot_general3A_496 {dimension_numbers = #tpu.dot_dimension_numbers<[1], [0], [0], [1], [0, 0, 1, 1], [], []>, transpose_lhs_hint = false} : vector<1280x128xf32>, vector<128x128xf32>, vector<1280x128xf32> -> vector<1280x128xf32>
    %get3A_498 = arith.constant 1 : index
    %get3A_499 = arith.constant 0 : index
    %get3A_500 = arith.constant 0 : index
    %get3A_501 = vector.load %arg4[%get3A_498, %get3A_499, %get3A_500] : memref<4x128x128xf32, #tpu.memory_space<vmem>>, vector<1x128x128xf32>
    %get3A_502 = vector.shape_cast %get3A_501 : vector<1x128x128xf32> to vector<128x128xf32>
    %dot_general3A_503 = arith.constant dense<0.000000e+00> : vector<1280x128xf32>
    %dot_general3A_504 = tpu.matmul %mul3A_490, %get3A_502, %dot_general3A_503 {dimension_numbers = #tpu.dot_dimension_numbers<[1], [0], [0], [1], [0, 0, 1, 1], [], []>, transpose_lhs_hint = false} : vector<1280x128xf32>, vector<128x128xf32>, vector<1280x128xf32> -> vector<1280x128xf32>
    %add3A_505 = arith.addf %dot_general3A_497, %dot_general3A_504 : vector<1280x128xf32>
    %swap3A = arith.constant 0 : index
    %swap3A_506 = arith.constant 0 : index
    %swap3A_507 = arith.constant 0 : index
    %swap3A_508 = vector.load %arg8[%swap3A, %swap3A_506, %swap3A_507] : memref<2x1280x128xf32, #tpu.memory_space<vmem>>, vector<1x1280x128xf32>
    %swap3A_509 = vector.shape_cast %swap3A_508 : vector<1x1280x128xf32> to vector<1280x128xf32>
    %swap3A_510 = vector.shape_cast %add3A_505 : vector<1280x128xf32> to vector<1x1280x128xf32>
    tpu.vector_store %arg8[%swap3A, %swap3A_506, %swap3A_507], %swap3A_510 {strides = array<i32>} : memref<2x1280x128xf32, #tpu.memory_space<vmem>>, vector<1x1280x128xf32>,
    %get3A_511 = arith.constant 2 : index
    %get3A_512 = arith.constant 0 : index
    %get3A_513 = arith.constant 0 : index
    %get3A_514 = vector.load %arg4[%get3A_511, %get3A_512, %get3A_513] : memref<4x128x128xf32, #tpu.memory_space<vmem>>, vector<1x128x128xf32>
    %get3A_515 = vector.shape_cast %get3A_514 : vector<1x128x128xf32> to vector<128x128xf32>
    %dot_general3A_516 = arith.constant dense<0.000000e+00> : vector<1280x128xf32>
    %dot_general3A_517 = tpu.matmul %mul3A_489, %get3A_515, %dot_general3A_516 {dimension_numbers = #tpu.dot_dimension_numbers<[1], [0], [0], [1], [0, 0, 1, 1], [], []>, transpose_lhs_hint = false} : vector<1280x128xf32>, vector<128x128xf32>, vector<1280x128xf32> -> vector<1280x128xf32>
    %get3A_518 = arith.constant 3 : index
    %get3A_519 = arith.constant 0 : index
    %get3A_520 = arith.constant 0 : index
    %get3A_521 = vector.load %arg4[%get3A_518, %get3A_519, %get3A_520] : memref<4x128x128xf32, #tpu.memory_space<vmem>>, vector<1x128x128xf32>
    %get3A_522 = vector.shape_cast %get3A_521 : vector<1x128x128xf32> to vector<128x128xf32>
    %dot_general3A_523 = arith.constant dense<0.000000e+00> : vector<1280x128xf32>
    %dot_general3A_524 = tpu.matmul %mul3A_490, %get3A_522, %dot_general3A_523 {dimension_numbers = #tpu.dot_dimension_numbers<[1], [0], [0], [1], [0, 0, 1, 1], [], []>, transpose_lhs_hint = false} : vector<1280x128xf32>, vector<128x128xf32>, vector<1280x128xf32> -> vector<1280x128xf32>
    %add3A_525 = arith.addf %dot_general3A_517, %dot_general3A_524 : vector<1280x128xf32>
    %swap3A_526 = arith.constant 1 : index
    %swap3A_527 = arith.constant 0 : index
    %swap3A_528 = arith.constant 0 : index
    %swap3A_529 = vector.load %arg8[%swap3A_526, %swap3A_527, %swap3A_528] : memref<2x1280x128xf32, #tpu.memory_space<vmem>>, vector<1x1280x128xf32>
    %swap3A_530 = vector.shape_cast %swap3A_529 : vector<1x1280x128xf32> to vector<1280x128xf32>
    %swap3A_531 = vector.shape_cast %add3A_525 : vector<1280x128xf32> to vector<1x1280x128xf32>
    tpu.vector_store %arg8[%swap3A_526, %swap3A_527, %swap3A_528], %swap3A_531 {strides = array<i32>} : memref<2x1280x128xf32, #tpu.memory_space<vmem>>, vector<1x1280x128xf32>,
    return
  }
  func.func @transform_0(%arg0: i32) -> (i32, i32, i32) {
    %c0_i32 = arith.constant 0 : i32
    %c0_i32_0 = arith.constant 0 : i32
    %c0_i32_1 = arith.constant 0 : i32
    return %c0_i32, %arg0, %c0_i32_0 : i32, i32, i32
  }
  func.func @transform_1(%arg0: i32) -> (i32, i32) {
    %c0_i32 = arith.constant 0 : i32
    %c0_i32_0 = arith.constant 0 : i32
    return %arg0, %c0_i32 : i32, i32
  }
  func.func @transform_2(%arg0: i32) -> (i32, i32) {
    %c0_i32 = arith.constant 0 : i32
    %c0_i32_0 = arith.constant 0 : i32
    return %arg0, %c0_i32 : i32, i32
  }
  func.func @transform_3(%arg0: i32) -> (i32, i32, i32) {
    %c0_i32 = arith.constant 0 : i32
    %c0_i32_0 = arith.constant 0 : i32
    %c0_i32_1 = arith.constant 0 : i32
    %c0_i32_2 = arith.constant 0 : i32
    return %c0_i32, %c0_i32_0, %c0_i32_1 : i32, i32, i32
  }
  func.func @transform_4(%arg0: i32) -> (i32, i32) {
    %c0_i32 = arith.constant 0 : i32
    %c0_i32_0 = arith.constant 0 : i32
    %c0_i32_1 = arith.constant 0 : i32
    return %c0_i32, %c0_i32_0 : i32, i32
  }
  func.func @transform_5(%arg0: i32) -> (i32, i32) {
    %c0_i32 = arith.constant 0 : i32
    %c0_i32_0 = arith.constant 0 : i32
    %c0_i32_1 = arith.constant 0 : i32
    return %c0_i32, %c0_i32_0 : i32, i32
  }
  func.func @transform_6(%arg0: i32) -> (i32, i32) {
    %c0_i32 = arith.constant 0 : i32
    %c0_i32_0 = arith.constant 0 : i32
    %c0_i32_1 = arith.constant 0 : i32
    return %c0_i32, %c0_i32_0 : i32, i32
  }
  func.func @transform_7(%arg0: i32) -> (i32, i32, i32) {
    %c0_i32 = arith.constant 0 : i32
    %c0_i32_0 = arith.constant 0 : i32
    %c0_i32_1 = arith.constant 0 : i32
    return %c0_i32, %arg0, %c0_i32_0 : i32, i32, i32
  }
}

module attributes {stable_mosaic.version = 14 : i64} {
  func.func @_tc_fin_body(%arg0: i32, %arg1: memref<2x128x128xf32, #tpu.memory_space<vmem>>, %arg2: memref<8x128xf32, #tpu.memory_space<vmem>>, %arg3: memref<2x128xf32, #tpu.memory_space<vmem>>, %arg4: memref<2x128xf32, #tpu.memory_space<vmem>>, %arg5: memref<2x128xf32, #tpu.memory_space<vmem>>, %arg6: memref<2x128xf32, #tpu.memory_space<vmem>>, %arg7: memref<1x1xf32, #tpu.memory_space<vmem>>, %arg8: memref<128x8xf32, #tpu.memory_space<vmem>>) attributes {dimension_semantics = [#tpu.dimension_semantics<arbitrary>], iteration_bounds = array<i64: 12>, scalar_prefetch = 0 : i64, scratch_operands = 0 : i64, tpu.core_type = #tpu.core_type<tc>, window_params = [{transform_indices = @transform_0, window_bounds = array<i64: 2, 128, 128>}, {transform_indices = @transform_1, window_bounds = array<i64: 8, 128>}, {pipeline_mode = #tpu.pipeline_mode<synchronous>, transform_indices = @transform_2, window_bounds = array<i64: 2, 128>}, {pipeline_mode = #tpu.pipeline_mode<synchronous>, transform_indices = @transform_3, window_bounds = array<i64: 2, 128>}, {pipeline_mode = #tpu.pipeline_mode<synchronous>, transform_indices = @transform_4, window_bounds = array<i64: 2, 128>}, {pipeline_mode = #tpu.pipeline_mode<synchronous>, transform_indices = @transform_5, window_bounds = array<i64: 2, 128>}, {pipeline_mode = #tpu.pipeline_mode<synchronous>, transform_indices = @transform_6, window_bounds = array<i64: 1, 1>}, {transform_indices = @transform_7, window_bounds = array<i64: 128, 8>}]} {
    %get3A = arith.constant 0 : index
    %get3A_0 = arith.constant 0 : index
    %get3A_1 = vector.load %arg2[%get3A, %get3A_0] : memref<8x128xf32, #tpu.memory_space<vmem>>, vector<8x128xf32>
    %iota3A = tpu.iota {dimensions = array<i32: 0>} : vector<128x128xi32>
    %iota3A_2 = tpu.iota {dimensions = array<i32: 1>} : vector<128x128xi32>
    %jit3A = arith.constant 16 : i32
    %div3A = vector.broadcast %jit3A : i32 to vector<128x128xi32>
    %div3A_3 = arith.divsi %iota3A_2, %div3A : vector<128x128xi32>
    %sign3A = arith.constant 0 : i32
    %sign3A_4 = vector.broadcast %sign3A : i32 to vector<128x128xi32>
    %sign3A_5 = arith.cmpi sgt, %iota3A_2, %sign3A_4 : vector<128x128xi32>
    %sign3A_6 = arith.extui %sign3A_5 : vector<128x128xi1> to vector<128x128xi32>
    %sign3A_7 = arith.constant 0 : i32
    %sign3A_8 = vector.broadcast %sign3A_7 : i32 to vector<128x128xi32>
    %sign3A_9 = arith.cmpi slt, %iota3A_2, %sign3A_8 : vector<128x128xi32>
    %sign3A_10 = arith.extui %sign3A_9 : vector<128x128xi1> to vector<128x128xi32>
    %sign3A_11 = arith.subi %sign3A_6, %sign3A_10 : vector<128x128xi32>
    %sign3A_12 = arith.constant 0 : i32
    %sign3A_13 = arith.cmpi sgt, %jit3A, %sign3A_12 : i32
    %sign3A_14 = arith.extui %sign3A_13 : i1 to i32
    %sign3A_15 = arith.constant 0 : i32
    %sign3A_16 = arith.cmpi slt, %jit3A, %sign3A_15 : i32
    %sign3A_17 = arith.extui %sign3A_16 : i1 to i32
    %sign3A_18 = arith.subi %sign3A_14, %sign3A_17 : i32
    %ne3A = vector.broadcast %sign3A_18 : i32 to vector<128x128xi32>
    %ne3A_19 = arith.cmpi ne, %sign3A_11, %ne3A : vector<128x128xi32>
    %rem3A = vector.broadcast %jit3A : i32 to vector<128x128xi32>
    %rem3A_20 = arith.remsi %iota3A_2, %rem3A : vector<128x128xi32>
    %ne3A_21 = arith.constant 0 : i32
    %ne3A_22 = vector.broadcast %ne3A_21 : i32 to vector<128x128xi32>
    %ne3A_23 = arith.cmpi ne, %rem3A_20, %ne3A_22 : vector<128x128xi32>
    %and3A = arith.andi %ne3A_19, %ne3A_23 : vector<128x128xi1>
    %sub3A = arith.constant 1 : i32
    %sub3A_24 = vector.broadcast %sub3A : i32 to vector<128x128xi32>
    %sub3A_25 = arith.subi %div3A_3, %sub3A_24 : vector<128x128xi32>
    %select_n3A = arith.select %and3A, %sub3A_25, %div3A_3 : vector<128x128xi1>, vector<128x128xi32>
    %add3A = arith.constant 0 : i32
    %add3A_26 = vector.broadcast %add3A : i32 to vector<128x128xi32>
    %add3A_27 = arith.addi %add3A_26, %select_n3A : vector<128x128xi32>
    %eq3A = arith.cmpi eq, %iota3A, %add3A_27 : vector<128x128xi32>
    %convert_element_type3A = arith.extui %eq3A : vector<128x128xi1> to vector<128x128xi32>
    %convert_element_type3A_28 = arith.sitofp %convert_element_type3A : vector<128x128xi32> to vector<128x128xf32>
    %dot_general3A = arith.constant dense<0.000000e+00> : vector<8x128xf32>
    %dot_general3A_29 = tpu.matmul %get3A_1, %convert_element_type3A_28, %dot_general3A {dimension_numbers = #tpu.dot_dimension_numbers<[1], [0], [0], [1], [0, 0, 1, 1], [], []>, transpose_lhs_hint = false} : vector<8x128xf32>, vector<128x128xf32>, vector<8x128xf32> -> vector<8x128xf32>
    %broadcast_in_dim3A = vector.shape_cast %dot_general3A_29 : vector<8x128xf32> to vector<8x1x128xf32>
    %add3A_30 = arith.constant 8 : i32
    %add3A_31 = vector.broadcast %add3A_30 : i32 to vector<128x128xi32>
    %add3A_32 = arith.addi %add3A_31, %select_n3A : vector<128x128xi32>
    %eq3A_33 = arith.cmpi eq, %iota3A, %add3A_32 : vector<128x128xi32>
    %convert_element_type3A_34 = arith.extui %eq3A_33 : vector<128x128xi1> to vector<128x128xi32>
    %convert_element_type3A_35 = arith.sitofp %convert_element_type3A_34 : vector<128x128xi32> to vector<128x128xf32>
    %dot_general3A_36 = arith.constant dense<0.000000e+00> : vector<8x128xf32>
    %dot_general3A_37 = tpu.matmul %get3A_1, %convert_element_type3A_35, %dot_general3A_36 {dimension_numbers = #tpu.dot_dimension_numbers<[1], [0], [0], [1], [0, 0, 1, 1], [], []>, transpose_lhs_hint = false} : vector<8x128xf32>, vector<128x128xf32>, vector<8x128xf32> -> vector<8x128xf32>
    %broadcast_in_dim3A_38 = vector.shape_cast %dot_general3A_37 : vector<8x128xf32> to vector<8x1x128xf32>
    %add3A_39 = arith.constant 16 : i32
    %add3A_40 = vector.broadcast %add3A_39 : i32 to vector<128x128xi32>
    %add3A_41 = arith.addi %add3A_40, %select_n3A : vector<128x128xi32>
    %eq3A_42 = arith.cmpi eq, %iota3A, %add3A_41 : vector<128x128xi32>
    %convert_element_type3A_43 = arith.extui %eq3A_42 : vector<128x128xi1> to vector<128x128xi32>
    %convert_element_type3A_44 = arith.sitofp %convert_element_type3A_43 : vector<128x128xi32> to vector<128x128xf32>
    %dot_general3A_45 = arith.constant dense<0.000000e+00> : vector<8x128xf32>
    %dot_general3A_46 = tpu.matmul %get3A_1, %convert_element_type3A_44, %dot_general3A_45 {dimension_numbers = #tpu.dot_dimension_numbers<[1], [0], [0], [1], [0, 0, 1, 1], [], []>, transpose_lhs_hint = false} : vector<8x128xf32>, vector<128x128xf32>, vector<8x128xf32> -> vector<8x128xf32>
    %broadcast_in_dim3A_47 = vector.shape_cast %dot_general3A_46 : vector<8x128xf32> to vector<8x1x128xf32>
    %add3A_48 = arith.constant 24 : i32
    %add3A_49 = vector.broadcast %add3A_48 : i32 to vector<128x128xi32>
    %add3A_50 = arith.addi %add3A_49, %select_n3A : vector<128x128xi32>
    %eq3A_51 = arith.cmpi eq, %iota3A, %add3A_50 : vector<128x128xi32>
    %convert_element_type3A_52 = arith.extui %eq3A_51 : vector<128x128xi1> to vector<128x128xi32>
    %convert_element_type3A_53 = arith.sitofp %convert_element_type3A_52 : vector<128x128xi32> to vector<128x128xf32>
    %dot_general3A_54 = arith.constant dense<0.000000e+00> : vector<8x128xf32>
    %dot_general3A_55 = tpu.matmul %get3A_1, %convert_element_type3A_53, %dot_general3A_54 {dimension_numbers = #tpu.dot_dimension_numbers<[1], [0], [0], [1], [0, 0, 1, 1], [], []>, transpose_lhs_hint = false} : vector<8x128xf32>, vector<128x128xf32>, vector<8x128xf32> -> vector<8x128xf32>
    %broadcast_in_dim3A_56 = vector.shape_cast %dot_general3A_55 : vector<8x128xf32> to vector<8x1x128xf32>
    %add3A_57 = arith.constant 32 : i32
    %add3A_58 = vector.broadcast %add3A_57 : i32 to vector<128x128xi32>
    %add3A_59 = arith.addi %add3A_58, %select_n3A : vector<128x128xi32>
    %eq3A_60 = arith.cmpi eq, %iota3A, %add3A_59 : vector<128x128xi32>
    %convert_element_type3A_61 = arith.extui %eq3A_60 : vector<128x128xi1> to vector<128x128xi32>
    %convert_element_type3A_62 = arith.sitofp %convert_element_type3A_61 : vector<128x128xi32> to vector<128x128xf32>
    %dot_general3A_63 = arith.constant dense<0.000000e+00> : vector<8x128xf32>
    %dot_general3A_64 = tpu.matmul %get3A_1, %convert_element_type3A_62, %dot_general3A_63 {dimension_numbers = #tpu.dot_dimension_numbers<[1], [0], [0], [1], [0, 0, 1, 1], [], []>, transpose_lhs_hint = false} : vector<8x128xf32>, vector<128x128xf32>, vector<8x128xf32> -> vector<8x128xf32>
    %broadcast_in_dim3A_65 = vector.shape_cast %dot_general3A_64 : vector<8x128xf32> to vector<8x1x128xf32>
    %add3A_66 = arith.constant 40 : i32
    %add3A_67 = vector.broadcast %add3A_66 : i32 to vector<128x128xi32>
    %add3A_68 = arith.addi %add3A_67, %select_n3A : vector<128x128xi32>
    %eq3A_69 = arith.cmpi eq, %iota3A, %add3A_68 : vector<128x128xi32>
    %convert_element_type3A_70 = arith.extui %eq3A_69 : vector<128x128xi1> to vector<128x128xi32>
    %convert_element_type3A_71 = arith.sitofp %convert_element_type3A_70 : vector<128x128xi32> to vector<128x128xf32>
    %dot_general3A_72 = arith.constant dense<0.000000e+00> : vector<8x128xf32>
    %dot_general3A_73 = tpu.matmul %get3A_1, %convert_element_type3A_71, %dot_general3A_72 {dimension_numbers = #tpu.dot_dimension_numbers<[1], [0], [0], [1], [0, 0, 1, 1], [], []>, transpose_lhs_hint = false} : vector<8x128xf32>, vector<128x128xf32>, vector<8x128xf32> -> vector<8x128xf32>
    %broadcast_in_dim3A_74 = vector.shape_cast %dot_general3A_73 : vector<8x128xf32> to vector<8x1x128xf32>
    %add3A_75 = arith.constant 48 : i32
    %add3A_76 = vector.broadcast %add3A_75 : i32 to vector<128x128xi32>
    %add3A_77 = arith.addi %add3A_76, %select_n3A : vector<128x128xi32>
    %eq3A_78 = arith.cmpi eq, %iota3A, %add3A_77 : vector<128x128xi32>
    %convert_element_type3A_79 = arith.extui %eq3A_78 : vector<128x128xi1> to vector<128x128xi32>
    %convert_element_type3A_80 = arith.sitofp %convert_element_type3A_79 : vector<128x128xi32> to vector<128x128xf32>
    %dot_general3A_81 = arith.constant dense<0.000000e+00> : vector<8x128xf32>
    %dot_general3A_82 = tpu.matmul %get3A_1, %convert_element_type3A_80, %dot_general3A_81 {dimension_numbers = #tpu.dot_dimension_numbers<[1], [0], [0], [1], [0, 0, 1, 1], [], []>, transpose_lhs_hint = false} : vector<8x128xf32>, vector<128x128xf32>, vector<8x128xf32> -> vector<8x128xf32>
    %broadcast_in_dim3A_83 = vector.shape_cast %dot_general3A_82 : vector<8x128xf32> to vector<8x1x128xf32>
    %add3A_84 = arith.constant 56 : i32
    %add3A_85 = vector.broadcast %add3A_84 : i32 to vector<128x128xi32>
    %add3A_86 = arith.addi %add3A_85, %select_n3A : vector<128x128xi32>
    %eq3A_87 = arith.cmpi eq, %iota3A, %add3A_86 : vector<128x128xi32>
    %convert_element_type3A_88 = arith.extui %eq3A_87 : vector<128x128xi1> to vector<128x128xi32>
    %convert_element_type3A_89 = arith.sitofp %convert_element_type3A_88 : vector<128x128xi32> to vector<128x128xf32>
    %dot_general3A_90 = arith.constant dense<0.000000e+00> : vector<8x128xf32>
    %dot_general3A_91 = tpu.matmul %get3A_1, %convert_element_type3A_89, %dot_general3A_90 {dimension_numbers = #tpu.dot_dimension_numbers<[1], [0], [0], [1], [0, 0, 1, 1], [], []>, transpose_lhs_hint = false} : vector<8x128xf32>, vector<128x128xf32>, vector<8x128xf32> -> vector<8x128xf32>
    %broadcast_in_dim3A_92 = vector.shape_cast %dot_general3A_91 : vector<8x128xf32> to vector<8x1x128xf32>
    %add3A_93 = arith.constant 64 : i32
    %add3A_94 = vector.broadcast %add3A_93 : i32 to vector<128x128xi32>
    %add3A_95 = arith.addi %add3A_94, %select_n3A : vector<128x128xi32>
    %eq3A_96 = arith.cmpi eq, %iota3A, %add3A_95 : vector<128x128xi32>
    %convert_element_type3A_97 = arith.extui %eq3A_96 : vector<128x128xi1> to vector<128x128xi32>
    %convert_element_type3A_98 = arith.sitofp %convert_element_type3A_97 : vector<128x128xi32> to vector<128x128xf32>
    %dot_general3A_99 = arith.constant dense<0.000000e+00> : vector<8x128xf32>
    %dot_general3A_100 = tpu.matmul %get3A_1, %convert_element_type3A_98, %dot_general3A_99 {dimension_numbers = #tpu.dot_dimension_numbers<[1], [0], [0], [1], [0, 0, 1, 1], [], []>, transpose_lhs_hint = false} : vector<8x128xf32>, vector<128x128xf32>, vector<8x128xf32> -> vector<8x128xf32>
    %broadcast_in_dim3A_101 = vector.shape_cast %dot_general3A_100 : vector<8x128xf32> to vector<8x1x128xf32>
    %add3A_102 = arith.constant 72 : i32
    %add3A_103 = vector.broadcast %add3A_102 : i32 to vector<128x128xi32>
    %add3A_104 = arith.addi %add3A_103, %select_n3A : vector<128x128xi32>
    %eq3A_105 = arith.cmpi eq, %iota3A, %add3A_104 : vector<128x128xi32>
    %convert_element_type3A_106 = arith.extui %eq3A_105 : vector<128x128xi1> to vector<128x128xi32>
    %convert_element_type3A_107 = arith.sitofp %convert_element_type3A_106 : vector<128x128xi32> to vector<128x128xf32>
    %dot_general3A_108 = arith.constant dense<0.000000e+00> : vector<8x128xf32>
    %dot_general3A_109 = tpu.matmul %get3A_1, %convert_element_type3A_107, %dot_general3A_108 {dimension_numbers = #tpu.dot_dimension_numbers<[1], [0], [0], [1], [0, 0, 1, 1], [], []>, transpose_lhs_hint = false} : vector<8x128xf32>, vector<128x128xf32>, vector<8x128xf32> -> vector<8x128xf32>
    %broadcast_in_dim3A_110 = vector.shape_cast %dot_general3A_109 : vector<8x128xf32> to vector<8x1x128xf32>
    %add3A_111 = arith.constant 80 : i32
    %add3A_112 = vector.broadcast %add3A_111 : i32 to vector<128x128xi32>
    %add3A_113 = arith.addi %add3A_112, %select_n3A : vector<128x128xi32>
    %eq3A_114 = arith.cmpi eq, %iota3A, %add3A_113 : vector<128x128xi32>
    %convert_element_type3A_115 = arith.extui %eq3A_114 : vector<128x128xi1> to vector<128x128xi32>
    %convert_element_type3A_116 = arith.sitofp %convert_element_type3A_115 : vector<128x128xi32> to vector<128x128xf32>
    %dot_general3A_117 = arith.constant dense<0.000000e+00> : vector<8x128xf32>
    %dot_general3A_118 = tpu.matmul %get3A_1, %convert_element_type3A_116, %dot_general3A_117 {dimension_numbers = #tpu.dot_dimension_numbers<[1], [0], [0], [1], [0, 0, 1, 1], [], []>, transpose_lhs_hint = false} : vector<8x128xf32>, vector<128x128xf32>, vector<8x128xf32> -> vector<8x128xf32>
    %broadcast_in_dim3A_119 = vector.shape_cast %dot_general3A_118 : vector<8x128xf32> to vector<8x1x128xf32>
    %add3A_120 = arith.constant 88 : i32
    %add3A_121 = vector.broadcast %add3A_120 : i32 to vector<128x128xi32>
    %add3A_122 = arith.addi %add3A_121, %select_n3A : vector<128x128xi32>
    %eq3A_123 = arith.cmpi eq, %iota3A, %add3A_122 : vector<128x128xi32>
    %convert_element_type3A_124 = arith.extui %eq3A_123 : vector<128x128xi1> to vector<128x128xi32>
    %convert_element_type3A_125 = arith.sitofp %convert_element_type3A_124 : vector<128x128xi32> to vector<128x128xf32>
    %dot_general3A_126 = arith.constant dense<0.000000e+00> : vector<8x128xf32>
    %dot_general3A_127 = tpu.matmul %get3A_1, %convert_element_type3A_125, %dot_general3A_126 {dimension_numbers = #tpu.dot_dimension_numbers<[1], [0], [0], [1], [0, 0, 1, 1], [], []>, transpose_lhs_hint = false} : vector<8x128xf32>, vector<128x128xf32>, vector<8x128xf32> -> vector<8x128xf32>
    %broadcast_in_dim3A_128 = vector.shape_cast %dot_general3A_127 : vector<8x128xf32> to vector<8x1x128xf32>
    %add3A_129 = arith.constant 96 : i32
    %add3A_130 = vector.broadcast %add3A_129 : i32 to vector<128x128xi32>
    %add3A_131 = arith.addi %add3A_130, %select_n3A : vector<128x128xi32>
    %eq3A_132 = arith.cmpi eq, %iota3A, %add3A_131 : vector<128x128xi32>
    %convert_element_type3A_133 = arith.extui %eq3A_132 : vector<128x128xi1> to vector<128x128xi32>
    %convert_element_type3A_134 = arith.sitofp %convert_element_type3A_133 : vector<128x128xi32> to vector<128x128xf32>
    %dot_general3A_135 = arith.constant dense<0.000000e+00> : vector<8x128xf32>
    %dot_general3A_136 = tpu.matmul %get3A_1, %convert_element_type3A_134, %dot_general3A_135 {dimension_numbers = #tpu.dot_dimension_numbers<[1], [0], [0], [1], [0, 0, 1, 1], [], []>, transpose_lhs_hint = false} : vector<8x128xf32>, vector<128x128xf32>, vector<8x128xf32> -> vector<8x128xf32>
    %broadcast_in_dim3A_137 = vector.shape_cast %dot_general3A_136 : vector<8x128xf32> to vector<8x1x128xf32>
    %add3A_138 = arith.constant 104 : i32
    %add3A_139 = vector.broadcast %add3A_138 : i32 to vector<128x128xi32>
    %add3A_140 = arith.addi %add3A_139, %select_n3A : vector<128x128xi32>
    %eq3A_141 = arith.cmpi eq, %iota3A, %add3A_140 : vector<128x128xi32>
    %convert_element_type3A_142 = arith.extui %eq3A_141 : vector<128x128xi1> to vector<128x128xi32>
    %convert_element_type3A_143 = arith.sitofp %convert_element_type3A_142 : vector<128x128xi32> to vector<128x128xf32>
    %dot_general3A_144 = arith.constant dense<0.000000e+00> : vector<8x128xf32>
    %dot_general3A_145 = tpu.matmul %get3A_1, %convert_element_type3A_143, %dot_general3A_144 {dimension_numbers = #tpu.dot_dimension_numbers<[1], [0], [0], [1], [0, 0, 1, 1], [], []>, transpose_lhs_hint = false} : vector<8x128xf32>, vector<128x128xf32>, vector<8x128xf32> -> vector<8x128xf32>
    %broadcast_in_dim3A_146 = vector.shape_cast %dot_general3A_145 : vector<8x128xf32> to vector<8x1x128xf32>
    %add3A_147 = arith.constant 112 : i32
    %add3A_148 = vector.broadcast %add3A_147 : i32 to vector<128x128xi32>
    %add3A_149 = arith.addi %add3A_148, %select_n3A : vector<128x128xi32>
    %eq3A_150 = arith.cmpi eq, %iota3A, %add3A_149 : vector<128x128xi32>
    %convert_element_type3A_151 = arith.extui %eq3A_150 : vector<128x128xi1> to vector<128x128xi32>
    %convert_element_type3A_152 = arith.sitofp %convert_element_type3A_151 : vector<128x128xi32> to vector<128x128xf32>
    %dot_general3A_153 = arith.constant dense<0.000000e+00> : vector<8x128xf32>
    %dot_general3A_154 = tpu.matmul %get3A_1, %convert_element_type3A_152, %dot_general3A_153 {dimension_numbers = #tpu.dot_dimension_numbers<[1], [0], [0], [1], [0, 0, 1, 1], [], []>, transpose_lhs_hint = false} : vector<8x128xf32>, vector<128x128xf32>, vector<8x128xf32> -> vector<8x128xf32>
    %broadcast_in_dim3A_155 = vector.shape_cast %dot_general3A_154 : vector<8x128xf32> to vector<8x1x128xf32>
    %add3A_156 = arith.constant 120 : i32
    %add3A_157 = vector.broadcast %add3A_156 : i32 to vector<128x128xi32>
    %add3A_158 = arith.addi %add3A_157, %select_n3A : vector<128x128xi32>
    %eq3A_159 = arith.cmpi eq, %iota3A, %add3A_158 : vector<128x128xi32>
    %convert_element_type3A_160 = arith.extui %eq3A_159 : vector<128x128xi1> to vector<128x128xi32>
    %convert_element_type3A_161 = arith.sitofp %convert_element_type3A_160 : vector<128x128xi32> to vector<128x128xf32>
    %dot_general3A_162 = arith.constant dense<0.000000e+00> : vector<8x128xf32>
    %dot_general3A_163 = tpu.matmul %get3A_1, %convert_element_type3A_161, %dot_general3A_162 {dimension_numbers = #tpu.dot_dimension_numbers<[1], [0], [0], [1], [0, 0, 1, 1], [], []>, transpose_lhs_hint = false} : vector<8x128xf32>, vector<128x128xf32>, vector<8x128xf32> -> vector<8x128xf32>
    %broadcast_in_dim3A_164 = vector.shape_cast %dot_general3A_163 : vector<8x128xf32> to vector<8x1x128xf32>
    %concatenate3A = tpu.concatenate %broadcast_in_dim3A, %broadcast_in_dim3A_38, %broadcast_in_dim3A_47, %broadcast_in_dim3A_56, %broadcast_in_dim3A_65, %broadcast_in_dim3A_74, %broadcast_in_dim3A_83, %broadcast_in_dim3A_92, %broadcast_in_dim3A_101, %broadcast_in_dim3A_110, %broadcast_in_dim3A_119, %broadcast_in_dim3A_128, %broadcast_in_dim3A_137, %broadcast_in_dim3A_146, %broadcast_in_dim3A_155, %broadcast_in_dim3A_164 in 1 : vector<8x1x128xf32>, vector<8x1x128xf32>, vector<8x1x128xf32>, vector<8x1x128xf32>, vector<8x1x128xf32>, vector<8x1x128xf32>, vector<8x1x128xf32>, vector<8x1x128xf32>, vector<8x1x128xf32>, vector<8x1x128xf32>, vector<8x1x128xf32>, vector<8x1x128xf32>, vector<8x1x128xf32>, vector<8x1x128xf32>, vector<8x1x128xf32>, vector<8x1x128xf32> -> vector<8x16x128xf32>
    %reshape3A = vector.shape_cast %concatenate3A : vector<8x16x128xf32> to vector<128x128xf32>
    %max3A = arith.constant 1.000000e+00 : f32
    %max3A_165 = vector.broadcast %max3A : f32 to vector<128x128xf32>
    %max3A_166 = arith.maximumf %reshape3A, %max3A_165 : vector<128x128xf32>
    %rsqrt3A = math.rsqrt %max3A_166 : vector<128x128xf32>
    %get3A_167 = arith.constant 0 : index
    %get3A_168 = arith.constant 0 : index
    %get3A_169 = arith.constant 0 : index
    %get3A_170 = vector.load %arg1[%get3A_167, %get3A_168, %get3A_169] : memref<2x128x128xf32, #tpu.memory_space<vmem>>, vector<1x128x128xf32>
    %get3A_171 = vector.shape_cast %get3A_170 : vector<1x128x128xf32> to vector<128x128xf32>
    %get3A_172 = arith.constant 1 : index
    %get3A_173 = arith.constant 0 : index
    %get3A_174 = arith.constant 0 : index
    %get3A_175 = vector.load %arg1[%get3A_172, %get3A_173, %get3A_174] : memref<2x128x128xf32, #tpu.memory_space<vmem>>, vector<1x128x128xf32>
    %get3A_176 = vector.shape_cast %get3A_175 : vector<1x128x128xf32> to vector<128x128xf32>
    %iota3A_177 = tpu.iota {dimensions = array<i32: 0>} : vector<128x128xi32>
    %jit3A_178 = arith.constant 16 : i32
    %div3A_179 = vector.broadcast %jit3A_178 : i32 to vector<128x128xi32>
    %div3A_180 = arith.divsi %iota3A_177, %div3A_179 : vector<128x128xi32>
    %sign3A_181 = arith.constant 0 : i32
    %sign3A_182 = vector.broadcast %sign3A_181 : i32 to vector<128x128xi32>
    %sign3A_183 = arith.cmpi sgt, %iota3A_177, %sign3A_182 : vector<128x128xi32>
    %sign3A_184 = arith.extui %sign3A_183 : vector<128x128xi1> to vector<128x128xi32>
    %sign3A_185 = arith.constant 0 : i32
    %sign3A_186 = vector.broadcast %sign3A_185 : i32 to vector<128x128xi32>
    %sign3A_187 = arith.cmpi slt, %iota3A_177, %sign3A_186 : vector<128x128xi32>
    %sign3A_188 = arith.extui %sign3A_187 : vector<128x128xi1> to vector<128x128xi32>
    %sign3A_189 = arith.subi %sign3A_184, %sign3A_188 : vector<128x128xi32>
    %sign3A_190 = arith.constant 0 : i32
    %sign3A_191 = arith.cmpi sgt, %jit3A_178, %sign3A_190 : i32
    %sign3A_192 = arith.extui %sign3A_191 : i1 to i32
    %sign3A_193 = arith.constant 0 : i32
    %sign3A_194 = arith.cmpi slt, %jit3A_178, %sign3A_193 : i32
    %sign3A_195 = arith.extui %sign3A_194 : i1 to i32
    %sign3A_196 = arith.subi %sign3A_192, %sign3A_195 : i32
    %ne3A_197 = vector.broadcast %sign3A_196 : i32 to vector<128x128xi32>
    %ne3A_198 = arith.cmpi ne, %sign3A_189, %ne3A_197 : vector<128x128xi32>
    %rem3A_199 = vector.broadcast %jit3A_178 : i32 to vector<128x128xi32>
    %rem3A_200 = arith.remsi %iota3A_177, %rem3A_199 : vector<128x128xi32>
    %ne3A_201 = arith.constant 0 : i32
    %ne3A_202 = vector.broadcast %ne3A_201 : i32 to vector<128x128xi32>
    %ne3A_203 = arith.cmpi ne, %rem3A_200, %ne3A_202 : vector<128x128xi32>
    %and3A_204 = arith.andi %ne3A_198, %ne3A_203 : vector<128x128xi1>
    %sub3A_205 = arith.constant 1 : i32
    %sub3A_206 = vector.broadcast %sub3A_205 : i32 to vector<128x128xi32>
    %sub3A_207 = arith.subi %div3A_180, %sub3A_206 : vector<128x128xi32>
    %select_n3A_208 = arith.select %and3A_204, %sub3A_207, %div3A_180 : vector<128x128xi1>, vector<128x128xi32>
    %iota3A_209 = tpu.iota {dimensions = array<i32: 1>} : vector<128x128xi32>
    %jit3A_210 = arith.constant 16 : i32
    %div3A_211 = vector.broadcast %jit3A_210 : i32 to vector<128x128xi32>
    %div3A_212 = arith.divsi %iota3A_209, %div3A_211 : vector<128x128xi32>
    %sign3A_213 = arith.constant 0 : i32
    %sign3A_214 = vector.broadcast %sign3A_213 : i32 to vector<128x128xi32>
    %sign3A_215 = arith.cmpi sgt, %iota3A_209, %sign3A_214 : vector<128x128xi32>
    %sign3A_216 = arith.extui %sign3A_215 : vector<128x128xi1> to vector<128x128xi32>
    %sign3A_217 = arith.constant 0 : i32
    %sign3A_218 = vector.broadcast %sign3A_217 : i32 to vector<128x128xi32>
    %sign3A_219 = arith.cmpi slt, %iota3A_209, %sign3A_218 : vector<128x128xi32>
    %sign3A_220 = arith.extui %sign3A_219 : vector<128x128xi1> to vector<128x128xi32>
    %sign3A_221 = arith.subi %sign3A_216, %sign3A_220 : vector<128x128xi32>
    %sign3A_222 = arith.constant 0 : i32
    %sign3A_223 = arith.cmpi sgt, %jit3A_210, %sign3A_222 : i32
    %sign3A_224 = arith.extui %sign3A_223 : i1 to i32
    %sign3A_225 = arith.constant 0 : i32
    %sign3A_226 = arith.cmpi slt, %jit3A_210, %sign3A_225 : i32
    %sign3A_227 = arith.extui %sign3A_226 : i1 to i32
    %sign3A_228 = arith.subi %sign3A_224, %sign3A_227 : i32
    %ne3A_229 = vector.broadcast %sign3A_228 : i32 to vector<128x128xi32>
    %ne3A_230 = arith.cmpi ne, %sign3A_221, %ne3A_229 : vector<128x128xi32>
    %rem3A_231 = vector.broadcast %jit3A_210 : i32 to vector<128x128xi32>
    %rem3A_232 = arith.remsi %iota3A_209, %rem3A_231 : vector<128x128xi32>
    %ne3A_233 = arith.constant 0 : i32
    %ne3A_234 = vector.broadcast %ne3A_233 : i32 to vector<128x128xi32>
    %ne3A_235 = arith.cmpi ne, %rem3A_232, %ne3A_234 : vector<128x128xi32>
    %and3A_236 = arith.andi %ne3A_230, %ne3A_235 : vector<128x128xi1>
    %sub3A_237 = arith.constant 1 : i32
    %sub3A_238 = vector.broadcast %sub3A_237 : i32 to vector<128x128xi32>
    %sub3A_239 = arith.subi %div3A_212, %sub3A_238 : vector<128x128xi32>
    %select_n3A_240 = arith.select %and3A_236, %sub3A_239, %div3A_212 : vector<128x128xi1>, vector<128x128xi32>
    %eq3A_241 = arith.cmpi eq, %select_n3A_208, %select_n3A_240 : vector<128x128xi32>
    %convert_element_type3A_242 = arith.extui %eq3A_241 : vector<128x128xi1> to vector<128x128xi32>
    %convert_element_type3A_243 = arith.sitofp %convert_element_type3A_242 : vector<128x128xi32> to vector<128x128xf32>
    %mul3A = arith.mulf %get3A_171, %rsqrt3A : vector<128x128xf32>
    %get3A_244 = arith.constant 0 : index
    %get3A_245 = arith.constant 0 : index
    %get3A_246 = vector.load %arg3[%get3A_244, %get3A_245] : memref<2x128xf32, #tpu.memory_space<vmem>>, vector<1x128xf32>
    %add3A_247 = vector.broadcast %get3A_246 : vector<1x128xf32> to vector<128x128xf32>
    %add3A_248 = arith.addf %mul3A, %add3A_247 : vector<128x128xf32>
    %mul3A_249 = arith.mulf %get3A_176, %rsqrt3A : vector<128x128xf32>
    %get3A_250 = arith.constant 1 : index
    %get3A_251 = arith.constant 0 : index
    %get3A_252 = vector.load %arg3[%get3A_250, %get3A_251] : memref<2x128xf32, #tpu.memory_space<vmem>>, vector<1x128xf32>
    %add3A_253 = vector.broadcast %get3A_252 : vector<1x128xf32> to vector<128x128xf32>
    %add3A_254 = arith.addf %mul3A_249, %add3A_253 : vector<128x128xf32>
    %add3A_255 = arith.addf %add3A_248, %add3A_254 : vector<128x128xf32>
    %dot_general3A_256 = arith.constant dense<0.000000e+00> : vector<128x128xf32>
    %dot_general3A_257 = tpu.matmul %add3A_255, %convert_element_type3A_243, %dot_general3A_256 {dimension_numbers = #tpu.dot_dimension_numbers<[1], [0], [0], [1], [0, 0, 1, 1], [], []>, transpose_lhs_hint = false} : vector<128x128xf32>, vector<128x128xf32>, vector<128x128xf32> -> vector<128x128xf32>
    %mul3A_258 = arith.constant 3.125000e-02 : f32
    %mul3A_259 = vector.broadcast %mul3A_258 : f32 to vector<128x128xf32>
    %mul3A_260 = arith.mulf %dot_general3A_257, %mul3A_259 : vector<128x128xf32>
    %sub3A_261 = arith.subf %add3A_248, %mul3A_260 : vector<128x128xf32>
    %sub3A_262 = arith.subf %add3A_254, %mul3A_260 : vector<128x128xf32>
    %mul3A_263 = arith.mulf %sub3A_261, %sub3A_261 : vector<128x128xf32>
    %mul3A_264 = arith.mulf %sub3A_262, %sub3A_262 : vector<128x128xf32>
    %add3A_265 = arith.addf %mul3A_263, %mul3A_264 : vector<128x128xf32>
    %dot_general3A_266 = arith.constant dense<0.000000e+00> : vector<128x128xf32>
    %dot_general3A_267 = tpu.matmul %add3A_265, %convert_element_type3A_243, %dot_general3A_266 {dimension_numbers = #tpu.dot_dimension_numbers<[1], [0], [0], [1], [0, 0, 1, 1], [], []>, transpose_lhs_hint = false} : vector<128x128xf32>, vector<128x128xf32>, vector<128x128xf32> -> vector<128x128xf32>
    %mul3A_268 = arith.constant 3.125000e-02 : f32
    %mul3A_269 = vector.broadcast %mul3A_268 : f32 to vector<128x128xf32>
    %mul3A_270 = arith.mulf %dot_general3A_267, %mul3A_269 : vector<128x128xf32>
    %add3A_271 = arith.constant 9.99999974E-6 : f32
    %add3A_272 = vector.broadcast %add3A_271 : f32 to vector<128x128xf32>
    %add3A_273 = arith.addf %mul3A_270, %add3A_272 : vector<128x128xf32>
    %rsqrt3A_274 = math.rsqrt %add3A_273 : vector<128x128xf32>
    %mul3A_275 = arith.mulf %sub3A_261, %rsqrt3A_274 : vector<128x128xf32>
    %get3A_276 = arith.constant 0 : index
    %get3A_277 = arith.constant 0 : index
    %get3A_278 = vector.load %arg4[%get3A_276, %get3A_277] : memref<2x128xf32, #tpu.memory_space<vmem>>, vector<1x128xf32>
    %mul3A_279 = vector.broadcast %get3A_278 : vector<1x128xf32> to vector<128x128xf32>
    %mul3A_280 = arith.mulf %mul3A_275, %mul3A_279 : vector<128x128xf32>
    %get3A_281 = arith.constant 0 : index
    %get3A_282 = arith.constant 0 : index
    %get3A_283 = vector.load %arg5[%get3A_281, %get3A_282] : memref<2x128xf32, #tpu.memory_space<vmem>>, vector<1x128xf32>
    %add3A_284 = vector.broadcast %get3A_283 : vector<1x128xf32> to vector<128x128xf32>
    %add3A_285 = arith.addf %mul3A_280, %add3A_284 : vector<128x128xf32>
    %max3A_286 = arith.constant 0.000000e+00 : f32
    %max3A_287 = vector.broadcast %max3A_286 : f32 to vector<128x128xf32>
    %max3A_288 = arith.maximumf %add3A_285, %max3A_287 : vector<128x128xf32>
    %mul3A_289 = arith.mulf %sub3A_262, %rsqrt3A_274 : vector<128x128xf32>
    %get3A_290 = arith.constant 1 : index
    %get3A_291 = arith.constant 0 : index
    %get3A_292 = vector.load %arg4[%get3A_290, %get3A_291] : memref<2x128xf32, #tpu.memory_space<vmem>>, vector<1x128xf32>
    %mul3A_293 = vector.broadcast %get3A_292 : vector<1x128xf32> to vector<128x128xf32>
    %mul3A_294 = arith.mulf %mul3A_289, %mul3A_293 : vector<128x128xf32>
    %get3A_295 = arith.constant 1 : index
    %get3A_296 = arith.constant 0 : index
    %get3A_297 = vector.load %arg5[%get3A_295, %get3A_296] : memref<2x128xf32, #tpu.memory_space<vmem>>, vector<1x128xf32>
    %add3A_298 = vector.broadcast %get3A_297 : vector<1x128xf32> to vector<128x128xf32>
    %add3A_299 = arith.addf %mul3A_294, %add3A_298 : vector<128x128xf32>
    %max3A_300 = arith.constant 0.000000e+00 : f32
    %max3A_301 = vector.broadcast %max3A_300 : f32 to vector<128x128xf32>
    %max3A_302 = arith.maximumf %add3A_299, %max3A_301 : vector<128x128xf32>
    %iota3A_303 = tpu.iota {dimensions = array<i32: 0>} : vector<128x128xi32>
    %jit3A_304 = arith.constant 16 : i32
    %div3A_305 = vector.broadcast %jit3A_304 : i32 to vector<128x128xi32>
    %div3A_306 = arith.divsi %iota3A_303, %div3A_305 : vector<128x128xi32>
    %sign3A_307 = arith.constant 0 : i32
    %sign3A_308 = vector.broadcast %sign3A_307 : i32 to vector<128x128xi32>
    %sign3A_309 = arith.cmpi sgt, %iota3A_303, %sign3A_308 : vector<128x128xi32>
    %sign3A_310 = arith.extui %sign3A_309 : vector<128x128xi1> to vector<128x128xi32>
    %sign3A_311 = arith.constant 0 : i32
    %sign3A_312 = vector.broadcast %sign3A_311 : i32 to vector<128x128xi32>
    %sign3A_313 = arith.cmpi slt, %iota3A_303, %sign3A_312 : vector<128x128xi32>
    %sign3A_314 = arith.extui %sign3A_313 : vector<128x128xi1> to vector<128x128xi32>
    %sign3A_315 = arith.subi %sign3A_310, %sign3A_314 : vector<128x128xi32>
    %sign3A_316 = arith.constant 0 : i32
    %sign3A_317 = arith.cmpi sgt, %jit3A_304, %sign3A_316 : i32
    %sign3A_318 = arith.extui %sign3A_317 : i1 to i32
    %sign3A_319 = arith.constant 0 : i32
    %sign3A_320 = arith.cmpi slt, %jit3A_304, %sign3A_319 : i32
    %sign3A_321 = arith.extui %sign3A_320 : i1 to i32
    %sign3A_322 = arith.subi %sign3A_318, %sign3A_321 : i32
    %ne3A_323 = vector.broadcast %sign3A_322 : i32 to vector<128x128xi32>
    %ne3A_324 = arith.cmpi ne, %sign3A_315, %ne3A_323 : vector<128x128xi32>
    %rem3A_325 = vector.broadcast %jit3A_304 : i32 to vector<128x128xi32>
    %rem3A_326 = arith.remsi %iota3A_303, %rem3A_325 : vector<128x128xi32>
    %ne3A_327 = arith.constant 0 : i32
    %ne3A_328 = vector.broadcast %ne3A_327 : i32 to vector<128x128xi32>
    %ne3A_329 = arith.cmpi ne, %rem3A_326, %ne3A_328 : vector<128x128xi32>
    %and3A_330 = arith.andi %ne3A_324, %ne3A_329 : vector<128x128xi1>
    %sub3A_331 = arith.constant 1 : i32
    %sub3A_332 = vector.broadcast %sub3A_331 : i32 to vector<128x128xi32>
    %sub3A_333 = arith.subi %div3A_306, %sub3A_332 : vector<128x128xi32>
    %select_n3A_334 = arith.select %and3A_330, %sub3A_333, %div3A_306 : vector<128x128xi1>, vector<128x128xi32>
    %iota3A_335 = tpu.iota {dimensions = array<i32: 1>} : vector<128x128xi32>
    %jit3A_336 = arith.constant 16 : i32
    %div3A_337 = vector.broadcast %jit3A_336 : i32 to vector<128x128xi32>
    %div3A_338 = arith.divsi %iota3A_335, %div3A_337 : vector<128x128xi32>
    %sign3A_339 = arith.constant 0 : i32
    %sign3A_340 = vector.broadcast %sign3A_339 : i32 to vector<128x128xi32>
    %sign3A_341 = arith.cmpi sgt, %iota3A_335, %sign3A_340 : vector<128x128xi32>
    %sign3A_342 = arith.extui %sign3A_341 : vector<128x128xi1> to vector<128x128xi32>
    %sign3A_343 = arith.constant 0 : i32
    %sign3A_344 = vector.broadcast %sign3A_343 : i32 to vector<128x128xi32>
    %sign3A_345 = arith.cmpi slt, %iota3A_335, %sign3A_344 : vector<128x128xi32>
    %sign3A_346 = arith.extui %sign3A_345 : vector<128x128xi1> to vector<128x128xi32>
    %sign3A_347 = arith.subi %sign3A_342, %sign3A_346 : vector<128x128xi32>
    %sign3A_348 = arith.constant 0 : i32
    %sign3A_349 = arith.cmpi sgt, %jit3A_336, %sign3A_348 : i32
    %sign3A_350 = arith.extui %sign3A_349 : i1 to i32
    %sign3A_351 = arith.constant 0 : i32
    %sign3A_352 = arith.cmpi slt, %jit3A_336, %sign3A_351 : i32
    %sign3A_353 = arith.extui %sign3A_352 : i1 to i32
    %sign3A_354 = arith.subi %sign3A_350, %sign3A_353 : i32
    %ne3A_355 = vector.broadcast %sign3A_354 : i32 to vector<128x128xi32>
    %ne3A_356 = arith.cmpi ne, %sign3A_347, %ne3A_355 : vector<128x128xi32>
    %rem3A_357 = vector.broadcast %jit3A_336 : i32 to vector<128x128xi32>
    %rem3A_358 = arith.remsi %iota3A_335, %rem3A_357 : vector<128x128xi32>
    %ne3A_359 = arith.constant 0 : i32
    %ne3A_360 = vector.broadcast %ne3A_359 : i32 to vector<128x128xi32>
    %ne3A_361 = arith.cmpi ne, %rem3A_358, %ne3A_360 : vector<128x128xi32>
    %and3A_362 = arith.andi %ne3A_356, %ne3A_361 : vector<128x128xi1>
    %sub3A_363 = arith.constant 1 : i32
    %sub3A_364 = vector.broadcast %sub3A_363 : i32 to vector<128x128xi32>
    %sub3A_365 = arith.subi %div3A_338, %sub3A_364 : vector<128x128xi32>
    %select_n3A_366 = arith.select %and3A_362, %sub3A_365, %div3A_338 : vector<128x128xi1>, vector<128x128xi32>
    %eq3A_367 = arith.cmpi eq, %select_n3A_334, %select_n3A_366 : vector<128x128xi32>
    %convert_element_type3A_368 = arith.extui %eq3A_367 : vector<128x128xi1> to vector<128x128xi32>
    %convert_element_type3A_369 = arith.sitofp %convert_element_type3A_368 : vector<128x128xi32> to vector<128x128xf32>
    %get3A_370 = arith.constant 0 : index
    %get3A_371 = arith.constant 0 : index
    %get3A_372 = vector.load %arg6[%get3A_370, %get3A_371] : memref<2x128xf32, #tpu.memory_space<vmem>>, vector<1x128xf32>
    %mul3A_373 = vector.broadcast %get3A_372 : vector<1x128xf32> to vector<128x128xf32>
    %mul3A_374 = arith.mulf %max3A_288, %mul3A_373 : vector<128x128xf32>
    %get3A_375 = arith.constant 1 : index
    %get3A_376 = arith.constant 0 : index
    %get3A_377 = vector.load %arg6[%get3A_375, %get3A_376] : memref<2x128xf32, #tpu.memory_space<vmem>>, vector<1x128xf32>
    %mul3A_378 = vector.broadcast %get3A_377 : vector<1x128xf32> to vector<128x128xf32>
    %mul3A_379 = arith.mulf %max3A_302, %mul3A_378 : vector<128x128xf32>
    %add3A_380 = arith.addf %mul3A_374, %mul3A_379 : vector<128x128xf32>
    %dot_general3A_381 = arith.constant dense<0.000000e+00> : vector<128x128xf32>
    %dot_general3A_382 = tpu.matmul %add3A_380, %convert_element_type3A_369, %dot_general3A_381 {dimension_numbers = #tpu.dot_dimension_numbers<[1], [0], [0], [1], [0, 0, 1, 1], [], []>, transpose_lhs_hint = false} : vector<128x128xf32>, vector<128x128xf32>, vector<128x128xf32> -> vector<128x128xf32>
    %iota3A_383 = tpu.iota {dimensions = array<i32: 0>} : vector<128x8xi32>
    %iota3A_384 = tpu.iota {dimensions = array<i32: 1>} : vector<128x8xi32>
    %mul3A_385 = arith.constant 16 : i32
    %mul3A_386 = vector.broadcast %mul3A_385 : i32 to vector<128x8xi32>
    %mul3A_387 = arith.muli %mul3A_386, %iota3A_384 : vector<128x8xi32>
    %eq3A_388 = arith.cmpi eq, %iota3A_383, %mul3A_387 : vector<128x8xi32>
    %convert_element_type3A_389 = arith.extui %eq3A_388 : vector<128x8xi1> to vector<128x8xi32>
    %convert_element_type3A_390 = arith.sitofp %convert_element_type3A_389 : vector<128x8xi32> to vector<128x8xf32>
    %dot_general3A_391 = arith.constant dense<0.000000e+00> : vector<128x8xf32>
    %dot_general3A_392 = tpu.matmul %dot_general3A_382, %convert_element_type3A_390, %dot_general3A_391 {dimension_numbers = #tpu.dot_dimension_numbers<[1], [0], [0], [1], [0, 0, 1, 1], [], []>, transpose_lhs_hint = false} : vector<128x128xf32>, vector<128x8xf32>, vector<128x8xf32> -> vector<128x8xf32>
    %get3A_393 = arith.constant 0 : index
    %get3A_394 = arith.constant 0 : index
    %get3A_395 = vector.load %arg7[%get3A_393, %get3A_394] : memref<1x1xf32, #tpu.memory_space<vmem>>, vector<1x1xf32>
    %add3A_396 = vector.broadcast %get3A_395 : vector<1x1xf32> to vector<128x8xf32>
    %add3A_397 = arith.addf %dot_general3A_392, %add3A_396 : vector<128x8xf32>
    %swap3A = arith.constant 0 : index
    %swap3A_398 = arith.constant 0 : index
    %swap3A_399 = vector.load %arg8[%swap3A, %swap3A_398] : memref<128x8xf32, #tpu.memory_space<vmem>>, vector<128x8xf32>
    tpu.vector_store %arg8[%swap3A, %swap3A_398], %add3A_397 {strides = array<i32>} : memref<128x8xf32, #tpu.memory_space<vmem>>, vector<128x8xf32>,
    return
  }
  func.func @transform_0(%arg0: i32) -> (i32, i32, i32) {
    %c0_i32 = arith.constant 0 : i32
    %c0_i32_0 = arith.constant 0 : i32
    %c0_i32_1 = arith.constant 0 : i32
    return %c0_i32, %arg0, %c0_i32_0 : i32, i32, i32
  }
  func.func @transform_1(%arg0: i32) -> (i32, i32) {
    %c0_i32 = arith.constant 0 : i32
    %c0_i32_0 = arith.constant 0 : i32
    return %arg0, %c0_i32 : i32, i32
  }
  func.func @transform_2(%arg0: i32) -> (i32, i32) {
    %c0_i32 = arith.constant 0 : i32
    %c0_i32_0 = arith.constant 0 : i32
    %c0_i32_1 = arith.constant 0 : i32
    return %c0_i32, %c0_i32_0 : i32, i32
  }
  func.func @transform_3(%arg0: i32) -> (i32, i32) {
    %c0_i32 = arith.constant 0 : i32
    %c0_i32_0 = arith.constant 0 : i32
    %c0_i32_1 = arith.constant 0 : i32
    return %c0_i32, %c0_i32_0 : i32, i32
  }
  func.func @transform_4(%arg0: i32) -> (i32, i32) {
    %c0_i32 = arith.constant 0 : i32
    %c0_i32_0 = arith.constant 0 : i32
    %c0_i32_1 = arith.constant 0 : i32
    return %c0_i32, %c0_i32_0 : i32, i32
  }
  func.func @transform_5(%arg0: i32) -> (i32, i32) {
    %c0_i32 = arith.constant 0 : i32
    %c0_i32_0 = arith.constant 0 : i32
    %c0_i32_1 = arith.constant 0 : i32
    return %c0_i32, %c0_i32_0 : i32, i32
  }
  func.func @transform_6(%arg0: i32) -> (i32, i32) {
    %c0_i32 = arith.constant 0 : i32
    %c0_i32_0 = arith.constant 0 : i32
    %c0_i32_1 = arith.constant 0 : i32
    return %c0_i32, %c0_i32_0 : i32, i32
  }
  func.func @transform_7(%arg0: i32) -> (i32, i32) {
    %c0_i32 = arith.constant 0 : i32
    %c0_i32_0 = arith.constant 0 : i32
    return %arg0, %c0_i32 : i32, i32
  }
}

</mosaic_0001>

<sc_bundles>
// kernel: sc_degrees.3.cloned.1.call-start
scs
__scs_entry_jumppad:
0x0: {  	(pc) =	sbr.rel $0x88, $3  }
0x1: {  	(tag) =	ssettag $0x0;
	lr =	simm.s32 $0x1  }
0x2: {  	[smem:$0x3F94] =	sst lr;
	_ =	strace $0xD0000000  }
0x3: {  	_ = 	snop  }
0x4: {  	_ = 	snop  }
0x5: {  	_ = 	snop  }
0x6: {  	_ = 	snop  }
0x7: {  	_ = 	snop  }
__scs_overlays_trampoline_lowered:
0x8: {  	[smem:$0x3FA3] =	sst s0  }
0x9: {  	[smem:$0x3FA4] =	sst s1  }
0xa: {  	[smem:$0x3FA5] =	sst s2  }
0xb: {  	[smem:$0x3FA6] =	sst s3  }
0xc: {  	[smem:$0x3FA7] =	sst s4  }
0xd: {  	[smem:$0x3FA8] =	sst s5  }
0xe: {  	[smem:$0x3FA9] =	sst s6  }
0xf: {  	[smem:$0x3FAA] =	sst s7  }
0x10: {  	[smem:$0x3FAB] =	sst s8  }
0x11: {  	[smem:$0x3FAC] =	sst s9;
	s0 =	simm.s32 @!p0 $0x0  }
0x12: {  	s1 =	sld [smem:$0x3F92];
	s0 =	simm.s32 @p0 $0x1  }
0x13: {  	[smem:$0x3FAD] =	sst s0;
	s0 =	simm.s32 @!p1 $0x0  }
0x14: {  	s2 =	sld [smem:$0x3F91];
	s0 =	simm.s32 @p1 $0x1  }
0x15: {  	[smem:$0x3FAE] =	sst s0;
	s0 =	simm.s32 @!p2 $0x0  }
0x16: {  	s3 =	sld [smem:$0x3FDB];
	s0 =	simm.s32 @p2 $0x1  }
0x17: {  	s4 =	simm.s32 $0x1BF5;
	[smem:$0x3FB0] =	sst s0  }
0x18: {  	s0 =	sld [smem:$0x3F93];
	_ =	swait.ge [sflag:s4], $0x0  }
0x19: {  	s7 =	sld [smem:$0x3F94]  }
0x1a: {  	s8 =	sadd.s32 $0xFFFFE003, lr  }
0x1b: {  	s9 =	sadd.s32 $0xFFFFFEF7, lr;
	s5 =	simm.s32 $0xFFFFFFFF;
	p2 =	slt.u32 s8, $0xFFFFF086  }
0x1c: {  	p1 =	slt.u32 s9, $0xF7A;
	s5 =	simm.s32 @!p2 $0x0  }
0x1d: {  	s5 =	simm.s32 @p1 $0x1;
	p0 =	seq.s32 s7, s2  }
0x1e: {  	s7 =	smul.u32 @!p0 $0xF7A, s2;
	p2 =	seq.s32 @!p0 s5, $0x0  }
0x1f: {  	s9 =	smul.u32 $0xF7A, s1;
	s8 =	simm.s32 @!p0 $0x1BF5;
	p2 =	por !p2, p0  }
0x20: {  	[sflag:s8] =	ssyncset.s32 @!p0 $0xFFFFF086;
	s6 =	sadd.s32 @!p0 s3, s7;
	s7 =	simm.s32 @!p0 $0x108  }
0x21: {  	s3 =	sadd.s32 s3, s9;
	s6 =	sadd.s32 @!p0 $0x88, s6;
	s7 =	simm.s32 @p2 $0x1082  }
0x22: {  	[simem:s7], [sflag:s8] =	dma.local @!p0 [hbm:s6], $0xF7A  }
0x23: {  	s9 =	sor.u32 $0xD0000000, s2;
	s6 =	simm.s32 $0x108;
	_ =	swait.ge @!p0 [sflag:s8], $0x0  }
0x24: {  	s3 =	sadd.s32 $0x88, s3;
	s6 =	simm.s32 @!p1 $0x1082;
	[sflag:s4] =	ssyncset.s32 $0xFFFFF086  }
0x25: {  	[simem:s6], [sflag:s4] =	dma.local [hbm:s3], $0xF7A  }
0x26: {  	[smem:$0x3F94] =	sst s1;
	(tag) =	ssettag s2;
	_ =	strace s9  }
0x27: {  	s1 =	sld [smem:$0x3FA4]  }
0x28: {  	s2 =	sld [smem:$0x3FA5]  }
0x29: {  	s4 =	sld [smem:$0x3FA7]  }
0x2a: {  	p0 =	seq.s32 s5, $0x0;
	s5 =	sld [smem:$0x3FA8]  }
0x2b: {  	s6 =	sld [smem:$0x3FA9]  }
0x2c: {  	s7 =	sld [smem:$0x3FAA]  }
0x2d: {  	s3 =	simm.s32 $0x108;
	s8 =	sld [smem:$0x3FAB]  }
0x2e: {  	s3 =	simm.s32 @!p0 $0x1082;
	s9 =	sld [smem:$0x3FAC]  }
0x2f: {  	lr =	sadd.s32 s0, s3;
	s0 =	sld [smem:$0x3FA3]  }
0x30: {  	s3 =	sld [smem:$0x3FA6]  }
0x31: {  	[smem:$0x3FAF] =	sst s10  }
0x32: {  	s10 =	sld [smem:$0x3FAD];
	_ =	sdelay $0x3  }
0x33: {  	p0 =	seq.s32 s10, $0x1;
	s10 =	sld [smem:$0x3FAF];
	_ =	sdelay $0x3  }
0x34: {  	[smem:$0x3FAF] =	sst s10  }
0x35: {  	s10 =	sld [smem:$0x3FAE];
	_ =	sdelay $0x3  }
0x36: {  	p1 =	seq.s32 s10, $0x1;
	s10 =	sld [smem:$0x3FAF];
	_ =	sdelay $0x3  }
0x37: {  	[smem:$0x3FAF] =	sst s10  }
0x38: {  	s10 =	sld [smem:$0x3FB0]  }
0x39: {  	_ = 	snop;
	(pc) =	sbr.ind lr, $3  }
0x3a: {  	_ = 	snop  }
0x3b: {  	_ = 	snop  }
0x3c: {  	p2 =	seq.s32 s10, $0x1;
	s10 =	sld [smem:$0x3FAF]  }
0x3d: {  	_ =	shalt  }
0x3e: {  	_ =	shalt  }
0x3f: {  	_ =	shalt  }
0x40: {  	_ =	shalt  }
0x41: {  	_ =	shalt  }
0x42: {  	_ =	shalt  }
0x43: {  	_ =	shalt  }
0x44: {  	_ =	shalt  }
0x45: {  	_ =	shalt  }
0x46: {  	_ =	shalt  }
0x47: {  	_ =	shalt  }
0x48: {  	_ =	shalt  }
0x49: {  	_ =	shalt  }
0x4a: {  	_ =	shalt  }
0x4b: {  	_ =	shalt  }
0x4c: {  	_ =	shalt  }
0x4d: {  	_ =	shalt  }
0x4e: {  	_ =	shalt  }
0x4f: {  	_ =	shalt  }
0x50: {  	_ =	shalt  }
0x51: {  	_ =	shalt  }
0x52: {  	_ =	shalt  }
0x53: {  	_ =	shalt  }
0x54: {  	_ =	shalt  }
0x55: {  	_ =	shalt  }
0x56: {  	_ =	shalt  }
0x57: {  	_ =	shalt  }
0x58: {  	_ =	shalt  }
0x59: {  	_ =	shalt  }
0x5a: {  	_ =	shalt  }
0x5b: {  	_ =	shalt  }
0x5c: {  	_ =	shalt  }
0x5d: {  	_ =	shalt  }
0x5e: {  	_ =	shalt  }
0x5f: {  	_ =	shalt  }
0x60: {  	_ =	shalt  }
0x61: {  	_ =	shalt  }
0x62: {  	_ =	shalt  }
0x63: {  	_ =	shalt  }
0x64: {  	_ =	shalt  }
0x65: {  	_ =	shalt  }
0x66: {  	_ =	shalt  }
0x67: {  	_ =	shalt  }
0x68: {  	_ =	shalt  }
0x69: {  	_ =	shalt  }
0x6a: {  	_ =	shalt  }
0x6b: {  	_ =	shalt  }
0x6c: {  	_ =	shalt  }
0x6d: {  	_ =	shalt  }
0x6e: {  	_ =	shalt  }
0x6f: {  	_ =	shalt  }
0x70: {  	_ =	shalt  }
0x71: {  	_ =	shalt  }
0x72: {  	_ =	shalt  }
0x73: {  	_ =	shalt  }
0x74: {  	_ =	shalt  }
0x75: {  	_ =	shalt  }
0x76: {  	_ =	shalt  }
0x77: {  	_ =	shalt  }
0x78: {  	_ =	shalt  }
0x79: {  	_ =	shalt  }
0x7a: {  	_ =	shalt  }
0x7b: {  	_ =	shalt  }
0x7c: {  	_ =	shalt  }
0x7d: {  	_ =	shalt  }
0x7e: {  	_ =	shalt  }
0x7f: {  	_ =	shalt  }
0x80: {  	_ =	shalt  }
0x81: {  	_ =	shalt  }
0x82: {  	_ =	shalt  }
0x83: {  	_ =	shalt  }
0x84: {  	_ =	shalt  }
0x85: {  	_ =	shalt  }
0x86: {  	_ =	shalt  }
0x87: {  	_ =	shalt  }
.Lfunc_end0:
.L_simem_size_0:
called_computation_lowered:
.L_overlay_start_0:
0x88: {  	s2 =	sld [smem:$0x3FD9]  }
0x89: {  	s3 =	sld [smem:$0x3FFE];
	_ =	sdelay $0x1  }
0x8a: {  	s1 =	srdreg.scid  }
0x8b: {  	s0 =	sand.u32 $0x1, s1  }
0x8c: {  	s16 =	sshll.u32 s0, $0xA;
	s2 =	sadd.s32 s3, s2  }
0x8d: {  	s2 =	sadd.s32 s2, s16  }
0x8e: {  	[smem:$0x3FBB] =	sst s2  }
0x8f: {  	_ = 	snop  }
0x90: {  	(tm) =	ssettm $0x1  }
0x91: {  	s17 =	sld [smem:$0x3FFB];
	_ =	sdelay $0x3  }
0x92: {  	_ =	strace s17  }
0x93: {  	s2 =	sld [smem:$0x3FFC];
	_ =	sdelay $0x3  }
0x94: {  	_ =	strace s2  }
0x95: {  	s2 =	sld [smem:$0x3FFD];
	_ =	sdelay $0x3  }
0x96: {  	_ =	strace s2  }
0x97: {  	_ =	strace $0x8FFFFFFF  }
0x98: {  	s18 =	sld [smem:$0x3FDB];
	_ =	sdelay $0x1  }
0x99: {  	s19 =	simm.s32 $_scs_section_size  }
0x9a: {  	s4 =	simm.s32 $_size__tile_overlayer_lowered;
	s5 =	simm.s32 $_tile_overlayer_lowered  }
0x9b: {  	s22 =	simm.s32 $0x1BFF;
	s21 =	sshll.u32 s5, $0x1;
	s2 =	sadd.s32 s19, s18  }
0x9c: {  	s6 =	simm.s32 $0x0;
	s20 =	sshll.u32 s4, $0x1;
	s4 =	sadd.s32 s21, s2  }
0x9d: {  	[timem:s6], [sflag:s22] =	dma.local [hbm:s4], s20  }
0x9e: {  	_ =	swait.ge [sflag:s22], s20  }
0x9f: {  	s3 =	ssub.s32 $0x0, s20;
	[sflag:s22] =	ssyncset.done $0x0  }
0xa0: {  	[sflag:s22] =	ssyncadd.s32 s3;
	_ =	sdelay $0x1  }
0xa1: {  	s23 =	simm.s32 $0x1B8B  }
0xa2: {  	_ =	swait.ge [sflag:s23], $0x1  }
0xa3: {  	[sflag:s23] =	ssyncset.done $0x0  }
0xa4: {  	s25 =	simm.s32 $0x1B8E;
	s24 =	sld [smem:$0x3FFE];
	[sflag:s23] =	ssyncadd.s32 $0xFFFFFFFF  }
0xa5: {  	s26 =	simm.s32 $execute0_lowered;
	[smem:$0x3FD2] =	sst s25  }
0xa6: {  	s4 =	sshll.u32 s26, $0x1;
	_ =	strace $0x80000046;
	[dreg:$0x1] =	wrdreg $0xFFFFFFFF  }
0xa7: {  	s28 =	simm.s32 $_size_execute0_lowered;
	s2 =	sadd.s32 s2, s4;
	[dreg:$0x0] =	wrdreg $0x0  }
0xa8: {  	s4 =	sshll.u32 s28, $0x1;
	[dreg:$0x2] =	wrdreg s2  }
0xa9: {  	[dreg:$0x3] =	wrdreg s4  }
0xaa: {  	[dreg:$0x4] =	wrdreg $0xC0  }
0xab: {  	_ =	task [dreg:s6], $0x5FFFF  }
0xac: {  	[dreg:$0x1] =	wrdreg $0xFFFFFFFF  }
0xad: {  	[dreg:$0x0] =	wrdreg $0x60  }
0xae: {  	[dreg:$0x2] =	wrdreg s24  }
0xaf: {  	[dreg:$0x3] =	wrdreg $0x22F00  }
0xb0: {  	[dreg:$0x4] =	wrdreg $0x9  }
0xb1: {  	_ =	task.clear_ibuf [dreg:s6], $0x5FFFF;
	_ =	strace $0x90000046  }
0xb2: {  	s29 =	simm.s32 $0x9;
	_ =	strace $0x80000048  }
0xb3: {  	_ =	swait.ge [sflag:s29], $0x1  }
0xb4: {  	[sflag:s29] =	ssyncadd.s32 $0xFFFFFFFF  }
0xb5: {  	_ =	strace $0x90000048  }
0xb6: {  	_ =	sfence  }
0xb7: {  	s30 =	sld [smem:$0x0];
	_ =	sdelay $0x2  }
0xb8: {  	s31 =	sshll.u32 s1, $0xD;
	s1 =	sshrl.u32 s1, $0x2  }
0xb9: {  	s3 =	sand.u32 $0x4000, s31;
	s1 =	sadd.s32 s1, s30  }
0xba: {  	s0 =	sor.u32 s3, s0;
	s1 =	sshll.u32 s1, $0x11  }
0xbb: {  	s0 =	sor.u32 s1, s0  }
0xbc: {  	s0 =	sadd.s32 $0x8F2B, s0  }
0xbd: {  	[sflag:s0] =	ssyncadd.remote.s32 $0x1  }
0xbe: {  	_ =	sfence.sel $0xFFFF  }
0xbf: {  	[dreg:$0x0] =	wrdreg $0xFFFFFFFF;
	(pc) =	sbr.abs _section_cstart, $3  }
0xc0: {  	[dreg:$0x1] =	wrdreg $0xFFFFFFFF  }
0xc1: {  	_ =	task.clear_ibuf [dreg:s6], $0x2FFFF;
	_ =	strace $0x9FFFFFFF  }
0xc2: {  	(tm) =	ssettm $0x7FFFFFFF  }
0xc3: {  	_ =	shalt  }
tec
execute0_lowered:
.L_overlay_start_1:
0x0: {  	(tag) =	ssettag $0x1  }
0x1: {  	s4 =	rddreg [dreg:$0x0]  }
0x2: {  	s0 =	srdreg.scid;
	s2 =	rddreg [dreg:$0x1]  }
0x3: {  	s1 =	rddreg [dreg:$0x2];
	s3 =	simm.s32 $0x0;
	s11 =	simm.s32 $0x2  }
0x4: {  	s12 =	simm.s32 $0x80;
	s13 =	simm.s32 $0x400;
	s20 =	sand.u32 $0x1, s0  }
0x5: {  	s14 =	simm.s32 $0x100;
	s0 =	stileid.u32;
	s5 =	smul.u32 $0x188000, s20  }
0x6: {  	s15 =	simm.s32 $0x180;
	s16 =	simm.s32 $0x200;
	s6 =	smul.u32 $0x18800, s0  }
0x7: {  	s17 =	simm.s32 $0x280;
	s18 =	simm.s32 $0x300;
	s7 =	smul.u32 $0x1870, s0  }
0x8: {  	s19 =	simm.s32 $0x380;
	[smem:$0x7FF] =	sst s3;
	s28 =	smul.u32 $0x18700, s20  }
0x9: {  	s22 =	simm.s32 $0x0;
	_ =	strace $0x80000047;
	s8 =	smul.u32 $0x60, s0  }
0xa: {  	s9 =	ssub.s32 $0x2, s20;
	p0 =	seq.s32 s20, $0x0;
	s31 =	sshll.u32 s0, $0x6  }
0xb: {  	s30 =	sshrl.u32 s9, $0x1;
	s20 =	sor.u32 $0x1C02, s31;
	s5 =	sadd.s32 s6, s5  }
0xc: {  	s6 =	sadd.s32 s7, s28;
	s8 =	sadd.s32 s8, s4;
	s9 =	ssub.s32 s9, s30  }
0xd: {  	s5 =	sshrl.u32 s5, $0x3;
	s29 =	sshrl.u32 s6, $0x3;
	s6 =	sadd.s32 $0x4200, s8  }
0xe: {  	s10 =	sadd.s32 s5, s4;
	s5 =	sadd.s32 s29, s4;
	s4 =	sadd.s32 s7, s2  }
0xf: {  	s7 =	sadd.s32 $0x6CA00, s8;
	s8 =	smax.u32 s9, $0x1;
	s5 =	sadd.s32 $0x66800, s5  }
0x10: {  	v0 =	vimm.f32 $1.000000000e+00;
	v1 =	vimm.f32 $0.0e+00;
	s9 =	sadd.s32 $0x4800, s10;
	s10 =	simm.s32 $0x480;
	s21 =	sshrl.u32 s4, $0x3  }
.LBB2_1:
0x11: {  	[tilespmem:$0x400] =	vst v0  }
0x12: {  	[tilespmem:$0x410] =	vst v0  }
0x13: {  	[tilespmem:$0x420] =	vst v0  }
0x14: {  	[tilespmem:$0x430] =	vst v0  }
0x15: {  	[tilespmem:$0x440] =	vst v0  }
0x16: {  	[tilespmem:$0x450] =	vst v0  }
0x17: {  	[tilespmem:$0x460] =	vst v0  }
0x18: {  	[tilespmem:$0x470] =	vst v0;
	s23 =	simm.s32 $0x40;
	s24 =	simm.s32 $0x0  }
.LBB2_2:
0x19: {  	p1 =	sne.s32 s23, $0x6180;
	[tilespmem:s24+$0x480] =	vst v1;
	s24 =	smov.u32 s23;
	s23 =	sadd.s32 $0x40, s23  }
.Ltmp0:
0x1a: {  	(pc) =	sbr.rel @p1 .LBB2_2-.Ltmp0, $2  }
0x1b: {  	_ =	sdelay $0x2  }
0x1c: {  	s24 =	sshra.s32 s24, $0x2  }
0x1d: {  	[tilespmem:s24+$0x480] =	vst v1  }
0x1e: {  	[spmem:s4] =	stream.linear.scatter [tilespmem:s10], [sflag:$0x2], $0x1870, $0x38;
	[tilespmem:$0x3B60] =	vst v63  }
0x1f: {  	_ =	swait.ge [sflag:s11], $0x1870  }
0x20: {  	[sflag:s11] =	ssyncset.done $0x0  }
0x21: {  	[sflag:s11] =	ssyncadd.s32 $0xFFFFE790  }
0x22: {  	s23 =	sadd.s32 $0x0, s9;
	[bflag:$0x0] =	sbarrier.arrive $0xFFFF  }
0x23: {  	[tilespmem:s3], [sflag:$0x2] =	stream.linear.gather [hbm4b:s23+s3], $0x400, $0x38;
	[tilespmem:$0x3B60] =	vst v63  }
0x24: {  	_ =	swait.ge [sflag:s11], $0x400  }
0x25: {  	[sflag:s11] =	ssyncset.done $0x0  }
0x26: {  	[sflag:s11] =	ssyncadd.s32 $0xFFFFFC00  }
0x27: {  	[spmem:s2] =	stream.indirect.scatter.add.f32 [tilespmem:s13], [sflag:$0x2], $0x1, s3, s12, $0xb8;
	[tilespmem:$0x3B60] =	vst v63  }
0x28: {  	_ =	swait.ge [sflag:s11], $0x80  }
0x29: {  	[sflag:s11] =	ssyncset.done $0x0  }
0x2a: {  	[sflag:s11] =	ssyncadd.s32 $0xFFFFFF80  }
0x2b: {  	[spmem:s2] =	stream.indirect.scatter.add.f32 [tilespmem:s13], [sflag:$0x2], $0x1, s12, s12, $0xb8;
	[tilespmem:$0x3B60] =	vst v63  }
0x2c: {  	_ =	swait.ge [sflag:s11], $0x80  }
0x2d: {  	[sflag:s11] =	ssyncset.done $0x0  }
0x2e: {  	[sflag:s11] =	ssyncadd.s32 $0xFFFFFF80  }
0x2f: {  	[spmem:s2] =	stream.indirect.scatter.add.f32 [tilespmem:s13], [sflag:$0x2], $0x1, s14, s12, $0xb8;
	[tilespmem:$0x3B60] =	vst v63  }
0x30: {  	_ =	swait.ge [sflag:s11], $0x80  }
0x31: {  	[sflag:s11] =	ssyncset.done $0x0  }
0x32: {  	[sflag:s11] =	ssyncadd.s32 $0xFFFFFF80  }
0x33: {  	[spmem:s2] =	stream.indirect.scatter.add.f32 [tilespmem:s13], [sflag:$0x2], $0x1, s15, s12, $0xb8;
	[tilespmem:$0x3B60] =	vst v63  }
0x34: {  	_ =	swait.ge [sflag:s11], $0x80  }
0x35: {  	[sflag:s11] =	ssyncset.done $0x0  }
0x36: {  	[sflag:s11] =	ssyncadd.s32 $0xFFFFFF80  }
0x37: {  	[spmem:s2] =	stream.indirect.scatter.add.f32 [tilespmem:s13], [sflag:$0x2], $0x1, s16, s12, $0xb8;
	[tilespmem:$0x3B60] =	vst v63  }
0x38: {  	_ =	swait.ge [sflag:s11], $0x80  }
0x39: {  	[sflag:s11] =	ssyncset.done $0x0  }
0x3a: {  	[sflag:s11] =	ssyncadd.s32 $0xFFFFFF80  }
0x3b: {  	[spmem:s2] =	stream.indirect.scatter.add.f32 [tilespmem:s13], [sflag:$0x2], $0x1, s17, s12, $0xb8;
	[tilespmem:$0x3B60] =	vst v63  }
0x3c: {  	_ =	swait.ge [sflag:s11], $0x80  }
0x3d: {  	[sflag:s11] =	ssyncset.done $0x0  }
0x3e: {  	[sflag:s11] =	ssyncadd.s32 $0xFFFFFF80  }
0x3f: {  	[spmem:s2] =	stream.indirect.scatter.add.f32 [tilespmem:s13], [sflag:$0x2], $0x1, s18, s12, $0xb8;
	[tilespmem:$0x3B60] =	vst v63  }
0x40: {  	_ =	swait.ge [sflag:s11], $0x80  }
0x41: {  	[sflag:s11] =	ssyncset.done $0x0  }
0x42: {  	[sflag:s11] =	ssyncadd.s32 $0xFFFFFF80  }
0x43: {  	[spmem:s2] =	stream.indirect.scatter.add.f32 [tilespmem:s13], [sflag:$0x2], $0x1, s19, s12, $0xb8;
	[tilespmem:$0x3B60] =	vst v63  }
0x44: {  	_ =	swait.ge [sflag:s11], $0x80  }
0x45: {  	s25 =	simm.s32 $0x100;
	s23 =	simm.s32 $0x80;
	[sflag:s11] =	ssyncset.done $0x0  }
.LBB2_4:
0x46: {  	s26 =	sadd.s32 s23, s9  }
0x47: {  	[sflag:s11] =	ssyncadd.s32 $0xFFFFFF80;
	s23 =	smov.u32 s25;
	s24 =	sadd.s32 $0x80, s25  }
0x48: {  	[tilespmem:s3], [sflag:$0x2] =	stream.linear.gather [hbm4b:s26+s3], $0x400, $0x38;
	[tilespmem:$0x3B60] =	vst v63  }
0x49: {  	p1 =	sne.s32 s25, $0x3080;
	_ =	swait.ge [sflag:s11], $0x400  }
0x4a: {  	[sflag:s11] =	ssyncset.done $0x0  }
0x4b: {  	[sflag:s11] =	ssyncadd.s32 $0xFFFFFC00  }
0x4c: {  	[spmem:s2] =	stream.indirect.scatter.add.f32 [tilespmem:s13], [sflag:$0x2], $0x1, s3, s12, $0xb8;
	[tilespmem:$0x3B60] =	vst v63  }
0x4d: {  	_ =	swait.ge [sflag:s11], $0x80  }
0x4e: {  	[sflag:s11] =	ssyncset.done $0x0  }
0x4f: {  	[sflag:s11] =	ssyncadd.s32 $0xFFFFFF80  }
0x50: {  	[spmem:s2] =	stream.indirect.scatter.add.f32 [tilespmem:s13], [sflag:$0x2], $0x1, s12, s12, $0xb8;
	[tilespmem:$0x3B60] =	vst v63  }
0x51: {  	_ =	swait.ge [sflag:s11], $0x80  }
0x52: {  	[sflag:s11] =	ssyncset.done $0x0  }
0x53: {  	[sflag:s11] =	ssyncadd.s32 $0xFFFFFF80  }
0x54: {  	[spmem:s2] =	stream.indirect.scatter.add.f32 [tilespmem:s13], [sflag:$0x2], $0x1, s14, s12, $0xb8;
	[tilespmem:$0x3B60] =	vst v63  }
0x55: {  	_ =	swait.ge [sflag:s11], $0x80  }
0x56: {  	[sflag:s11] =	ssyncset.done $0x0  }
0x57: {  	[sflag:s11] =	ssyncadd.s32 $0xFFFFFF80  }
0x58: {  	[spmem:s2] =	stream.indirect.scatter.add.f32 [tilespmem:s13], [sflag:$0x2], $0x1, s15, s12, $0xb8;
	[tilespmem:$0x3B60] =	vst v63  }
0x59: {  	_ =	swait.ge [sflag:s11], $0x80  }
0x5a: {  	[sflag:s11] =	ssyncset.done $0x0  }
0x5b: {  	[sflag:s11] =	ssyncadd.s32 $0xFFFFFF80  }
0x5c: {  	[spmem:s2] =	stream.indirect.scatter.add.f32 [tilespmem:s13], [sflag:$0x2], $0x1, s16, s12, $0xb8;
	[tilespmem:$0x3B60] =	vst v63  }
0x5d: {  	_ =	swait.ge [sflag:s11], $0x80  }
0x5e: {  	[sflag:s11] =	ssyncset.done $0x0  }
0x5f: {  	[sflag:s11] =	ssyncadd.s32 $0xFFFFFF80  }
0x60: {  	[spmem:s2] =	stream.indirect.scatter.add.f32 [tilespmem:s13], [sflag:$0x2], $0x1, s17, s12, $0xb8;
	[tilespmem:$0x3B60] =	vst v63  }
0x61: {  	_ =	swait.ge [sflag:s11], $0x80  }
0x62: {  	[sflag:s11] =	ssyncset.done $0x0  }
0x63: {  	[sflag:s11] =	ssyncadd.s32 $0xFFFFFF80  }
0x64: {  	[spmem:s2] =	stream.indirect.scatter.add.f32 [tilespmem:s13], [sflag:$0x2], $0x1, s18, s12, $0xb8;
	[tilespmem:$0x3B60] =	vst v63  }
0x65: {  	_ =	swait.ge [sflag:s11], $0x80  }
.Ltmp1:
0x66: {  	[sflag:s11] =	ssyncset.done $0x0;
	(pc) =	sbr.rel @p1 .LBB2_4-.Ltmp1, $4  }
0x67: {  	[sflag:s11] =	ssyncadd.s32 $0xFFFFFF80  }
0x68: {  	[spmem:s2] =	stream.indirect.scatter.add.f32 [tilespmem:s13], [sflag:$0x2], $0x1, s19, s12, $0xb8;
	[tilespmem:$0x3B60] =	vst v63  }
0x69: {  	_ =	swait.ge [sflag:s11], $0x80  }
0x6a: {  	s25 =	smov.u32 s24;
	[sflag:s11] =	ssyncset.done $0x0  }
0x6b: {  	s23 =	sadd.s32 s23, s9;
	[sflag:s11] =	ssyncadd.s32 $0xFFFFFF80  }
0x6c: {  	[tilespmem:s3], [sflag:$0x2] =	stream.linear.gather [hbm4b:s23+s3], $0x400, $0x38;
	[tilespmem:$0x3B60] =	vst v63  }
0x6d: {  	_ =	swait.ge [sflag:s11], $0x400  }
0x6e: {  	[sflag:s11] =	ssyncset.done $0x0  }
0x6f: {  	[sflag:s11] =	ssyncadd.s32 $0xFFFFFC00  }
0x70: {  	[spmem:s2] =	stream.indirect.scatter.add.f32 [tilespmem:s13], [sflag:$0x2], $0x1, s3, s12, $0xb8;
	[tilespmem:$0x3B60] =	vst v63  }
0x71: {  	_ =	swait.ge [sflag:s11], $0x80  }
0x72: {  	[sflag:s11] =	ssyncset.done $0x0  }
0x73: {  	[sflag:s11] =	ssyncadd.s32 $0xFFFFFF80  }
0x74: {  	[spmem:s2] =	stream.indirect.scatter.add.f32 [tilespmem:s13], [sflag:$0x2], $0x1, s12, s12, $0xb8;
	[tilespmem:$0x3B60] =	vst v63  }
0x75: {  	_ =	swait.ge [sflag:s11], $0x80  }
0x76: {  	[sflag:s11] =	ssyncset.done $0x0  }
0x77: {  	[sflag:s11] =	ssyncadd.s32 $0xFFFFFF80  }
0x78: {  	[spmem:s2] =	stream.indirect.scatter.add.f32 [tilespmem:s13], [sflag:$0x2], $0x1, s14, s12, $0xb8;
	[tilespmem:$0x3B60] =	vst v63  }
0x79: {  	_ =	swait.ge [sflag:s11], $0x80  }
0x7a: {  	[sflag:s11] =	ssyncset.done $0x0  }
0x7b: {  	[sflag:s11] =	ssyncadd.s32 $0xFFFFFF80  }
0x7c: {  	[spmem:s2] =	stream.indirect.scatter.add.f32 [tilespmem:s13], [sflag:$0x2], $0x1, s15, s12, $0xb8;
	[tilespmem:$0x3B60] =	vst v63  }
0x7d: {  	_ =	swait.ge [sflag:s11], $0x80  }
0x7e: {  	[sflag:s11] =	ssyncset.done $0x0  }
0x7f: {  	[sflag:s11] =	ssyncadd.s32 $0xFFFFFF80  }
0x80: {  	[spmem:s2] =	stream.indirect.scatter.add.f32 [tilespmem:s13], [sflag:$0x2], $0x1, s16, s12, $0xb8;
	[tilespmem:$0x3B60] =	vst v63  }
0x81: {  	_ =	swait.ge [sflag:s11], $0x80  }
0x82: {  	[sflag:s11] =	ssyncset.done $0x0  }
0x83: {  	[sflag:s11] =	ssyncadd.s32 $0xFFFFFF80  }
0x84: {  	[spmem:s2] =	stream.indirect.scatter.add.f32 [tilespmem:s13], [sflag:$0x2], $0x1, s17, s12, $0xb8;
	[tilespmem:$0x3B60] =	vst v63  }
0x85: {  	_ =	swait.ge [sflag:s11], $0x80  }
0x86: {  	[sflag:s11] =	ssyncset.done $0x0  }
0x87: {  	[sflag:s11] =	ssyncadd.s32 $0xFFFFFF80  }
0x88: {  	[spmem:s2] =	stream.indirect.scatter.add.f32 [tilespmem:s13], [sflag:$0x2], $0x1, s18, s12, $0xb8;
	[tilespmem:$0x3B60] =	vst v63  }
0x89: {  	_ =	swait.ge [sflag:s11], $0x80  }
0x8a: {  	[sflag:s11] =	ssyncset.done $0x0  }
0x8b: {  	[sflag:s11] =	ssyncadd.s32 $0xFFFFFF80  }
0x8c: {  	[spmem:s2] =	stream.indirect.scatter.add.f32 [tilespmem:s13], [sflag:$0x2], $0x1, s19, s12, $0xb8;
	[tilespmem:$0x3B60] =	vst v63  }
0x8d: {  	_ =	swait.ge [sflag:s11], $0x80  }
0x8e: {  	[sflag:s11] =	ssyncset.done $0x0  }
0x8f: {  	[sflag:s11] =	ssyncadd.s32 $0xFFFFFF80  }
0x90: {  	[bflag:$0x0] =	sbarrier.arrive $0xFFFF  }
0x91: {  	[hbm:s5], [sflag:s20] =	dma.local [spmem:s21], $0x30E  }
0x92: {  	_ =	swait.ge [sflag:s11], $0x30E  }
0x93: {  	s24 =	simm.s32 @!p0 $0x1CF0;
	[sflag:s11] =	ssyncset.done $0x0  }
0x94: {  	s25 =	simm.s32 @!p0 $0x2;
	s23 =	simm.s32 @!p0 $0x0;
	[sflag:s11] =	ssyncadd.s32 $0xFFFFFCF2  }
0x95: {  	[tilespmem:s24], [sflag:$0x2] =	stream.linear.gather @!p0 [hbm4b:s6+s23], $0x300, $0x38;
	[tilespmem:$0x3B60] =	vst v63  }
0x96: {  	_ =	swait.ge @!p0 [sflag:s25], $0x300  }
0x97: {  	[sflag:s25] =	ssyncset.done @!p0 $0x0  }
0x98: {  	s26 =	simm.s32 @!p0 $0x80;
	s28 =	simm.s32 @!p0 $0x1FF0;
	[sflag:s25] =	ssyncadd.s32 @!p0 $0xFFFFFD00  }
0x99: {  	[tilespmem:s28], [sflag:$0x1] =	stream.indirect.gather @!p0 [spmem:s2], $0x1, s24, s26, $0xb8;
	[tilespmem:$0x3B60] =	vst v63  }
0x9a: {  	s29 =	simm.s32 @!p0 $0x2070;
	s24 =	simm.s32 @!p0 $0x1D70  }
0x9b: {  	[tilespmem:s29], [sflag:$0x1] =	stream.indirect.gather @!p0 [spmem:s2], $0x1, s24, s26, $0xb8;
	[tilespmem:$0x3B60] =	vst v63  }
0x9c: {  	s24 =	simm.s32 @!p0 $0x1DF0;
	s29 =	simm.s32 @!p0 $0x20F0  }
0x9d: {  	[tilespmem:s29], [sflag:$0x1] =	stream.indirect.gather @!p0 [spmem:s2], $0x1, s24, s26, $0xb8;
	[tilespmem:$0x3B60] =	vst v63  }
0x9e: {  	s24 =	simm.s32 @!p0 $0x1E70;
	s29 =	simm.s32 @!p0 $0x2170  }
0x9f: {  	[tilespmem:s29], [sflag:$0x1] =	stream.indirect.gather @!p0 [spmem:s2], $0x1, s24, s26, $0xb8;
	[tilespmem:$0x3B60] =	vst v63  }
0xa0: {  	s24 =	simm.s32 @!p0 $0x1EF0;
	s29 =	simm.s32 @!p0 $0x21F0  }
0xa1: {  	[tilespmem:s29], [sflag:$0x1] =	stream.indirect.gather @!p0 [spmem:s2], $0x1, s24, s26, $0xb8;
	[tilespmem:$0x3B60] =	vst v63  }
0xa2: {  	s24 =	simm.s32 @!p0 $0x1F70;
	s29 =	simm.s32 @!p0 $0x2270  }
0xa3: {  	[tilespmem:s29], [sflag:$0x1] =	stream.indirect.gather @!p0 [spmem:s2], $0x1, s24, s26, $0xb8;
	[tilespmem:$0x3B60] =	vst v63  }
0xa4: {  	s24 =	simm.s32 @!p0 $0x1  }
0xa5: {  	_ =	swait.ge @!p0 [sflag:s24], $0x80  }
0xa6: {  	[sflag:s24] =	ssyncset.done @!p0 $0x0  }
0xa7: {  	[sflag:s24] =	ssyncadd.s32 @!p0 $0xFFFFFF80  }
0xa8: {  	_ =	swait.ge @!p0 [sflag:s24], $0x80  }
0xa9: {  	[sflag:s24] =	ssyncset.done @!p0 $0x0  }
0xaa: {  	[sflag:s24] =	ssyncadd.s32 @!p0 $0xFFFFFF80  }
0xab: {  	_ =	swait.ge @!p0 [sflag:s24], $0x80  }
0xac: {  	[sflag:s24] =	ssyncset.done @!p0 $0x0  }
0xad: {  	[sflag:s24] =	ssyncadd.s32 @!p0 $0xFFFFFF80  }
0xae: {  	_ =	swait.ge @!p0 [sflag:s24], $0x80  }
0xaf: {  	[sflag:s24] =	ssyncset.done @!p0 $0x0  }
0xb0: {  	[sflag:s24] =	ssyncadd.s32 @!p0 $0xFFFFFF80  }
0xb1: {  	_ =	swait.ge @!p0 [sflag:s24], $0x80  }
0xb2: {  	[sflag:s24] =	ssyncset.done @!p0 $0x0  }
0xb3: {  	[sflag:s24] =	ssyncadd.s32 @!p0 $0xFFFFFF80  }
0xb4: {  	s22 =	sadd.s32 $0x1, s22;
	_ =	swait.ge @!p0 [sflag:s24], $0x80  }
0xb5: {  	p1 =	sne.s32 s22, s8;
	[sflag:s24] =	ssyncset.done @!p0 $0x0  }
.Ltmp2:
0xb6: {  	[sflag:s24] =	ssyncadd.s32 @!p0 $0xFFFFFF80;
	(pc) =	sbr.rel @p1 .LBB2_1-.Ltmp2, $4  }
0xb7: {  	[hbm4b:s7+s23] =	stream.linear.scatter @!p0 [tilespmem:s28], [sflag:$0x2], $0x300, $0x38;
	[tilespmem:$0x3B60] =	vst v63  }
0xb8: {  	_ =	swait.ge @!p0 [sflag:s25], $0x300  }
0xb9: {  	[sflag:s25] =	ssyncset.done @!p0 $0x0  }
0xba: {  	[sflag:s25] =	ssyncadd.s32 @!p0 $0xFFFFFD00  }
0xbb: {  	_ =	sfence.sel $0x180000  }
0xbc: {  	[bflag:$0x0] =	sbarrier.arrive $0xFFFF  }
0xbd: {  	p0 =	sne.s32 s0, $0x0;
	_ =	strace $0x90000047  }
0xbe: {  	s0 =	sadd.s32 @!p0 $0x100000, s1;
	[bflag:$0x2] =	sbarrier.arrive $0xFFFF  }
0xbf: {  	[sflag:s0] =	ssyncadd.tile.s32 @!p0 $0x1;
	_ =	shalt  }
.Lfunc_end2:
_tile_overlayer_lowered:
.L_overlay_start_2:
0xc0: {  	(tag) =	ssettag $0x2  }
0xc1: {  	s0 =	rddreg [dreg:$0x0];
	s2 =	stileid.u32  }
0xc2: {  	s1 =	rddreg [dreg:$0x1];
	p0 =	sne.s32 s2, $0x0  }
0xc3: {  	s3 =	rddreg [dreg:$0x2];
	[bflag:$0x3] =	sbarrier.arrive $0xFFFF;
	s2 =	simm.s32 @!p0 $0x1C02  }
0xc4: {  	[timem:s3], [sflag:s2] =	dma.local @!p0 [hbm:s0], s1  }
0xc5: {  	s0 =	simm.s32 @!p0 $0x2  }
0xc6: {  	_ =	swait.ge @!p0 [sflag:s0], s1  }
0xc7: {  	s1 =	ssub.s32 @!p0 $0x0, s1;
	[sflag:s0] =	ssyncset.done @!p0 $0x0  }
0xc8: {  	[sflag:s0] =	ssyncadd.s32 @!p0 s1  }
0xc9: {  	[bflag:$0x3] =	sbarrier.arrive $0xFFFF  }
0xca: {  	_ =	shalt  }

// kernel: sc_edge_layer.3.cloned.1.call-start
scs
__scs_entry_jumppad:
0x0: {  	(pc) =	sbr.rel $0x88, $3  }
0x1: {  	(tag) =	ssettag $0x0;
	lr =	simm.s32 $0x1  }
0x2: {  	[smem:$0x3F94] =	sst lr;
	_ =	strace $0xD0000000  }
0x3: {  	_ = 	snop  }
0x4: {  	_ = 	snop  }
0x5: {  	_ = 	snop  }
0x6: {  	_ = 	snop  }
0x7: {  	_ = 	snop  }
__scs_overlays_trampoline_lowered:
0x8: {  	[smem:$0x3FA3] =	sst s0  }
0x9: {  	[smem:$0x3FA4] =	sst s1  }
0xa: {  	[smem:$0x3FA5] =	sst s2  }
0xb: {  	[smem:$0x3FA6] =	sst s3  }
0xc: {  	[smem:$0x3FA7] =	sst s4  }
0xd: {  	[smem:$0x3FA8] =	sst s5  }
0xe: {  	[smem:$0x3FA9] =	sst s6  }
0xf: {  	[smem:$0x3FAA] =	sst s7  }
0x10: {  	[smem:$0x3FAB] =	sst s8  }
0x11: {  	[smem:$0x3FAC] =	sst s9;
	s0 =	simm.s32 @!p0 $0x0  }
0x12: {  	s1 =	sld [smem:$0x3F92];
	s0 =	simm.s32 @p0 $0x1  }
0x13: {  	[smem:$0x3FAD] =	sst s0;
	s0 =	simm.s32 @!p1 $0x0  }
0x14: {  	s2 =	sld [smem:$0x3F91];
	s0 =	simm.s32 @p1 $0x1  }
0x15: {  	[smem:$0x3FAE] =	sst s0;
	s0 =	simm.s32 @!p2 $0x0  }
0x16: {  	s3 =	sld [smem:$0x3FDB];
	s0 =	simm.s32 @p2 $0x1  }
0x17: {  	s4 =	simm.s32 $0x1BF5;
	[smem:$0x3FB0] =	sst s0  }
0x18: {  	s0 =	sld [smem:$0x3F93];
	_ =	swait.ge [sflag:s4], $0x0  }
0x19: {  	s7 =	sld [smem:$0x3F94]  }
0x1a: {  	s8 =	sadd.s32 $0xFFFFE003, lr  }
0x1b: {  	s9 =	sadd.s32 $0xFFFFFEF7, lr;
	s5 =	simm.s32 $0xFFFFFFFF;
	p2 =	slt.u32 s8, $0xFFFFF086  }
0x1c: {  	p1 =	slt.u32 s9, $0xF7A;
	s5 =	simm.s32 @!p2 $0x0  }
0x1d: {  	s5 =	simm.s32 @p1 $0x1;
	p0 =	seq.s32 s7, s2  }
0x1e: {  	s7 =	smul.u32 @!p0 $0xF7A, s2;
	p2 =	seq.s32 @!p0 s5, $0x0  }
0x1f: {  	s9 =	smul.u32 $0xF7A, s1;
	s8 =	simm.s32 @!p0 $0x1BF5;
	p2 =	por !p2, p0  }
0x20: {  	[sflag:s8] =	ssyncset.s32 @!p0 $0xFFFFF086;
	s6 =	sadd.s32 @!p0 s3, s7;
	s7 =	simm.s32 @!p0 $0x108  }
0x21: {  	s3 =	sadd.s32 s3, s9;
	s6 =	sadd.s32 @!p0 $0x88, s6;
	s7 =	simm.s32 @p2 $0x1082  }
0x22: {  	[simem:s7], [sflag:s8] =	dma.local @!p0 [hbm:s6], $0xF7A  }
0x23: {  	s9 =	sor.u32 $0xD0000000, s2;
	s6 =	simm.s32 $0x108;
	_ =	swait.ge @!p0 [sflag:s8], $0x0  }
0x24: {  	s3 =	sadd.s32 $0x88, s3;
	s6 =	simm.s32 @!p1 $0x1082;
	[sflag:s4] =	ssyncset.s32 $0xFFFFF086  }
0x25: {  	[simem:s6], [sflag:s4] =	dma.local [hbm:s3], $0xF7A  }
0x26: {  	[smem:$0x3F94] =	sst s1;
	(tag) =	ssettag s2;
	_ =	strace s9  }
0x27: {  	s1 =	sld [smem:$0x3FA4]  }
0x28: {  	s2 =	sld [smem:$0x3FA5]  }
0x29: {  	s4 =	sld [smem:$0x3FA7]  }
0x2a: {  	p0 =	seq.s32 s5, $0x0;
	s5 =	sld [smem:$0x3FA8]  }
0x2b: {  	s6 =	sld [smem:$0x3FA9]  }
0x2c: {  	s7 =	sld [smem:$0x3FAA]  }
0x2d: {  	s3 =	simm.s32 $0x108;
	s8 =	sld [smem:$0x3FAB]  }
0x2e: {  	s3 =	simm.s32 @!p0 $0x1082;
	s9 =	sld [smem:$0x3FAC]  }
0x2f: {  	lr =	sadd.s32 s0, s3;
	s0 =	sld [smem:$0x3FA3]  }
0x30: {  	s3 =	sld [smem:$0x3FA6]  }
0x31: {  	[smem:$0x3FAF] =	sst s10  }
0x32: {  	s10 =	sld [smem:$0x3FAD];
	_ =	sdelay $0x3  }
0x33: {  	p0 =	seq.s32 s10, $0x1;
	s10 =	sld [smem:$0x3FAF];
	_ =	sdelay $0x3  }
0x34: {  	[smem:$0x3FAF] =	sst s10  }
0x35: {  	s10 =	sld [smem:$0x3FAE];
	_ =	sdelay $0x3  }
0x36: {  	p1 =	seq.s32 s10, $0x1;
	s10 =	sld [smem:$0x3FAF];
	_ =	sdelay $0x3  }
0x37: {  	[smem:$0x3FAF] =	sst s10  }
0x38: {  	s10 =	sld [smem:$0x3FB0]  }
0x39: {  	_ = 	snop;
	(pc) =	sbr.ind lr, $3  }
0x3a: {  	_ = 	snop  }
0x3b: {  	_ = 	snop  }
0x3c: {  	p2 =	seq.s32 s10, $0x1;
	s10 =	sld [smem:$0x3FAF]  }
0x3d: {  	_ =	shalt  }
0x3e: {  	_ =	shalt  }
0x3f: {  	_ =	shalt  }
0x40: {  	_ =	shalt  }
0x41: {  	_ =	shalt  }
0x42: {  	_ =	shalt  }
0x43: {  	_ =	shalt  }
0x44: {  	_ =	shalt  }
0x45: {  	_ =	shalt  }
0x46: {  	_ =	shalt  }
0x47: {  	_ =	shalt  }
0x48: {  	_ =	shalt  }
0x49: {  	_ =	shalt  }
0x4a: {  	_ =	shalt  }
0x4b: {  	_ =	shalt  }
0x4c: {  	_ =	shalt  }
0x4d: {  	_ =	shalt  }
0x4e: {  	_ =	shalt  }
0x4f: {  	_ =	shalt  }
0x50: {  	_ =	shalt  }
0x51: {  	_ =	shalt  }
0x52: {  	_ =	shalt  }
0x53: {  	_ =	shalt  }
0x54: {  	_ =	shalt  }
0x55: {  	_ =	shalt  }
0x56: {  	_ =	shalt  }
0x57: {  	_ =	shalt  }
0x58: {  	_ =	shalt  }
0x59: {  	_ =	shalt  }
0x5a: {  	_ =	shalt  }
0x5b: {  	_ =	shalt  }
0x5c: {  	_ =	shalt  }
0x5d: {  	_ =	shalt  }
0x5e: {  	_ =	shalt  }
0x5f: {  	_ =	shalt  }
0x60: {  	_ =	shalt  }
0x61: {  	_ =	shalt  }
0x62: {  	_ =	shalt  }
0x63: {  	_ =	shalt  }
0x64: {  	_ =	shalt  }
0x65: {  	_ =	shalt  }
0x66: {  	_ =	shalt  }
0x67: {  	_ =	shalt  }
0x68: {  	_ =	shalt  }
0x69: {  	_ =	shalt  }
0x6a: {  	_ =	shalt  }
0x6b: {  	_ =	shalt  }
0x6c: {  	_ =	shalt  }
0x6d: {  	_ =	shalt  }
0x6e: {  	_ =	shalt  }
0x6f: {  	_ =	shalt  }
0x70: {  	_ =	shalt  }
0x71: {  	_ =	shalt  }
0x72: {  	_ =	shalt  }
0x73: {  	_ =	shalt  }
0x74: {  	_ =	shalt  }
0x75: {  	_ =	shalt  }
0x76: {  	_ =	shalt  }
0x77: {  	_ =	shalt  }
0x78: {  	_ =	shalt  }
0x79: {  	_ =	shalt  }
0x7a: {  	_ =	shalt  }
0x7b: {  	_ =	shalt  }
0x7c: {  	_ =	shalt  }
0x7d: {  	_ =	shalt  }
0x7e: {  	_ =	shalt  }
0x7f: {  	_ =	shalt  }
0x80: {  	_ =	shalt  }
0x81: {  	_ =	shalt  }
0x82: {  	_ =	shalt  }
0x83: {  	_ =	shalt  }
0x84: {  	_ =	shalt  }
0x85: {  	_ =	shalt  }
0x86: {  	_ =	shalt  }
0x87: {  	_ =	shalt  }
.Lfunc_end0:
.L_simem_size_0:
called_computation.1_lowered:
.L_overlay_start_0:
0x88: {  	s2 =	sld [smem:$0x3FD9]  }
0x89: {  	s3 =	sld [smem:$0x3FFE];
	_ =	sdelay $0x1  }
0x8a: {  	s1 =	srdreg.scid  }
0x8b: {  	s0 =	sand.u32 $0x1, s1  }
0x8c: {  	s16 =	sshll.u32 s0, $0xA;
	s2 =	sadd.s32 s3, s2  }
0x8d: {  	s2 =	sadd.s32 s2, s16  }
0x8e: {  	[smem:$0x3FBB] =	sst s2  }
0x8f: {  	_ = 	snop  }
0x90: {  	(tm) =	ssettm $0x1  }
0x91: {  	s17 =	sld [smem:$0x3FFB];
	_ =	sdelay $0x3  }
0x92: {  	_ =	strace s17  }
0x93: {  	s2 =	sld [smem:$0x3FFC];
	_ =	sdelay $0x3  }
0x94: {  	_ =	strace s2  }
0x95: {  	s2 =	sld [smem:$0x3FFD];
	_ =	sdelay $0x3  }
0x96: {  	_ =	strace s2  }
0x97: {  	_ =	strace $0x8FFFFFFF  }
0x98: {  	s18 =	sld [smem:$0x3FDB];
	_ =	sdelay $0x1  }
0x99: {  	s19 =	simm.s32 $_scs_section_size  }
0x9a: {  	s4 =	simm.s32 $_size__tile_overlayer_lowered;
	s5 =	simm.s32 $_tile_overlayer_lowered  }
0x9b: {  	s22 =	simm.s32 $0x1BFF;
	s21 =	sshll.u32 s5, $0x1;
	s2 =	sadd.s32 s19, s18  }
0x9c: {  	s6 =	simm.s32 $0x0;
	s20 =	sshll.u32 s4, $0x1;
	s4 =	sadd.s32 s21, s2  }
0x9d: {  	[timem:s6], [sflag:s22] =	dma.local [hbm:s4], s20  }
0x9e: {  	_ =	swait.ge [sflag:s22], s20  }
0x9f: {  	s3 =	ssub.s32 $0x0, s20;
	[sflag:s22] =	ssyncset.done $0x0  }
0xa0: {  	[sflag:s22] =	ssyncadd.s32 s3;
	_ =	sdelay $0x1  }
0xa1: {  	s23 =	simm.s32 $0x1B8B  }
0xa2: {  	_ =	swait.ge [sflag:s23], $0x1  }
0xa3: {  	[sflag:s23] =	ssyncset.done $0x0  }
0xa4: {  	s25 =	simm.s32 $0x1B8E;
	s24 =	sld [smem:$0x3FFE];
	[sflag:s23] =	ssyncadd.s32 $0xFFFFFFFF  }
0xa5: {  	s26 =	simm.s32 $execute0_lowered;
	[smem:$0x3FD2] =	sst s25  }
0xa6: {  	s4 =	sshll.u32 s26, $0x1;
	_ =	strace $0x80000049;
	[dreg:$0x1] =	wrdreg $0xFFFFFFFF  }
0xa7: {  	s28 =	simm.s32 $_size_execute0_lowered;
	s2 =	sadd.s32 s2, s4;
	[dreg:$0x0] =	wrdreg $0x0  }
0xa8: {  	s4 =	sshll.u32 s28, $0x1;
	[dreg:$0x2] =	wrdreg s2  }
0xa9: {  	[dreg:$0x3] =	wrdreg s4  }
0xaa: {  	[dreg:$0x4] =	wrdreg $0xC0  }
0xab: {  	_ =	task [dreg:s6], $0x5FFFF  }
0xac: {  	[dreg:$0x1] =	wrdreg $0xFFFFFFFF  }
0xad: {  	[dreg:$0x0] =	wrdreg $0x60  }
0xae: {  	[dreg:$0x2] =	wrdreg s24  }
0xaf: {  	[dreg:$0x3] =	wrdreg $0x48000  }
0xb0: {  	[dreg:$0x4] =	wrdreg $0x9  }
0xb1: {  	_ =	task.clear_ibuf [dreg:s6], $0x5FFFF;
	_ =	strace $0x90000049  }
0xb2: {  	s29 =	simm.s32 $0x9;
	_ =	strace $0x8000004B  }
0xb3: {  	_ =	swait.ge [sflag:s29], $0x1  }
0xb4: {  	[sflag:s29] =	ssyncadd.s32 $0xFFFFFFFF  }
0xb5: {  	_ =	strace $0x9000004B  }
0xb6: {  	_ =	sfence  }
0xb7: {  	s30 =	sld [smem:$0x0];
	_ =	sdelay $0x2  }
0xb8: {  	s31 =	sshll.u32 s1, $0xD;
	s1 =	sshrl.u32 s1, $0x2  }
0xb9: {  	s3 =	sand.u32 $0x4000, s31;
	s1 =	sadd.s32 s1, s30  }
0xba: {  	s0 =	sor.u32 s3, s0;
	s1 =	sshll.u32 s1, $0x11  }
0xbb: {  	s0 =	sor.u32 s1, s0  }
0xbc: {  	s0 =	sadd.s32 $0x8F2B, s0  }
0xbd: {  	[sflag:s0] =	ssyncadd.remote.s32 $0x1  }
0xbe: {  	_ =	sfence.sel $0xFFFF  }
0xbf: {  	[dreg:$0x0] =	wrdreg $0xFFFFFFFF;
	(pc) =	sbr.abs _section_cstart, $3  }
0xc0: {  	[dreg:$0x1] =	wrdreg $0xFFFFFFFF  }
0xc1: {  	_ =	task.clear_ibuf [dreg:s6], $0x2FFFF;
	_ =	strace $0x9FFFFFFF  }
0xc2: {  	(tm) =	ssettm $0x7FFFFFFF  }
0xc3: {  	_ =	shalt  }
tec
execute0_lowered:
.L_overlay_start_1:
0x0: {  	(tag) =	ssettag $0x1  }
0x1: {  	s0 =	rddreg [dreg:$0x0];
	s1 =	srdreg.scid  }
0x2: {  	s2 =	rddreg [dreg:$0x1];
	s8 =	stileid.u32  }
0x3: {  	s3 =	simm.s32 $0x0;
	s15 =	simm.s32 $0x800;
	s26 =	simm.s32 $0x100  }
0x4: {  	s28 =	simm.s32 $0x300;
	s29 =	simm.s32 $0x3800;
	s5 =	smul.u32 $0x18700, s8  }
0x5: {  	s30 =	simm.s32 $0x380;
	s31 =	simm.s32 $0x4000;
	s7 =	smul.u32 $0x3100, s8  }
0x6: {  	s9 =	simm.s32 $0x700;
	s1 =	sand.u32 $0x1, s1;
	s8 =	smul.u32 $0x61C00, s8  }
0x7: {  	s10 =	simm.s32 $0x780;
	[smem:$0x7FF] =	sst s3;
	s4 =	smul.u32 $0x32000, s1  }
0x8: {  	s11 =	simm.s32 $0x0;
	s6 =	smul.u32 $0x190000, s1;
	_ =	strace $0x8000004A  }
0x9: {  	s1 =	ssub.s32 $0x2, s1;
	[dreg:$0x4] =	wrdreg s26;
	s26 =	simm.s32 $0x3000  }
0xa: {  	s7 =	sadd.s32 s7, s0;
	s16 =	sshrl.u32 s1, $0x1;
	s8 =	sshrl.u32 s8, $0x2  }
0xb: {  	s14 =	sadd.s32 s5, s2;
	s4 =	sadd.s32 s4, s0;
	s6 =	sadd.s32 s5, s6  }
0xc: {  	s17 =	sadd.s32 s8, s2;
	s24 =	sadd.s32 $0x4800, s7;
	[dreg:$0x5] =	wrdreg s14  }
0xd: {  	s1 =	ssub.s32 s1, s16;
	s18 =	sadd.s32 $0x30E0, s17;
	[dreg:$0x3] =	wrdreg s24  }
0xe: {  	s16 =	simm.s32 $0x2;
	s19 =	sadd.s32 $0x61C0, s17;
	[dreg:$0x6] =	wrdreg s18  }
0xf: {  	s7 =	simm.s32 $0x600;
	s20 =	sadd.s32 $0x92A0, s17;
	[dreg:$0x7] =	wrdreg s19  }
0x10: {  	s8 =	simm.s32 $0x680;
	s21 =	sadd.s32 $0xC380, s17;
	[dreg:$0x8] =	wrdreg s20  }
0x11: {  	s6 =	sshrl.u32 s6, $0x3;
	s22 =	sadd.s32 $0xF460, s17;
	[dreg:$0x9] =	wrdreg s21  }
0x12: {  	s23 =	sadd.s32 $0x12540, s17;
	s5 =	sadd.s32 $0x15620, s17;
	[dreg:$0xa] =	wrdreg s22  }
0x13: {  	s12 =	sadd.s32 $0x6D000, s4;
	s25 =	smax.u32 s1, $0x1;
	[dreg:$0xb] =	wrdreg s23  }
0x14: {  	s17 =	simm.s32 $0x400;
	s24 =	simm.s32 $0x2800;
	[dreg:$0xc] =	wrdreg s5  }
0x15: {  	s1 =	simm.s32 $0x480;
	s0 =	sadd.s32 s6, s0;
	[dreg:$0xe] =	wrdreg s25  }
0x16: {  	s18 =	simm.s32 $0x80;
	s19 =	simm.s32 $0x1000;
	s20 =	simm.s32 $0x1800  }
0x17: {  	s21 =	simm.s32 $0x180;
	s22 =	simm.s32 $0x2000;
	s23 =	simm.s32 $0x200  }
0x18: {  	s25 =	simm.s32 $0x280;
	s5 =	simm.s32 $0x500;
	s0 =	sadd.s32 $0xD1000, s0  }
0x19: {  	v0 =	vimm.f32 $0.0e+00;
	s6 =	simm.s32 $0x580;
	[dreg:$0xd] =	wrdreg s0;
	s0 =	simm.s32 $0x1  }
.LBB2_1:
0x1a: {  	s4 =	simm.s32 $0x40;
	s13 =	simm.s32 $0x0  }
.LBB2_2:
0x1b: {  	p0 =	sne.s32 s4, $0xC340;
	[tilespmem:s13+$0x800] =	vst v0;
	s13 =	smov.u32 s4;
	s4 =	sadd.s32 $0x40, s4  }
.Ltmp0:
0x1c: {  	(pc) =	sbr.rel @p0 .LBB2_2-.Ltmp0, $2  }
0x1d: {  	_ =	sdelay $0x2  }
0x1e: {  	s13 =	sshra.s32 s13, $0x2  }
0x1f: {  	[dreg:$0xf] =	wrdreg s11;
	[tilespmem:s13+$0x800] =	vst v0  }
0x20: {  	[spmem:s14] =	stream.linear.scatter [tilespmem:s15], [sflag:$0x2], $0x30E0, $0x38;
	[tilespmem:$0x1CF00] =	vst v63  }
0x21: {  	_ =	swait.ge [sflag:s16], $0x30E0  }
0x22: {  	[sflag:s16] =	ssyncset.done $0x0  }
0x23: {  	s4 =	rddreg [dreg:$0x6];
	[sflag:s16] =	ssyncadd.s32 $0xFFFFCF20  }
0x24: {  	[spmem:s4] =	stream.linear.scatter [tilespmem:s15], [sflag:$0x2], $0x30E0, $0x38;
	[tilespmem:$0x1CF00] =	vst v63  }
0x25: {  	_ =	swait.ge [sflag:s16], $0x30E0  }
0x26: {  	[sflag:s16] =	ssyncset.done $0x0  }
0x27: {  	s13 =	rddreg [dreg:$0x7];
	[sflag:s16] =	ssyncadd.s32 $0xFFFFCF20  }
0x28: {  	[spmem:s13] =	stream.linear.scatter [tilespmem:s15], [sflag:$0x2], $0x30E0, $0x38;
	[tilespmem:$0x1CF00] =	vst v63  }
0x29: {  	_ =	swait.ge [sflag:s16], $0x30E0  }
0x2a: {  	[sflag:s16] =	ssyncset.done $0x0  }
0x2b: {  	s14 =	rddreg [dreg:$0x8];
	[sflag:s16] =	ssyncadd.s32 $0xFFFFCF20  }
0x2c: {  	[spmem:s14] =	stream.linear.scatter [tilespmem:s15], [sflag:$0x2], $0x30E0, $0x38;
	[tilespmem:$0x1CF00] =	vst v63  }
0x2d: {  	_ =	swait.ge [sflag:s16], $0x30E0  }
0x2e: {  	[sflag:s16] =	ssyncset.done $0x0  }
0x2f: {  	s11 =	rddreg [dreg:$0x9];
	[sflag:s16] =	ssyncadd.s32 $0xFFFFCF20  }
0x30: {  	[spmem:s11] =	stream.linear.scatter [tilespmem:s15], [sflag:$0x2], $0x30E0, $0x38;
	[tilespmem:$0x1CF00] =	vst v63  }
0x31: {  	_ =	swait.ge [sflag:s16], $0x30E0  }
0x32: {  	[sflag:s16] =	ssyncset.done $0x0  }
0x33: {  	s13 =	rddreg [dreg:$0xa];
	[sflag:s16] =	ssyncadd.s32 $0xFFFFCF20  }
0x34: {  	[spmem:s13] =	stream.linear.scatter [tilespmem:s15], [sflag:$0x2], $0x30E0, $0x38;
	[tilespmem:$0x1CF00] =	vst v63  }
0x35: {  	_ =	swait.ge [sflag:s16], $0x30E0  }
0x36: {  	[sflag:s16] =	ssyncset.done $0x0  }
0x37: {  	s14 =	rddreg [dreg:$0xb];
	[sflag:s16] =	ssyncadd.s32 $0xFFFFCF20  }
0x38: {  	[spmem:s14] =	stream.linear.scatter [tilespmem:s15], [sflag:$0x2], $0x30E0, $0x38;
	[tilespmem:$0x1CF00] =	vst v63  }
0x39: {  	_ =	swait.ge [sflag:s16], $0x30E0  }
0x3a: {  	[sflag:s16] =	ssyncset.done $0x0  }
0x3b: {  	s11 =	rddreg [dreg:$0xc];
	[sflag:s16] =	ssyncadd.s32 $0xFFFFCF20  }
0x3c: {  	[spmem:s11] =	stream.linear.scatter [tilespmem:s15], [sflag:$0x2], $0x30E0, $0x38;
	[tilespmem:$0x1CF00] =	vst v63  }
0x3d: {  	_ =	swait.ge [sflag:s16], $0x30E0  }
0x3e: {  	[sflag:s16] =	ssyncset.done $0x0  }
0x3f: {  	[sflag:s16] =	ssyncadd.s32 $0xFFFFCF20  }
0x40: {  	[bflag:$0x0] =	sbarrier.arrive $0xFFFF  }
0x41: {  	s13 =	rddreg [dreg:$0x3]  }
0x42: {  	s4 =	sadd.s32 $0x0, s13  }
0x43: {  	[tilespmem:s3], [sflag:$0x2] =	stream.linear.gather [hbm4b:s4+s3], $0x400, $0x38;
	[tilespmem:$0x1CF00] =	vst v63  }
0x44: {  	_ =	swait.ge [sflag:s16], $0x400  }
0x45: {  	[sflag:s16] =	ssyncset.done $0x0  }
0x46: {  	s4 =	sadd.s32 $0x31000, s4;
	[sflag:s16] =	ssyncadd.s32 $0xFFFFFC00  }
0x47: {  	[tilespmem:s17], [sflag:$0x2] =	stream.linear.gather [hbm4b:s4+s3], $0x400, $0x38;
	[tilespmem:$0x1CF00] =	vst v63  }
0x48: {  	_ =	swait.ge [sflag:s16], $0x400  }
0x49: {  	[sflag:s16] =	ssyncset.done $0x0  }
0x4a: {  	[sflag:s16] =	ssyncadd.s32 $0xFFFFFC00  }
0x4b: {  	[tilespmem:s15], [sflag:$0x1] =	stream.indirect.gather [hbm4b:s12+s18], $0x10, s3, s18, $0xb8;
	[tilespmem:$0x1CF00] =	vst v63  }
0x4c: {  	_ = 	snop  }
0x4d: {  	[tilespmem:s19], [sflag:$0x1] =	stream.indirect.gather [hbm4b:s12+s18], $0x10, s18, s18, $0xb8;
	[tilespmem:$0x1CF00] =	vst v63  }
0x4e: {  	s14 =	rddreg [dreg:$0x4]  }
0x4f: {  	[tilespmem:s20], [sflag:$0x1] =	stream.indirect.gather [hbm4b:s12+s18], $0x10, s14, s18, $0xb8;
	[tilespmem:$0x1CF00] =	vst v63  }
0x50: {  	_ = 	snop  }
0x51: {  	[tilespmem:s22], [sflag:$0x1] =	stream.indirect.gather [hbm4b:s12+s18], $0x10, s21, s18, $0xb8;
	[tilespmem:$0x1CF00] =	vst v63  }
0x52: {  	_ = 	snop  }
0x53: {  	[tilespmem:s24], [sflag:$0x1] =	stream.indirect.gather [hbm4b:s12+s18], $0x10, s23, s18, $0xb8;
	[tilespmem:$0x1CF00] =	vst v63  }
0x54: {  	_ = 	snop  }
0x55: {  	[tilespmem:s26], [sflag:$0x1] =	stream.indirect.gather [hbm4b:s12+s18], $0x10, s25, s18, $0xb8;
	[tilespmem:$0x1CF00] =	vst v63  }
0x56: {  	_ = 	snop  }
0x57: {  	[tilespmem:s29], [sflag:$0x1] =	stream.indirect.gather [hbm4b:s12+s18], $0x10, s28, s18, $0xb8;
	[tilespmem:$0x1CF00] =	vst v63  }
0x58: {  	_ = 	snop  }
0x59: {  	[tilespmem:s31], [sflag:$0x1] =	stream.indirect.gather [hbm4b:s12+s18], $0x10, s30, s18, $0xb8;
	[tilespmem:$0x1CF00] =	vst v63  }
0x5a: {  	_ =	swait.ge [sflag:s0], $0x800  }
0x5b: {  	[sflag:s0] =	ssyncset.done $0x0  }
0x5c: {  	[sflag:s0] =	ssyncadd.s32 $0xFFFFF800  }
0x5d: {  	_ =	swait.ge [sflag:s0], $0x800  }
0x5e: {  	[sflag:s0] =	ssyncset.done $0x0  }
0x5f: {  	[sflag:s0] =	ssyncadd.s32 $0xFFFFF800  }
0x60: {  	_ =	swait.ge [sflag:s0], $0x800  }
0x61: {  	[sflag:s0] =	ssyncset.done $0x0  }
0x62: {  	[sflag:s0] =	ssyncadd.s32 $0xFFFFF800  }
0x63: {  	_ =	swait.ge [sflag:s0], $0x800  }
0x64: {  	[sflag:s0] =	ssyncset.done $0x0  }
0x65: {  	[sflag:s0] =	ssyncadd.s32 $0xFFFFF800  }
0x66: {  	_ =	swait.ge [sflag:s0], $0x800  }
0x67: {  	[sflag:s0] =	ssyncset.done $0x0  }
0x68: {  	[sflag:s0] =	ssyncadd.s32 $0xFFFFF800  }
0x69: {  	_ =	swait.ge [sflag:s0], $0x800  }
0x6a: {  	[sflag:s0] =	ssyncset.done $0x0  }
0x6b: {  	[sflag:s0] =	ssyncadd.s32 $0xFFFFF800  }
0x6c: {  	_ =	swait.ge [sflag:s0], $0x800  }
0x6d: {  	[sflag:s0] =	ssyncset.done $0x0  }
0x6e: {  	[sflag:s0] =	ssyncadd.s32 $0xFFFFF800  }
0x6f: {  	_ =	swait.ge [sflag:s0], $0x800  }
0x70: {  	[sflag:s0] =	ssyncset.done $0x0  }
0x71: {  	[sflag:s0] =	ssyncadd.s32 $0xFFFFF800  }
0x72: {  	[spmem:s2] =	stream.indirect.scatter.add.f32 [tilespmem:s15], [sflag:$0x2], $0x10, s17, s18, $0xb8;
	[tilespmem:$0x1CF00] =	vst v63  }
0x73: {  	_ =	swait.ge [sflag:s16], $0x800  }
0x74: {  	[sflag:s16] =	ssyncset.done $0x0  }
0x75: {  	[sflag:s16] =	ssyncadd.s32 $0xFFFFF800  }
0x76: {  	[spmem:s2] =	stream.indirect.scatter.add.f32 [tilespmem:s19], [sflag:$0x2], $0x10, s1, s18, $0xb8;
	[tilespmem:$0x1CF00] =	vst v63  }
0x77: {  	_ =	swait.ge [sflag:s16], $0x800  }
0x78: {  	[sflag:s16] =	ssyncset.done $0x0  }
0x79: {  	[sflag:s16] =	ssyncadd.s32 $0xFFFFF800  }
0x7a: {  	[spmem:s2] =	stream.indirect.scatter.add.f32 [tilespmem:s20], [sflag:$0x2], $0x10, s5, s18, $0xb8;
	[tilespmem:$0x1CF00] =	vst v63  }
0x7b: {  	_ =	swait.ge [sflag:s16], $0x800  }
0x7c: {  	[sflag:s16] =	ssyncset.done $0x0  }
0x7d: {  	[sflag:s16] =	ssyncadd.s32 $0xFFFFF800  }
0x7e: {  	[spmem:s2] =	stream.indirect.scatter.add.f32 [tilespmem:s22], [sflag:$0x2], $0x10, s6, s18, $0xb8;
	[tilespmem:$0x1CF00] =	vst v63  }
0x7f: {  	_ =	swait.ge [sflag:s16], $0x800  }
0x80: {  	[sflag:s16] =	ssyncset.done $0x0  }
0x81: {  	[sflag:s16] =	ssyncadd.s32 $0xFFFFF800  }
0x82: {  	[spmem:s2] =	stream.indirect.scatter.add.f32 [tilespmem:s24], [sflag:$0x2], $0x10, s7, s18, $0xb8;
	[tilespmem:$0x1CF00] =	vst v63  }
0x83: {  	_ =	swait.ge [sflag:s16], $0x800  }
0x84: {  	[sflag:s16] =	ssyncset.done $0x0  }
0x85: {  	[sflag:s16] =	ssyncadd.s32 $0xFFFFF800  }
0x86: {  	[spmem:s2] =	stream.indirect.scatter.add.f32 [tilespmem:s26], [sflag:$0x2], $0x10, s8, s18, $0xb8;
	[tilespmem:$0x1CF00] =	vst v63  }
0x87: {  	_ =	swait.ge [sflag:s16], $0x800  }
0x88: {  	[sflag:s16] =	ssyncset.done $0x0  }
0x89: {  	[sflag:s16] =	ssyncadd.s32 $0xFFFFF800  }
0x8a: {  	[spmem:s2] =	stream.indirect.scatter.add.f32 [tilespmem:s29], [sflag:$0x2], $0x10, s9, s18, $0xb8;
	[tilespmem:$0x1CF00] =	vst v63  }
0x8b: {  	_ =	swait.ge [sflag:s16], $0x800  }
0x8c: {  	[sflag:s16] =	ssyncset.done $0x0  }
0x8d: {  	[sflag:s16] =	ssyncadd.s32 $0xFFFFF800  }
0x8e: {  	[spmem:s2] =	stream.indirect.scatter.add.f32 [tilespmem:s31], [sflag:$0x2], $0x10, s10, s18, $0xb8;
	[tilespmem:$0x1CF00] =	vst v63  }
0x8f: {  	s13 =	simm.s32 $0x80;
	_ =	swait.ge [sflag:s16], $0x800  }
0x90: {  	s14 =	simm.s32 $0x100;
	s4 =	rddreg [dreg:$0x3];
	[sflag:s16] =	ssyncset.done $0x0  }
.LBB2_4:
0x91: {  	[sflag:s16] =	ssyncadd.s32 $0xFFFFF800;
	s4 =	sadd.s32 s13, s4  }
0x92: {  	[tilespmem:s3], [sflag:$0x2] =	stream.linear.gather [hbm4b:s4+s3], $0x400, $0x38;
	[tilespmem:$0x1CF00] =	vst v63  }
0x93: {  	_ =	swait.ge [sflag:s16], $0x400  }
0x94: {  	[sflag:s16] =	ssyncset.done $0x0  }
0x95: {  	s4 =	sadd.s32 $0x31000, s4;
	[sflag:s16] =	ssyncadd.s32 $0xFFFFFC00  }
0x96: {  	[tilespmem:s17], [sflag:$0x2] =	stream.linear.gather [hbm4b:s4+s3], $0x400, $0x38;
	[tilespmem:$0x1CF00] =	vst v63  }
0x97: {  	_ =	swait.ge [sflag:s16], $0x400  }
0x98: {  	[sflag:s16] =	ssyncset.done $0x0  }
0x99: {  	[sflag:s16] =	ssyncadd.s32 $0xFFFFFC00  }
0x9a: {  	[tilespmem:s15], [sflag:$0x1] =	stream.indirect.gather [hbm4b:s12+s18], $0x10, s3, s18, $0xb8;
	[tilespmem:$0x1CF00] =	vst v63  }
0x9b: {  	s11 =	smov.u32 s14  }
0x9c: {  	[tilespmem:s19], [sflag:$0x1] =	stream.indirect.gather [hbm4b:s12+s18], $0x10, s18, s18, $0xb8;
	[tilespmem:$0x1CF00] =	vst v63  }
0x9d: {  	s13 =	smov.u32 s11;
	s11 =	rddreg [dreg:$0x4]  }
0x9e: {  	[tilespmem:s20], [sflag:$0x1] =	stream.indirect.gather [hbm4b:s12+s18], $0x10, s11, s18, $0xb8;
	[tilespmem:$0x1CF00] =	vst v63  }
0x9f: {  	_ = 	snop  }
0xa0: {  	[tilespmem:s22], [sflag:$0x1] =	stream.indirect.gather [hbm4b:s12+s18], $0x10, s21, s18, $0xb8;
	[tilespmem:$0x1CF00] =	vst v63  }
0xa1: {  	_ = 	snop  }
0xa2: {  	[tilespmem:s24], [sflag:$0x1] =	stream.indirect.gather [hbm4b:s12+s18], $0x10, s23, s18, $0xb8;
	[tilespmem:$0x1CF00] =	vst v63  }
0xa3: {  	_ = 	snop  }
0xa4: {  	[tilespmem:s26], [sflag:$0x1] =	stream.indirect.gather [hbm4b:s12+s18], $0x10, s25, s18, $0xb8;
	[tilespmem:$0x1CF00] =	vst v63  }
0xa5: {  	_ = 	snop  }
0xa6: {  	[tilespmem:s29], [sflag:$0x1] =	stream.indirect.gather [hbm4b:s12+s18], $0x10, s28, s18, $0xb8;
	[tilespmem:$0x1CF00] =	vst v63  }
0xa7: {  	_ = 	snop  }
0xa8: {  	[tilespmem:s31], [sflag:$0x1] =	stream.indirect.gather [hbm4b:s12+s18], $0x10, s30, s18, $0xb8;
	[tilespmem:$0x1CF00] =	vst v63  }
0xa9: {  	_ =	swait.ge [sflag:s0], $0x800  }
0xaa: {  	[sflag:s0] =	ssyncset.done $0x0  }
0xab: {  	[sflag:s0] =	ssyncadd.s32 $0xFFFFF800  }
0xac: {  	_ =	swait.ge [sflag:s0], $0x800  }
0xad: {  	[sflag:s0] =	ssyncset.done $0x0  }
0xae: {  	[sflag:s0] =	ssyncadd.s32 $0xFFFFF800  }
0xaf: {  	_ =	swait.ge [sflag:s0], $0x800  }
0xb0: {  	[sflag:s0] =	ssyncset.done $0x0  }
0xb1: {  	[sflag:s0] =	ssyncadd.s32 $0xFFFFF800  }
0xb2: {  	_ =	swait.ge [sflag:s0], $0x800  }
0xb3: {  	[sflag:s0] =	ssyncset.done $0x0  }
0xb4: {  	[sflag:s0] =	ssyncadd.s32 $0xFFFFF800  }
0xb5: {  	_ =	swait.ge [sflag:s0], $0x800  }
0xb6: {  	[sflag:s0] =	ssyncset.done $0x0  }
0xb7: {  	[sflag:s0] =	ssyncadd.s32 $0xFFFFF800  }
0xb8: {  	_ =	swait.ge [sflag:s0], $0x800  }
0xb9: {  	[sflag:s0] =	ssyncset.done $0x0  }
0xba: {  	[sflag:s0] =	ssyncadd.s32 $0xFFFFF800  }
0xbb: {  	_ =	swait.ge [sflag:s0], $0x800  }
0xbc: {  	[sflag:s0] =	ssyncset.done $0x0  }
0xbd: {  	[sflag:s0] =	ssyncadd.s32 $0xFFFFF800  }
0xbe: {  	_ =	swait.ge [sflag:s0], $0x800  }
0xbf: {  	[sflag:s0] =	ssyncset.done $0x0  }
0xc0: {  	[sflag:s0] =	ssyncadd.s32 $0xFFFFF800  }
0xc1: {  	[spmem:s2] =	stream.indirect.scatter.add.f32 [tilespmem:s15], [sflag:$0x2], $0x10, s17, s18, $0xb8;
	[tilespmem:$0x1CF00] =	vst v63  }
0xc2: {  	_ =	swait.ge [sflag:s16], $0x800  }
0xc3: {  	[sflag:s16] =	ssyncset.done $0x0  }
0xc4: {  	[sflag:s16] =	ssyncadd.s32 $0xFFFFF800  }
0xc5: {  	[spmem:s2] =	stream.indirect.scatter.add.f32 [tilespmem:s19], [sflag:$0x2], $0x10, s1, s18, $0xb8;
	[tilespmem:$0x1CF00] =	vst v63  }
0xc6: {  	_ =	swait.ge [sflag:s16], $0x800  }
0xc7: {  	[sflag:s16] =	ssyncset.done $0x0  }
0xc8: {  	[sflag:s16] =	ssyncadd.s32 $0xFFFFF800  }
0xc9: {  	[spmem:s2] =	stream.indirect.scatter.add.f32 [tilespmem:s20], [sflag:$0x2], $0x10, s5, s18, $0xb8;
	[tilespmem:$0x1CF00] =	vst v63  }
0xca: {  	_ =	swait.ge [sflag:s16], $0x800  }
0xcb: {  	[sflag:s16] =	ssyncset.done $0x0  }
0xcc: {  	[sflag:s16] =	ssyncadd.s32 $0xFFFFF800  }
0xcd: {  	[spmem:s2] =	stream.indirect.scatter.add.f32 [tilespmem:s22], [sflag:$0x2], $0x10, s6, s18, $0xb8;
	[tilespmem:$0x1CF00] =	vst v63  }
0xce: {  	_ =	swait.ge [sflag:s16], $0x800  }
0xcf: {  	[sflag:s16] =	ssyncset.done $0x0  }
0xd0: {  	[sflag:s16] =	ssyncadd.s32 $0xFFFFF800  }
0xd1: {  	[spmem:s2] =	stream.indirect.scatter.add.f32 [tilespmem:s24], [sflag:$0x2], $0x10, s7, s18, $0xb8;
	[tilespmem:$0x1CF00] =	vst v63  }
0xd2: {  	_ =	swait.ge [sflag:s16], $0x800  }
0xd3: {  	[sflag:s16] =	ssyncset.done $0x0  }
0xd4: {  	[sflag:s16] =	ssyncadd.s32 $0xFFFFF800  }
0xd5: {  	[spmem:s2] =	stream.indirect.scatter.add.f32 [tilespmem:s26], [sflag:$0x2], $0x10, s8, s18, $0xb8;
	[tilespmem:$0x1CF00] =	vst v63  }
0xd6: {  	_ =	swait.ge [sflag:s16], $0x800  }
0xd7: {  	[sflag:s16] =	ssyncset.done $0x0  }
0xd8: {  	[sflag:s16] =	ssyncadd.s32 $0xFFFFF800  }
0xd9: {  	[spmem:s2] =	stream.indirect.scatter.add.f32 [tilespmem:s29], [sflag:$0x2], $0x10, s9, s18, $0xb8;
	[tilespmem:$0x1CF00] =	vst v63  }
0xda: {  	p0 =	sne.s32 s14, $0x3080;
	_ =	swait.ge [sflag:s16], $0x800  }
.Ltmp1:
0xdb: {  	[sflag:s16] =	ssyncset.done $0x0;
	(pc) =	sbr.rel @p0 .LBB2_4-.Ltmp1, $4  }
0xdc: {  	[sflag:s16] =	ssyncadd.s32 $0xFFFFF800  }
0xdd: {  	[spmem:s2] =	stream.indirect.scatter.add.f32 [tilespmem:s31], [sflag:$0x2], $0x10, s10, s18, $0xb8;
	[tilespmem:$0x1CF00] =	vst v63  }
0xde: {  	_ =	swait.ge [sflag:s16], $0x800  }
0xdf: {  	s14 =	sadd.s32 $0x80, s14;
	s4 =	rddreg [dreg:$0x3];
	[sflag:s16] =	ssyncset.done $0x0  }
0xe0: {  	[sflag:s16] =	ssyncadd.s32 $0xFFFFF800;
	s4 =	sadd.s32 s13, s4  }
0xe1: {  	[tilespmem:s3], [sflag:$0x2] =	stream.linear.gather [hbm4b:s4+s3], $0x400, $0x38;
	[tilespmem:$0x1CF00] =	vst v63  }
0xe2: {  	_ =	swait.ge [sflag:s16], $0x400  }
0xe3: {  	[sflag:s16] =	ssyncset.done $0x0  }
0xe4: {  	s4 =	sadd.s32 $0x31000, s4;
	[sflag:s16] =	ssyncadd.s32 $0xFFFFFC00  }
0xe5: {  	[tilespmem:s17], [sflag:$0x2] =	stream.linear.gather [hbm4b:s4+s3], $0x400, $0x38;
	[tilespmem:$0x1CF00] =	vst v63  }
0xe6: {  	_ =	swait.ge [sflag:s16], $0x400  }
0xe7: {  	[sflag:s16] =	ssyncset.done $0x0  }
0xe8: {  	[sflag:s16] =	ssyncadd.s32 $0xFFFFFC00  }
0xe9: {  	[tilespmem:s15], [sflag:$0x1] =	stream.indirect.gather [hbm4b:s12+s18], $0x10, s3, s18, $0xb8;
	[tilespmem:$0x1CF00] =	vst v63  }
0xea: {  	_ = 	snop  }
0xeb: {  	[tilespmem:s19], [sflag:$0x1] =	stream.indirect.gather [hbm4b:s12+s18], $0x10, s18, s18, $0xb8;
	[tilespmem:$0x1CF00] =	vst v63  }
0xec: {  	s13 =	rddreg [dreg:$0x4]  }
0xed: {  	[tilespmem:s20], [sflag:$0x1] =	stream.indirect.gather [hbm4b:s12+s18], $0x10, s13, s18, $0xb8;
	[tilespmem:$0x1CF00] =	vst v63  }
0xee: {  	_ = 	snop  }
0xef: {  	[tilespmem:s22], [sflag:$0x1] =	stream.indirect.gather [hbm4b:s12+s18], $0x10, s21, s18, $0xb8;
	[tilespmem:$0x1CF00] =	vst v63  }
0xf0: {  	_ = 	snop  }
0xf1: {  	[tilespmem:s24], [sflag:$0x1] =	stream.indirect.gather [hbm4b:s12+s18], $0x10, s23, s18, $0xb8;
	[tilespmem:$0x1CF00] =	vst v63  }
0xf2: {  	_ = 	snop  }
0xf3: {  	[tilespmem:s26], [sflag:$0x1] =	stream.indirect.gather [hbm4b:s12+s18], $0x10, s25, s18, $0xb8;
	[tilespmem:$0x1CF00] =	vst v63  }
0xf4: {  	_ = 	snop  }
0xf5: {  	[tilespmem:s29], [sflag:$0x1] =	stream.indirect.gather [hbm4b:s12+s18], $0x10, s28, s18, $0xb8;
	[tilespmem:$0x1CF00] =	vst v63  }
0xf6: {  	_ = 	snop  }
0xf7: {  	[tilespmem:s31], [sflag:$0x1] =	stream.indirect.gather [hbm4b:s12+s18], $0x10, s30, s18, $0xb8;
	[tilespmem:$0x1CF00] =	vst v63  }
0xf8: {  	_ =	swait.ge [sflag:s0], $0x800  }
0xf9: {  	[sflag:s0] =	ssyncset.done $0x0  }
0xfa: {  	[sflag:s0] =	ssyncadd.s32 $0xFFFFF800  }
0xfb: {  	_ =	swait.ge [sflag:s0], $0x800  }
0xfc: {  	[sflag:s0] =	ssyncset.done $0x0  }
0xfd: {  	[sflag:s0] =	ssyncadd.s32 $0xFFFFF800  }
0xfe: {  	_ =	swait.ge [sflag:s0], $0x800  }
0xff: {  	[sflag:s0] =	ssyncset.done $0x0  }
0x100: {  	[sflag:s0] =	ssyncadd.s32 $0xFFFFF800  }
0x101: {  	_ =	swait.ge [sflag:s0], $0x800  }
0x102: {  	[sflag:s0] =	ssyncset.done $0x0  }
0x103: {  	[sflag:s0] =	ssyncadd.s32 $0xFFFFF800  }
0x104: {  	_ =	swait.ge [sflag:s0], $0x800  }
0x105: {  	[sflag:s0] =	ssyncset.done $0x0  }
0x106: {  	[sflag:s0] =	ssyncadd.s32 $0xFFFFF800  }
0x107: {  	_ =	swait.ge [sflag:s0], $0x800  }
0x108: {  	[sflag:s0] =	ssyncset.done $0x0  }
0x109: {  	[sflag:s0] =	ssyncadd.s32 $0xFFFFF800  }
0x10a: {  	_ =	swait.ge [sflag:s0], $0x800  }
0x10b: {  	[sflag:s0] =	ssyncset.done $0x0  }
0x10c: {  	[sflag:s0] =	ssyncadd.s32 $0xFFFFF800  }
0x10d: {  	_ =	swait.ge [sflag:s0], $0x800  }
0x10e: {  	[sflag:s0] =	ssyncset.done $0x0  }
0x10f: {  	[sflag:s0] =	ssyncadd.s32 $0xFFFFF800  }
0x110: {  	[spmem:s2] =	stream.indirect.scatter.add.f32 [tilespmem:s15], [sflag:$0x2], $0x10, s17, s18, $0xb8;
	[tilespmem:$0x1CF00] =	vst v63  }
0x111: {  	_ =	swait.ge [sflag:s16], $0x800  }
0x112: {  	[sflag:s16] =	ssyncset.done $0x0  }
0x113: {  	[sflag:s16] =	ssyncadd.s32 $0xFFFFF800  }
0x114: {  	[spmem:s2] =	stream.indirect.scatter.add.f32 [tilespmem:s19], [sflag:$0x2], $0x10, s1, s18, $0xb8;
	[tilespmem:$0x1CF00] =	vst v63  }
0x115: {  	_ =	swait.ge [sflag:s16], $0x800  }
0x116: {  	[sflag:s16] =	ssyncset.done $0x0  }
0x117: {  	[sflag:s16] =	ssyncadd.s32 $0xFFFFF800  }
0x118: {  	[spmem:s2] =	stream.indirect.scatter.add.f32 [tilespmem:s20], [sflag:$0x2], $0x10, s5, s18, $0xb8;
	[tilespmem:$0x1CF00] =	vst v63  }
0x119: {  	_ =	swait.ge [sflag:s16], $0x800  }
0x11a: {  	[sflag:s16] =	ssyncset.done $0x0  }
0x11b: {  	[sflag:s16] =	ssyncadd.s32 $0xFFFFF800  }
0x11c: {  	[spmem:s2] =	stream.indirect.scatter.add.f32 [tilespmem:s22], [sflag:$0x2], $0x10, s6, s18, $0xb8;
	[tilespmem:$0x1CF00] =	vst v63  }
0x11d: {  	_ =	swait.ge [sflag:s16], $0x800  }
0x11e: {  	[sflag:s16] =	ssyncset.done $0x0  }
0x11f: {  	[sflag:s16] =	ssyncadd.s32 $0xFFFFF800  }
0x120: {  	[spmem:s2] =	stream.indirect.scatter.add.f32 [tilespmem:s24], [sflag:$0x2], $0x10, s7, s18, $0xb8;
	[tilespmem:$0x1CF00] =	vst v63  }
0x121: {  	_ =	swait.ge [sflag:s16], $0x800  }
0x122: {  	[sflag:s16] =	ssyncset.done $0x0  }
0x123: {  	[sflag:s16] =	ssyncadd.s32 $0xFFFFF800  }
0x124: {  	[spmem:s2] =	stream.indirect.scatter.add.f32 [tilespmem:s26], [sflag:$0x2], $0x10, s8, s18, $0xb8;
	[tilespmem:$0x1CF00] =	vst v63  }
0x125: {  	_ =	swait.ge [sflag:s16], $0x800  }
0x126: {  	[sflag:s16] =	ssyncset.done $0x0  }
0x127: {  	[sflag:s16] =	ssyncadd.s32 $0xFFFFF800  }
0x128: {  	[spmem:s2] =	stream.indirect.scatter.add.f32 [tilespmem:s29], [sflag:$0x2], $0x10, s9, s18, $0xb8;
	[tilespmem:$0x1CF00] =	vst v63  }
0x129: {  	_ =	swait.ge [sflag:s16], $0x800  }
0x12a: {  	[sflag:s16] =	ssyncset.done $0x0  }
0x12b: {  	[sflag:s16] =	ssyncadd.s32 $0xFFFFF800  }
0x12c: {  	[spmem:s2] =	stream.indirect.scatter.add.f32 [tilespmem:s31], [sflag:$0x2], $0x10, s10, s18, $0xb8;
	[tilespmem:$0x1CF00] =	vst v63  }
0x12d: {  	_ =	swait.ge [sflag:s16], $0x800  }
0x12e: {  	[sflag:s16] =	ssyncset.done $0x0  }
0x12f: {  	[sflag:s16] =	ssyncadd.s32 $0xFFFFF800  }
0x130: {  	s14 =	stileid.u32;
	[bflag:$0x0] =	sbarrier.arrive $0xFFFF  }
0x131: {  	s4 =	sshll.u32 s14, $0x6;
	s14 =	rddreg [dreg:$0x5]  }
0x132: {  	s4 =	sor.u32 $0x1C02, s4;
	s13 =	rddreg [dreg:$0xd];
	s11 =	sshrl.u32 s14, $0x3  }
0x133: {  	[hbm:s13], [sflag:s4] =	dma.local [spmem:s11], $0x30E0  }
0x134: {  	_ =	swait.ge [sflag:s16], $0x30E0  }
0x135: {  	s4 =	rddreg [dreg:$0xf]  }
0x136: {  	s13 =	rddreg [dreg:$0xe];
	s11 =	sadd.s32 $0x1, s4  }
0x137: {  	p0 =	sne.s32 s11, s13  }
.Ltmp2:
0x138: {  	_ = 	snop;
	(pc) =	sbr.rel @p0 .LBB2_1-.Ltmp2, $3  }
0x139: {  	_ =	sdelay $0x1  }
0x13a: {  	[sflag:s16] =	ssyncset.done $0x0  }
0x13b: {  	[sflag:s16] =	ssyncadd.s32 $0xFFFFCF20  }
0x13c: {  	_ =	sfence.sel $0x180000  }
0x13d: {  	[bflag:$0x0] =	sbarrier.arrive $0xFFFF  }
0x13e: {  	_ =	strace $0x9000004A  }
0x13f: {  	s0 =	stileid.u32;
	[bflag:$0x2] =	sbarrier.arrive $0xFFFF  }
0x140: {  	p0 =	sne.s32 s0, $0x0;
	s0 =	rddreg [dreg:$0x2]  }
0x141: {  	s0 =	sadd.s32 @!p0 $0x100000, s0  }
0x142: {  	[sflag:s0] =	ssyncadd.tile.s32 @!p0 $0x1;
	_ =	shalt  }
.Lfunc_end2:
_tile_overlayer_lowered:
.L_overlay_start_2:
0x143: {  	(tag) =	ssettag $0x2  }
0x144: {  	s0 =	rddreg [dreg:$0x0];
	s2 =	stileid.u32  }
0x145: {  	s1 =	rddreg [dreg:$0x1];
	p0 =	sne.s32 s2, $0x0  }
0x146: {  	s3 =	rddreg [dreg:$0x2];
	[bflag:$0x3] =	sbarrier.arrive $0xFFFF;
	s2 =	simm.s32 @!p0 $0x1C02  }
0x147: {  	[timem:s3], [sflag:s2] =	dma.local @!p0 [hbm:s0], s1  }
0x148: {  	s0 =	simm.s32 @!p0 $0x2  }
0x149: {  	_ =	swait.ge @!p0 [sflag:s0], s1  }
0x14a: {  	s1 =	ssub.s32 @!p0 $0x0, s1;
	[sflag:s0] =	ssyncset.done @!p0 $0x0  }
0x14b: {  	[sflag:s0] =	ssyncadd.s32 @!p0 s1  }
0x14c: {  	[bflag:$0x3] =	sbarrier.arrive $0xFFFF  }
0x14d: {  	_ =	shalt  }

// kernel: sc_edge_layer_firsts.3.cloned.1.call-start
scs
__scs_entry_jumppad:
0x0: {  	(pc) =	sbr.rel $0x88, $3  }
0x1: {  	(tag) =	ssettag $0x0;
	lr =	simm.s32 $0x1  }
0x2: {  	[smem:$0x3F94] =	sst lr;
	_ =	strace $0xD0000000  }
0x3: {  	_ = 	snop  }
0x4: {  	_ = 	snop  }
0x5: {  	_ = 	snop  }
0x6: {  	_ = 	snop  }
0x7: {  	_ = 	snop  }
__scs_overlays_trampoline_lowered:
0x8: {  	[smem:$0x3FA3] =	sst s0  }
0x9: {  	[smem:$0x3FA4] =	sst s1  }
0xa: {  	[smem:$0x3FA5] =	sst s2  }
0xb: {  	[smem:$0x3FA6] =	sst s3  }
0xc: {  	[smem:$0x3FA7] =	sst s4  }
0xd: {  	[smem:$0x3FA8] =	sst s5  }
0xe: {  	[smem:$0x3FA9] =	sst s6  }
0xf: {  	[smem:$0x3FAA] =	sst s7  }
0x10: {  	[smem:$0x3FAB] =	sst s8  }
0x11: {  	[smem:$0x3FAC] =	sst s9;
	s0 =	simm.s32 @!p0 $0x0  }
0x12: {  	s1 =	sld [smem:$0x3F92];
	s0 =	simm.s32 @p0 $0x1  }
0x13: {  	[smem:$0x3FAD] =	sst s0;
	s0 =	simm.s32 @!p1 $0x0  }
0x14: {  	s2 =	sld [smem:$0x3F91];
	s0 =	simm.s32 @p1 $0x1  }
0x15: {  	[smem:$0x3FAE] =	sst s0;
	s0 =	simm.s32 @!p2 $0x0  }
0x16: {  	s3 =	sld [smem:$0x3FDB];
	s0 =	simm.s32 @p2 $0x1  }
0x17: {  	s4 =	simm.s32 $0x1BF5;
	[smem:$0x3FB0] =	sst s0  }
0x18: {  	s0 =	sld [smem:$0x3F93];
	_ =	swait.ge [sflag:s4], $0x0  }
0x19: {  	s7 =	sld [smem:$0x3F94]  }
0x1a: {  	s8 =	sadd.s32 $0xFFFFE003, lr  }
0x1b: {  	s9 =	sadd.s32 $0xFFFFFEF7, lr;
	s5 =	simm.s32 $0xFFFFFFFF;
	p2 =	slt.u32 s8, $0xFFFFF086  }
0x1c: {  	p1 =	slt.u32 s9, $0xF7A;
	s5 =	simm.s32 @!p2 $0x0  }
0x1d: {  	s5 =	simm.s32 @p1 $0x1;
	p0 =	seq.s32 s7, s2  }
0x1e: {  	s7 =	smul.u32 @!p0 $0xF7A, s2;
	p2 =	seq.s32 @!p0 s5, $0x0  }
0x1f: {  	s9 =	smul.u32 $0xF7A, s1;
	s8 =	simm.s32 @!p0 $0x1BF5;
	p2 =	por !p2, p0  }
0x20: {  	[sflag:s8] =	ssyncset.s32 @!p0 $0xFFFFF086;
	s6 =	sadd.s32 @!p0 s3, s7;
	s7 =	simm.s32 @!p0 $0x108  }
0x21: {  	s3 =	sadd.s32 s3, s9;
	s6 =	sadd.s32 @!p0 $0x88, s6;
	s7 =	simm.s32 @p2 $0x1082  }
0x22: {  	[simem:s7], [sflag:s8] =	dma.local @!p0 [hbm:s6], $0xF7A  }
0x23: {  	s9 =	sor.u32 $0xD0000000, s2;
	s6 =	simm.s32 $0x108;
	_ =	swait.ge @!p0 [sflag:s8], $0x0  }
0x24: {  	s3 =	sadd.s32 $0x88, s3;
	s6 =	simm.s32 @!p1 $0x1082;
	[sflag:s4] =	ssyncset.s32 $0xFFFFF086  }
0x25: {  	[simem:s6], [sflag:s4] =	dma.local [hbm:s3], $0xF7A  }
0x26: {  	[smem:$0x3F94] =	sst s1;
	(tag) =	ssettag s2;
	_ =	strace s9  }
0x27: {  	s1 =	sld [smem:$0x3FA4]  }
0x28: {  	s2 =	sld [smem:$0x3FA5]  }
0x29: {  	s4 =	sld [smem:$0x3FA7]  }
0x2a: {  	p0 =	seq.s32 s5, $0x0;
	s5 =	sld [smem:$0x3FA8]  }
0x2b: {  	s6 =	sld [smem:$0x3FA9]  }
0x2c: {  	s7 =	sld [smem:$0x3FAA]  }
0x2d: {  	s3 =	simm.s32 $0x108;
	s8 =	sld [smem:$0x3FAB]  }
0x2e: {  	s3 =	simm.s32 @!p0 $0x1082;
	s9 =	sld [smem:$0x3FAC]  }
0x2f: {  	lr =	sadd.s32 s0, s3;
	s0 =	sld [smem:$0x3FA3]  }
0x30: {  	s3 =	sld [smem:$0x3FA6]  }
0x31: {  	[smem:$0x3FAF] =	sst s10  }
0x32: {  	s10 =	sld [smem:$0x3FAD];
	_ =	sdelay $0x3  }
0x33: {  	p0 =	seq.s32 s10, $0x1;
	s10 =	sld [smem:$0x3FAF];
	_ =	sdelay $0x3  }
0x34: {  	[smem:$0x3FAF] =	sst s10  }
0x35: {  	s10 =	sld [smem:$0x3FAE];
	_ =	sdelay $0x3  }
0x36: {  	p1 =	seq.s32 s10, $0x1;
	s10 =	sld [smem:$0x3FAF];
	_ =	sdelay $0x3  }
0x37: {  	[smem:$0x3FAF] =	sst s10  }
0x38: {  	s10 =	sld [smem:$0x3FB0]  }
0x39: {  	_ = 	snop;
	(pc) =	sbr.ind lr, $3  }
0x3a: {  	_ = 	snop  }
0x3b: {  	_ = 	snop  }
0x3c: {  	p2 =	seq.s32 s10, $0x1;
	s10 =	sld [smem:$0x3FAF]  }
0x3d: {  	_ =	shalt  }
0x3e: {  	_ =	shalt  }
0x3f: {  	_ =	shalt  }
0x40: {  	_ =	shalt  }
0x41: {  	_ =	shalt  }
0x42: {  	_ =	shalt  }
0x43: {  	_ =	shalt  }
0x44: {  	_ =	shalt  }
0x45: {  	_ =	shalt  }
0x46: {  	_ =	shalt  }
0x47: {  	_ =	shalt  }
0x48: {  	_ =	shalt  }
0x49: {  	_ =	shalt  }
0x4a: {  	_ =	shalt  }
0x4b: {  	_ =	shalt  }
0x4c: {  	_ =	shalt  }
0x4d: {  	_ =	shalt  }
0x4e: {  	_ =	shalt  }
0x4f: {  	_ =	shalt  }
0x50: {  	_ =	shalt  }
0x51: {  	_ =	shalt  }
0x52: {  	_ =	shalt  }
0x53: {  	_ =	shalt  }
0x54: {  	_ =	shalt  }
0x55: {  	_ =	shalt  }
0x56: {  	_ =	shalt  }
0x57: {  	_ =	shalt  }
0x58: {  	_ =	shalt  }
0x59: {  	_ =	shalt  }
0x5a: {  	_ =	shalt  }
0x5b: {  	_ =	shalt  }
0x5c: {  	_ =	shalt  }
0x5d: {  	_ =	shalt  }
0x5e: {  	_ =	shalt  }
0x5f: {  	_ =	shalt  }
0x60: {  	_ =	shalt  }
0x61: {  	_ =	shalt  }
0x62: {  	_ =	shalt  }
0x63: {  	_ =	shalt  }
0x64: {  	_ =	shalt  }
0x65: {  	_ =	shalt  }
0x66: {  	_ =	shalt  }
0x67: {  	_ =	shalt  }
0x68: {  	_ =	shalt  }
0x69: {  	_ =	shalt  }
0x6a: {  	_ =	shalt  }
0x6b: {  	_ =	shalt  }
0x6c: {  	_ =	shalt  }
0x6d: {  	_ =	shalt  }
0x6e: {  	_ =	shalt  }
0x6f: {  	_ =	shalt  }
0x70: {  	_ =	shalt  }
0x71: {  	_ =	shalt  }
0x72: {  	_ =	shalt  }
0x73: {  	_ =	shalt  }
0x74: {  	_ =	shalt  }
0x75: {  	_ =	shalt  }
0x76: {  	_ =	shalt  }
0x77: {  	_ =	shalt  }
0x78: {  	_ =	shalt  }
0x79: {  	_ =	shalt  }
0x7a: {  	_ =	shalt  }
0x7b: {  	_ =	shalt  }
0x7c: {  	_ =	shalt  }
0x7d: {  	_ =	shalt  }
0x7e: {  	_ =	shalt  }
0x7f: {  	_ =	shalt  }
0x80: {  	_ =	shalt  }
0x81: {  	_ =	shalt  }
0x82: {  	_ =	shalt  }
0x83: {  	_ =	shalt  }
0x84: {  	_ =	shalt  }
0x85: {  	_ =	shalt  }
0x86: {  	_ =	shalt  }
0x87: {  	_ =	shalt  }
.Lfunc_end0:
.L_simem_size_0:
called_computation.2_lowered:
.L_overlay_start_0:
0x88: {  	s2 =	sld [smem:$0x3FD9]  }
0x89: {  	s3 =	sld [smem:$0x3FFE];
	_ =	sdelay $0x1  }
0x8a: {  	s1 =	srdreg.scid  }
0x8b: {  	s0 =	sand.u32 $0x1, s1  }
0x8c: {  	s16 =	sshll.u32 s0, $0xA;
	s2 =	sadd.s32 s3, s2  }
0x8d: {  	s2 =	sadd.s32 s2, s16  }
0x8e: {  	[smem:$0x3FBB] =	sst s2  }
0x8f: {  	_ = 	snop  }
0x90: {  	(tm) =	ssettm $0x1  }
0x91: {  	s17 =	sld [smem:$0x3FFB];
	_ =	sdelay $0x3  }
0x92: {  	_ =	strace s17  }
0x93: {  	s2 =	sld [smem:$0x3FFC];
	_ =	sdelay $0x3  }
0x94: {  	_ =	strace s2  }
0x95: {  	s2 =	sld [smem:$0x3FFD];
	_ =	sdelay $0x3  }
0x96: {  	_ =	strace s2  }
0x97: {  	_ =	strace $0x8FFFFFFF  }
0x98: {  	s18 =	sld [smem:$0x3FDB];
	_ =	sdelay $0x1  }
0x99: {  	s19 =	simm.s32 $_scs_section_size  }
0x9a: {  	s4 =	simm.s32 $_size__tile_overlayer_lowered;
	s5 =	simm.s32 $_tile_overlayer_lowered  }
0x9b: {  	s22 =	simm.s32 $0x1BFF;
	s21 =	sshll.u32 s5, $0x1;
	s2 =	sadd.s32 s19, s18  }
0x9c: {  	s6 =	simm.s32 $0x0;
	s20 =	sshll.u32 s4, $0x1;
	s4 =	sadd.s32 s21, s2  }
0x9d: {  	[timem:s6], [sflag:s22] =	dma.local [hbm:s4], s20  }
0x9e: {  	_ =	swait.ge [sflag:s22], s20  }
0x9f: {  	s3 =	ssub.s32 $0x0, s20;
	[sflag:s22] =	ssyncset.done $0x0  }
0xa0: {  	[sflag:s22] =	ssyncadd.s32 s3;
	_ =	sdelay $0x1  }
0xa1: {  	s23 =	simm.s32 $0x1B8B  }
0xa2: {  	_ =	swait.ge [sflag:s23], $0x1  }
0xa3: {  	[sflag:s23] =	ssyncset.done $0x0  }
0xa4: {  	s25 =	simm.s32 $0x1B8E;
	s24 =	sld [smem:$0x3FFE];
	[sflag:s23] =	ssyncadd.s32 $0xFFFFFFFF  }
0xa5: {  	s26 =	simm.s32 $execute0_lowered;
	[smem:$0x3FD2] =	sst s25  }
0xa6: {  	s4 =	sshll.u32 s26, $0x1;
	_ =	strace $0x8000004C;
	[dreg:$0x1] =	wrdreg $0xFFFFFFFF  }
0xa7: {  	s28 =	simm.s32 $_size_execute0_lowered;
	s2 =	sadd.s32 s2, s4;
	[dreg:$0x0] =	wrdreg $0x0  }
0xa8: {  	s4 =	sshll.u32 s28, $0x1;
	[dreg:$0x2] =	wrdreg s2  }
0xa9: {  	[dreg:$0x3] =	wrdreg s4  }
0xaa: {  	[dreg:$0x4] =	wrdreg $0xC0  }
0xab: {  	_ =	task [dreg:s6], $0x5FFFF  }
0xac: {  	[dreg:$0x1] =	wrdreg $0xFFFFFFFF  }
0xad: {  	[dreg:$0x0] =	wrdreg $0x60  }
0xae: {  	[dreg:$0x2] =	wrdreg s24  }
0xaf: {  	[dreg:$0x3] =	wrdreg $0x48000  }
0xb0: {  	[dreg:$0x4] =	wrdreg $0x9  }
0xb1: {  	_ =	task.clear_ibuf [dreg:s6], $0x5FFFF;
	_ =	strace $0x9000004C  }
0xb2: {  	s29 =	simm.s32 $0x9;
	_ =	strace $0x8000004E  }
0xb3: {  	_ =	swait.ge [sflag:s29], $0x1  }
0xb4: {  	[sflag:s29] =	ssyncadd.s32 $0xFFFFFFFF  }
0xb5: {  	_ =	strace $0x9000004E  }
0xb6: {  	_ =	sfence  }
0xb7: {  	s30 =	sld [smem:$0x0];
	_ =	sdelay $0x2  }
0xb8: {  	s31 =	sshll.u32 s1, $0xD;
	s1 =	sshrl.u32 s1, $0x2  }
0xb9: {  	s3 =	sand.u32 $0x4000, s31;
	s1 =	sadd.s32 s1, s30  }
0xba: {  	s0 =	sor.u32 s3, s0;
	s1 =	sshll.u32 s1, $0x11  }
0xbb: {  	s0 =	sor.u32 s1, s0  }
0xbc: {  	s0 =	sadd.s32 $0x8F2B, s0  }
0xbd: {  	[sflag:s0] =	ssyncadd.remote.s32 $0x1  }
0xbe: {  	_ =	sfence.sel $0xFFFF  }
0xbf: {  	[dreg:$0x0] =	wrdreg $0xFFFFFFFF;
	(pc) =	sbr.abs _section_cstart, $3  }
0xc0: {  	[dreg:$0x1] =	wrdreg $0xFFFFFFFF  }
0xc1: {  	_ =	task.clear_ibuf [dreg:s6], $0x2FFFF;
	_ =	strace $0x9FFFFFFF  }
0xc2: {  	(tm) =	ssettm $0x7FFFFFFF  }
0xc3: {  	_ =	shalt  }
tec
execute0_lowered:
.L_overlay_start_1:
0x0: {  	(tag) =	ssettag $0x1  }
0x1: {  	s0 =	srdreg.scid;
	s4 =	rddreg [dreg:$0x0]  }
0x2: {  	s9 =	stileid.u32;
	s2 =	rddreg [dreg:$0x1]  }
0x3: {  	s3 =	simm.s32 $0x0;
	s26 =	simm.s32 $0x300;
	s5 =	smul.u32 $0x3100, s9  }
0x4: {  	s28 =	simm.s32 $0x280;
	s29 =	simm.s32 $0x3000;
	s6 =	smul.u32 $0x60, s9  }
0x5: {  	s30 =	simm.s32 $0x3800;
	s31 =	simm.s32 $0x380;
	s8 =	smul.u32 $0x3000, s9  }
0x6: {  	s10 =	simm.s32 $0x700;
	s0 =	sand.u32 $0x1, s0;
	s9 =	smul.u32 $0x61C00, s9  }
0x7: {  	s11 =	simm.s32 $0x780;
	[smem:$0x7FF] =	sst s3;
	s1 =	smul.u32 $0x32000, s0  }
0x8: {  	s13 =	simm.s32 $0x0;
	s7 =	smul.u32 $0x30000, s0;
	_ =	strace $0x8000004D  }
0x9: {  	s0 =	ssub.s32 $0x2, s0;
	[dreg:$0x4] =	wrdreg s26;
	s26 =	simm.s32 $0x2800  }
0xa: {  	s5 =	sadd.s32 s5, s4;
	s6 =	sadd.s32 s6, s4;
	s15 =	sshrl.u32 s9, $0x2  }
0xb: {  	s16 =	sshrl.u32 s0, $0x1;
	s9 =	simm.s32 $0x680;
	s1 =	sadd.s32 s1, s4  }
0xc: {  	s7 =	sadd.s32 s8, s7;
	s8 =	sadd.s32 s15, s2;
	s0 =	ssub.s32 s0, s16  }
0xd: {  	s24 =	sadd.s32 $0x4200, s6;
	s25 =	sadd.s32 $0x4800, s5;
	[dreg:$0x5] =	wrdreg s8  }
0xe: {  	s16 =	simm.s32 $0x800;
	s5 =	simm.s32 $0x480;
	[dreg:$0xd] =	wrdreg s24  }
0xf: {  	s6 =	simm.s32 $0x500;
	s17 =	sadd.s32 $0x30E0, s8;
	[dreg:$0x3] =	wrdreg s25  }
0x10: {  	s7 =	sshrl.u32 s7, $0x3;
	s18 =	sadd.s32 $0x61C0, s8;
	[dreg:$0x6] =	wrdreg s17  }
0x11: {  	s19 =	sadd.s32 $0x92A0, s8;
	s20 =	sadd.s32 $0xC380, s8;
	[dreg:$0x7] =	wrdreg s18  }
0x12: {  	s21 =	sadd.s32 $0xF460, s8;
	s22 =	sadd.s32 $0x12540, s8;
	[dreg:$0x8] =	wrdreg s19  }
0x13: {  	s23 =	sadd.s32 $0x15620, s8;
	s12 =	sadd.s32 $0x6D000, s1;
	[dreg:$0x9] =	wrdreg s20  }
0x14: {  	s0 =	smax.u32 s0, $0x1;
	s24 =	simm.s32 $0x2000;
	[dreg:$0xa] =	wrdreg s21  }
0x15: {  	s25 =	simm.s32 $0x200;
	s1 =	simm.s32 $0x4000;
	[dreg:$0xb] =	wrdreg s22  }
0x16: {  	s8 =	simm.s32 $0x600;
	s4 =	sadd.s32 s7, s4;
	[dreg:$0xc] =	wrdreg s23  }
0x17: {  	[dreg:$0xf] =	wrdreg s0;
	s17 =	simm.s32 $0x2;
	s18 =	simm.s32 $0x400  }
0x18: {  	s19 =	simm.s32 $0x80;
	s20 =	simm.s32 $0x1000;
	s21 =	simm.s32 $0x100  }
0x19: {  	s22 =	simm.s32 $0x1800;
	s23 =	simm.s32 $0x180;
	s4 =	sadd.s32 $0xD1000, s4  }
0x1a: {  	v0 =	vimm.f32 $0.0e+00;
	s0 =	simm.s32 $0x1;
	s7 =	simm.s32 $0x580;
	[dreg:$0xe] =	wrdreg s4  }
.LBB2_1:
0x1b: {  	[dreg:$0x10] =	wrdreg s13;
	s14 =	simm.s32 $0x40;
	s4 =	simm.s32 $0x0  }
.LBB2_2:
0x1c: {  	p0 =	sne.s32 s14, $0xC340;
	[tilespmem:s4+$0x800] =	vst v0;
	s4 =	smov.u32 s14;
	s14 =	sadd.s32 $0x40, s14  }
.Ltmp0:
0x1d: {  	(pc) =	sbr.rel @p0 .LBB2_2-.Ltmp0, $2  }
0x1e: {  	_ =	sdelay $0x2  }
0x1f: {  	s4 =	sshra.s32 s4, $0x2  }
0x20: {  	[tilespmem:s4+$0x800] =	vst v0;
	s15 =	rddreg [dreg:$0x5]  }
0x21: {  	[spmem:s15] =	stream.linear.scatter [tilespmem:s16], [sflag:$0x2], $0x30E0, $0x38;
	[tilespmem:$0x1CF00] =	vst v63  }
0x22: {  	_ =	swait.ge [sflag:s17], $0x30E0  }
0x23: {  	[sflag:s17] =	ssyncset.done $0x0  }
0x24: {  	s13 =	rddreg [dreg:$0x6];
	[sflag:s17] =	ssyncadd.s32 $0xFFFFCF20  }
0x25: {  	[spmem:s13] =	stream.linear.scatter [tilespmem:s16], [sflag:$0x2], $0x30E0, $0x38;
	[tilespmem:$0x1CF00] =	vst v63  }
0x26: {  	_ =	swait.ge [sflag:s17], $0x30E0  }
0x27: {  	[sflag:s17] =	ssyncset.done $0x0  }
0x28: {  	s14 =	rddreg [dreg:$0x7];
	[sflag:s17] =	ssyncadd.s32 $0xFFFFCF20  }
0x29: {  	[spmem:s14] =	stream.linear.scatter [tilespmem:s16], [sflag:$0x2], $0x30E0, $0x38;
	[tilespmem:$0x1CF00] =	vst v63  }
0x2a: {  	_ =	swait.ge [sflag:s17], $0x30E0  }
0x2b: {  	[sflag:s17] =	ssyncset.done $0x0  }
0x2c: {  	s15 =	rddreg [dreg:$0x8];
	[sflag:s17] =	ssyncadd.s32 $0xFFFFCF20  }
0x2d: {  	[spmem:s15] =	stream.linear.scatter [tilespmem:s16], [sflag:$0x2], $0x30E0, $0x38;
	[tilespmem:$0x1CF00] =	vst v63  }
0x2e: {  	_ =	swait.ge [sflag:s17], $0x30E0  }
0x2f: {  	[sflag:s17] =	ssyncset.done $0x0  }
0x30: {  	s13 =	rddreg [dreg:$0x9];
	[sflag:s17] =	ssyncadd.s32 $0xFFFFCF20  }
0x31: {  	[spmem:s13] =	stream.linear.scatter [tilespmem:s16], [sflag:$0x2], $0x30E0, $0x38;
	[tilespmem:$0x1CF00] =	vst v63  }
0x32: {  	_ =	swait.ge [sflag:s17], $0x30E0  }
0x33: {  	[sflag:s17] =	ssyncset.done $0x0  }
0x34: {  	s14 =	rddreg [dreg:$0xa];
	[sflag:s17] =	ssyncadd.s32 $0xFFFFCF20  }
0x35: {  	[spmem:s14] =	stream.linear.scatter [tilespmem:s16], [sflag:$0x2], $0x30E0, $0x38;
	[tilespmem:$0x1CF00] =	vst v63  }
0x36: {  	_ =	swait.ge [sflag:s17], $0x30E0  }
0x37: {  	[sflag:s17] =	ssyncset.done $0x0  }
0x38: {  	s15 =	rddreg [dreg:$0xb];
	[sflag:s17] =	ssyncadd.s32 $0xFFFFCF20  }
0x39: {  	[spmem:s15] =	stream.linear.scatter [tilespmem:s16], [sflag:$0x2], $0x30E0, $0x38;
	[tilespmem:$0x1CF00] =	vst v63  }
0x3a: {  	_ =	swait.ge [sflag:s17], $0x30E0  }
0x3b: {  	[sflag:s17] =	ssyncset.done $0x0  }
0x3c: {  	s13 =	rddreg [dreg:$0xc];
	[sflag:s17] =	ssyncadd.s32 $0xFFFFCF20  }
0x3d: {  	[spmem:s13] =	stream.linear.scatter [tilespmem:s16], [sflag:$0x2], $0x30E0, $0x38;
	[tilespmem:$0x1CF00] =	vst v63  }
0x3e: {  	_ =	swait.ge [sflag:s17], $0x30E0  }
0x3f: {  	[sflag:s17] =	ssyncset.done $0x0  }
0x40: {  	[sflag:s17] =	ssyncadd.s32 $0xFFFFCF20  }
0x41: {  	[bflag:$0x0] =	sbarrier.arrive $0xFFFF  }
0x42: {  	s14 =	rddreg [dreg:$0x3]  }
0x43: {  	s4 =	sadd.s32 $0x0, s14  }
0x44: {  	[tilespmem:s3], [sflag:$0x2] =	stream.linear.gather [hbm4b:s4+s3], $0x400, $0x38;
	[tilespmem:$0x1CF00] =	vst v63  }
0x45: {  	_ =	swait.ge [sflag:s17], $0x400  }
0x46: {  	[sflag:s17] =	ssyncset.done $0x0  }
0x47: {  	s4 =	sadd.s32 $0x31000, s4;
	[sflag:s17] =	ssyncadd.s32 $0xFFFFFC00  }
0x48: {  	[tilespmem:s18], [sflag:$0x2] =	stream.linear.gather [hbm4b:s4+s3], $0x400, $0x38;
	[tilespmem:$0x1CF00] =	vst v63  }
0x49: {  	_ =	swait.ge [sflag:s17], $0x400  }
0x4a: {  	[sflag:s17] =	ssyncset.done $0x0  }
0x4b: {  	[sflag:s17] =	ssyncadd.s32 $0xFFFFFC00  }
0x4c: {  	[tilespmem:s16], [sflag:$0x1] =	stream.indirect.gather [hbm4b:s12+s19], $0x10, s3, s19, $0xb8;
	[tilespmem:$0x1CF00] =	vst v63  }
0x4d: {  	_ = 	snop  }
0x4e: {  	[tilespmem:s20], [sflag:$0x1] =	stream.indirect.gather [hbm4b:s12+s19], $0x10, s19, s19, $0xb8;
	[tilespmem:$0x1CF00] =	vst v63  }
0x4f: {  	_ = 	snop  }
0x50: {  	[tilespmem:s22], [sflag:$0x1] =	stream.indirect.gather [hbm4b:s12+s19], $0x10, s21, s19, $0xb8;
	[tilespmem:$0x1CF00] =	vst v63  }
0x51: {  	_ = 	snop  }
0x52: {  	[tilespmem:s24], [sflag:$0x1] =	stream.indirect.gather [hbm4b:s12+s19], $0x10, s23, s19, $0xb8;
	[tilespmem:$0x1CF00] =	vst v63  }
0x53: {  	_ = 	snop  }
0x54: {  	[tilespmem:s26], [sflag:$0x1] =	stream.indirect.gather [hbm4b:s12+s19], $0x10, s25, s19, $0xb8;
	[tilespmem:$0x1CF00] =	vst v63  }
0x55: {  	_ = 	snop  }
0x56: {  	[tilespmem:s29], [sflag:$0x1] =	stream.indirect.gather [hbm4b:s12+s19], $0x10, s28, s19, $0xb8;
	[tilespmem:$0x1CF00] =	vst v63  }
0x57: {  	s15 =	rddreg [dreg:$0x4]  }
0x58: {  	[tilespmem:s30], [sflag:$0x1] =	stream.indirect.gather [hbm4b:s12+s19], $0x10, s15, s19, $0xb8;
	[tilespmem:$0x1CF00] =	vst v63  }
0x59: {  	_ = 	snop  }
0x5a: {  	[tilespmem:s1], [sflag:$0x1] =	stream.indirect.gather [hbm4b:s12+s19], $0x10, s31, s19, $0xb8;
	[tilespmem:$0x1CF00] =	vst v63  }
0x5b: {  	_ =	swait.ge [sflag:s0], $0x800  }
0x5c: {  	[sflag:s0] =	ssyncset.done $0x0  }
0x5d: {  	[sflag:s0] =	ssyncadd.s32 $0xFFFFF800  }
0x5e: {  	_ =	swait.ge [sflag:s0], $0x800  }
0x5f: {  	[sflag:s0] =	ssyncset.done $0x0  }
0x60: {  	[sflag:s0] =	ssyncadd.s32 $0xFFFFF800  }
0x61: {  	_ =	swait.ge [sflag:s0], $0x800  }
0x62: {  	[sflag:s0] =	ssyncset.done $0x0  }
0x63: {  	[sflag:s0] =	ssyncadd.s32 $0xFFFFF800  }
0x64: {  	_ =	swait.ge [sflag:s0], $0x800  }
0x65: {  	[sflag:s0] =	ssyncset.done $0x0  }
0x66: {  	[sflag:s0] =	ssyncadd.s32 $0xFFFFF800  }
0x67: {  	_ =	swait.ge [sflag:s0], $0x800  }
0x68: {  	[sflag:s0] =	ssyncset.done $0x0  }
0x69: {  	[sflag:s0] =	ssyncadd.s32 $0xFFFFF800  }
0x6a: {  	_ =	swait.ge [sflag:s0], $0x800  }
0x6b: {  	[sflag:s0] =	ssyncset.done $0x0  }
0x6c: {  	[sflag:s0] =	ssyncadd.s32 $0xFFFFF800  }
0x6d: {  	_ =	swait.ge [sflag:s0], $0x800  }
0x6e: {  	[sflag:s0] =	ssyncset.done $0x0  }
0x6f: {  	[sflag:s0] =	ssyncadd.s32 $0xFFFFF800  }
0x70: {  	_ =	swait.ge [sflag:s0], $0x800  }
0x71: {  	[sflag:s0] =	ssyncset.done $0x0  }
0x72: {  	[sflag:s0] =	ssyncadd.s32 $0xFFFFF800  }
0x73: {  	[spmem:s2] =	stream.indirect.scatter.add.f32 [tilespmem:s16], [sflag:$0x2], $0x10, s18, s19, $0xb8;
	[tilespmem:$0x1CF00] =	vst v63  }
0x74: {  	_ =	swait.ge [sflag:s17], $0x800  }
0x75: {  	[sflag:s17] =	ssyncset.done $0x0  }
0x76: {  	[sflag:s17] =	ssyncadd.s32 $0xFFFFF800  }
0x77: {  	[spmem:s2] =	stream.indirect.scatter.add.f32 [tilespmem:s20], [sflag:$0x2], $0x10, s5, s19, $0xb8;
	[tilespmem:$0x1CF00] =	vst v63  }
0x78: {  	_ =	swait.ge [sflag:s17], $0x800  }
0x79: {  	[sflag:s17] =	ssyncset.done $0x0  }
0x7a: {  	[sflag:s17] =	ssyncadd.s32 $0xFFFFF800  }
0x7b: {  	[spmem:s2] =	stream.indirect.scatter.add.f32 [tilespmem:s22], [sflag:$0x2], $0x10, s6, s19, $0xb8;
	[tilespmem:$0x1CF00] =	vst v63  }
0x7c: {  	_ =	swait.ge [sflag:s17], $0x800  }
0x7d: {  	[sflag:s17] =	ssyncset.done $0x0  }
0x7e: {  	[sflag:s17] =	ssyncadd.s32 $0xFFFFF800  }
0x7f: {  	[spmem:s2] =	stream.indirect.scatter.add.f32 [tilespmem:s24], [sflag:$0x2], $0x10, s7, s19, $0xb8;
	[tilespmem:$0x1CF00] =	vst v63  }
0x80: {  	_ =	swait.ge [sflag:s17], $0x800  }
0x81: {  	[sflag:s17] =	ssyncset.done $0x0  }
0x82: {  	[sflag:s17] =	ssyncadd.s32 $0xFFFFF800  }
0x83: {  	[spmem:s2] =	stream.indirect.scatter.add.f32 [tilespmem:s26], [sflag:$0x2], $0x10, s8, s19, $0xb8;
	[tilespmem:$0x1CF00] =	vst v63  }
0x84: {  	_ =	swait.ge [sflag:s17], $0x800  }
0x85: {  	[sflag:s17] =	ssyncset.done $0x0  }
0x86: {  	[sflag:s17] =	ssyncadd.s32 $0xFFFFF800  }
0x87: {  	[spmem:s2] =	stream.indirect.scatter.add.f32 [tilespmem:s29], [sflag:$0x2], $0x10, s9, s19, $0xb8;
	[tilespmem:$0x1CF00] =	vst v63  }
0x88: {  	_ =	swait.ge [sflag:s17], $0x800  }
0x89: {  	[sflag:s17] =	ssyncset.done $0x0  }
0x8a: {  	[sflag:s17] =	ssyncadd.s32 $0xFFFFF800  }
0x8b: {  	[spmem:s2] =	stream.indirect.scatter.add.f32 [tilespmem:s30], [sflag:$0x2], $0x10, s10, s19, $0xb8;
	[tilespmem:$0x1CF00] =	vst v63  }
0x8c: {  	_ =	swait.ge [sflag:s17], $0x800  }
0x8d: {  	[sflag:s17] =	ssyncset.done $0x0  }
0x8e: {  	[sflag:s17] =	ssyncadd.s32 $0xFFFFF800  }
0x8f: {  	[spmem:s2] =	stream.indirect.scatter.add.f32 [tilespmem:s1], [sflag:$0x2], $0x10, s11, s19, $0xb8;
	[tilespmem:$0x1CF00] =	vst v63  }
0x90: {  	s14 =	simm.s32 $0x80;
	_ =	swait.ge [sflag:s17], $0x800  }
0x91: {  	s15 =	simm.s32 $0x100;
	s4 =	rddreg [dreg:$0x3];
	[sflag:s17] =	ssyncset.done $0x0  }
.LBB2_4:
0x92: {  	[sflag:s17] =	ssyncadd.s32 $0xFFFFF800;
	s4 =	sadd.s32 s14, s4  }
0x93: {  	[tilespmem:s3], [sflag:$0x2] =	stream.linear.gather [hbm4b:s4+s3], $0x400, $0x38;
	[tilespmem:$0x1CF00] =	vst v63  }
0x94: {  	_ =	swait.ge [sflag:s17], $0x400  }
0x95: {  	[sflag:s17] =	ssyncset.done $0x0  }
0x96: {  	s4 =	sadd.s32 $0x31000, s4;
	[sflag:s17] =	ssyncadd.s32 $0xFFFFFC00  }
0x97: {  	[tilespmem:s18], [sflag:$0x2] =	stream.linear.gather [hbm4b:s4+s3], $0x400, $0x38;
	[tilespmem:$0x1CF00] =	vst v63  }
0x98: {  	_ =	swait.ge [sflag:s17], $0x400  }
0x99: {  	[sflag:s17] =	ssyncset.done $0x0  }
0x9a: {  	[sflag:s17] =	ssyncadd.s32 $0xFFFFFC00  }
0x9b: {  	[tilespmem:s16], [sflag:$0x1] =	stream.indirect.gather [hbm4b:s12+s19], $0x10, s3, s19, $0xb8;
	[tilespmem:$0x1CF00] =	vst v63  }
0x9c: {  	_ = 	snop  }
0x9d: {  	[tilespmem:s20], [sflag:$0x1] =	stream.indirect.gather [hbm4b:s12+s19], $0x10, s19, s19, $0xb8;
	[tilespmem:$0x1CF00] =	vst v63  }
0x9e: {  	_ = 	snop  }
0x9f: {  	[tilespmem:s22], [sflag:$0x1] =	stream.indirect.gather [hbm4b:s12+s19], $0x10, s21, s19, $0xb8;
	[tilespmem:$0x1CF00] =	vst v63  }
0xa0: {  	_ = 	snop  }
0xa1: {  	[tilespmem:s24], [sflag:$0x1] =	stream.indirect.gather [hbm4b:s12+s19], $0x10, s23, s19, $0xb8;
	[tilespmem:$0x1CF00] =	vst v63  }
0xa2: {  	_ = 	snop  }
0xa3: {  	[tilespmem:s26], [sflag:$0x1] =	stream.indirect.gather [hbm4b:s12+s19], $0x10, s25, s19, $0xb8;
	[tilespmem:$0x1CF00] =	vst v63  }
0xa4: {  	s13 =	smov.u32 s15  }
0xa5: {  	[tilespmem:s29], [sflag:$0x1] =	stream.indirect.gather [hbm4b:s12+s19], $0x10, s28, s19, $0xb8;
	[tilespmem:$0x1CF00] =	vst v63  }
0xa6: {  	s14 =	smov.u32 s13;
	s13 =	rddreg [dreg:$0x4]  }
0xa7: {  	[tilespmem:s30], [sflag:$0x1] =	stream.indirect.gather [hbm4b:s12+s19], $0x10, s13, s19, $0xb8;
	[tilespmem:$0x1CF00] =	vst v63  }
0xa8: {  	_ = 	snop  }
0xa9: {  	[tilespmem:s1], [sflag:$0x1] =	stream.indirect.gather [hbm4b:s12+s19], $0x10, s31, s19, $0xb8;
	[tilespmem:$0x1CF00] =	vst v63  }
0xaa: {  	_ =	swait.ge [sflag:s0], $0x800  }
0xab: {  	[sflag:s0] =	ssyncset.done $0x0  }
0xac: {  	[sflag:s0] =	ssyncadd.s32 $0xFFFFF800  }
0xad: {  	_ =	swait.ge [sflag:s0], $0x800  }
0xae: {  	[sflag:s0] =	ssyncset.done $0x0  }
0xaf: {  	[sflag:s0] =	ssyncadd.s32 $0xFFFFF800  }
0xb0: {  	_ =	swait.ge [sflag:s0], $0x800  }
0xb1: {  	[sflag:s0] =	ssyncset.done $0x0  }
0xb2: {  	[sflag:s0] =	ssyncadd.s32 $0xFFFFF800  }
0xb3: {  	_ =	swait.ge [sflag:s0], $0x800  }
0xb4: {  	[sflag:s0] =	ssyncset.done $0x0  }
0xb5: {  	[sflag:s0] =	ssyncadd.s32 $0xFFFFF800  }
0xb6: {  	_ =	swait.ge [sflag:s0], $0x800  }
0xb7: {  	[sflag:s0] =	ssyncset.done $0x0  }
0xb8: {  	[sflag:s0] =	ssyncadd.s32 $0xFFFFF800  }
0xb9: {  	_ =	swait.ge [sflag:s0], $0x800  }
0xba: {  	[sflag:s0] =	ssyncset.done $0x0  }
0xbb: {  	[sflag:s0] =	ssyncadd.s32 $0xFFFFF800  }
0xbc: {  	_ =	swait.ge [sflag:s0], $0x800  }
0xbd: {  	[sflag:s0] =	ssyncset.done $0x0  }
0xbe: {  	[sflag:s0] =	ssyncadd.s32 $0xFFFFF800  }
0xbf: {  	_ =	swait.ge [sflag:s0], $0x800  }
0xc0: {  	[sflag:s0] =	ssyncset.done $0x0  }
0xc1: {  	[sflag:s0] =	ssyncadd.s32 $0xFFFFF800  }
0xc2: {  	[spmem:s2] =	stream.indirect.scatter.add.f32 [tilespmem:s16], [sflag:$0x2], $0x10, s18, s19, $0xb8;
	[tilespmem:$0x1CF00] =	vst v63  }
0xc3: {  	_ =	swait.ge [sflag:s17], $0x800  }
0xc4: {  	[sflag:s17] =	ssyncset.done $0x0  }
0xc5: {  	[sflag:s17] =	ssyncadd.s32 $0xFFFFF800  }
0xc6: {  	[spmem:s2] =	stream.indirect.scatter.add.f32 [tilespmem:s20], [sflag:$0x2], $0x10, s5, s19, $0xb8;
	[tilespmem:$0x1CF00] =	vst v63  }
0xc7: {  	_ =	swait.ge [sflag:s17], $0x800  }
0xc8: {  	[sflag:s17] =	ssyncset.done $0x0  }
0xc9: {  	[sflag:s17] =	ssyncadd.s32 $0xFFFFF800  }
0xca: {  	[spmem:s2] =	stream.indirect.scatter.add.f32 [tilespmem:s22], [sflag:$0x2], $0x10, s6, s19, $0xb8;
	[tilespmem:$0x1CF00] =	vst v63  }
0xcb: {  	_ =	swait.ge [sflag:s17], $0x800  }
0xcc: {  	[sflag:s17] =	ssyncset.done $0x0  }
0xcd: {  	[sflag:s17] =	ssyncadd.s32 $0xFFFFF800  }
0xce: {  	[spmem:s2] =	stream.indirect.scatter.add.f32 [tilespmem:s24], [sflag:$0x2], $0x10, s7, s19, $0xb8;
	[tilespmem:$0x1CF00] =	vst v63  }
0xcf: {  	_ =	swait.ge [sflag:s17], $0x800  }
0xd0: {  	[sflag:s17] =	ssyncset.done $0x0  }
0xd1: {  	[sflag:s17] =	ssyncadd.s32 $0xFFFFF800  }
0xd2: {  	[spmem:s2] =	stream.indirect.scatter.add.f32 [tilespmem:s26], [sflag:$0x2], $0x10, s8, s19, $0xb8;
	[tilespmem:$0x1CF00] =	vst v63  }
0xd3: {  	_ =	swait.ge [sflag:s17], $0x800  }
0xd4: {  	[sflag:s17] =	ssyncset.done $0x0  }
0xd5: {  	[sflag:s17] =	ssyncadd.s32 $0xFFFFF800  }
0xd6: {  	[spmem:s2] =	stream.indirect.scatter.add.f32 [tilespmem:s29], [sflag:$0x2], $0x10, s9, s19, $0xb8;
	[tilespmem:$0x1CF00] =	vst v63  }
0xd7: {  	_ =	swait.ge [sflag:s17], $0x800  }
0xd8: {  	[sflag:s17] =	ssyncset.done $0x0  }
0xd9: {  	[sflag:s17] =	ssyncadd.s32 $0xFFFFF800  }
0xda: {  	[spmem:s2] =	stream.indirect.scatter.add.f32 [tilespmem:s30], [sflag:$0x2], $0x10, s10, s19, $0xb8;
	[tilespmem:$0x1CF00] =	vst v63  }
0xdb: {  	p0 =	sne.s32 s15, $0x3080;
	_ =	swait.ge [sflag:s17], $0x800  }
.Ltmp1:
0xdc: {  	[sflag:s17] =	ssyncset.done $0x0;
	(pc) =	sbr.rel @p0 .LBB2_4-.Ltmp1, $4  }
0xdd: {  	[sflag:s17] =	ssyncadd.s32 $0xFFFFF800  }
0xde: {  	[spmem:s2] =	stream.indirect.scatter.add.f32 [tilespmem:s1], [sflag:$0x2], $0x10, s11, s19, $0xb8;
	[tilespmem:$0x1CF00] =	vst v63  }
0xdf: {  	_ =	swait.ge [sflag:s17], $0x800  }
0xe0: {  	s15 =	sadd.s32 $0x80, s15;
	s4 =	rddreg [dreg:$0x3];
	[sflag:s17] =	ssyncset.done $0x0  }
0xe1: {  	s4 =	sadd.s32 s14, s4;
	[sflag:s17] =	ssyncadd.s32 $0xFFFFF800  }
0xe2: {  	[tilespmem:s3], [sflag:$0x2] =	stream.linear.gather [hbm4b:s4+s3], $0x400, $0x38;
	[tilespmem:$0x1CF00] =	vst v63  }
0xe3: {  	_ =	swait.ge [sflag:s17], $0x400  }
0xe4: {  	[sflag:s17] =	ssyncset.done $0x0  }
0xe5: {  	s4 =	sadd.s32 $0x31000, s4;
	[sflag:s17] =	ssyncadd.s32 $0xFFFFFC00  }
0xe6: {  	[tilespmem:s18], [sflag:$0x2] =	stream.linear.gather [hbm4b:s4+s3], $0x400, $0x38;
	[tilespmem:$0x1CF00] =	vst v63  }
0xe7: {  	_ =	swait.ge [sflag:s17], $0x400  }
0xe8: {  	[sflag:s17] =	ssyncset.done $0x0  }
0xe9: {  	[sflag:s17] =	ssyncadd.s32 $0xFFFFFC00  }
0xea: {  	[tilespmem:s16], [sflag:$0x1] =	stream.indirect.gather [hbm4b:s12+s19], $0x10, s3, s19, $0xb8;
	[tilespmem:$0x1CF00] =	vst v63  }
0xeb: {  	_ = 	snop  }
0xec: {  	[tilespmem:s20], [sflag:$0x1] =	stream.indirect.gather [hbm4b:s12+s19], $0x10, s19, s19, $0xb8;
	[tilespmem:$0x1CF00] =	vst v63  }
0xed: {  	_ = 	snop  }
0xee: {  	[tilespmem:s22], [sflag:$0x1] =	stream.indirect.gather [hbm4b:s12+s19], $0x10, s21, s19, $0xb8;
	[tilespmem:$0x1CF00] =	vst v63  }
0xef: {  	_ = 	snop  }
0xf0: {  	[tilespmem:s24], [sflag:$0x1] =	stream.indirect.gather [hbm4b:s12+s19], $0x10, s23, s19, $0xb8;
	[tilespmem:$0x1CF00] =	vst v63  }
0xf1: {  	_ = 	snop  }
0xf2: {  	[tilespmem:s26], [sflag:$0x1] =	stream.indirect.gather [hbm4b:s12+s19], $0x10, s25, s19, $0xb8;
	[tilespmem:$0x1CF00] =	vst v63  }
0xf3: {  	_ = 	snop  }
0xf4: {  	[tilespmem:s29], [sflag:$0x1] =	stream.indirect.gather [hbm4b:s12+s19], $0x10, s28, s19, $0xb8;
	[tilespmem:$0x1CF00] =	vst v63  }
0xf5: {  	s15 =	rddreg [dreg:$0x4]  }
0xf6: {  	[tilespmem:s30], [sflag:$0x1] =	stream.indirect.gather [hbm4b:s12+s19], $0x10, s15, s19, $0xb8;
	[tilespmem:$0x1CF00] =	vst v63  }
0xf7: {  	_ = 	snop  }
0xf8: {  	[tilespmem:s1], [sflag:$0x1] =	stream.indirect.gather [hbm4b:s12+s19], $0x10, s31, s19, $0xb8;
	[tilespmem:$0x1CF00] =	vst v63  }
0xf9: {  	_ =	swait.ge [sflag:s0], $0x800  }
0xfa: {  	[sflag:s0] =	ssyncset.done $0x0  }
0xfb: {  	[sflag:s0] =	ssyncadd.s32 $0xFFFFF800  }
0xfc: {  	_ =	swait.ge [sflag:s0], $0x800  }
0xfd: {  	[sflag:s0] =	ssyncset.done $0x0  }
0xfe: {  	[sflag:s0] =	ssyncadd.s32 $0xFFFFF800  }
0xff: {  	_ =	swait.ge [sflag:s0], $0x800  }
0x100: {  	[sflag:s0] =	ssyncset.done $0x0  }
0x101: {  	[sflag:s0] =	ssyncadd.s32 $0xFFFFF800  }
0x102: {  	_ =	swait.ge [sflag:s0], $0x800  }
0x103: {  	[sflag:s0] =	ssyncset.done $0x0  }
0x104: {  	[sflag:s0] =	ssyncadd.s32 $0xFFFFF800  }
0x105: {  	_ =	swait.ge [sflag:s0], $0x800  }
0x106: {  	[sflag:s0] =	ssyncset.done $0x0  }
0x107: {  	[sflag:s0] =	ssyncadd.s32 $0xFFFFF800  }
0x108: {  	_ =	swait.ge [sflag:s0], $0x800  }
0x109: {  	[sflag:s0] =	ssyncset.done $0x0  }
0x10a: {  	[sflag:s0] =	ssyncadd.s32 $0xFFFFF800  }
0x10b: {  	_ =	swait.ge [sflag:s0], $0x800  }
0x10c: {  	[sflag:s0] =	ssyncset.done $0x0  }
0x10d: {  	[sflag:s0] =	ssyncadd.s32 $0xFFFFF800  }
0x10e: {  	_ =	swait.ge [sflag:s0], $0x800  }
0x10f: {  	[sflag:s0] =	ssyncset.done $0x0  }
0x110: {  	[sflag:s0] =	ssyncadd.s32 $0xFFFFF800  }
0x111: {  	[spmem:s2] =	stream.indirect.scatter.add.f32 [tilespmem:s16], [sflag:$0x2], $0x10, s18, s19, $0xb8;
	[tilespmem:$0x1CF00] =	vst v63  }
0x112: {  	_ =	swait.ge [sflag:s17], $0x800  }
0x113: {  	[sflag:s17] =	ssyncset.done $0x0  }
0x114: {  	[sflag:s17] =	ssyncadd.s32 $0xFFFFF800  }
0x115: {  	[spmem:s2] =	stream.indirect.scatter.add.f32 [tilespmem:s20], [sflag:$0x2], $0x10, s5, s19, $0xb8;
	[tilespmem:$0x1CF00] =	vst v63  }
0x116: {  	_ =	swait.ge [sflag:s17], $0x800  }
0x117: {  	[sflag:s17] =	ssyncset.done $0x0  }
0x118: {  	[sflag:s17] =	ssyncadd.s32 $0xFFFFF800  }
0x119: {  	[spmem:s2] =	stream.indirect.scatter.add.f32 [tilespmem:s22], [sflag:$0x2], $0x10, s6, s19, $0xb8;
	[tilespmem:$0x1CF00] =	vst v63  }
0x11a: {  	_ =	swait.ge [sflag:s17], $0x800  }
0x11b: {  	[sflag:s17] =	ssyncset.done $0x0  }
0x11c: {  	[sflag:s17] =	ssyncadd.s32 $0xFFFFF800  }
0x11d: {  	[spmem:s2] =	stream.indirect.scatter.add.f32 [tilespmem:s24], [sflag:$0x2], $0x10, s7, s19, $0xb8;
	[tilespmem:$0x1CF00] =	vst v63  }
0x11e: {  	_ =	swait.ge [sflag:s17], $0x800  }
0x11f: {  	[sflag:s17] =	ssyncset.done $0x0  }
0x120: {  	[sflag:s17] =	ssyncadd.s32 $0xFFFFF800  }
0x121: {  	[spmem:s2] =	stream.indirect.scatter.add.f32 [tilespmem:s26], [sflag:$0x2], $0x10, s8, s19, $0xb8;
	[tilespmem:$0x1CF00] =	vst v63  }
0x122: {  	_ =	swait.ge [sflag:s17], $0x800  }
0x123: {  	[sflag:s17] =	ssyncset.done $0x0  }
0x124: {  	[sflag:s17] =	ssyncadd.s32 $0xFFFFF800  }
0x125: {  	[spmem:s2] =	stream.indirect.scatter.add.f32 [tilespmem:s29], [sflag:$0x2], $0x10, s9, s19, $0xb8;
	[tilespmem:$0x1CF00] =	vst v63  }
0x126: {  	_ =	swait.ge [sflag:s17], $0x800  }
0x127: {  	[sflag:s17] =	ssyncset.done $0x0  }
0x128: {  	[sflag:s17] =	ssyncadd.s32 $0xFFFFF800  }
0x129: {  	[spmem:s2] =	stream.indirect.scatter.add.f32 [tilespmem:s30], [sflag:$0x2], $0x10, s10, s19, $0xb8;
	[tilespmem:$0x1CF00] =	vst v63  }
0x12a: {  	_ =	swait.ge [sflag:s17], $0x800  }
0x12b: {  	[sflag:s17] =	ssyncset.done $0x0  }
0x12c: {  	[sflag:s17] =	ssyncadd.s32 $0xFFFFF800  }
0x12d: {  	[spmem:s2] =	stream.indirect.scatter.add.f32 [tilespmem:s1], [sflag:$0x2], $0x10, s11, s19, $0xb8;
	[tilespmem:$0x1CF00] =	vst v63  }
0x12e: {  	_ =	swait.ge [sflag:s17], $0x800  }
0x12f: {  	[sflag:s17] =	ssyncset.done $0x0  }
0x130: {  	[sflag:s17] =	ssyncadd.s32 $0xFFFFF800  }
0x131: {  	[bflag:$0x0] =	sbarrier.arrive $0xFFFF  }
0x132: {  	s13 =	rddreg [dreg:$0xd]  }
0x133: {  	[tilespmem:s3], [sflag:$0x2] =	stream.linear.gather [hbm4b:s13+s3], $0x300, $0x38;
	[tilespmem:$0x1CF00] =	vst v63  }
0x134: {  	_ =	swait.ge [sflag:s17], $0x300  }
0x135: {  	[sflag:s17] =	ssyncset.done $0x0  }
0x136: {  	[sflag:s17] =	ssyncadd.s32 $0xFFFFFD00  }
0x137: {  	[tilespmem:s16], [sflag:$0x1] =	stream.indirect.gather [spmem:s2], $0x10, s3, s19, $0xb8;
	[tilespmem:$0x1CF00] =	vst v63  }
0x138: {  	_ = 	snop  }
0x139: {  	[tilespmem:s20], [sflag:$0x1] =	stream.indirect.gather [spmem:s2], $0x10, s19, s19, $0xb8;
	[tilespmem:$0x1CF00] =	vst v63  }
0x13a: {  	_ = 	snop  }
0x13b: {  	[tilespmem:s22], [sflag:$0x1] =	stream.indirect.gather [spmem:s2], $0x10, s21, s19, $0xb8;
	[tilespmem:$0x1CF00] =	vst v63  }
0x13c: {  	_ = 	snop  }
0x13d: {  	[tilespmem:s24], [sflag:$0x1] =	stream.indirect.gather [spmem:s2], $0x10, s23, s19, $0xb8;
	[tilespmem:$0x1CF00] =	vst v63  }
0x13e: {  	_ = 	snop  }
0x13f: {  	[tilespmem:s26], [sflag:$0x1] =	stream.indirect.gather [spmem:s2], $0x10, s25, s19, $0xb8;
	[tilespmem:$0x1CF00] =	vst v63  }
0x140: {  	_ = 	snop  }
0x141: {  	[tilespmem:s29], [sflag:$0x1] =	stream.indirect.gather [spmem:s2], $0x10, s28, s19, $0xb8;
	[tilespmem:$0x1CF00] =	vst v63  }
0x142: {  	_ =	swait.ge [sflag:s0], $0x800  }
0x143: {  	[sflag:s0] =	ssyncset.done $0x0  }
0x144: {  	[sflag:s0] =	ssyncadd.s32 $0xFFFFF800  }
0x145: {  	_ =	swait.ge [sflag:s0], $0x800  }
0x146: {  	[sflag:s0] =	ssyncset.done $0x0  }
0x147: {  	[sflag:s0] =	ssyncadd.s32 $0xFFFFF800  }
0x148: {  	_ =	swait.ge [sflag:s0], $0x800  }
0x149: {  	[sflag:s0] =	ssyncset.done $0x0  }
0x14a: {  	[sflag:s0] =	ssyncadd.s32 $0xFFFFF800  }
0x14b: {  	_ =	swait.ge [sflag:s0], $0x800  }
0x14c: {  	[sflag:s0] =	ssyncset.done $0x0  }
0x14d: {  	[sflag:s0] =	ssyncadd.s32 $0xFFFFF800  }
0x14e: {  	_ =	swait.ge [sflag:s0], $0x800  }
0x14f: {  	[sflag:s0] =	ssyncset.done $0x0  }
0x150: {  	[sflag:s0] =	ssyncadd.s32 $0xFFFFF800  }
0x151: {  	_ =	swait.ge [sflag:s0], $0x800  }
0x152: {  	[sflag:s0] =	ssyncset.done $0x0  }
0x153: {  	s14 =	rddreg [dreg:$0xe];
	[sflag:s0] =	ssyncadd.s32 $0xFFFFF800  }
0x154: {  	[hbm4b:s14+s3] =	stream.linear.scatter [tilespmem:s16], [sflag:$0x2], $0x3000, $0x38;
	[tilespmem:$0x1CF00] =	vst v63  }
0x155: {  	_ =	swait.ge [sflag:s17], $0x3000  }
0x156: {  	s13 =	rddreg [dreg:$0x10]  }
0x157: {  	s15 =	rddreg [dreg:$0xf];
	s13 =	sadd.s32 $0x1, s13  }
0x158: {  	p0 =	sne.s32 s13, s15  }
.Ltmp2:
0x159: {  	_ = 	snop;
	(pc) =	sbr.rel @p0 .LBB2_1-.Ltmp2, $3  }
0x15a: {  	_ =	sdelay $0x1  }
0x15b: {  	[sflag:s17] =	ssyncset.done $0x0  }
0x15c: {  	[sflag:s17] =	ssyncadd.s32 $0xFFFFD000  }
0x15d: {  	_ =	sfence.sel $0x180000  }
0x15e: {  	[bflag:$0x0] =	sbarrier.arrive $0xFFFF  }
0x15f: {  	_ =	strace $0x9000004D  }
0x160: {  	s0 =	stileid.u32;
	[bflag:$0x2] =	sbarrier.arrive $0xFFFF  }
0x161: {  	p0 =	sne.s32 s0, $0x0;
	s0 =	rddreg [dreg:$0x2]  }
0x162: {  	s0 =	sadd.s32 @!p0 $0x100000, s0  }
0x163: {  	[sflag:s0] =	ssyncadd.tile.s32 @!p0 $0x1;
	_ =	shalt  }
.Lfunc_end2:
_tile_overlayer_lowered:
.L_overlay_start_2:
0x164: {  	(tag) =	ssettag $0x2  }
0x165: {  	s0 =	rddreg [dreg:$0x0];
	s2 =	stileid.u32  }
0x166: {  	s1 =	rddreg [dreg:$0x1];
	p0 =	sne.s32 s2, $0x0  }
0x167: {  	s3 =	rddreg [dreg:$0x2];
	[bflag:$0x3] =	sbarrier.arrive $0xFFFF;
	s2 =	simm.s32 @!p0 $0x1C02  }
0x168: {  	[timem:s3], [sflag:s2] =	dma.local @!p0 [hbm:s0], s1  }
0x169: {  	s0 =	simm.s32 @!p0 $0x2  }
0x16a: {  	_ =	swait.ge @!p0 [sflag:s0], s1  }
0x16b: {  	s1 =	ssub.s32 @!p0 $0x0, s1;
	[sflag:s0] =	ssyncset.done @!p0 $0x0  }
0x16c: {  	[sflag:s0] =	ssyncadd.s32 @!p0 s1  }
0x16d: {  	[bflag:$0x3] =	sbarrier.arrive $0xFFFF  }
0x16e: {  	_ =	shalt  }

</sc_bundles>
